<compile_context>
chip_gen: v7x
topology: tpu7x:2x2x1
jax: 0.10.2.dev20260603
libtpu: 0.0.44.dev20260713+nightly
codegen_flags: <defaults>
</compile_context>

<pallas_src>
import functools

import jax
import jax.numpy as jnp
from jax import lax
from jax.experimental import pallas as pl
from jax.experimental.pallas import tpu as pltpu
from jax.experimental.pallas import tpu_sc as plsc

N = 10000
NP = 10240
E = 320000
D = 128

NC = 2
NS = 16
NW = NC * NS
EPT = E // NW
K = 40
NCHUNK = EPT // K
NBUF = 5
NGROUP = NCHUNK // NBUF

KD = 128
NCHF = EPT // KD
KT = EPT - NCHF * KD
NBUFD = 6
NGROUPD = NCHF // NBUFD

RPT = NP // NS
ZR = 16

BT = 2000
GRID = N // BT

_mesh = plsc.VectorSubcoreMesh(core_axis_name="c", subcore_axis_name="s")
_sc_params = pltpu.CompilerParams(use_tc_tiling_on_sc=False)


@functools.partial(
    pl.kernel,
    out_type=jax.ShapeDtypeStruct((NC, 2, NP), jnp.float32),
    mesh=_mesh,
    scratch_types=[
        pltpu.VMEM((KD,), jnp.int32),
        pltpu.VMEM((KD,), jnp.int32),
        pltpu.VMEM((KD,), jnp.int32),
        pltpu.VMEM((KD,), jnp.int32),
        pltpu.VMEM((KD,), jnp.int32),
        pltpu.VMEM((KD,), jnp.int32),
        pltpu.VMEM((KD,), jnp.int32),
        pltpu.VMEM((KD,), jnp.int32),
        pltpu.VMEM((KD,), jnp.int32),
        pltpu.VMEM((KD,), jnp.int32),
        pltpu.VMEM((KD,), jnp.int32),
        pltpu.VMEM((KD,), jnp.int32),
        pltpu.VMEM((KT,), jnp.int32),
        pltpu.VMEM((KT,), jnp.int32),
        pltpu.VMEM((KD,), jnp.float32),
        pltpu.VMEM((RPT,), jnp.float32),
        pltpu.VMEM_SHARED((NP,), jnp.float32),
        pltpu.VMEM_SHARED((NP,), jnp.float32),
        pltpu.SemaphoreType.DMA,
        pltpu.SemaphoreType.DMA,
        pltpu.SemaphoreType.DMA,
        pltpu.SemaphoreType.DMA,
        pltpu.SemaphoreType.DMA,
        pltpu.SemaphoreType.DMA,
    ],
)
def _degree_kernel(src_hbm, dst_hbm, out_hbm, s0, s1, s2, s3, s4, s5,
                   e0, e1, e2, e3, e4, e5, stail, dtail,
                   ones, zbuf, dsrc, ddst, l0, l1, l2, l3, l4, l5):
    c = lax.axis_index("c")
    s = lax.axis_index("s")
    w = s * NC + c
    sbuf = (s0, s1, s2, s3, s4, s5)
    dbuf = (e0, e1, e2, e3, e4, e5)
    lsem = (l0, l1, l2, l3, l4, l5)
    base = w * EPT

    for b in range(NBUFD):
        pltpu.async_copy(src_hbm.at[pl.ds(base + b * KD, KD)],
                         sbuf[b], lsem[b])
        pltpu.async_copy(dst_hbm.at[pl.ds(base + b * KD, KD)],
                         dbuf[b], lsem[b])

    def fill(i, _):
        ones[pl.ds(i * 16, 16)] = jnp.ones((16,), jnp.float32)
        return 0

    lax.fori_loop(0, KD // 16, fill, 0)

    def zfill(i, _):
        zbuf[pl.ds(i * 16, 16)] = jnp.zeros((16,), jnp.float32)
        return 0

    lax.fori_loop(0, RPT // 16, zfill, 0)

    row0 = s * RPT
    pltpu.sync_copy(zbuf, dsrc.at[pl.ds(row0, RPT)])
    pltpu.sync_copy(zbuf, ddst.at[pl.ds(row0, RPT)])
    plsc.subcore_barrier()

    def body(g, _):
        for b in range(NBUFD):
            j = g * NBUFD + b
            pltpu.make_async_copy(src_hbm.at[pl.ds(0, KD)], sbuf[b],
                                  lsem[b]).wait()
            pltpu.make_async_copy(dst_hbm.at[pl.ds(0, KD)], dbuf[b],
                                  lsem[b]).wait()
            pltpu.sync_copy(ones, dsrc.at[sbuf[b]], add=True)
            pltpu.sync_copy(ones, ddst.at[dbuf[b]], add=True)

            @pl.when(g < NGROUPD - 1)
            def _():
                jn = j + NBUFD
                pltpu.async_copy(src_hbm.at[pl.ds(base + jn * KD, KD)],
                                 sbuf[b], lsem[b])
                pltpu.async_copy(dst_hbm.at[pl.ds(base + jn * KD, KD)],
                                 dbuf[b], lsem[b])

        return 0

    lax.fori_loop(0, NGROUPD, body, 0)

    toff = base + NCHF * KD
    pltpu.sync_copy(src_hbm.at[pl.ds(toff, KT)], stail)
    pltpu.sync_copy(dst_hbm.at[pl.ds(toff, KT)], dtail)
    pltpu.sync_copy(ones.at[pl.ds(0, KT)], dsrc.at[stail], add=True)
    pltpu.sync_copy(ones.at[pl.ds(0, KT)], ddst.at[dtail], add=True)
    plsc.subcore_barrier()

    pltpu.sync_copy(dsrc.at[pl.ds(row0, RPT)], out_hbm.at[c, 0, pl.ds(row0, RPT)])
    pltpu.sync_copy(ddst.at[pl.ds(row0, RPT)], out_hbm.at[c, 1, pl.ds(row0, RPT)])


@functools.partial(
    pl.kernel,
    out_type=jax.ShapeDtypeStruct((NC, NP, D), jnp.float32),
    mesh=_mesh,
    compiler_params=_sc_params,
    scratch_types=[
        pltpu.VMEM((EPT,), jnp.int32),
        pltpu.VMEM((K,), jnp.int32),
        pltpu.VMEM((K,), jnp.int32),
        pltpu.VMEM((K,), jnp.int32),
        pltpu.VMEM((K,), jnp.int32),
        pltpu.VMEM((K,), jnp.int32),
        pltpu.VMEM((K, D), jnp.float32),
        pltpu.VMEM((K, D), jnp.float32),
        pltpu.VMEM((K, D), jnp.float32),
        pltpu.VMEM((K, D), jnp.float32),
        pltpu.VMEM((K, D), jnp.float32),
        pltpu.VMEM((ZR, D), jnp.float32),
        pltpu.VMEM_SHARED((NP, D), jnp.float32),
        pltpu.SemaphoreType.DMA,
        pltpu.SemaphoreType.DMA,
        pltpu.SemaphoreType.DMA,
        pltpu.SemaphoreType.DMA,
        pltpu.SemaphoreType.DMA,
        pltpu.SemaphoreType.DMA,
        pltpu.SemaphoreType.DMA,
        pltpu.SemaphoreType.DMA,
        pltpu.SemaphoreType.DMA,
        pltpu.SemaphoreType.DMA,
        pltpu.SemaphoreType.DMA,
    ],
)
def _edge_kernel(h_hbm, src_hbm, dst_hbm, out_hbm, sidx,
                 d0, d1, d2, d3, d4, r0, r1, r2, r3, r4, zbuf, agg,
                 i0, i1, i2, i3, i4, g0, g1, g2, g3, g4, psem):
    c = lax.axis_index("c")
    s = lax.axis_index("s")
    w = s * NC + c
    dbuf = (d0, d1, d2, d3, d4)
    rows = (r0, r1, r2, r3, r4)
    isem = (i0, i1, i2, i3, i4)
    gsem = (g0, g1, g2, g3, g4)
    base = w * EPT

    pltpu.async_copy(src_hbm.at[pl.ds(base, EPT)], sidx, psem)

    def zrow(i, _):
        def zcol(q, _):
            zbuf[i, pl.ds(q * 16, 16)] = jnp.zeros((16,), jnp.float32)
            return 0

        lax.fori_loop(0, D // 16, zcol, 0)
        return 0

    lax.fori_loop(0, ZR, zrow, 0)

    row0 = s * RPT
    for j in range(RPT // ZR):
        pltpu.sync_copy(zbuf, agg.at[pl.ds(row0 + j * ZR, ZR)])

    pltpu.make_async_copy(src_hbm.at[pl.ds(base, EPT)], sidx, psem).wait()

    for b in range(NBUF):
        pltpu.async_copy(dst_hbm.at[pl.ds(base + b * K, K)], dbuf[b], isem[b])
        pltpu.async_copy(h_hbm.at[sidx.at[pl.ds(b * K, K)]], rows[b], gsem[b])
    plsc.subcore_barrier()

    def body(g, _):
        for b in range(NBUF):
            j = g * NBUF + b
            pltpu.make_async_copy(h_hbm.at[pl.ds(0, K)], rows[b], gsem[b]).wait()
            pltpu.make_async_copy(dst_hbm.at[pl.ds(0, K)], dbuf[b], isem[b]).wait()
            pltpu.sync_copy(rows[b], agg.at[dbuf[b]], add=True)

            @pl.when(g < NGROUP - 1)
            def _():
                jn = j + NBUF
                pltpu.async_copy(dst_hbm.at[pl.ds(base + jn * K, K)],
                                 dbuf[b], isem[b])
                pltpu.async_copy(h_hbm.at[sidx.at[pl.ds(jn * K, K)]],
                                 rows[b], gsem[b])

        return 0

    lax.fori_loop(0, NGROUP, body, 0)
    plsc.subcore_barrier()

    pltpu.sync_copy(agg.at[pl.ds(row0, RPT)], out_hbm.at[c, pl.ds(row0, RPT)])


def _norms(dg):
    dsrc = dg[0, 0] + dg[1, 0]
    ddst = dg[0, 1] + dg[1, 1]
    nsrc = lax.rsqrt(jnp.maximum(dsrc, 1.0))
    ndst = lax.rsqrt(jnp.maximum(ddst, 1.0))
    return nsrc, ndst


def _tc0_body(x_ref, dg_ref, w_ref, o_ref):
    nsrc, _ = _norms(dg_ref[...])
    o_ref[...] = jnp.dot(
        x_ref[...] * nsrc, w_ref[...], preferred_element_type=jnp.float32
    )


def _tcmid_body(ap_ref, dg_ref, b_ref, w_ref, o_ref):
    nsrc, ndst = _norms(dg_ref[...])
    agg = ap_ref[0] + ap_ref[1]
    z = jnp.maximum(agg * ndst + b_ref[...], 0.0)
    o_ref[...] = jnp.dot(z * nsrc, w_ref[...], preferred_element_type=jnp.float32)


def _tcfin_body(ap_ref, dg_ref, b_ref, o_ref):
    _, ndst = _norms(dg_ref[...])
    o_ref[...] = (ap_ref[0] + ap_ref[1]) * ndst + b_ref[...]


_dg_spec = pl.BlockSpec((2, 2, BT, 1), lambda j: (0, 0, j, 0))
_row_spec = pl.BlockSpec((BT, D), lambda j: (j, 0))
_ap_spec = pl.BlockSpec((2, BT, D), lambda j: (0, j, 0))
_w_spec = pl.BlockSpec((D, D), lambda j: (0, 0))
_b_spec = pl.BlockSpec((1, D), lambda j: (0, 0))

_tc0 = pl.pallas_call(
    _tc0_body,
    grid=(GRID,),
    in_specs=[_row_spec, _dg_spec, _w_spec],
    out_specs=_row_spec,
    out_shape=jax.ShapeDtypeStruct((N, D), jnp.float32),
)

_tcmid = pl.pallas_call(
    _tcmid_body,
    grid=(GRID,),
    in_specs=[_ap_spec, _dg_spec, _b_spec, _w_spec],
    out_specs=_row_spec,
    out_shape=jax.ShapeDtypeStruct((N, D), jnp.float32),
)

_tcfin = pl.pallas_call(
    _tcfin_body,
    grid=(GRID,),
    in_specs=[_ap_spec, _dg_spec, _b_spec],
    out_specs=_row_spec,
    out_shape=jax.ShapeDtypeStruct((N, D), jnp.float32),
)


@jax.jit
def kernel(x, edge_index, W0, b0, W1, b1):
    src = edge_index[0]
    dst = edge_index[1]

    deg = _degree_kernel(src, dst)
    dg = deg[:, :, :N].reshape(NC, 2, N, 1)

    h0 = _tc0(x, dg, W0)
    agg0 = _edge_kernel(h0, src, dst)
    h1 = _tcmid(agg0, dg, b0.reshape(1, D), W1)
    agg1 = _edge_kernel(h1, src, dst)
    return _tcfin(agg1, dg, b1.reshape(1, D))

# --- scband reference (transcript-rebuilt; emitter-appended) ---
"""Pipeline reference for scband-net-58402965291557 (READ-ONLY COPY).

The authoritative reference and input builder live on the scoring server;
editing this copy changes nothing except your own understanding.
"""

import jax, jax.numpy as jnp
import numpy as np

N = 10000
E = 320000
D_IN = 128
D_HID = 128
D_OUT = 128


def setup_inputs(seed: int = 0) -> dict:
    key = jax.random.key(seed)
    k1, k2, k3, k4, k5, k6 = jax.random.split(key, 6)
    x = jax.random.normal(k1, (N, D_IN), dtype=jnp.float32)
    edge_index = jax.random.randint(k2, (2, E), 0, N, dtype=jnp.int32)
    # GraphConv layer 0: in=128 -> hidden=128, glorot-uniform weight, zero bias
    lim0 = float(np.sqrt(6.0 / (D_IN + D_HID)))
    W0 = jax.random.uniform(k3, (D_IN, D_HID), dtype=jnp.float32, minval=-lim0, maxval=lim0)
    b0 = jnp.zeros((D_HID,), dtype=jnp.float32)
    # GraphConv layer 1: hidden=128 -> out=128
    lim1 = float(np.sqrt(6.0 / (D_HID + D_OUT)))
    W1 = jax.random.uniform(k4, (D_HID, D_OUT), dtype=jnp.float32, minval=-lim1, maxval=lim1)
    b1 = jnp.zeros((D_OUT,), dtype=jnp.float32)
    return {"x": x, "edge_index": edge_index, "W0": W0, "b0": b0, "W1": W1, "b1": b1}


def _graph_conv(x, src, dst, W, b, activation):
    # DGL GraphConv with norm='both':
    # h = D_in^{-1/2} * A^T (D_out^{-1/2} * x) W + b
    ones = jnp.ones((src.shape[0],), dtype=jnp.float32)
    deg_out = jax.ops.segment_sum(ones, src, num_segments=N)
    deg_in = jax.ops.segment_sum(ones, dst, num_segments=N)
    norm_src = jax.lax.rsqrt(jnp.clip(deg_out, 1.0, None))
    norm_dst = jax.lax.rsqrt(jnp.clip(deg_in, 1.0, None))
    h = x * norm_src[:, None]
    h = h @ W
    msg = jnp.take(h, src, axis=0)
    agg = jax.ops.segment_sum(msg, dst, num_segments=N)
    out = agg * norm_dst[:, None] + b
    if activation is not None:
        out = activation(out)
    return out


def reference(x, edge_index, W0, b0, W1, b1):
    src = edge_index[0]
    dst = edge_index[1]
    h = _graph_conv(x, src, dst, W0, b0, jax.nn.relu)   # gn0 with relu activation
    h = _graph_conv(h, src, dst, W1, b1, None)          # gn1 (depth-1), no activation
    return h

if __name__ == "__main__":
    import jax
    _d = setup_inputs()
    print(jax.jit(kernel)(*tuple(_d.values())))

</pallas_src>

<mosaic_0001>
#map = affine_map<(d0, d1) -> (0)>
#map1 = affine_map<(d0, d1) -> (0, 0, 0)>
module attributes {stable_mosaic.version = 14 : i64} {
  func.func @_degree_kernel(%arg0: i32, %arg1: i32, %arg2: memref<320000xi32, #tpu.memory_space<hbm>>, %arg3: memref<320000xi32, #tpu.memory_space<hbm>>, %arg4: memref<2x2x10240xf32, #tpu.memory_space<hbm>>, %arg5: memref<128xi32, #tpu.memory_space<vmem>>, %arg6: memref<128xi32, #tpu.memory_space<vmem>>, %arg7: memref<128xi32, #tpu.memory_space<vmem>>, %arg8: memref<128xi32, #tpu.memory_space<vmem>>, %arg9: memref<128xi32, #tpu.memory_space<vmem>>, %arg10: memref<128xi32, #tpu.memory_space<vmem>>, %arg11: memref<128xi32, #tpu.memory_space<vmem>>, %arg12: memref<128xi32, #tpu.memory_space<vmem>>, %arg13: memref<128xi32, #tpu.memory_space<vmem>>, %arg14: memref<128xi32, #tpu.memory_space<vmem>>, %arg15: memref<128xi32, #tpu.memory_space<vmem>>, %arg16: memref<128xi32, #tpu.memory_space<vmem>>, %arg17: memref<16xi32, #tpu.memory_space<vmem>>, %arg18: memref<16xi32, #tpu.memory_space<vmem>>, %arg19: memref<128xf32, #tpu.memory_space<vmem>>, %arg20: memref<640xf32, #tpu.memory_space<vmem>>, %arg21: memref<10240xf32, #tpu.memory_space<vmem_shared>>, %arg22: memref<10240xf32, #tpu.memory_space<vmem_shared>>, %arg23: memref<!tpu.dma_semaphore, #tpu.memory_space<semaphore_mem>>, %arg24: memref<!tpu.dma_semaphore, #tpu.memory_space<semaphore_mem>>, %arg25: memref<!tpu.dma_semaphore, #tpu.memory_space<semaphore_mem>>, %arg26: memref<!tpu.dma_semaphore, #tpu.memory_space<semaphore_mem>>, %arg27: memref<!tpu.dma_semaphore, #tpu.memory_space<semaphore_mem>>, %arg28: memref<!tpu.dma_semaphore, #tpu.memory_space<semaphore_mem>>) attributes {dimension_semantics = [#tpu.dimension_semantics<core_parallel>, #tpu.dimension_semantics<subcore_parallel>], iteration_bounds = array<i64: 2, 16>, scalar_prefetch = 0 : i64, scratch_operands = 24 : i64, tpu.core_type = #tpu.core_type<sc_vector_subcore>, window_params = [{transform_indices = #map}, {transform_indices = #map}, {transform_indices = #map1}]} {
    %mul3A = arith.constant 2 : i32
    %mul3A_0 = arith.muli %arg1, %mul3A : i32
    %add3A = arith.addi %mul3A_0, %arg0 : i32
    %mul3A_1 = arith.constant 10000 : i32
    %mul3A_2 = arith.muli %add3A, %mul3A_1 : i32
    %add3A_3 = arith.constant 0 : i32
    %add3A_4 = arith.addi %mul3A_2, %add3A_3 : i32
    %dma_start3A = tpu.memref_slice %arg2[%add3A_4] : memref<320000xi32, #tpu.memory_space<hbm>> -> memref<128xi32, #tpu.memory_space<hbm>>
    %dma_start3A_5 = tpu.memref_slice %arg2[%add3A_4] : memref<320000xi32, #tpu.memory_space<hbm>> -> memref<128xi32, #tpu.memory_space<hbm>>
    tpu.enqueue_dma source(%dma_start3A_5 : memref<128xi32, #tpu.memory_space<hbm>>) target(%arg5 : memref<128xi32, #tpu.memory_space<vmem>>) target_semaphore(%arg23 : memref<!tpu.dma_semaphore, #tpu.memory_space<semaphore_mem>>)
    %add3A_6 = arith.constant 0 : i32
    %add3A_7 = arith.addi %mul3A_2, %add3A_6 : i32
    %dma_start3A_8 = tpu.memref_slice %arg3[%add3A_7] : memref<320000xi32, #tpu.memory_space<hbm>> -> memref<128xi32, #tpu.memory_space<hbm>>
    %dma_start3A_9 = tpu.memref_slice %arg3[%add3A_7] : memref<320000xi32, #tpu.memory_space<hbm>> -> memref<128xi32, #tpu.memory_space<hbm>>
    tpu.enqueue_dma source(%dma_start3A_9 : memref<128xi32, #tpu.memory_space<hbm>>) target(%arg11 : memref<128xi32, #tpu.memory_space<vmem>>) target_semaphore(%arg23 : memref<!tpu.dma_semaphore, #tpu.memory_space<semaphore_mem>>)
    %add3A_10 = arith.constant 128 : i32
    %add3A_11 = arith.addi %mul3A_2, %add3A_10 : i32
    %dma_start3A_12 = tpu.memref_slice %arg2[%add3A_11] : memref<320000xi32, #tpu.memory_space<hbm>> -> memref<128xi32, #tpu.memory_space<hbm>>
    %dma_start3A_13 = tpu.memref_slice %arg2[%add3A_11] : memref<320000xi32, #tpu.memory_space<hbm>> -> memref<128xi32, #tpu.memory_space<hbm>>
    tpu.enqueue_dma source(%dma_start3A_13 : memref<128xi32, #tpu.memory_space<hbm>>) target(%arg6 : memref<128xi32, #tpu.memory_space<vmem>>) target_semaphore(%arg24 : memref<!tpu.dma_semaphore, #tpu.memory_space<semaphore_mem>>)
    %add3A_14 = arith.constant 128 : i32
    %add3A_15 = arith.addi %mul3A_2, %add3A_14 : i32
    %dma_start3A_16 = tpu.memref_slice %arg3[%add3A_15] : memref<320000xi32, #tpu.memory_space<hbm>> -> memref<128xi32, #tpu.memory_space<hbm>>
    %dma_start3A_17 = tpu.memref_slice %arg3[%add3A_15] : memref<320000xi32, #tpu.memory_space<hbm>> -> memref<128xi32, #tpu.memory_space<hbm>>
    tpu.enqueue_dma source(%dma_start3A_17 : memref<128xi32, #tpu.memory_space<hbm>>) target(%arg12 : memref<128xi32, #tpu.memory_space<vmem>>) target_semaphore(%arg24 : memref<!tpu.dma_semaphore, #tpu.memory_space<semaphore_mem>>)
    %add3A_18 = arith.constant 256 : i32
    %add3A_19 = arith.addi %mul3A_2, %add3A_18 : i32
    %dma_start3A_20 = tpu.memref_slice %arg2[%add3A_19] : memref<320000xi32, #tpu.memory_space<hbm>> -> memref<128xi32, #tpu.memory_space<hbm>>
    %dma_start3A_21 = tpu.memref_slice %arg2[%add3A_19] : memref<320000xi32, #tpu.memory_space<hbm>> -> memref<128xi32, #tpu.memory_space<hbm>>
    tpu.enqueue_dma source(%dma_start3A_21 : memref<128xi32, #tpu.memory_space<hbm>>) target(%arg7 : memref<128xi32, #tpu.memory_space<vmem>>) target_semaphore(%arg25 : memref<!tpu.dma_semaphore, #tpu.memory_space<semaphore_mem>>)
    %add3A_22 = arith.constant 256 : i32
    %add3A_23 = arith.addi %mul3A_2, %add3A_22 : i32
    %dma_start3A_24 = tpu.memref_slice %arg3[%add3A_23] : memref<320000xi32, #tpu.memory_space<hbm>> -> memref<128xi32, #tpu.memory_space<hbm>>
    %dma_start3A_25 = tpu.memref_slice %arg3[%add3A_23] : memref<320000xi32, #tpu.memory_space<hbm>> -> memref<128xi32, #tpu.memory_space<hbm>>
    tpu.enqueue_dma source(%dma_start3A_25 : memref<128xi32, #tpu.memory_space<hbm>>) target(%arg13 : memref<128xi32, #tpu.memory_space<vmem>>) target_semaphore(%arg25 : memref<!tpu.dma_semaphore, #tpu.memory_space<semaphore_mem>>)
    %add3A_26 = arith.constant 384 : i32
    %add3A_27 = arith.addi %mul3A_2, %add3A_26 : i32
    %dma_start3A_28 = tpu.memref_slice %arg2[%add3A_27] : memref<320000xi32, #tpu.memory_space<hbm>> -> memref<128xi32, #tpu.memory_space<hbm>>
    %dma_start3A_29 = tpu.memref_slice %arg2[%add3A_27] : memref<320000xi32, #tpu.memory_space<hbm>> -> memref<128xi32, #tpu.memory_space<hbm>>
    tpu.enqueue_dma source(%dma_start3A_29 : memref<128xi32, #tpu.memory_space<hbm>>) target(%arg8 : memref<128xi32, #tpu.memory_space<vmem>>) target_semaphore(%arg26 : memref<!tpu.dma_semaphore, #tpu.memory_space<semaphore_mem>>)
    %add3A_30 = arith.constant 384 : i32
    %add3A_31 = arith.addi %mul3A_2, %add3A_30 : i32
    %dma_start3A_32 = tpu.memref_slice %arg3[%add3A_31] : memref<320000xi32, #tpu.memory_space<hbm>> -> memref<128xi32, #tpu.memory_space<hbm>>
    %dma_start3A_33 = tpu.memref_slice %arg3[%add3A_31] : memref<320000xi32, #tpu.memory_space<hbm>> -> memref<128xi32, #tpu.memory_space<hbm>>
    tpu.enqueue_dma source(%dma_start3A_33 : memref<128xi32, #tpu.memory_space<hbm>>) target(%arg14 : memref<128xi32, #tpu.memory_space<vmem>>) target_semaphore(%arg26 : memref<!tpu.dma_semaphore, #tpu.memory_space<semaphore_mem>>)
    %add3A_34 = arith.constant 512 : i32
    %add3A_35 = arith.addi %mul3A_2, %add3A_34 : i32
    %dma_start3A_36 = tpu.memref_slice %arg2[%add3A_35] : memref<320000xi32, #tpu.memory_space<hbm>> -> memref<128xi32, #tpu.memory_space<hbm>>
    %dma_start3A_37 = tpu.memref_slice %arg2[%add3A_35] : memref<320000xi32, #tpu.memory_space<hbm>> -> memref<128xi32, #tpu.memory_space<hbm>>
    tpu.enqueue_dma source(%dma_start3A_37 : memref<128xi32, #tpu.memory_space<hbm>>) target(%arg9 : memref<128xi32, #tpu.memory_space<vmem>>) target_semaphore(%arg27 : memref<!tpu.dma_semaphore, #tpu.memory_space<semaphore_mem>>)
    %add3A_38 = arith.constant 512 : i32
    %add3A_39 = arith.addi %mul3A_2, %add3A_38 : i32
    %dma_start3A_40 = tpu.memref_slice %arg3[%add3A_39] : memref<320000xi32, #tpu.memory_space<hbm>> -> memref<128xi32, #tpu.memory_space<hbm>>
    %dma_start3A_41 = tpu.memref_slice %arg3[%add3A_39] : memref<320000xi32, #tpu.memory_space<hbm>> -> memref<128xi32, #tpu.memory_space<hbm>>
    tpu.enqueue_dma source(%dma_start3A_41 : memref<128xi32, #tpu.memory_space<hbm>>) target(%arg15 : memref<128xi32, #tpu.memory_space<vmem>>) target_semaphore(%arg27 : memref<!tpu.dma_semaphore, #tpu.memory_space<semaphore_mem>>)
    %add3A_42 = arith.constant 640 : i32
    %add3A_43 = arith.addi %mul3A_2, %add3A_42 : i32
    %dma_start3A_44 = tpu.memref_slice %arg2[%add3A_43] : memref<320000xi32, #tpu.memory_space<hbm>> -> memref<128xi32, #tpu.memory_space<hbm>>
    %dma_start3A_45 = tpu.memref_slice %arg2[%add3A_43] : memref<320000xi32, #tpu.memory_space<hbm>> -> memref<128xi32, #tpu.memory_space<hbm>>
    tpu.enqueue_dma source(%dma_start3A_45 : memref<128xi32, #tpu.memory_space<hbm>>) target(%arg10 : memref<128xi32, #tpu.memory_space<vmem>>) target_semaphore(%arg28 : memref<!tpu.dma_semaphore, #tpu.memory_space<semaphore_mem>>)
    %add3A_46 = arith.constant 640 : i32
    %add3A_47 = arith.addi %mul3A_2, %add3A_46 : i32
    %dma_start3A_48 = tpu.memref_slice %arg3[%add3A_47] : memref<320000xi32, #tpu.memory_space<hbm>> -> memref<128xi32, #tpu.memory_space<hbm>>
    %dma_start3A_49 = tpu.memref_slice %arg3[%add3A_47] : memref<320000xi32, #tpu.memory_space<hbm>> -> memref<128xi32, #tpu.memory_space<hbm>>
    tpu.enqueue_dma source(%dma_start3A_49 : memref<128xi32, #tpu.memory_space<hbm>>) target(%arg16 : memref<128xi32, #tpu.memory_space<vmem>>) target_semaphore(%arg28 : memref<!tpu.dma_semaphore, #tpu.memory_space<semaphore_mem>>)
    %scan3A = arith.constant 0 : i32
    %scan3A_50 = arith.constant 0 : i32
    %scan3A_51 = arith.constant 8 : i32
    %scan3A_52 = arith.addi %scan3A_50, %scan3A_51 : i32
    %scan3A_53 = arith.constant 1 : i32
    %scan3A_54 = scf.for %scan3A_76 = %scan3A_50 to %scan3A_52 step %scan3A_53 iter_args(%scan3A_77 = %scan3A) -> (i32)  : i32 {
      %broadcast_in_dim3A = arith.constant 1.000000e+00 : f32
      %broadcast_in_dim3A_78 = vector.broadcast %broadcast_in_dim3A : f32 to vector<16xf32>
      %mul3A_79 = arith.constant 16 : i32
      %mul3A_80 = arith.muli %scan3A_76, %mul3A_79 : i32
      %swap3A = arith.index_cast %mul3A_80 : i32 to index
      %swap3A_81 = tpu.vector_load %arg19[%swap3A] {strides = array<i32>} : memref<128xf32, #tpu.memory_space<vmem>>, vector<16xf32>,
      %swap3A_82 = vector.shape_cast %swap3A_81 : vector<16xf32> to vector<16xf32>
      %swap3A_83 = vector.shape_cast %broadcast_in_dim3A_78 : vector<16xf32> to vector<16xf32>
      tpu.vector_store %arg19[%swap3A], %swap3A_83 {strides = array<i32>} : memref<128xf32, #tpu.memory_space<vmem>>, vector<16xf32>,
      %scan3A_84 = arith.constant 0 : i32
      scf.yield %scan3A_84 : i32
    }
    %scan3A_55 = arith.constant 8 : i32
    %scan3A_56 = arith.constant 0 : i32
    %scan3A_57 = arith.constant 0 : i32
    %scan3A_58 = arith.constant 40 : i32
    %scan3A_59 = arith.addi %scan3A_57, %scan3A_58 : i32
    %scan3A_60 = arith.constant 1 : i32
    %scan3A_61 = scf.for %scan3A_76 = %scan3A_57 to %scan3A_59 step %scan3A_60 iter_args(%scan3A_77 = %scan3A_56) -> (i32)  : i32 {
      %broadcast_in_dim3A = arith.constant 0.000000e+00 : f32
      %broadcast_in_dim3A_78 = vector.broadcast %broadcast_in_dim3A : f32 to vector<16xf32>
      %mul3A_79 = arith.constant 16 : i32
      %mul3A_80 = arith.muli %scan3A_76, %mul3A_79 : i32
      %swap3A = arith.index_cast %mul3A_80 : i32 to index
      %swap3A_81 = tpu.vector_load %arg20[%swap3A] {strides = array<i32>} : memref<640xf32, #tpu.memory_space<vmem>>, vector<16xf32>,
      %swap3A_82 = vector.shape_cast %swap3A_81 : vector<16xf32> to vector<16xf32>
      %swap3A_83 = vector.shape_cast %broadcast_in_dim3A_78 : vector<16xf32> to vector<16xf32>
      tpu.vector_store %arg20[%swap3A], %swap3A_83 {strides = array<i32>} : memref<640xf32, #tpu.memory_space<vmem>>, vector<16xf32>,
      %scan3A_84 = arith.constant 0 : i32
      scf.yield %scan3A_84 : i32
    }
    %scan3A_62 = arith.constant 40 : i32
    %mul3A_63 = arith.constant 640 : i32
    %mul3A_64 = arith.muli %arg1, %mul3A_63 : i32
    "tpu.region"() ({
      %run_scoped3A_76 = tpu.sem_alloc : memref<!tpu.dma_semaphore, #tpu.memory_space<semaphore_mem>>
      %dma_start3A_77 = tpu.memref_slice %arg21[%mul3A_64] : memref<10240xf32, #tpu.memory_space<vmem_shared>> -> memref<640xf32, #tpu.memory_space<vmem_shared>>
      %dma_start3A_78 = tpu.memref_slice %arg21[%mul3A_64] : memref<10240xf32, #tpu.memory_space<vmem_shared>> -> memref<640xf32, #tpu.memory_space<vmem_shared>>
      tpu.enqueue_dma source(%arg20 : memref<640xf32, #tpu.memory_space<vmem>>) target(%dma_start3A_78 : memref<640xf32, #tpu.memory_space<vmem_shared>>) target_semaphore(%run_scoped3A_76 : memref<!tpu.dma_semaphore, #tpu.memory_space<semaphore_mem>>)
      %dma_wait3A = tpu.memref_slice %arg21[%mul3A_64] : memref<10240xf32, #tpu.memory_space<vmem_shared>> -> memref<640xf32, #tpu.memory_space<vmem_shared>>
      %dma_wait3A_79 = tpu.memref_slice %arg21[%mul3A_64] : memref<10240xf32, #tpu.memory_space<vmem_shared>> -> memref<640xf32, #tpu.memory_space<vmem_shared>>
      tpu.wait_dma2 semaphore(%run_scoped3A_76 : memref<!tpu.dma_semaphore, #tpu.memory_space<semaphore_mem>>) src(%arg20 : memref<640xf32, #tpu.memory_space<vmem>>) dst(%dma_wait3A_79 : memref<640xf32, #tpu.memory_space<vmem_shared>>)
      tpu.yield
    }) : () -> ()
    "tpu.region"() ({
      %run_scoped3A_76 = tpu.sem_alloc : memref<!tpu.dma_semaphore, #tpu.memory_space<semaphore_mem>>
      %dma_start3A_77 = tpu.memref_slice %arg22[%mul3A_64] : memref<10240xf32, #tpu.memory_space<vmem_shared>> -> memref<640xf32, #tpu.memory_space<vmem_shared>>
      %dma_start3A_78 = tpu.memref_slice %arg22[%mul3A_64] : memref<10240xf32, #tpu.memory_space<vmem_shared>> -> memref<640xf32, #tpu.memory_space<vmem_shared>>
      tpu.enqueue_dma source(%arg20 : memref<640xf32, #tpu.memory_space<vmem>>) target(%dma_start3A_78 : memref<640xf32, #tpu.memory_space<vmem_shared>>) target_semaphore(%run_scoped3A_76 : memref<!tpu.dma_semaphore, #tpu.memory_space<semaphore_mem>>)
      %dma_wait3A = tpu.memref_slice %arg22[%mul3A_64] : memref<10240xf32, #tpu.memory_space<vmem_shared>> -> memref<640xf32, #tpu.memory_space<vmem_shared>>
      %dma_wait3A_79 = tpu.memref_slice %arg22[%mul3A_64] : memref<10240xf32, #tpu.memory_space<vmem_shared>> -> memref<640xf32, #tpu.memory_space<vmem_shared>>
      tpu.wait_dma2 semaphore(%run_scoped3A_76 : memref<!tpu.dma_semaphore, #tpu.memory_space<semaphore_mem>>) src(%arg20 : memref<640xf32, #tpu.memory_space<vmem>>) dst(%dma_wait3A_79 : memref<640xf32, #tpu.memory_space<vmem_shared>>)
      tpu.yield
    }) : () -> ()
    %barrier3A = arith.constant 0 : index
    tpu.barrier barrier_id(%barrier3A)
    %scan3A_65 = arith.constant 0 : i32
    %scan3A_66 = arith.constant 0 : i32
    %scan3A_67 = arith.constant 13 : i32
    %scan3A_68 = arith.addi %scan3A_66, %scan3A_67 : i32
    %scan3A_69 = arith.constant 1 : i32
    %scan3A_70 = scf.for %scan3A_76 = %scan3A_66 to %scan3A_68 step %scan3A_69 iter_args(%scan3A_77 = %scan3A_65) -> (i32)  : i32 {
      %mul3A_78 = arith.constant 6 : i32
      %mul3A_79 = arith.muli %scan3A_76, %mul3A_78 : i32
      %add3A_80 = arith.constant 0 : i32
      %add3A_81 = arith.addi %mul3A_79, %add3A_80 : i32
      %dma_wait3A = arith.constant 0 : i32
      %dma_wait3A_82 = tpu.memref_slice %arg2[%dma_wait3A] : memref<320000xi32, #tpu.memory_space<hbm>> -> memref<128xi32, #tpu.memory_space<hbm>>
      %dma_wait3A_83 = arith.constant 0 : i32
      %dma_wait3A_84 = tpu.memref_slice %arg2[%dma_wait3A_83] : memref<320000xi32, #tpu.memory_space<hbm>> -> memref<128xi32, #tpu.memory_space<hbm>>
      tpu.wait_dma2 semaphore(%arg23 : memref<!tpu.dma_semaphore, #tpu.memory_space<semaphore_mem>>) src(%dma_wait3A_84 : memref<128xi32, #tpu.memory_space<hbm>>) dst(%arg5 : memref<128xi32, #tpu.memory_space<vmem>>)
      %dma_wait3A_85 = arith.constant 0 : i32
      %dma_wait3A_86 = tpu.memref_slice %arg3[%dma_wait3A_85] : memref<320000xi32, #tpu.memory_space<hbm>> -> memref<128xi32, #tpu.memory_space<hbm>>
      %dma_wait3A_87 = arith.constant 0 : i32
      %dma_wait3A_88 = tpu.memref_slice %arg3[%dma_wait3A_87] : memref<320000xi32, #tpu.memory_space<hbm>> -> memref<128xi32, #tpu.memory_space<hbm>>
      tpu.wait_dma2 semaphore(%arg23 : memref<!tpu.dma_semaphore, #tpu.memory_space<semaphore_mem>>) src(%dma_wait3A_88 : memref<128xi32, #tpu.memory_space<hbm>>) dst(%arg11 : memref<128xi32, #tpu.memory_space<vmem>>)
      "tpu.region"() ({
        %run_scoped3A_177 = tpu.sem_alloc : memref<!tpu.dma_semaphore, #tpu.memory_space<semaphore_mem>>
        %dma_start3A_178 = arith.constant 0 : i32
        %dma_start3A_179 = tpu.memref_slice %arg21[%dma_start3A_178] : memref<10240xf32, #tpu.memory_space<vmem_shared>> -> memref<10240xf32, #tpu.memory_space<vmem_shared>>
        tpu.enqueue_indirect_dma source(%arg19 : memref<128xf32, #tpu.memory_space<vmem>>) target(%dma_start3A_179 : memref<10240xf32, #tpu.memory_space<vmem_shared>>) offsets(%arg5 : memref<128xi32, #tpu.memory_space<vmem>>) semaphore(%run_scoped3A_177 : memref<!tpu.dma_semaphore, #tpu.memory_space<semaphore_mem>>) {add = true}
        %dma_wait3A_180 = arith.constant 0 : i32
        %dma_wait3A_181 = tpu.memref_slice %arg21[%dma_wait3A_180] : memref<10240xf32, #tpu.memory_space<vmem_shared>> -> memref<10240xf32, #tpu.memory_space<vmem_shared>>
        tpu.wait_indirect_dma semaphore(%run_scoped3A_177 : memref<!tpu.dma_semaphore, #tpu.memory_space<semaphore_mem>>) src(%arg19 : memref<128xf32, #tpu.memory_space<vmem>>) dst(%dma_wait3A_181 : memref<10240xf32, #tpu.memory_space<vmem_shared>>)
        tpu.yield
      }) : () -> ()
      "tpu.region"() ({
        %run_scoped3A_177 = tpu.sem_alloc : memref<!tpu.dma_semaphore, #tpu.memory_space<semaphore_mem>>
        %dma_start3A_178 = arith.constant 0 : i32
        %dma_start3A_179 = tpu.memref_slice %arg22[%dma_start3A_178] : memref<10240xf32, #tpu.memory_space<vmem_shared>> -> memref<10240xf32, #tpu.memory_space<vmem_shared>>
        tpu.enqueue_indirect_dma source(%arg19 : memref<128xf32, #tpu.memory_space<vmem>>) target(%dma_start3A_179 : memref<10240xf32, #tpu.memory_space<vmem_shared>>) offsets(%arg11 : memref<128xi32, #tpu.memory_space<vmem>>) semaphore(%run_scoped3A_177 : memref<!tpu.dma_semaphore, #tpu.memory_space<semaphore_mem>>) {add = true}
        %dma_wait3A_180 = arith.constant 0 : i32
        %dma_wait3A_181 = tpu.memref_slice %arg22[%dma_wait3A_180] : memref<10240xf32, #tpu.memory_space<vmem_shared>> -> memref<10240xf32, #tpu.memory_space<vmem_shared>>
        tpu.wait_indirect_dma semaphore(%run_scoped3A_177 : memref<!tpu.dma_semaphore, #tpu.memory_space<semaphore_mem>>) src(%arg19 : memref<128xf32, #tpu.memory_space<vmem>>) dst(%dma_wait3A_181 : memref<10240xf32, #tpu.memory_space<vmem_shared>>)
        tpu.yield
      }) : () -> ()
      %lt3A = arith.constant 12 : i32
      %lt3A_89 = arith.cmpi slt, %scan3A_76, %lt3A : i32
      %convert_element_type3A = arith.extui %lt3A_89 : i1 to i32
      %cond3A = arith.constant 0 : i32
      %cond3A_90 = arith.cmpi ne, %convert_element_type3A, %cond3A : i32
      scf.if %cond3A_90 {
        %add3A_177 = arith.constant 6 : i32
        %add3A_178 = arith.addi %add3A_81, %add3A_177 : i32
        %mul3A_179 = arith.constant 128 : i32
        %mul3A_180 = arith.muli %add3A_178, %mul3A_179 : i32
        %add3A_181 = arith.addi %mul3A_2, %mul3A_180 : i32
        %dma_start3A_182 = tpu.memref_slice %arg2[%add3A_181] : memref<320000xi32, #tpu.memory_space<hbm>> -> memref<128xi32, #tpu.memory_space<hbm>>
        %dma_start3A_183 = tpu.memref_slice %arg2[%add3A_181] : memref<320000xi32, #tpu.memory_space<hbm>> -> memref<128xi32, #tpu.memory_space<hbm>>
        tpu.enqueue_dma source(%dma_start3A_183 : memref<128xi32, #tpu.memory_space<hbm>>) target(%arg5 : memref<128xi32, #tpu.memory_space<vmem>>) target_semaphore(%arg23 : memref<!tpu.dma_semaphore, #tpu.memory_space<semaphore_mem>>)
        %mul3A_184 = arith.constant 128 : i32
        %mul3A_185 = arith.muli %add3A_178, %mul3A_184 : i32
        %add3A_186 = arith.addi %mul3A_2, %mul3A_185 : i32
        %dma_start3A_187 = tpu.memref_slice %arg3[%add3A_186] : memref<320000xi32, #tpu.memory_space<hbm>> -> memref<128xi32, #tpu.memory_space<hbm>>
        %dma_start3A_188 = tpu.memref_slice %arg3[%add3A_186] : memref<320000xi32, #tpu.memory_space<hbm>> -> memref<128xi32, #tpu.memory_space<hbm>>
        tpu.enqueue_dma source(%dma_start3A_188 : memref<128xi32, #tpu.memory_space<hbm>>) target(%arg11 : memref<128xi32, #tpu.memory_space<vmem>>) target_semaphore(%arg23 : memref<!tpu.dma_semaphore, #tpu.memory_space<semaphore_mem>>)
      } else {
      }
      %mul3A_91 = arith.constant 6 : i32
      %mul3A_92 = arith.muli %scan3A_76, %mul3A_91 : i32
      %add3A_93 = arith.constant 1 : i32
      %add3A_94 = arith.addi %mul3A_92, %add3A_93 : i32
      %dma_wait3A_95 = arith.constant 0 : i32
      %dma_wait3A_96 = tpu.memref_slice %arg2[%dma_wait3A_95] : memref<320000xi32, #tpu.memory_space<hbm>> -> memref<128xi32, #tpu.memory_space<hbm>>
      %dma_wait3A_97 = arith.constant 0 : i32
      %dma_wait3A_98 = tpu.memref_slice %arg2[%dma_wait3A_97] : memref<320000xi32, #tpu.memory_space<hbm>> -> memref<128xi32, #tpu.memory_space<hbm>>
      tpu.wait_dma2 semaphore(%arg24 : memref<!tpu.dma_semaphore, #tpu.memory_space<semaphore_mem>>) src(%dma_wait3A_98 : memref<128xi32, #tpu.memory_space<hbm>>) dst(%arg6 : memref<128xi32, #tpu.memory_space<vmem>>)
      %dma_wait3A_99 = arith.constant 0 : i32
      %dma_wait3A_100 = tpu.memref_slice %arg3[%dma_wait3A_99] : memref<320000xi32, #tpu.memory_space<hbm>> -> memref<128xi32, #tpu.memory_space<hbm>>
      %dma_wait3A_101 = arith.constant 0 : i32
      %dma_wait3A_102 = tpu.memref_slice %arg3[%dma_wait3A_101] : memref<320000xi32, #tpu.memory_space<hbm>> -> memref<128xi32, #tpu.memory_space<hbm>>
      tpu.wait_dma2 semaphore(%arg24 : memref<!tpu.dma_semaphore, #tpu.memory_space<semaphore_mem>>) src(%dma_wait3A_102 : memref<128xi32, #tpu.memory_space<hbm>>) dst(%arg12 : memref<128xi32, #tpu.memory_space<vmem>>)
      "tpu.region"() ({
        %run_scoped3A_177 = tpu.sem_alloc : memref<!tpu.dma_semaphore, #tpu.memory_space<semaphore_mem>>
        %dma_start3A_178 = arith.constant 0 : i32
        %dma_start3A_179 = tpu.memref_slice %arg21[%dma_start3A_178] : memref<10240xf32, #tpu.memory_space<vmem_shared>> -> memref<10240xf32, #tpu.memory_space<vmem_shared>>
        tpu.enqueue_indirect_dma source(%arg19 : memref<128xf32, #tpu.memory_space<vmem>>) target(%dma_start3A_179 : memref<10240xf32, #tpu.memory_space<vmem_shared>>) offsets(%arg6 : memref<128xi32, #tpu.memory_space<vmem>>) semaphore(%run_scoped3A_177 : memref<!tpu.dma_semaphore, #tpu.memory_space<semaphore_mem>>) {add = true}
        %dma_wait3A_180 = arith.constant 0 : i32
        %dma_wait3A_181 = tpu.memref_slice %arg21[%dma_wait3A_180] : memref<10240xf32, #tpu.memory_space<vmem_shared>> -> memref<10240xf32, #tpu.memory_space<vmem_shared>>
        tpu.wait_indirect_dma semaphore(%run_scoped3A_177 : memref<!tpu.dma_semaphore, #tpu.memory_space<semaphore_mem>>) src(%arg19 : memref<128xf32, #tpu.memory_space<vmem>>) dst(%dma_wait3A_181 : memref<10240xf32, #tpu.memory_space<vmem_shared>>)
        tpu.yield
      }) : () -> ()
      "tpu.region"() ({
        %run_scoped3A_177 = tpu.sem_alloc : memref<!tpu.dma_semaphore, #tpu.memory_space<semaphore_mem>>
        %dma_start3A_178 = arith.constant 0 : i32
        %dma_start3A_179 = tpu.memref_slice %arg22[%dma_start3A_178] : memref<10240xf32, #tpu.memory_space<vmem_shared>> -> memref<10240xf32, #tpu.memory_space<vmem_shared>>
        tpu.enqueue_indirect_dma source(%arg19 : memref<128xf32, #tpu.memory_space<vmem>>) target(%dma_start3A_179 : memref<10240xf32, #tpu.memory_space<vmem_shared>>) offsets(%arg12 : memref<128xi32, #tpu.memory_space<vmem>>) semaphore(%run_scoped3A_177 : memref<!tpu.dma_semaphore, #tpu.memory_space<semaphore_mem>>) {add = true}
        %dma_wait3A_180 = arith.constant 0 : i32
        %dma_wait3A_181 = tpu.memref_slice %arg22[%dma_wait3A_180] : memref<10240xf32, #tpu.memory_space<vmem_shared>> -> memref<10240xf32, #tpu.memory_space<vmem_shared>>
        tpu.wait_indirect_dma semaphore(%run_scoped3A_177 : memref<!tpu.dma_semaphore, #tpu.memory_space<semaphore_mem>>) src(%arg19 : memref<128xf32, #tpu.memory_space<vmem>>) dst(%dma_wait3A_181 : memref<10240xf32, #tpu.memory_space<vmem_shared>>)
        tpu.yield
      }) : () -> ()
      %lt3A_103 = arith.constant 12 : i32
      %lt3A_104 = arith.cmpi slt, %scan3A_76, %lt3A_103 : i32
      %convert_element_type3A_105 = arith.extui %lt3A_104 : i1 to i32
      %cond3A_106 = arith.constant 0 : i32
      %cond3A_107 = arith.cmpi ne, %convert_element_type3A_105, %cond3A_106 : i32
      scf.if %cond3A_107 {
        %add3A_177 = arith.constant 6 : i32
        %add3A_178 = arith.addi %add3A_94, %add3A_177 : i32
        %mul3A_179 = arith.constant 128 : i32
        %mul3A_180 = arith.muli %add3A_178, %mul3A_179 : i32
        %add3A_181 = arith.addi %mul3A_2, %mul3A_180 : i32
        %dma_start3A_182 = tpu.memref_slice %arg2[%add3A_181] : memref<320000xi32, #tpu.memory_space<hbm>> -> memref<128xi32, #tpu.memory_space<hbm>>
        %dma_start3A_183 = tpu.memref_slice %arg2[%add3A_181] : memref<320000xi32, #tpu.memory_space<hbm>> -> memref<128xi32, #tpu.memory_space<hbm>>
        tpu.enqueue_dma source(%dma_start3A_183 : memref<128xi32, #tpu.memory_space<hbm>>) target(%arg6 : memref<128xi32, #tpu.memory_space<vmem>>) target_semaphore(%arg24 : memref<!tpu.dma_semaphore, #tpu.memory_space<semaphore_mem>>)
        %mul3A_184 = arith.constant 128 : i32
        %mul3A_185 = arith.muli %add3A_178, %mul3A_184 : i32
        %add3A_186 = arith.addi %mul3A_2, %mul3A_185 : i32
        %dma_start3A_187 = tpu.memref_slice %arg3[%add3A_186] : memref<320000xi32, #tpu.memory_space<hbm>> -> memref<128xi32, #tpu.memory_space<hbm>>
        %dma_start3A_188 = tpu.memref_slice %arg3[%add3A_186] : memref<320000xi32, #tpu.memory_space<hbm>> -> memref<128xi32, #tpu.memory_space<hbm>>
        tpu.enqueue_dma source(%dma_start3A_188 : memref<128xi32, #tpu.memory_space<hbm>>) target(%arg12 : memref<128xi32, #tpu.memory_space<vmem>>) target_semaphore(%arg24 : memref<!tpu.dma_semaphore, #tpu.memory_space<semaphore_mem>>)
      } else {
      }
      %mul3A_108 = arith.constant 6 : i32
      %mul3A_109 = arith.muli %scan3A_76, %mul3A_108 : i32
      %add3A_110 = arith.constant 2 : i32
      %add3A_111 = arith.addi %mul3A_109, %add3A_110 : i32
      %dma_wait3A_112 = arith.constant 0 : i32
      %dma_wait3A_113 = tpu.memref_slice %arg2[%dma_wait3A_112] : memref<320000xi32, #tpu.memory_space<hbm>> -> memref<128xi32, #tpu.memory_space<hbm>>
      %dma_wait3A_114 = arith.constant 0 : i32
      %dma_wait3A_115 = tpu.memref_slice %arg2[%dma_wait3A_114] : memref<320000xi32, #tpu.memory_space<hbm>> -> memref<128xi32, #tpu.memory_space<hbm>>
      tpu.wait_dma2 semaphore(%arg25 : memref<!tpu.dma_semaphore, #tpu.memory_space<semaphore_mem>>) src(%dma_wait3A_115 : memref<128xi32, #tpu.memory_space<hbm>>) dst(%arg7 : memref<128xi32, #tpu.memory_space<vmem>>)
      %dma_wait3A_116 = arith.constant 0 : i32
      %dma_wait3A_117 = tpu.memref_slice %arg3[%dma_wait3A_116] : memref<320000xi32, #tpu.memory_space<hbm>> -> memref<128xi32, #tpu.memory_space<hbm>>
      %dma_wait3A_118 = arith.constant 0 : i32
      %dma_wait3A_119 = tpu.memref_slice %arg3[%dma_wait3A_118] : memref<320000xi32, #tpu.memory_space<hbm>> -> memref<128xi32, #tpu.memory_space<hbm>>
      tpu.wait_dma2 semaphore(%arg25 : memref<!tpu.dma_semaphore, #tpu.memory_space<semaphore_mem>>) src(%dma_wait3A_119 : memref<128xi32, #tpu.memory_space<hbm>>) dst(%arg13 : memref<128xi32, #tpu.memory_space<vmem>>)
      "tpu.region"() ({
        %run_scoped3A_177 = tpu.sem_alloc : memref<!tpu.dma_semaphore, #tpu.memory_space<semaphore_mem>>
        %dma_start3A_178 = arith.constant 0 : i32
        %dma_start3A_179 = tpu.memref_slice %arg21[%dma_start3A_178] : memref<10240xf32, #tpu.memory_space<vmem_shared>> -> memref<10240xf32, #tpu.memory_space<vmem_shared>>
        tpu.enqueue_indirect_dma source(%arg19 : memref<128xf32, #tpu.memory_space<vmem>>) target(%dma_start3A_179 : memref<10240xf32, #tpu.memory_space<vmem_shared>>) offsets(%arg7 : memref<128xi32, #tpu.memory_space<vmem>>) semaphore(%run_scoped3A_177 : memref<!tpu.dma_semaphore, #tpu.memory_space<semaphore_mem>>) {add = true}
        %dma_wait3A_180 = arith.constant 0 : i32
        %dma_wait3A_181 = tpu.memref_slice %arg21[%dma_wait3A_180] : memref<10240xf32, #tpu.memory_space<vmem_shared>> -> memref<10240xf32, #tpu.memory_space<vmem_shared>>
        tpu.wait_indirect_dma semaphore(%run_scoped3A_177 : memref<!tpu.dma_semaphore, #tpu.memory_space<semaphore_mem>>) src(%arg19 : memref<128xf32, #tpu.memory_space<vmem>>) dst(%dma_wait3A_181 : memref<10240xf32, #tpu.memory_space<vmem_shared>>)
        tpu.yield
      }) : () -> ()
      "tpu.region"() ({
        %run_scoped3A_177 = tpu.sem_alloc : memref<!tpu.dma_semaphore, #tpu.memory_space<semaphore_mem>>
        %dma_start3A_178 = arith.constant 0 : i32
        %dma_start3A_179 = tpu.memref_slice %arg22[%dma_start3A_178] : memref<10240xf32, #tpu.memory_space<vmem_shared>> -> memref<10240xf32, #tpu.memory_space<vmem_shared>>
        tpu.enqueue_indirect_dma source(%arg19 : memref<128xf32, #tpu.memory_space<vmem>>) target(%dma_start3A_179 : memref<10240xf32, #tpu.memory_space<vmem_shared>>) offsets(%arg13 : memref<128xi32, #tpu.memory_space<vmem>>) semaphore(%run_scoped3A_177 : memref<!tpu.dma_semaphore, #tpu.memory_space<semaphore_mem>>) {add = true}
        %dma_wait3A_180 = arith.constant 0 : i32
        %dma_wait3A_181 = tpu.memref_slice %arg22[%dma_wait3A_180] : memref<10240xf32, #tpu.memory_space<vmem_shared>> -> memref<10240xf32, #tpu.memory_space<vmem_shared>>
        tpu.wait_indirect_dma semaphore(%run_scoped3A_177 : memref<!tpu.dma_semaphore, #tpu.memory_space<semaphore_mem>>) src(%arg19 : memref<128xf32, #tpu.memory_space<vmem>>) dst(%dma_wait3A_181 : memref<10240xf32, #tpu.memory_space<vmem_shared>>)
        tpu.yield
      }) : () -> ()
      %lt3A_120 = arith.constant 12 : i32
      %lt3A_121 = arith.cmpi slt, %scan3A_76, %lt3A_120 : i32
      %convert_element_type3A_122 = arith.extui %lt3A_121 : i1 to i32
      %cond3A_123 = arith.constant 0 : i32
      %cond3A_124 = arith.cmpi ne, %convert_element_type3A_122, %cond3A_123 : i32
      scf.if %cond3A_124 {
        %add3A_177 = arith.constant 6 : i32
        %add3A_178 = arith.addi %add3A_111, %add3A_177 : i32
        %mul3A_179 = arith.constant 128 : i32
        %mul3A_180 = arith.muli %add3A_178, %mul3A_179 : i32
        %add3A_181 = arith.addi %mul3A_2, %mul3A_180 : i32
        %dma_start3A_182 = tpu.memref_slice %arg2[%add3A_181] : memref<320000xi32, #tpu.memory_space<hbm>> -> memref<128xi32, #tpu.memory_space<hbm>>
        %dma_start3A_183 = tpu.memref_slice %arg2[%add3A_181] : memref<320000xi32, #tpu.memory_space<hbm>> -> memref<128xi32, #tpu.memory_space<hbm>>
        tpu.enqueue_dma source(%dma_start3A_183 : memref<128xi32, #tpu.memory_space<hbm>>) target(%arg7 : memref<128xi32, #tpu.memory_space<vmem>>) target_semaphore(%arg25 : memref<!tpu.dma_semaphore, #tpu.memory_space<semaphore_mem>>)
        %mul3A_184 = arith.constant 128 : i32
        %mul3A_185 = arith.muli %add3A_178, %mul3A_184 : i32
        %add3A_186 = arith.addi %mul3A_2, %mul3A_185 : i32
        %dma_start3A_187 = tpu.memref_slice %arg3[%add3A_186] : memref<320000xi32, #tpu.memory_space<hbm>> -> memref<128xi32, #tpu.memory_space<hbm>>
        %dma_start3A_188 = tpu.memref_slice %arg3[%add3A_186] : memref<320000xi32, #tpu.memory_space<hbm>> -> memref<128xi32, #tpu.memory_space<hbm>>
        tpu.enqueue_dma source(%dma_start3A_188 : memref<128xi32, #tpu.memory_space<hbm>>) target(%arg13 : memref<128xi32, #tpu.memory_space<vmem>>) target_semaphore(%arg25 : memref<!tpu.dma_semaphore, #tpu.memory_space<semaphore_mem>>)
      } else {
      }
      %mul3A_125 = arith.constant 6 : i32
      %mul3A_126 = arith.muli %scan3A_76, %mul3A_125 : i32
      %add3A_127 = arith.constant 3 : i32
      %add3A_128 = arith.addi %mul3A_126, %add3A_127 : i32
      %dma_wait3A_129 = arith.constant 0 : i32
      %dma_wait3A_130 = tpu.memref_slice %arg2[%dma_wait3A_129] : memref<320000xi32, #tpu.memory_space<hbm>> -> memref<128xi32, #tpu.memory_space<hbm>>
      %dma_wait3A_131 = arith.constant 0 : i32
      %dma_wait3A_132 = tpu.memref_slice %arg2[%dma_wait3A_131] : memref<320000xi32, #tpu.memory_space<hbm>> -> memref<128xi32, #tpu.memory_space<hbm>>
      tpu.wait_dma2 semaphore(%arg26 : memref<!tpu.dma_semaphore, #tpu.memory_space<semaphore_mem>>) src(%dma_wait3A_132 : memref<128xi32, #tpu.memory_space<hbm>>) dst(%arg8 : memref<128xi32, #tpu.memory_space<vmem>>)
      %dma_wait3A_133 = arith.constant 0 : i32
      %dma_wait3A_134 = tpu.memref_slice %arg3[%dma_wait3A_133] : memref<320000xi32, #tpu.memory_space<hbm>> -> memref<128xi32, #tpu.memory_space<hbm>>
      %dma_wait3A_135 = arith.constant 0 : i32
      %dma_wait3A_136 = tpu.memref_slice %arg3[%dma_wait3A_135] : memref<320000xi32, #tpu.memory_space<hbm>> -> memref<128xi32, #tpu.memory_space<hbm>>
      tpu.wait_dma2 semaphore(%arg26 : memref<!tpu.dma_semaphore, #tpu.memory_space<semaphore_mem>>) src(%dma_wait3A_136 : memref<128xi32, #tpu.memory_space<hbm>>) dst(%arg14 : memref<128xi32, #tpu.memory_space<vmem>>)
      "tpu.region"() ({
        %run_scoped3A_177 = tpu.sem_alloc : memref<!tpu.dma_semaphore, #tpu.memory_space<semaphore_mem>>
        %dma_start3A_178 = arith.constant 0 : i32
        %dma_start3A_179 = tpu.memref_slice %arg21[%dma_start3A_178] : memref<10240xf32, #tpu.memory_space<vmem_shared>> -> memref<10240xf32, #tpu.memory_space<vmem_shared>>
        tpu.enqueue_indirect_dma source(%arg19 : memref<128xf32, #tpu.memory_space<vmem>>) target(%dma_start3A_179 : memref<10240xf32, #tpu.memory_space<vmem_shared>>) offsets(%arg8 : memref<128xi32, #tpu.memory_space<vmem>>) semaphore(%run_scoped3A_177 : memref<!tpu.dma_semaphore, #tpu.memory_space<semaphore_mem>>) {add = true}
        %dma_wait3A_180 = arith.constant 0 : i32
        %dma_wait3A_181 = tpu.memref_slice %arg21[%dma_wait3A_180] : memref<10240xf32, #tpu.memory_space<vmem_shared>> -> memref<10240xf32, #tpu.memory_space<vmem_shared>>
        tpu.wait_indirect_dma semaphore(%run_scoped3A_177 : memref<!tpu.dma_semaphore, #tpu.memory_space<semaphore_mem>>) src(%arg19 : memref<128xf32, #tpu.memory_space<vmem>>) dst(%dma_wait3A_181 : memref<10240xf32, #tpu.memory_space<vmem_shared>>)
        tpu.yield
      }) : () -> ()
      "tpu.region"() ({
        %run_scoped3A_177 = tpu.sem_alloc : memref<!tpu.dma_semaphore, #tpu.memory_space<semaphore_mem>>
        %dma_start3A_178 = arith.constant 0 : i32
        %dma_start3A_179 = tpu.memref_slice %arg22[%dma_start3A_178] : memref<10240xf32, #tpu.memory_space<vmem_shared>> -> memref<10240xf32, #tpu.memory_space<vmem_shared>>
        tpu.enqueue_indirect_dma source(%arg19 : memref<128xf32, #tpu.memory_space<vmem>>) target(%dma_start3A_179 : memref<10240xf32, #tpu.memory_space<vmem_shared>>) offsets(%arg14 : memref<128xi32, #tpu.memory_space<vmem>>) semaphore(%run_scoped3A_177 : memref<!tpu.dma_semaphore, #tpu.memory_space<semaphore_mem>>) {add = true}
        %dma_wait3A_180 = arith.constant 0 : i32
        %dma_wait3A_181 = tpu.memref_slice %arg22[%dma_wait3A_180] : memref<10240xf32, #tpu.memory_space<vmem_shared>> -> memref<10240xf32, #tpu.memory_space<vmem_shared>>
        tpu.wait_indirect_dma semaphore(%run_scoped3A_177 : memref<!tpu.dma_semaphore, #tpu.memory_space<semaphore_mem>>) src(%arg19 : memref<128xf32, #tpu.memory_space<vmem>>) dst(%dma_wait3A_181 : memref<10240xf32, #tpu.memory_space<vmem_shared>>)
        tpu.yield
      }) : () -> ()
      %lt3A_137 = arith.constant 12 : i32
      %lt3A_138 = arith.cmpi slt, %scan3A_76, %lt3A_137 : i32
      %convert_element_type3A_139 = arith.extui %lt3A_138 : i1 to i32
      %cond3A_140 = arith.constant 0 : i32
      %cond3A_141 = arith.cmpi ne, %convert_element_type3A_139, %cond3A_140 : i32
      scf.if %cond3A_141 {
        %add3A_177 = arith.constant 6 : i32
        %add3A_178 = arith.addi %add3A_128, %add3A_177 : i32
        %mul3A_179 = arith.constant 128 : i32
        %mul3A_180 = arith.muli %add3A_178, %mul3A_179 : i32
        %add3A_181 = arith.addi %mul3A_2, %mul3A_180 : i32
        %dma_start3A_182 = tpu.memref_slice %arg2[%add3A_181] : memref<320000xi32, #tpu.memory_space<hbm>> -> memref<128xi32, #tpu.memory_space<hbm>>
        %dma_start3A_183 = tpu.memref_slice %arg2[%add3A_181] : memref<320000xi32, #tpu.memory_space<hbm>> -> memref<128xi32, #tpu.memory_space<hbm>>
        tpu.enqueue_dma source(%dma_start3A_183 : memref<128xi32, #tpu.memory_space<hbm>>) target(%arg8 : memref<128xi32, #tpu.memory_space<vmem>>) target_semaphore(%arg26 : memref<!tpu.dma_semaphore, #tpu.memory_space<semaphore_mem>>)
        %mul3A_184 = arith.constant 128 : i32
        %mul3A_185 = arith.muli %add3A_178, %mul3A_184 : i32
        %add3A_186 = arith.addi %mul3A_2, %mul3A_185 : i32
        %dma_start3A_187 = tpu.memref_slice %arg3[%add3A_186] : memref<320000xi32, #tpu.memory_space<hbm>> -> memref<128xi32, #tpu.memory_space<hbm>>
        %dma_start3A_188 = tpu.memref_slice %arg3[%add3A_186] : memref<320000xi32, #tpu.memory_space<hbm>> -> memref<128xi32, #tpu.memory_space<hbm>>
        tpu.enqueue_dma source(%dma_start3A_188 : memref<128xi32, #tpu.memory_space<hbm>>) target(%arg14 : memref<128xi32, #tpu.memory_space<vmem>>) target_semaphore(%arg26 : memref<!tpu.dma_semaphore, #tpu.memory_space<semaphore_mem>>)
      } else {
      }
      %mul3A_142 = arith.constant 6 : i32
      %mul3A_143 = arith.muli %scan3A_76, %mul3A_142 : i32
      %add3A_144 = arith.constant 4 : i32
      %add3A_145 = arith.addi %mul3A_143, %add3A_144 : i32
      %dma_wait3A_146 = arith.constant 0 : i32
      %dma_wait3A_147 = tpu.memref_slice %arg2[%dma_wait3A_146] : memref<320000xi32, #tpu.memory_space<hbm>> -> memref<128xi32, #tpu.memory_space<hbm>>
      %dma_wait3A_148 = arith.constant 0 : i32
      %dma_wait3A_149 = tpu.memref_slice %arg2[%dma_wait3A_148] : memref<320000xi32, #tpu.memory_space<hbm>> -> memref<128xi32, #tpu.memory_space<hbm>>
      tpu.wait_dma2 semaphore(%arg27 : memref<!tpu.dma_semaphore, #tpu.memory_space<semaphore_mem>>) src(%dma_wait3A_149 : memref<128xi32, #tpu.memory_space<hbm>>) dst(%arg9 : memref<128xi32, #tpu.memory_space<vmem>>)
      %dma_wait3A_150 = arith.constant 0 : i32
      %dma_wait3A_151 = tpu.memref_slice %arg3[%dma_wait3A_150] : memref<320000xi32, #tpu.memory_space<hbm>> -> memref<128xi32, #tpu.memory_space<hbm>>
      %dma_wait3A_152 = arith.constant 0 : i32
      %dma_wait3A_153 = tpu.memref_slice %arg3[%dma_wait3A_152] : memref<320000xi32, #tpu.memory_space<hbm>> -> memref<128xi32, #tpu.memory_space<hbm>>
      tpu.wait_dma2 semaphore(%arg27 : memref<!tpu.dma_semaphore, #tpu.memory_space<semaphore_mem>>) src(%dma_wait3A_153 : memref<128xi32, #tpu.memory_space<hbm>>) dst(%arg15 : memref<128xi32, #tpu.memory_space<vmem>>)
      "tpu.region"() ({
        %run_scoped3A_177 = tpu.sem_alloc : memref<!tpu.dma_semaphore, #tpu.memory_space<semaphore_mem>>
        %dma_start3A_178 = arith.constant 0 : i32
        %dma_start3A_179 = tpu.memref_slice %arg21[%dma_start3A_178] : memref<10240xf32, #tpu.memory_space<vmem_shared>> -> memref<10240xf32, #tpu.memory_space<vmem_shared>>
        tpu.enqueue_indirect_dma source(%arg19 : memref<128xf32, #tpu.memory_space<vmem>>) target(%dma_start3A_179 : memref<10240xf32, #tpu.memory_space<vmem_shared>>) offsets(%arg9 : memref<128xi32, #tpu.memory_space<vmem>>) semaphore(%run_scoped3A_177 : memref<!tpu.dma_semaphore, #tpu.memory_space<semaphore_mem>>) {add = true}
        %dma_wait3A_180 = arith.constant 0 : i32
        %dma_wait3A_181 = tpu.memref_slice %arg21[%dma_wait3A_180] : memref<10240xf32, #tpu.memory_space<vmem_shared>> -> memref<10240xf32, #tpu.memory_space<vmem_shared>>
        tpu.wait_indirect_dma semaphore(%run_scoped3A_177 : memref<!tpu.dma_semaphore, #tpu.memory_space<semaphore_mem>>) src(%arg19 : memref<128xf32, #tpu.memory_space<vmem>>) dst(%dma_wait3A_181 : memref<10240xf32, #tpu.memory_space<vmem_shared>>)
        tpu.yield
      }) : () -> ()
      "tpu.region"() ({
        %run_scoped3A_177 = tpu.sem_alloc : memref<!tpu.dma_semaphore, #tpu.memory_space<semaphore_mem>>
        %dma_start3A_178 = arith.constant 0 : i32
        %dma_start3A_179 = tpu.memref_slice %arg22[%dma_start3A_178] : memref<10240xf32, #tpu.memory_space<vmem_shared>> -> memref<10240xf32, #tpu.memory_space<vmem_shared>>
        tpu.enqueue_indirect_dma source(%arg19 : memref<128xf32, #tpu.memory_space<vmem>>) target(%dma_start3A_179 : memref<10240xf32, #tpu.memory_space<vmem_shared>>) offsets(%arg15 : memref<128xi32, #tpu.memory_space<vmem>>) semaphore(%run_scoped3A_177 : memref<!tpu.dma_semaphore, #tpu.memory_space<semaphore_mem>>) {add = true}
        %dma_wait3A_180 = arith.constant 0 : i32
        %dma_wait3A_181 = tpu.memref_slice %arg22[%dma_wait3A_180] : memref<10240xf32, #tpu.memory_space<vmem_shared>> -> memref<10240xf32, #tpu.memory_space<vmem_shared>>
        tpu.wait_indirect_dma semaphore(%run_scoped3A_177 : memref<!tpu.dma_semaphore, #tpu.memory_space<semaphore_mem>>) src(%arg19 : memref<128xf32, #tpu.memory_space<vmem>>) dst(%dma_wait3A_181 : memref<10240xf32, #tpu.memory_space<vmem_shared>>)
        tpu.yield
      }) : () -> ()
      %lt3A_154 = arith.constant 12 : i32
      %lt3A_155 = arith.cmpi slt, %scan3A_76, %lt3A_154 : i32
      %convert_element_type3A_156 = arith.extui %lt3A_155 : i1 to i32
      %cond3A_157 = arith.constant 0 : i32
      %cond3A_158 = arith.cmpi ne, %convert_element_type3A_156, %cond3A_157 : i32
      scf.if %cond3A_158 {
        %add3A_177 = arith.constant 6 : i32
        %add3A_178 = arith.addi %add3A_145, %add3A_177 : i32
        %mul3A_179 = arith.constant 128 : i32
        %mul3A_180 = arith.muli %add3A_178, %mul3A_179 : i32
        %add3A_181 = arith.addi %mul3A_2, %mul3A_180 : i32
        %dma_start3A_182 = tpu.memref_slice %arg2[%add3A_181] : memref<320000xi32, #tpu.memory_space<hbm>> -> memref<128xi32, #tpu.memory_space<hbm>>
        %dma_start3A_183 = tpu.memref_slice %arg2[%add3A_181] : memref<320000xi32, #tpu.memory_space<hbm>> -> memref<128xi32, #tpu.memory_space<hbm>>
        tpu.enqueue_dma source(%dma_start3A_183 : memref<128xi32, #tpu.memory_space<hbm>>) target(%arg9 : memref<128xi32, #tpu.memory_space<vmem>>) target_semaphore(%arg27 : memref<!tpu.dma_semaphore, #tpu.memory_space<semaphore_mem>>)
        %mul3A_184 = arith.constant 128 : i32
        %mul3A_185 = arith.muli %add3A_178, %mul3A_184 : i32
        %add3A_186 = arith.addi %mul3A_2, %mul3A_185 : i32
        %dma_start3A_187 = tpu.memref_slice %arg3[%add3A_186] : memref<320000xi32, #tpu.memory_space<hbm>> -> memref<128xi32, #tpu.memory_space<hbm>>
        %dma_start3A_188 = tpu.memref_slice %arg3[%add3A_186] : memref<320000xi32, #tpu.memory_space<hbm>> -> memref<128xi32, #tpu.memory_space<hbm>>
        tpu.enqueue_dma source(%dma_start3A_188 : memref<128xi32, #tpu.memory_space<hbm>>) target(%arg15 : memref<128xi32, #tpu.memory_space<vmem>>) target_semaphore(%arg27 : memref<!tpu.dma_semaphore, #tpu.memory_space<semaphore_mem>>)
      } else {
      }
      %mul3A_159 = arith.constant 6 : i32
      %mul3A_160 = arith.muli %scan3A_76, %mul3A_159 : i32
      %add3A_161 = arith.constant 5 : i32
      %add3A_162 = arith.addi %mul3A_160, %add3A_161 : i32
      %dma_wait3A_163 = arith.constant 0 : i32
      %dma_wait3A_164 = tpu.memref_slice %arg2[%dma_wait3A_163] : memref<320000xi32, #tpu.memory_space<hbm>> -> memref<128xi32, #tpu.memory_space<hbm>>
      %dma_wait3A_165 = arith.constant 0 : i32
      %dma_wait3A_166 = tpu.memref_slice %arg2[%dma_wait3A_165] : memref<320000xi32, #tpu.memory_space<hbm>> -> memref<128xi32, #tpu.memory_space<hbm>>
      tpu.wait_dma2 semaphore(%arg28 : memref<!tpu.dma_semaphore, #tpu.memory_space<semaphore_mem>>) src(%dma_wait3A_166 : memref<128xi32, #tpu.memory_space<hbm>>) dst(%arg10 : memref<128xi32, #tpu.memory_space<vmem>>)
      %dma_wait3A_167 = arith.constant 0 : i32
      %dma_wait3A_168 = tpu.memref_slice %arg3[%dma_wait3A_167] : memref<320000xi32, #tpu.memory_space<hbm>> -> memref<128xi32, #tpu.memory_space<hbm>>
      %dma_wait3A_169 = arith.constant 0 : i32
      %dma_wait3A_170 = tpu.memref_slice %arg3[%dma_wait3A_169] : memref<320000xi32, #tpu.memory_space<hbm>> -> memref<128xi32, #tpu.memory_space<hbm>>
      tpu.wait_dma2 semaphore(%arg28 : memref<!tpu.dma_semaphore, #tpu.memory_space<semaphore_mem>>) src(%dma_wait3A_170 : memref<128xi32, #tpu.memory_space<hbm>>) dst(%arg16 : memref<128xi32, #tpu.memory_space<vmem>>)
      "tpu.region"() ({
        %run_scoped3A_177 = tpu.sem_alloc : memref<!tpu.dma_semaphore, #tpu.memory_space<semaphore_mem>>
        %dma_start3A_178 = arith.constant 0 : i32
        %dma_start3A_179 = tpu.memref_slice %arg21[%dma_start3A_178] : memref<10240xf32, #tpu.memory_space<vmem_shared>> -> memref<10240xf32, #tpu.memory_space<vmem_shared>>
        tpu.enqueue_indirect_dma source(%arg19 : memref<128xf32, #tpu.memory_space<vmem>>) target(%dma_start3A_179 : memref<10240xf32, #tpu.memory_space<vmem_shared>>) offsets(%arg10 : memref<128xi32, #tpu.memory_space<vmem>>) semaphore(%run_scoped3A_177 : memref<!tpu.dma_semaphore, #tpu.memory_space<semaphore_mem>>) {add = true}
        %dma_wait3A_180 = arith.constant 0 : i32
        %dma_wait3A_181 = tpu.memref_slice %arg21[%dma_wait3A_180] : memref<10240xf32, #tpu.memory_space<vmem_shared>> -> memref<10240xf32, #tpu.memory_space<vmem_shared>>
        tpu.wait_indirect_dma semaphore(%run_scoped3A_177 : memref<!tpu.dma_semaphore, #tpu.memory_space<semaphore_mem>>) src(%arg19 : memref<128xf32, #tpu.memory_space<vmem>>) dst(%dma_wait3A_181 : memref<10240xf32, #tpu.memory_space<vmem_shared>>)
        tpu.yield
      }) : () -> ()
      "tpu.region"() ({
        %run_scoped3A_177 = tpu.sem_alloc : memref<!tpu.dma_semaphore, #tpu.memory_space<semaphore_mem>>
        %dma_start3A_178 = arith.constant 0 : i32
        %dma_start3A_179 = tpu.memref_slice %arg22[%dma_start3A_178] : memref<10240xf32, #tpu.memory_space<vmem_shared>> -> memref<10240xf32, #tpu.memory_space<vmem_shared>>
        tpu.enqueue_indirect_dma source(%arg19 : memref<128xf32, #tpu.memory_space<vmem>>) target(%dma_start3A_179 : memref<10240xf32, #tpu.memory_space<vmem_shared>>) offsets(%arg16 : memref<128xi32, #tpu.memory_space<vmem>>) semaphore(%run_scoped3A_177 : memref<!tpu.dma_semaphore, #tpu.memory_space<semaphore_mem>>) {add = true}
        %dma_wait3A_180 = arith.constant 0 : i32
        %dma_wait3A_181 = tpu.memref_slice %arg22[%dma_wait3A_180] : memref<10240xf32, #tpu.memory_space<vmem_shared>> -> memref<10240xf32, #tpu.memory_space<vmem_shared>>
        tpu.wait_indirect_dma semaphore(%run_scoped3A_177 : memref<!tpu.dma_semaphore, #tpu.memory_space<semaphore_mem>>) src(%arg19 : memref<128xf32, #tpu.memory_space<vmem>>) dst(%dma_wait3A_181 : memref<10240xf32, #tpu.memory_space<vmem_shared>>)
        tpu.yield
      }) : () -> ()
      %lt3A_171 = arith.constant 12 : i32
      %lt3A_172 = arith.cmpi slt, %scan3A_76, %lt3A_171 : i32
      %convert_element_type3A_173 = arith.extui %lt3A_172 : i1 to i32
      %cond3A_174 = arith.constant 0 : i32
      %cond3A_175 = arith.cmpi ne, %convert_element_type3A_173, %cond3A_174 : i32
      scf.if %cond3A_175 {
        %add3A_177 = arith.constant 6 : i32
        %add3A_178 = arith.addi %add3A_162, %add3A_177 : i32
        %mul3A_179 = arith.constant 128 : i32
        %mul3A_180 = arith.muli %add3A_178, %mul3A_179 : i32
        %add3A_181 = arith.addi %mul3A_2, %mul3A_180 : i32
        %dma_start3A_182 = tpu.memref_slice %arg2[%add3A_181] : memref<320000xi32, #tpu.memory_space<hbm>> -> memref<128xi32, #tpu.memory_space<hbm>>
        %dma_start3A_183 = tpu.memref_slice %arg2[%add3A_181] : memref<320000xi32, #tpu.memory_space<hbm>> -> memref<128xi32, #tpu.memory_space<hbm>>
        tpu.enqueue_dma source(%dma_start3A_183 : memref<128xi32, #tpu.memory_space<hbm>>) target(%arg10 : memref<128xi32, #tpu.memory_space<vmem>>) target_semaphore(%arg28 : memref<!tpu.dma_semaphore, #tpu.memory_space<semaphore_mem>>)
        %mul3A_184 = arith.constant 128 : i32
        %mul3A_185 = arith.muli %add3A_178, %mul3A_184 : i32
        %add3A_186 = arith.addi %mul3A_2, %mul3A_185 : i32
        %dma_start3A_187 = tpu.memref_slice %arg3[%add3A_186] : memref<320000xi32, #tpu.memory_space<hbm>> -> memref<128xi32, #tpu.memory_space<hbm>>
        %dma_start3A_188 = tpu.memref_slice %arg3[%add3A_186] : memref<320000xi32, #tpu.memory_space<hbm>> -> memref<128xi32, #tpu.memory_space<hbm>>
        tpu.enqueue_dma source(%dma_start3A_188 : memref<128xi32, #tpu.memory_space<hbm>>) target(%arg16 : memref<128xi32, #tpu.memory_space<vmem>>) target_semaphore(%arg28 : memref<!tpu.dma_semaphore, #tpu.memory_space<semaphore_mem>>)
      } else {
      }
      %scan3A_176 = arith.constant 0 : i32
      scf.yield %scan3A_176 : i32
    }
    %scan3A_71 = arith.constant 13 : i32
    %add3A_72 = arith.constant 9984 : i32
    %add3A_73 = arith.addi %mul3A_2, %add3A_72 : i32
    "tpu.region"() ({
      %run_scoped3A_76 = tpu.sem_alloc : memref<!tpu.dma_semaphore, #tpu.memory_space<semaphore_mem>>
      %dma_start3A_77 = tpu.memref_slice %arg2[%add3A_73] : memref<320000xi32, #tpu.memory_space<hbm>> -> memref<16xi32, #tpu.memory_space<hbm>>
      %dma_start3A_78 = tpu.memref_slice %arg2[%add3A_73] : memref<320000xi32, #tpu.memory_space<hbm>> -> memref<16xi32, #tpu.memory_space<hbm>>
      tpu.enqueue_dma source(%dma_start3A_78 : memref<16xi32, #tpu.memory_space<hbm>>) target(%arg17 : memref<16xi32, #tpu.memory_space<vmem>>) target_semaphore(%run_scoped3A_76 : memref<!tpu.dma_semaphore, #tpu.memory_space<semaphore_mem>>)
      %dma_wait3A = tpu.memref_slice %arg2[%add3A_73] : memref<320000xi32, #tpu.memory_space<hbm>> -> memref<16xi32, #tpu.memory_space<hbm>>
      %dma_wait3A_79 = tpu.memref_slice %arg2[%add3A_73] : memref<320000xi32, #tpu.memory_space<hbm>> -> memref<16xi32, #tpu.memory_space<hbm>>
      tpu.wait_dma2 semaphore(%run_scoped3A_76 : memref<!tpu.dma_semaphore, #tpu.memory_space<semaphore_mem>>) src(%dma_wait3A_79 : memref<16xi32, #tpu.memory_space<hbm>>) dst(%arg17 : memref<16xi32, #tpu.memory_space<vmem>>)
      tpu.yield
    }) : () -> ()
    "tpu.region"() ({
      %run_scoped3A_76 = tpu.sem_alloc : memref<!tpu.dma_semaphore, #tpu.memory_space<semaphore_mem>>
      %dma_start3A_77 = tpu.memref_slice %arg3[%add3A_73] : memref<320000xi32, #tpu.memory_space<hbm>> -> memref<16xi32, #tpu.memory_space<hbm>>
      %dma_start3A_78 = tpu.memref_slice %arg3[%add3A_73] : memref<320000xi32, #tpu.memory_space<hbm>> -> memref<16xi32, #tpu.memory_space<hbm>>
      tpu.enqueue_dma source(%dma_start3A_78 : memref<16xi32, #tpu.memory_space<hbm>>) target(%arg18 : memref<16xi32, #tpu.memory_space<vmem>>) target_semaphore(%run_scoped3A_76 : memref<!tpu.dma_semaphore, #tpu.memory_space<semaphore_mem>>)
      %dma_wait3A = tpu.memref_slice %arg3[%add3A_73] : memref<320000xi32, #tpu.memory_space<hbm>> -> memref<16xi32, #tpu.memory_space<hbm>>
      %dma_wait3A_79 = tpu.memref_slice %arg3[%add3A_73] : memref<320000xi32, #tpu.memory_space<hbm>> -> memref<16xi32, #tpu.memory_space<hbm>>
      tpu.wait_dma2 semaphore(%run_scoped3A_76 : memref<!tpu.dma_semaphore, #tpu.memory_space<semaphore_mem>>) src(%dma_wait3A_79 : memref<16xi32, #tpu.memory_space<hbm>>) dst(%arg18 : memref<16xi32, #tpu.memory_space<vmem>>)
      tpu.yield
    }) : () -> ()
    "tpu.region"() ({
      %run_scoped3A_76 = tpu.sem_alloc : memref<!tpu.dma_semaphore, #tpu.memory_space<semaphore_mem>>
      %dma_start3A_77 = arith.constant 0 : i32
      %dma_start3A_78 = tpu.memref_slice %arg19[%dma_start3A_77] : memref<128xf32, #tpu.memory_space<vmem>> -> memref<16xf32, #tpu.memory_space<vmem>>
      %dma_start3A_79 = arith.constant 0 : i32
      %dma_start3A_80 = tpu.memref_slice %arg21[%dma_start3A_79] : memref<10240xf32, #tpu.memory_space<vmem_shared>> -> memref<10240xf32, #tpu.memory_space<vmem_shared>>
      tpu.enqueue_indirect_dma source(%dma_start3A_78 : memref<16xf32, #tpu.memory_space<vmem>>) target(%dma_start3A_80 : memref<10240xf32, #tpu.memory_space<vmem_shared>>) offsets(%arg17 : memref<16xi32, #tpu.memory_space<vmem>>) semaphore(%run_scoped3A_76 : memref<!tpu.dma_semaphore, #tpu.memory_space<semaphore_mem>>) {add = true}
      %dma_wait3A = arith.constant 0 : i32
      %dma_wait3A_81 = tpu.memref_slice %arg19[%dma_wait3A] : memref<128xf32, #tpu.memory_space<vmem>> -> memref<16xf32, #tpu.memory_space<vmem>>
      %dma_wait3A_82 = arith.constant 0 : i32
      %dma_wait3A_83 = tpu.memref_slice %arg21[%dma_wait3A_82] : memref<10240xf32, #tpu.memory_space<vmem_shared>> -> memref<10240xf32, #tpu.memory_space<vmem_shared>>
      tpu.wait_indirect_dma semaphore(%run_scoped3A_76 : memref<!tpu.dma_semaphore, #tpu.memory_space<semaphore_mem>>) src(%dma_wait3A_81 : memref<16xf32, #tpu.memory_space<vmem>>) dst(%dma_wait3A_83 : memref<10240xf32, #tpu.memory_space<vmem_shared>>)
      tpu.yield
    }) : () -> ()
    "tpu.region"() ({
      %run_scoped3A_76 = tpu.sem_alloc : memref<!tpu.dma_semaphore, #tpu.memory_space<semaphore_mem>>
      %dma_start3A_77 = arith.constant 0 : i32
      %dma_start3A_78 = tpu.memref_slice %arg19[%dma_start3A_77] : memref<128xf32, #tpu.memory_space<vmem>> -> memref<16xf32, #tpu.memory_space<vmem>>
      %dma_start3A_79 = arith.constant 0 : i32
      %dma_start3A_80 = tpu.memref_slice %arg22[%dma_start3A_79] : memref<10240xf32, #tpu.memory_space<vmem_shared>> -> memref<10240xf32, #tpu.memory_space<vmem_shared>>
      tpu.enqueue_indirect_dma source(%dma_start3A_78 : memref<16xf32, #tpu.memory_space<vmem>>) target(%dma_start3A_80 : memref<10240xf32, #tpu.memory_space<vmem_shared>>) offsets(%arg18 : memref<16xi32, #tpu.memory_space<vmem>>) semaphore(%run_scoped3A_76 : memref<!tpu.dma_semaphore, #tpu.memory_space<semaphore_mem>>) {add = true}
      %dma_wait3A = arith.constant 0 : i32
      %dma_wait3A_81 = tpu.memref_slice %arg19[%dma_wait3A] : memref<128xf32, #tpu.memory_space<vmem>> -> memref<16xf32, #tpu.memory_space<vmem>>
      %dma_wait3A_82 = arith.constant 0 : i32
      %dma_wait3A_83 = tpu.memref_slice %arg22[%dma_wait3A_82] : memref<10240xf32, #tpu.memory_space<vmem_shared>> -> memref<10240xf32, #tpu.memory_space<vmem_shared>>
      tpu.wait_indirect_dma semaphore(%run_scoped3A_76 : memref<!tpu.dma_semaphore, #tpu.memory_space<semaphore_mem>>) src(%dma_wait3A_81 : memref<16xf32, #tpu.memory_space<vmem>>) dst(%dma_wait3A_83 : memref<10240xf32, #tpu.memory_space<vmem_shared>>)
      tpu.yield
    }) : () -> ()
    %barrier3A_74 = arith.constant 0 : index
    tpu.barrier barrier_id(%barrier3A_74)
    %run_scoped3A = arith.constant 0 : i32
    "tpu.region"() ({
      %run_scoped3A_76 = tpu.sem_alloc : memref<!tpu.dma_semaphore, #tpu.memory_space<semaphore_mem>>
      %dma_start3A_77 = tpu.memref_slice %arg4[%arg0, %run_scoped3A, %mul3A_64] : memref<2x2x10240xf32, #tpu.memory_space<hbm>> -> memref<1x1x640xf32, #tpu.memory_space<hbm>>
      %dma_start3A_78 = tpu.memref_squeeze %dma_start3A_77 : memref<1x1x640xf32, #tpu.memory_space<hbm>> -> memref<640xf32, #tpu.memory_space<hbm>>
      %dma_start3A_79 = tpu.memref_slice %arg21[%mul3A_64] : memref<10240xf32, #tpu.memory_space<vmem_shared>> -> memref<640xf32, #tpu.memory_space<vmem_shared>>
      tpu.enqueue_dma source(%dma_start3A_79 : memref<640xf32, #tpu.memory_space<vmem_shared>>) target(%dma_start3A_78 : memref<640xf32, #tpu.memory_space<hbm>>) target_semaphore(%run_scoped3A_76 : memref<!tpu.dma_semaphore, #tpu.memory_space<semaphore_mem>>)
      %dma_wait3A = tpu.memref_slice %arg4[%arg0, %run_scoped3A, %mul3A_64] : memref<2x2x10240xf32, #tpu.memory_space<hbm>> -> memref<1x1x640xf32, #tpu.memory_space<hbm>>
      %dma_wait3A_80 = tpu.memref_squeeze %dma_wait3A : memref<1x1x640xf32, #tpu.memory_space<hbm>> -> memref<640xf32, #tpu.memory_space<hbm>>
      %dma_wait3A_81 = tpu.memref_slice %arg21[%mul3A_64] : memref<10240xf32, #tpu.memory_space<vmem_shared>> -> memref<640xf32, #tpu.memory_space<vmem_shared>>
      tpu.wait_dma2 semaphore(%run_scoped3A_76 : memref<!tpu.dma_semaphore, #tpu.memory_space<semaphore_mem>>) src(%dma_wait3A_81 : memref<640xf32, #tpu.memory_space<vmem_shared>>) dst(%dma_wait3A_80 : memref<640xf32, #tpu.memory_space<hbm>>)
      tpu.yield
    }) : () -> ()
    %run_scoped3A_75 = arith.constant 1 : i32
    "tpu.region"() ({
      %run_scoped3A_76 = tpu.sem_alloc : memref<!tpu.dma_semaphore, #tpu.memory_space<semaphore_mem>>
      %dma_start3A_77 = tpu.memref_slice %arg4[%arg0, %run_scoped3A_75, %mul3A_64] : memref<2x2x10240xf32, #tpu.memory_space<hbm>> -> memref<1x1x640xf32, #tpu.memory_space<hbm>>
      %dma_start3A_78 = tpu.memref_squeeze %dma_start3A_77 : memref<1x1x640xf32, #tpu.memory_space<hbm>> -> memref<640xf32, #tpu.memory_space<hbm>>
      %dma_start3A_79 = tpu.memref_slice %arg22[%mul3A_64] : memref<10240xf32, #tpu.memory_space<vmem_shared>> -> memref<640xf32, #tpu.memory_space<vmem_shared>>
      tpu.enqueue_dma source(%dma_start3A_79 : memref<640xf32, #tpu.memory_space<vmem_shared>>) target(%dma_start3A_78 : memref<640xf32, #tpu.memory_space<hbm>>) target_semaphore(%run_scoped3A_76 : memref<!tpu.dma_semaphore, #tpu.memory_space<semaphore_mem>>)
      %dma_wait3A = tpu.memref_slice %arg4[%arg0, %run_scoped3A_75, %mul3A_64] : memref<2x2x10240xf32, #tpu.memory_space<hbm>> -> memref<1x1x640xf32, #tpu.memory_space<hbm>>
      %dma_wait3A_80 = tpu.memref_squeeze %dma_wait3A : memref<1x1x640xf32, #tpu.memory_space<hbm>> -> memref<640xf32, #tpu.memory_space<hbm>>
      %dma_wait3A_81 = tpu.memref_slice %arg22[%mul3A_64] : memref<10240xf32, #tpu.memory_space<vmem_shared>> -> memref<640xf32, #tpu.memory_space<vmem_shared>>
      tpu.wait_dma2 semaphore(%run_scoped3A_76 : memref<!tpu.dma_semaphore, #tpu.memory_space<semaphore_mem>>) src(%dma_wait3A_81 : memref<640xf32, #tpu.memory_space<vmem_shared>>) dst(%dma_wait3A_80 : memref<640xf32, #tpu.memory_space<hbm>>)
      tpu.yield
    }) : () -> ()
    return
  }
}

#map = affine_map<(d0, d1) -> (0, 0)>
#map1 = affine_map<(d0, d1) -> (0)>
#map2 = affine_map<(d0, d1) -> (0, 0, 0)>
module attributes {stable_mosaic.version = 14 : i64} {
  func.func @_edge_kernel(%arg0: i32, %arg1: i32, %arg2: memref<10000x128xf32, #tpu.memory_space<hbm>>, %arg3: memref<320000xi32, #tpu.memory_space<hbm>>, %arg4: memref<320000xi32, #tpu.memory_space<hbm>>, %arg5: memref<2x10240x128xf32, #tpu.memory_space<hbm>>, %arg6: memref<10000xi32, #tpu.memory_space<vmem>>, %arg7: memref<40xi32, #tpu.memory_space<vmem>>, %arg8: memref<40xi32, #tpu.memory_space<vmem>>, %arg9: memref<40xi32, #tpu.memory_space<vmem>>, %arg10: memref<40xi32, #tpu.memory_space<vmem>>, %arg11: memref<40xi32, #tpu.memory_space<vmem>>, %arg12: memref<40x128xf32, #tpu.memory_space<vmem>>, %arg13: memref<40x128xf32, #tpu.memory_space<vmem>>, %arg14: memref<40x128xf32, #tpu.memory_space<vmem>>, %arg15: memref<40x128xf32, #tpu.memory_space<vmem>>, %arg16: memref<40x128xf32, #tpu.memory_space<vmem>>, %arg17: memref<16x128xf32, #tpu.memory_space<vmem>>, %arg18: memref<10240x128xf32, #tpu.memory_space<vmem_shared>>, %arg19: memref<!tpu.dma_semaphore, #tpu.memory_space<semaphore_mem>>, %arg20: memref<!tpu.dma_semaphore, #tpu.memory_space<semaphore_mem>>, %arg21: memref<!tpu.dma_semaphore, #tpu.memory_space<semaphore_mem>>, %arg22: memref<!tpu.dma_semaphore, #tpu.memory_space<semaphore_mem>>, %arg23: memref<!tpu.dma_semaphore, #tpu.memory_space<semaphore_mem>>, %arg24: memref<!tpu.dma_semaphore, #tpu.memory_space<semaphore_mem>>, %arg25: memref<!tpu.dma_semaphore, #tpu.memory_space<semaphore_mem>>, %arg26: memref<!tpu.dma_semaphore, #tpu.memory_space<semaphore_mem>>, %arg27: memref<!tpu.dma_semaphore, #tpu.memory_space<semaphore_mem>>, %arg28: memref<!tpu.dma_semaphore, #tpu.memory_space<semaphore_mem>>, %arg29: memref<!tpu.dma_semaphore, #tpu.memory_space<semaphore_mem>>) attributes {dimension_semantics = [#tpu.dimension_semantics<core_parallel>, #tpu.dimension_semantics<subcore_parallel>], iteration_bounds = array<i64: 2, 16>, scalar_prefetch = 0 : i64, scratch_operands = 24 : i64, tpu.core_type = #tpu.core_type<sc_vector_subcore>, window_params = [{transform_indices = #map}, {transform_indices = #map1}, {transform_indices = #map1}, {transform_indices = #map2}]} {
    %mul3A = arith.constant 2 : i32
    %mul3A_0 = arith.muli %arg1, %mul3A : i32
    %add3A = arith.addi %mul3A_0, %arg0 : i32
    %mul3A_1 = arith.constant 10000 : i32
    %mul3A_2 = arith.muli %add3A, %mul3A_1 : i32
    %dma_start3A = tpu.memref_slice %arg3[%mul3A_2] : memref<320000xi32, #tpu.memory_space<hbm>> -> memref<10000xi32, #tpu.memory_space<hbm>>
    %dma_start3A_3 = tpu.memref_slice %arg3[%mul3A_2] : memref<320000xi32, #tpu.memory_space<hbm>> -> memref<10000xi32, #tpu.memory_space<hbm>>
    tpu.enqueue_dma source(%dma_start3A_3 : memref<10000xi32, #tpu.memory_space<hbm>>) target(%arg6 : memref<10000xi32, #tpu.memory_space<vmem>>) target_semaphore(%arg29 : memref<!tpu.dma_semaphore, #tpu.memory_space<semaphore_mem>>)
    %scan3A = arith.constant 0 : i32
    %scan3A_4 = arith.constant 0 : i32
    %scan3A_5 = arith.constant 16 : i32
    %scan3A_6 = arith.addi %scan3A_4, %scan3A_5 : i32
    %scan3A_7 = arith.constant 1 : i32
    %scan3A_8 = scf.for %scan3A_146 = %scan3A_4 to %scan3A_6 step %scan3A_7 iter_args(%scan3A_147 = %scan3A) -> (i32)  : i32 {
      %scan3A_148 = arith.constant 0 : i32
      %scan3A_149 = arith.constant 0 : i32
      %scan3A_150 = arith.constant 8 : i32
      %scan3A_151 = arith.addi %scan3A_149, %scan3A_150 : i32
      %scan3A_152 = arith.constant 1 : i32
      %scan3A_153 = scf.for %scan3A_156 = %scan3A_149 to %scan3A_151 step %scan3A_152 iter_args(%scan3A_157 = %scan3A_148) -> (i32)  : i32 {
        %broadcast_in_dim3A = arith.constant 0.000000e+00 : f32
        %broadcast_in_dim3A_158 = vector.broadcast %broadcast_in_dim3A : f32 to vector<16xf32>
        %mul3A_159 = arith.constant 16 : i32
        %mul3A_160 = arith.muli %scan3A_156, %mul3A_159 : i32
        %swap3A = arith.index_cast %scan3A_146 : i32 to index
        %swap3A_161 = arith.index_cast %mul3A_160 : i32 to index
        %swap3A_162 = tpu.vector_load %arg17[%swap3A, %swap3A_161] {strides = array<i32>} : memref<16x128xf32, #tpu.memory_space<vmem>>, vector<1x16xf32>,
        %swap3A_163 = vector.shape_cast %swap3A_162 : vector<1x16xf32> to vector<16xf32>
        %swap3A_164 = vector.shape_cast %broadcast_in_dim3A_158 : vector<16xf32> to vector<1x16xf32>
        tpu.vector_store %arg17[%swap3A, %swap3A_161], %swap3A_164 {strides = array<i32>} : memref<16x128xf32, #tpu.memory_space<vmem>>, vector<1x16xf32>,
        %scan3A_165 = arith.constant 0 : i32
        scf.yield %scan3A_165 : i32
      }
      %scan3A_154 = arith.constant 8 : i32
      %scan3A_155 = arith.constant 0 : i32
      scf.yield %scan3A_155 : i32
    }
    %scan3A_9 = arith.constant 16 : i32
    %mul3A_10 = arith.constant 640 : i32
    %mul3A_11 = arith.muli %arg1, %mul3A_10 : i32
    %add3A_12 = arith.constant 0 : i32
    %add3A_13 = arith.addi %mul3A_11, %add3A_12 : i32
    "tpu.region"() ({
      %run_scoped3A = tpu.sem_alloc : memref<!tpu.dma_semaphore, #tpu.memory_space<semaphore_mem>>
      %dma_start3A_146 = arith.constant 0 : i32
      %dma_start3A_147 = tpu.memref_slice %arg18[%add3A_13, %dma_start3A_146] : memref<10240x128xf32, #tpu.memory_space<vmem_shared>> -> memref<16x128xf32, #tpu.memory_space<vmem_shared>>
      %dma_start3A_148 = arith.constant 0 : i32
      %dma_start3A_149 = tpu.memref_slice %arg18[%add3A_13, %dma_start3A_148] : memref<10240x128xf32, #tpu.memory_space<vmem_shared>> -> memref<16x128xf32, #tpu.memory_space<vmem_shared>>
      tpu.enqueue_dma source(%arg17 : memref<16x128xf32, #tpu.memory_space<vmem>>) target(%dma_start3A_149 : memref<16x128xf32, #tpu.memory_space<vmem_shared>>) target_semaphore(%run_scoped3A : memref<!tpu.dma_semaphore, #tpu.memory_space<semaphore_mem>>)
      %dma_wait3A_150 = arith.constant 0 : i32
      %dma_wait3A_151 = tpu.memref_slice %arg18[%add3A_13, %dma_wait3A_150] : memref<10240x128xf32, #tpu.memory_space<vmem_shared>> -> memref<16x128xf32, #tpu.memory_space<vmem_shared>>
      %dma_wait3A_152 = arith.constant 0 : i32
      %dma_wait3A_153 = tpu.memref_slice %arg18[%add3A_13, %dma_wait3A_152] : memref<10240x128xf32, #tpu.memory_space<vmem_shared>> -> memref<16x128xf32, #tpu.memory_space<vmem_shared>>
      tpu.wait_dma2 semaphore(%run_scoped3A : memref<!tpu.dma_semaphore, #tpu.memory_space<semaphore_mem>>) src(%arg17 : memref<16x128xf32, #tpu.memory_space<vmem>>) dst(%dma_wait3A_153 : memref<16x128xf32, #tpu.memory_space<vmem_shared>>)
      tpu.yield
    }) : () -> ()
    %add3A_14 = arith.constant 16 : i32
    %add3A_15 = arith.addi %mul3A_11, %add3A_14 : i32
    "tpu.region"() ({
      %run_scoped3A = tpu.sem_alloc : memref<!tpu.dma_semaphore, #tpu.memory_space<semaphore_mem>>
      %dma_start3A_146 = arith.constant 0 : i32
      %dma_start3A_147 = tpu.memref_slice %arg18[%add3A_15, %dma_start3A_146] : memref<10240x128xf32, #tpu.memory_space<vmem_shared>> -> memref<16x128xf32, #tpu.memory_space<vmem_shared>>
      %dma_start3A_148 = arith.constant 0 : i32
      %dma_start3A_149 = tpu.memref_slice %arg18[%add3A_15, %dma_start3A_148] : memref<10240x128xf32, #tpu.memory_space<vmem_shared>> -> memref<16x128xf32, #tpu.memory_space<vmem_shared>>
      tpu.enqueue_dma source(%arg17 : memref<16x128xf32, #tpu.memory_space<vmem>>) target(%dma_start3A_149 : memref<16x128xf32, #tpu.memory_space<vmem_shared>>) target_semaphore(%run_scoped3A : memref<!tpu.dma_semaphore, #tpu.memory_space<semaphore_mem>>)
      %dma_wait3A_150 = arith.constant 0 : i32
      %dma_wait3A_151 = tpu.memref_slice %arg18[%add3A_15, %dma_wait3A_150] : memref<10240x128xf32, #tpu.memory_space<vmem_shared>> -> memref<16x128xf32, #tpu.memory_space<vmem_shared>>
      %dma_wait3A_152 = arith.constant 0 : i32
      %dma_wait3A_153 = tpu.memref_slice %arg18[%add3A_15, %dma_wait3A_152] : memref<10240x128xf32, #tpu.memory_space<vmem_shared>> -> memref<16x128xf32, #tpu.memory_space<vmem_shared>>
      tpu.wait_dma2 semaphore(%run_scoped3A : memref<!tpu.dma_semaphore, #tpu.memory_space<semaphore_mem>>) src(%arg17 : memref<16x128xf32, #tpu.memory_space<vmem>>) dst(%dma_wait3A_153 : memref<16x128xf32, #tpu.memory_space<vmem_shared>>)
      tpu.yield
    }) : () -> ()
    %add3A_16 = arith.constant 32 : i32
    %add3A_17 = arith.addi %mul3A_11, %add3A_16 : i32
    "tpu.region"() ({
      %run_scoped3A = tpu.sem_alloc : memref<!tpu.dma_semaphore, #tpu.memory_space<semaphore_mem>>
      %dma_start3A_146 = arith.constant 0 : i32
      %dma_start3A_147 = tpu.memref_slice %arg18[%add3A_17, %dma_start3A_146] : memref<10240x128xf32, #tpu.memory_space<vmem_shared>> -> memref<16x128xf32, #tpu.memory_space<vmem_shared>>
      %dma_start3A_148 = arith.constant 0 : i32
      %dma_start3A_149 = tpu.memref_slice %arg18[%add3A_17, %dma_start3A_148] : memref<10240x128xf32, #tpu.memory_space<vmem_shared>> -> memref<16x128xf32, #tpu.memory_space<vmem_shared>>
      tpu.enqueue_dma source(%arg17 : memref<16x128xf32, #tpu.memory_space<vmem>>) target(%dma_start3A_149 : memref<16x128xf32, #tpu.memory_space<vmem_shared>>) target_semaphore(%run_scoped3A : memref<!tpu.dma_semaphore, #tpu.memory_space<semaphore_mem>>)
      %dma_wait3A_150 = arith.constant 0 : i32
      %dma_wait3A_151 = tpu.memref_slice %arg18[%add3A_17, %dma_wait3A_150] : memref<10240x128xf32, #tpu.memory_space<vmem_shared>> -> memref<16x128xf32, #tpu.memory_space<vmem_shared>>
      %dma_wait3A_152 = arith.constant 0 : i32
      %dma_wait3A_153 = tpu.memref_slice %arg18[%add3A_17, %dma_wait3A_152] : memref<10240x128xf32, #tpu.memory_space<vmem_shared>> -> memref<16x128xf32, #tpu.memory_space<vmem_shared>>
      tpu.wait_dma2 semaphore(%run_scoped3A : memref<!tpu.dma_semaphore, #tpu.memory_space<semaphore_mem>>) src(%arg17 : memref<16x128xf32, #tpu.memory_space<vmem>>) dst(%dma_wait3A_153 : memref<16x128xf32, #tpu.memory_space<vmem_shared>>)
      tpu.yield
    }) : () -> ()
    %add3A_18 = arith.constant 48 : i32
    %add3A_19 = arith.addi %mul3A_11, %add3A_18 : i32
    "tpu.region"() ({
      %run_scoped3A = tpu.sem_alloc : memref<!tpu.dma_semaphore, #tpu.memory_space<semaphore_mem>>
      %dma_start3A_146 = arith.constant 0 : i32
      %dma_start3A_147 = tpu.memref_slice %arg18[%add3A_19, %dma_start3A_146] : memref<10240x128xf32, #tpu.memory_space<vmem_shared>> -> memref<16x128xf32, #tpu.memory_space<vmem_shared>>
      %dma_start3A_148 = arith.constant 0 : i32
      %dma_start3A_149 = tpu.memref_slice %arg18[%add3A_19, %dma_start3A_148] : memref<10240x128xf32, #tpu.memory_space<vmem_shared>> -> memref<16x128xf32, #tpu.memory_space<vmem_shared>>
      tpu.enqueue_dma source(%arg17 : memref<16x128xf32, #tpu.memory_space<vmem>>) target(%dma_start3A_149 : memref<16x128xf32, #tpu.memory_space<vmem_shared>>) target_semaphore(%run_scoped3A : memref<!tpu.dma_semaphore, #tpu.memory_space<semaphore_mem>>)
      %dma_wait3A_150 = arith.constant 0 : i32
      %dma_wait3A_151 = tpu.memref_slice %arg18[%add3A_19, %dma_wait3A_150] : memref<10240x128xf32, #tpu.memory_space<vmem_shared>> -> memref<16x128xf32, #tpu.memory_space<vmem_shared>>
      %dma_wait3A_152 = arith.constant 0 : i32
      %dma_wait3A_153 = tpu.memref_slice %arg18[%add3A_19, %dma_wait3A_152] : memref<10240x128xf32, #tpu.memory_space<vmem_shared>> -> memref<16x128xf32, #tpu.memory_space<vmem_shared>>
      tpu.wait_dma2 semaphore(%run_scoped3A : memref<!tpu.dma_semaphore, #tpu.memory_space<semaphore_mem>>) src(%arg17 : memref<16x128xf32, #tpu.memory_space<vmem>>) dst(%dma_wait3A_153 : memref<16x128xf32, #tpu.memory_space<vmem_shared>>)
      tpu.yield
    }) : () -> ()
    %add3A_20 = arith.constant 64 : i32
    %add3A_21 = arith.addi %mul3A_11, %add3A_20 : i32
    "tpu.region"() ({
      %run_scoped3A = tpu.sem_alloc : memref<!tpu.dma_semaphore, #tpu.memory_space<semaphore_mem>>
      %dma_start3A_146 = arith.constant 0 : i32
      %dma_start3A_147 = tpu.memref_slice %arg18[%add3A_21, %dma_start3A_146] : memref<10240x128xf32, #tpu.memory_space<vmem_shared>> -> memref<16x128xf32, #tpu.memory_space<vmem_shared>>
      %dma_start3A_148 = arith.constant 0 : i32
      %dma_start3A_149 = tpu.memref_slice %arg18[%add3A_21, %dma_start3A_148] : memref<10240x128xf32, #tpu.memory_space<vmem_shared>> -> memref<16x128xf32, #tpu.memory_space<vmem_shared>>
      tpu.enqueue_dma source(%arg17 : memref<16x128xf32, #tpu.memory_space<vmem>>) target(%dma_start3A_149 : memref<16x128xf32, #tpu.memory_space<vmem_shared>>) target_semaphore(%run_scoped3A : memref<!tpu.dma_semaphore, #tpu.memory_space<semaphore_mem>>)
      %dma_wait3A_150 = arith.constant 0 : i32
      %dma_wait3A_151 = tpu.memref_slice %arg18[%add3A_21, %dma_wait3A_150] : memref<10240x128xf32, #tpu.memory_space<vmem_shared>> -> memref<16x128xf32, #tpu.memory_space<vmem_shared>>
      %dma_wait3A_152 = arith.constant 0 : i32
      %dma_wait3A_153 = tpu.memref_slice %arg18[%add3A_21, %dma_wait3A_152] : memref<10240x128xf32, #tpu.memory_space<vmem_shared>> -> memref<16x128xf32, #tpu.memory_space<vmem_shared>>
      tpu.wait_dma2 semaphore(%run_scoped3A : memref<!tpu.dma_semaphore, #tpu.memory_space<semaphore_mem>>) src(%arg17 : memref<16x128xf32, #tpu.memory_space<vmem>>) dst(%dma_wait3A_153 : memref<16x128xf32, #tpu.memory_space<vmem_shared>>)
      tpu.yield
    }) : () -> ()
    %add3A_22 = arith.constant 80 : i32
    %add3A_23 = arith.addi %mul3A_11, %add3A_22 : i32
    "tpu.region"() ({
      %run_scoped3A = tpu.sem_alloc : memref<!tpu.dma_semaphore, #tpu.memory_space<semaphore_mem>>
      %dma_start3A_146 = arith.constant 0 : i32
      %dma_start3A_147 = tpu.memref_slice %arg18[%add3A_23, %dma_start3A_146] : memref<10240x128xf32, #tpu.memory_space<vmem_shared>> -> memref<16x128xf32, #tpu.memory_space<vmem_shared>>
      %dma_start3A_148 = arith.constant 0 : i32
      %dma_start3A_149 = tpu.memref_slice %arg18[%add3A_23, %dma_start3A_148] : memref<10240x128xf32, #tpu.memory_space<vmem_shared>> -> memref<16x128xf32, #tpu.memory_space<vmem_shared>>
      tpu.enqueue_dma source(%arg17 : memref<16x128xf32, #tpu.memory_space<vmem>>) target(%dma_start3A_149 : memref<16x128xf32, #tpu.memory_space<vmem_shared>>) target_semaphore(%run_scoped3A : memref<!tpu.dma_semaphore, #tpu.memory_space<semaphore_mem>>)
      %dma_wait3A_150 = arith.constant 0 : i32
      %dma_wait3A_151 = tpu.memref_slice %arg18[%add3A_23, %dma_wait3A_150] : memref<10240x128xf32, #tpu.memory_space<vmem_shared>> -> memref<16x128xf32, #tpu.memory_space<vmem_shared>>
      %dma_wait3A_152 = arith.constant 0 : i32
      %dma_wait3A_153 = tpu.memref_slice %arg18[%add3A_23, %dma_wait3A_152] : memref<10240x128xf32, #tpu.memory_space<vmem_shared>> -> memref<16x128xf32, #tpu.memory_space<vmem_shared>>
      tpu.wait_dma2 semaphore(%run_scoped3A : memref<!tpu.dma_semaphore, #tpu.memory_space<semaphore_mem>>) src(%arg17 : memref<16x128xf32, #tpu.memory_space<vmem>>) dst(%dma_wait3A_153 : memref<16x128xf32, #tpu.memory_space<vmem_shared>>)
      tpu.yield
    }) : () -> ()
    %add3A_24 = arith.constant 96 : i32
    %add3A_25 = arith.addi %mul3A_11, %add3A_24 : i32
    "tpu.region"() ({
      %run_scoped3A = tpu.sem_alloc : memref<!tpu.dma_semaphore, #tpu.memory_space<semaphore_mem>>
      %dma_start3A_146 = arith.constant 0 : i32
      %dma_start3A_147 = tpu.memref_slice %arg18[%add3A_25, %dma_start3A_146] : memref<10240x128xf32, #tpu.memory_space<vmem_shared>> -> memref<16x128xf32, #tpu.memory_space<vmem_shared>>
      %dma_start3A_148 = arith.constant 0 : i32
      %dma_start3A_149 = tpu.memref_slice %arg18[%add3A_25, %dma_start3A_148] : memref<10240x128xf32, #tpu.memory_space<vmem_shared>> -> memref<16x128xf32, #tpu.memory_space<vmem_shared>>
      tpu.enqueue_dma source(%arg17 : memref<16x128xf32, #tpu.memory_space<vmem>>) target(%dma_start3A_149 : memref<16x128xf32, #tpu.memory_space<vmem_shared>>) target_semaphore(%run_scoped3A : memref<!tpu.dma_semaphore, #tpu.memory_space<semaphore_mem>>)
      %dma_wait3A_150 = arith.constant 0 : i32
      %dma_wait3A_151 = tpu.memref_slice %arg18[%add3A_25, %dma_wait3A_150] : memref<10240x128xf32, #tpu.memory_space<vmem_shared>> -> memref<16x128xf32, #tpu.memory_space<vmem_shared>>
      %dma_wait3A_152 = arith.constant 0 : i32
      %dma_wait3A_153 = tpu.memref_slice %arg18[%add3A_25, %dma_wait3A_152] : memref<10240x128xf32, #tpu.memory_space<vmem_shared>> -> memref<16x128xf32, #tpu.memory_space<vmem_shared>>
      tpu.wait_dma2 semaphore(%run_scoped3A : memref<!tpu.dma_semaphore, #tpu.memory_space<semaphore_mem>>) src(%arg17 : memref<16x128xf32, #tpu.memory_space<vmem>>) dst(%dma_wait3A_153 : memref<16x128xf32, #tpu.memory_space<vmem_shared>>)
      tpu.yield
    }) : () -> ()
    %add3A_26 = arith.constant 112 : i32
    %add3A_27 = arith.addi %mul3A_11, %add3A_26 : i32
    "tpu.region"() ({
      %run_scoped3A = tpu.sem_alloc : memref<!tpu.dma_semaphore, #tpu.memory_space<semaphore_mem>>
      %dma_start3A_146 = arith.constant 0 : i32
      %dma_start3A_147 = tpu.memref_slice %arg18[%add3A_27, %dma_start3A_146] : memref<10240x128xf32, #tpu.memory_space<vmem_shared>> -> memref<16x128xf32, #tpu.memory_space<vmem_shared>>
      %dma_start3A_148 = arith.constant 0 : i32
      %dma_start3A_149 = tpu.memref_slice %arg18[%add3A_27, %dma_start3A_148] : memref<10240x128xf32, #tpu.memory_space<vmem_shared>> -> memref<16x128xf32, #tpu.memory_space<vmem_shared>>
      tpu.enqueue_dma source(%arg17 : memref<16x128xf32, #tpu.memory_space<vmem>>) target(%dma_start3A_149 : memref<16x128xf32, #tpu.memory_space<vmem_shared>>) target_semaphore(%run_scoped3A : memref<!tpu.dma_semaphore, #tpu.memory_space<semaphore_mem>>)
      %dma_wait3A_150 = arith.constant 0 : i32
      %dma_wait3A_151 = tpu.memref_slice %arg18[%add3A_27, %dma_wait3A_150] : memref<10240x128xf32, #tpu.memory_space<vmem_shared>> -> memref<16x128xf32, #tpu.memory_space<vmem_shared>>
      %dma_wait3A_152 = arith.constant 0 : i32
      %dma_wait3A_153 = tpu.memref_slice %arg18[%add3A_27, %dma_wait3A_152] : memref<10240x128xf32, #tpu.memory_space<vmem_shared>> -> memref<16x128xf32, #tpu.memory_space<vmem_shared>>
      tpu.wait_dma2 semaphore(%run_scoped3A : memref<!tpu.dma_semaphore, #tpu.memory_space<semaphore_mem>>) src(%arg17 : memref<16x128xf32, #tpu.memory_space<vmem>>) dst(%dma_wait3A_153 : memref<16x128xf32, #tpu.memory_space<vmem_shared>>)
      tpu.yield
    }) : () -> ()
    %add3A_28 = arith.constant 128 : i32
    %add3A_29 = arith.addi %mul3A_11, %add3A_28 : i32
    "tpu.region"() ({
      %run_scoped3A = tpu.sem_alloc : memref<!tpu.dma_semaphore, #tpu.memory_space<semaphore_mem>>
      %dma_start3A_146 = arith.constant 0 : i32
      %dma_start3A_147 = tpu.memref_slice %arg18[%add3A_29, %dma_start3A_146] : memref<10240x128xf32, #tpu.memory_space<vmem_shared>> -> memref<16x128xf32, #tpu.memory_space<vmem_shared>>
      %dma_start3A_148 = arith.constant 0 : i32
      %dma_start3A_149 = tpu.memref_slice %arg18[%add3A_29, %dma_start3A_148] : memref<10240x128xf32, #tpu.memory_space<vmem_shared>> -> memref<16x128xf32, #tpu.memory_space<vmem_shared>>
      tpu.enqueue_dma source(%arg17 : memref<16x128xf32, #tpu.memory_space<vmem>>) target(%dma_start3A_149 : memref<16x128xf32, #tpu.memory_space<vmem_shared>>) target_semaphore(%run_scoped3A : memref<!tpu.dma_semaphore, #tpu.memory_space<semaphore_mem>>)
      %dma_wait3A_150 = arith.constant 0 : i32
      %dma_wait3A_151 = tpu.memref_slice %arg18[%add3A_29, %dma_wait3A_150] : memref<10240x128xf32, #tpu.memory_space<vmem_shared>> -> memref<16x128xf32, #tpu.memory_space<vmem_shared>>
      %dma_wait3A_152 = arith.constant 0 : i32
      %dma_wait3A_153 = tpu.memref_slice %arg18[%add3A_29, %dma_wait3A_152] : memref<10240x128xf32, #tpu.memory_space<vmem_shared>> -> memref<16x128xf32, #tpu.memory_space<vmem_shared>>
      tpu.wait_dma2 semaphore(%run_scoped3A : memref<!tpu.dma_semaphore, #tpu.memory_space<semaphore_mem>>) src(%arg17 : memref<16x128xf32, #tpu.memory_space<vmem>>) dst(%dma_wait3A_153 : memref<16x128xf32, #tpu.memory_space<vmem_shared>>)
      tpu.yield
    }) : () -> ()
    %add3A_30 = arith.constant 144 : i32
    %add3A_31 = arith.addi %mul3A_11, %add3A_30 : i32
    "tpu.region"() ({
      %run_scoped3A = tpu.sem_alloc : memref<!tpu.dma_semaphore, #tpu.memory_space<semaphore_mem>>
      %dma_start3A_146 = arith.constant 0 : i32
      %dma_start3A_147 = tpu.memref_slice %arg18[%add3A_31, %dma_start3A_146] : memref<10240x128xf32, #tpu.memory_space<vmem_shared>> -> memref<16x128xf32, #tpu.memory_space<vmem_shared>>
      %dma_start3A_148 = arith.constant 0 : i32
      %dma_start3A_149 = tpu.memref_slice %arg18[%add3A_31, %dma_start3A_148] : memref<10240x128xf32, #tpu.memory_space<vmem_shared>> -> memref<16x128xf32, #tpu.memory_space<vmem_shared>>
      tpu.enqueue_dma source(%arg17 : memref<16x128xf32, #tpu.memory_space<vmem>>) target(%dma_start3A_149 : memref<16x128xf32, #tpu.memory_space<vmem_shared>>) target_semaphore(%run_scoped3A : memref<!tpu.dma_semaphore, #tpu.memory_space<semaphore_mem>>)
      %dma_wait3A_150 = arith.constant 0 : i32
      %dma_wait3A_151 = tpu.memref_slice %arg18[%add3A_31, %dma_wait3A_150] : memref<10240x128xf32, #tpu.memory_space<vmem_shared>> -> memref<16x128xf32, #tpu.memory_space<vmem_shared>>
      %dma_wait3A_152 = arith.constant 0 : i32
      %dma_wait3A_153 = tpu.memref_slice %arg18[%add3A_31, %dma_wait3A_152] : memref<10240x128xf32, #tpu.memory_space<vmem_shared>> -> memref<16x128xf32, #tpu.memory_space<vmem_shared>>
      tpu.wait_dma2 semaphore(%run_scoped3A : memref<!tpu.dma_semaphore, #tpu.memory_space<semaphore_mem>>) src(%arg17 : memref<16x128xf32, #tpu.memory_space<vmem>>) dst(%dma_wait3A_153 : memref<16x128xf32, #tpu.memory_space<vmem_shared>>)
      tpu.yield
    }) : () -> ()
    %add3A_32 = arith.constant 160 : i32
    %add3A_33 = arith.addi %mul3A_11, %add3A_32 : i32
    "tpu.region"() ({
      %run_scoped3A = tpu.sem_alloc : memref<!tpu.dma_semaphore, #tpu.memory_space<semaphore_mem>>
      %dma_start3A_146 = arith.constant 0 : i32
      %dma_start3A_147 = tpu.memref_slice %arg18[%add3A_33, %dma_start3A_146] : memref<10240x128xf32, #tpu.memory_space<vmem_shared>> -> memref<16x128xf32, #tpu.memory_space<vmem_shared>>
      %dma_start3A_148 = arith.constant 0 : i32
      %dma_start3A_149 = tpu.memref_slice %arg18[%add3A_33, %dma_start3A_148] : memref<10240x128xf32, #tpu.memory_space<vmem_shared>> -> memref<16x128xf32, #tpu.memory_space<vmem_shared>>
      tpu.enqueue_dma source(%arg17 : memref<16x128xf32, #tpu.memory_space<vmem>>) target(%dma_start3A_149 : memref<16x128xf32, #tpu.memory_space<vmem_shared>>) target_semaphore(%run_scoped3A : memref<!tpu.dma_semaphore, #tpu.memory_space<semaphore_mem>>)
      %dma_wait3A_150 = arith.constant 0 : i32
      %dma_wait3A_151 = tpu.memref_slice %arg18[%add3A_33, %dma_wait3A_150] : memref<10240x128xf32, #tpu.memory_space<vmem_shared>> -> memref<16x128xf32, #tpu.memory_space<vmem_shared>>
      %dma_wait3A_152 = arith.constant 0 : i32
      %dma_wait3A_153 = tpu.memref_slice %arg18[%add3A_33, %dma_wait3A_152] : memref<10240x128xf32, #tpu.memory_space<vmem_shared>> -> memref<16x128xf32, #tpu.memory_space<vmem_shared>>
      tpu.wait_dma2 semaphore(%run_scoped3A : memref<!tpu.dma_semaphore, #tpu.memory_space<semaphore_mem>>) src(%arg17 : memref<16x128xf32, #tpu.memory_space<vmem>>) dst(%dma_wait3A_153 : memref<16x128xf32, #tpu.memory_space<vmem_shared>>)
      tpu.yield
    }) : () -> ()
    %add3A_34 = arith.constant 176 : i32
    %add3A_35 = arith.addi %mul3A_11, %add3A_34 : i32
    "tpu.region"() ({
      %run_scoped3A = tpu.sem_alloc : memref<!tpu.dma_semaphore, #tpu.memory_space<semaphore_mem>>
      %dma_start3A_146 = arith.constant 0 : i32
      %dma_start3A_147 = tpu.memref_slice %arg18[%add3A_35, %dma_start3A_146] : memref<10240x128xf32, #tpu.memory_space<vmem_shared>> -> memref<16x128xf32, #tpu.memory_space<vmem_shared>>
      %dma_start3A_148 = arith.constant 0 : i32
      %dma_start3A_149 = tpu.memref_slice %arg18[%add3A_35, %dma_start3A_148] : memref<10240x128xf32, #tpu.memory_space<vmem_shared>> -> memref<16x128xf32, #tpu.memory_space<vmem_shared>>
      tpu.enqueue_dma source(%arg17 : memref<16x128xf32, #tpu.memory_space<vmem>>) target(%dma_start3A_149 : memref<16x128xf32, #tpu.memory_space<vmem_shared>>) target_semaphore(%run_scoped3A : memref<!tpu.dma_semaphore, #tpu.memory_space<semaphore_mem>>)
      %dma_wait3A_150 = arith.constant 0 : i32
      %dma_wait3A_151 = tpu.memref_slice %arg18[%add3A_35, %dma_wait3A_150] : memref<10240x128xf32, #tpu.memory_space<vmem_shared>> -> memref<16x128xf32, #tpu.memory_space<vmem_shared>>
      %dma_wait3A_152 = arith.constant 0 : i32
      %dma_wait3A_153 = tpu.memref_slice %arg18[%add3A_35, %dma_wait3A_152] : memref<10240x128xf32, #tpu.memory_space<vmem_shared>> -> memref<16x128xf32, #tpu.memory_space<vmem_shared>>
      tpu.wait_dma2 semaphore(%run_scoped3A : memref<!tpu.dma_semaphore, #tpu.memory_space<semaphore_mem>>) src(%arg17 : memref<16x128xf32, #tpu.memory_space<vmem>>) dst(%dma_wait3A_153 : memref<16x128xf32, #tpu.memory_space<vmem_shared>>)
      tpu.yield
    }) : () -> ()
    %add3A_36 = arith.constant 192 : i32
    %add3A_37 = arith.addi %mul3A_11, %add3A_36 : i32
    "tpu.region"() ({
      %run_scoped3A = tpu.sem_alloc : memref<!tpu.dma_semaphore, #tpu.memory_space<semaphore_mem>>
      %dma_start3A_146 = arith.constant 0 : i32
      %dma_start3A_147 = tpu.memref_slice %arg18[%add3A_37, %dma_start3A_146] : memref<10240x128xf32, #tpu.memory_space<vmem_shared>> -> memref<16x128xf32, #tpu.memory_space<vmem_shared>>
      %dma_start3A_148 = arith.constant 0 : i32
      %dma_start3A_149 = tpu.memref_slice %arg18[%add3A_37, %dma_start3A_148] : memref<10240x128xf32, #tpu.memory_space<vmem_shared>> -> memref<16x128xf32, #tpu.memory_space<vmem_shared>>
      tpu.enqueue_dma source(%arg17 : memref<16x128xf32, #tpu.memory_space<vmem>>) target(%dma_start3A_149 : memref<16x128xf32, #tpu.memory_space<vmem_shared>>) target_semaphore(%run_scoped3A : memref<!tpu.dma_semaphore, #tpu.memory_space<semaphore_mem>>)
      %dma_wait3A_150 = arith.constant 0 : i32
      %dma_wait3A_151 = tpu.memref_slice %arg18[%add3A_37, %dma_wait3A_150] : memref<10240x128xf32, #tpu.memory_space<vmem_shared>> -> memref<16x128xf32, #tpu.memory_space<vmem_shared>>
      %dma_wait3A_152 = arith.constant 0 : i32
      %dma_wait3A_153 = tpu.memref_slice %arg18[%add3A_37, %dma_wait3A_152] : memref<10240x128xf32, #tpu.memory_space<vmem_shared>> -> memref<16x128xf32, #tpu.memory_space<vmem_shared>>
      tpu.wait_dma2 semaphore(%run_scoped3A : memref<!tpu.dma_semaphore, #tpu.memory_space<semaphore_mem>>) src(%arg17 : memref<16x128xf32, #tpu.memory_space<vmem>>) dst(%dma_wait3A_153 : memref<16x128xf32, #tpu.memory_space<vmem_shared>>)
      tpu.yield
    }) : () -> ()
    %add3A_38 = arith.constant 208 : i32
    %add3A_39 = arith.addi %mul3A_11, %add3A_38 : i32
    "tpu.region"() ({
      %run_scoped3A = tpu.sem_alloc : memref<!tpu.dma_semaphore, #tpu.memory_space<semaphore_mem>>
      %dma_start3A_146 = arith.constant 0 : i32
      %dma_start3A_147 = tpu.memref_slice %arg18[%add3A_39, %dma_start3A_146] : memref<10240x128xf32, #tpu.memory_space<vmem_shared>> -> memref<16x128xf32, #tpu.memory_space<vmem_shared>>
      %dma_start3A_148 = arith.constant 0 : i32
      %dma_start3A_149 = tpu.memref_slice %arg18[%add3A_39, %dma_start3A_148] : memref<10240x128xf32, #tpu.memory_space<vmem_shared>> -> memref<16x128xf32, #tpu.memory_space<vmem_shared>>
      tpu.enqueue_dma source(%arg17 : memref<16x128xf32, #tpu.memory_space<vmem>>) target(%dma_start3A_149 : memref<16x128xf32, #tpu.memory_space<vmem_shared>>) target_semaphore(%run_scoped3A : memref<!tpu.dma_semaphore, #tpu.memory_space<semaphore_mem>>)
      %dma_wait3A_150 = arith.constant 0 : i32
      %dma_wait3A_151 = tpu.memref_slice %arg18[%add3A_39, %dma_wait3A_150] : memref<10240x128xf32, #tpu.memory_space<vmem_shared>> -> memref<16x128xf32, #tpu.memory_space<vmem_shared>>
      %dma_wait3A_152 = arith.constant 0 : i32
      %dma_wait3A_153 = tpu.memref_slice %arg18[%add3A_39, %dma_wait3A_152] : memref<10240x128xf32, #tpu.memory_space<vmem_shared>> -> memref<16x128xf32, #tpu.memory_space<vmem_shared>>
      tpu.wait_dma2 semaphore(%run_scoped3A : memref<!tpu.dma_semaphore, #tpu.memory_space<semaphore_mem>>) src(%arg17 : memref<16x128xf32, #tpu.memory_space<vmem>>) dst(%dma_wait3A_153 : memref<16x128xf32, #tpu.memory_space<vmem_shared>>)
      tpu.yield
    }) : () -> ()
    %add3A_40 = arith.constant 224 : i32
    %add3A_41 = arith.addi %mul3A_11, %add3A_40 : i32
    "tpu.region"() ({
      %run_scoped3A = tpu.sem_alloc : memref<!tpu.dma_semaphore, #tpu.memory_space<semaphore_mem>>
      %dma_start3A_146 = arith.constant 0 : i32
      %dma_start3A_147 = tpu.memref_slice %arg18[%add3A_41, %dma_start3A_146] : memref<10240x128xf32, #tpu.memory_space<vmem_shared>> -> memref<16x128xf32, #tpu.memory_space<vmem_shared>>
      %dma_start3A_148 = arith.constant 0 : i32
      %dma_start3A_149 = tpu.memref_slice %arg18[%add3A_41, %dma_start3A_148] : memref<10240x128xf32, #tpu.memory_space<vmem_shared>> -> memref<16x128xf32, #tpu.memory_space<vmem_shared>>
      tpu.enqueue_dma source(%arg17 : memref<16x128xf32, #tpu.memory_space<vmem>>) target(%dma_start3A_149 : memref<16x128xf32, #tpu.memory_space<vmem_shared>>) target_semaphore(%run_scoped3A : memref<!tpu.dma_semaphore, #tpu.memory_space<semaphore_mem>>)
      %dma_wait3A_150 = arith.constant 0 : i32
      %dma_wait3A_151 = tpu.memref_slice %arg18[%add3A_41, %dma_wait3A_150] : memref<10240x128xf32, #tpu.memory_space<vmem_shared>> -> memref<16x128xf32, #tpu.memory_space<vmem_shared>>
      %dma_wait3A_152 = arith.constant 0 : i32
      %dma_wait3A_153 = tpu.memref_slice %arg18[%add3A_41, %dma_wait3A_152] : memref<10240x128xf32, #tpu.memory_space<vmem_shared>> -> memref<16x128xf32, #tpu.memory_space<vmem_shared>>
      tpu.wait_dma2 semaphore(%run_scoped3A : memref<!tpu.dma_semaphore, #tpu.memory_space<semaphore_mem>>) src(%arg17 : memref<16x128xf32, #tpu.memory_space<vmem>>) dst(%dma_wait3A_153 : memref<16x128xf32, #tpu.memory_space<vmem_shared>>)
      tpu.yield
    }) : () -> ()
    %add3A_42 = arith.constant 240 : i32
    %add3A_43 = arith.addi %mul3A_11, %add3A_42 : i32
    "tpu.region"() ({
      %run_scoped3A = tpu.sem_alloc : memref<!tpu.dma_semaphore, #tpu.memory_space<semaphore_mem>>
      %dma_start3A_146 = arith.constant 0 : i32
      %dma_start3A_147 = tpu.memref_slice %arg18[%add3A_43, %dma_start3A_146] : memref<10240x128xf32, #tpu.memory_space<vmem_shared>> -> memref<16x128xf32, #tpu.memory_space<vmem_shared>>
      %dma_start3A_148 = arith.constant 0 : i32
      %dma_start3A_149 = tpu.memref_slice %arg18[%add3A_43, %dma_start3A_148] : memref<10240x128xf32, #tpu.memory_space<vmem_shared>> -> memref<16x128xf32, #tpu.memory_space<vmem_shared>>
      tpu.enqueue_dma source(%arg17 : memref<16x128xf32, #tpu.memory_space<vmem>>) target(%dma_start3A_149 : memref<16x128xf32, #tpu.memory_space<vmem_shared>>) target_semaphore(%run_scoped3A : memref<!tpu.dma_semaphore, #tpu.memory_space<semaphore_mem>>)
      %dma_wait3A_150 = arith.constant 0 : i32
      %dma_wait3A_151 = tpu.memref_slice %arg18[%add3A_43, %dma_wait3A_150] : memref<10240x128xf32, #tpu.memory_space<vmem_shared>> -> memref<16x128xf32, #tpu.memory_space<vmem_shared>>
      %dma_wait3A_152 = arith.constant 0 : i32
      %dma_wait3A_153 = tpu.memref_slice %arg18[%add3A_43, %dma_wait3A_152] : memref<10240x128xf32, #tpu.memory_space<vmem_shared>> -> memref<16x128xf32, #tpu.memory_space<vmem_shared>>
      tpu.wait_dma2 semaphore(%run_scoped3A : memref<!tpu.dma_semaphore, #tpu.memory_space<semaphore_mem>>) src(%arg17 : memref<16x128xf32, #tpu.memory_space<vmem>>) dst(%dma_wait3A_153 : memref<16x128xf32, #tpu.memory_space<vmem_shared>>)
      tpu.yield
    }) : () -> ()
    %add3A_44 = arith.constant 256 : i32
    %add3A_45 = arith.addi %mul3A_11, %add3A_44 : i32
    "tpu.region"() ({
      %run_scoped3A = tpu.sem_alloc : memref<!tpu.dma_semaphore, #tpu.memory_space<semaphore_mem>>
      %dma_start3A_146 = arith.constant 0 : i32
      %dma_start3A_147 = tpu.memref_slice %arg18[%add3A_45, %dma_start3A_146] : memref<10240x128xf32, #tpu.memory_space<vmem_shared>> -> memref<16x128xf32, #tpu.memory_space<vmem_shared>>
      %dma_start3A_148 = arith.constant 0 : i32
      %dma_start3A_149 = tpu.memref_slice %arg18[%add3A_45, %dma_start3A_148] : memref<10240x128xf32, #tpu.memory_space<vmem_shared>> -> memref<16x128xf32, #tpu.memory_space<vmem_shared>>
      tpu.enqueue_dma source(%arg17 : memref<16x128xf32, #tpu.memory_space<vmem>>) target(%dma_start3A_149 : memref<16x128xf32, #tpu.memory_space<vmem_shared>>) target_semaphore(%run_scoped3A : memref<!tpu.dma_semaphore, #tpu.memory_space<semaphore_mem>>)
      %dma_wait3A_150 = arith.constant 0 : i32
      %dma_wait3A_151 = tpu.memref_slice %arg18[%add3A_45, %dma_wait3A_150] : memref<10240x128xf32, #tpu.memory_space<vmem_shared>> -> memref<16x128xf32, #tpu.memory_space<vmem_shared>>
      %dma_wait3A_152 = arith.constant 0 : i32
      %dma_wait3A_153 = tpu.memref_slice %arg18[%add3A_45, %dma_wait3A_152] : memref<10240x128xf32, #tpu.memory_space<vmem_shared>> -> memref<16x128xf32, #tpu.memory_space<vmem_shared>>
      tpu.wait_dma2 semaphore(%run_scoped3A : memref<!tpu.dma_semaphore, #tpu.memory_space<semaphore_mem>>) src(%arg17 : memref<16x128xf32, #tpu.memory_space<vmem>>) dst(%dma_wait3A_153 : memref<16x128xf32, #tpu.memory_space<vmem_shared>>)
      tpu.yield
    }) : () -> ()
    %add3A_46 = arith.constant 272 : i32
    %add3A_47 = arith.addi %mul3A_11, %add3A_46 : i32
    "tpu.region"() ({
      %run_scoped3A = tpu.sem_alloc : memref<!tpu.dma_semaphore, #tpu.memory_space<semaphore_mem>>
      %dma_start3A_146 = arith.constant 0 : i32
      %dma_start3A_147 = tpu.memref_slice %arg18[%add3A_47, %dma_start3A_146] : memref<10240x128xf32, #tpu.memory_space<vmem_shared>> -> memref<16x128xf32, #tpu.memory_space<vmem_shared>>
      %dma_start3A_148 = arith.constant 0 : i32
      %dma_start3A_149 = tpu.memref_slice %arg18[%add3A_47, %dma_start3A_148] : memref<10240x128xf32, #tpu.memory_space<vmem_shared>> -> memref<16x128xf32, #tpu.memory_space<vmem_shared>>
      tpu.enqueue_dma source(%arg17 : memref<16x128xf32, #tpu.memory_space<vmem>>) target(%dma_start3A_149 : memref<16x128xf32, #tpu.memory_space<vmem_shared>>) target_semaphore(%run_scoped3A : memref<!tpu.dma_semaphore, #tpu.memory_space<semaphore_mem>>)
      %dma_wait3A_150 = arith.constant 0 : i32
      %dma_wait3A_151 = tpu.memref_slice %arg18[%add3A_47, %dma_wait3A_150] : memref<10240x128xf32, #tpu.memory_space<vmem_shared>> -> memref<16x128xf32, #tpu.memory_space<vmem_shared>>
      %dma_wait3A_152 = arith.constant 0 : i32
      %dma_wait3A_153 = tpu.memref_slice %arg18[%add3A_47, %dma_wait3A_152] : memref<10240x128xf32, #tpu.memory_space<vmem_shared>> -> memref<16x128xf32, #tpu.memory_space<vmem_shared>>
      tpu.wait_dma2 semaphore(%run_scoped3A : memref<!tpu.dma_semaphore, #tpu.memory_space<semaphore_mem>>) src(%arg17 : memref<16x128xf32, #tpu.memory_space<vmem>>) dst(%dma_wait3A_153 : memref<16x128xf32, #tpu.memory_space<vmem_shared>>)
      tpu.yield
    }) : () -> ()
    %add3A_48 = arith.constant 288 : i32
    %add3A_49 = arith.addi %mul3A_11, %add3A_48 : i32
    "tpu.region"() ({
      %run_scoped3A = tpu.sem_alloc : memref<!tpu.dma_semaphore, #tpu.memory_space<semaphore_mem>>
      %dma_start3A_146 = arith.constant 0 : i32
      %dma_start3A_147 = tpu.memref_slice %arg18[%add3A_49, %dma_start3A_146] : memref<10240x128xf32, #tpu.memory_space<vmem_shared>> -> memref<16x128xf32, #tpu.memory_space<vmem_shared>>
      %dma_start3A_148 = arith.constant 0 : i32
      %dma_start3A_149 = tpu.memref_slice %arg18[%add3A_49, %dma_start3A_148] : memref<10240x128xf32, #tpu.memory_space<vmem_shared>> -> memref<16x128xf32, #tpu.memory_space<vmem_shared>>
      tpu.enqueue_dma source(%arg17 : memref<16x128xf32, #tpu.memory_space<vmem>>) target(%dma_start3A_149 : memref<16x128xf32, #tpu.memory_space<vmem_shared>>) target_semaphore(%run_scoped3A : memref<!tpu.dma_semaphore, #tpu.memory_space<semaphore_mem>>)
      %dma_wait3A_150 = arith.constant 0 : i32
      %dma_wait3A_151 = tpu.memref_slice %arg18[%add3A_49, %dma_wait3A_150] : memref<10240x128xf32, #tpu.memory_space<vmem_shared>> -> memref<16x128xf32, #tpu.memory_space<vmem_shared>>
      %dma_wait3A_152 = arith.constant 0 : i32
      %dma_wait3A_153 = tpu.memref_slice %arg18[%add3A_49, %dma_wait3A_152] : memref<10240x128xf32, #tpu.memory_space<vmem_shared>> -> memref<16x128xf32, #tpu.memory_space<vmem_shared>>
      tpu.wait_dma2 semaphore(%run_scoped3A : memref<!tpu.dma_semaphore, #tpu.memory_space<semaphore_mem>>) src(%arg17 : memref<16x128xf32, #tpu.memory_space<vmem>>) dst(%dma_wait3A_153 : memref<16x128xf32, #tpu.memory_space<vmem_shared>>)
      tpu.yield
    }) : () -> ()
    %add3A_50 = arith.constant 304 : i32
    %add3A_51 = arith.addi %mul3A_11, %add3A_50 : i32
    "tpu.region"() ({
      %run_scoped3A = tpu.sem_alloc : memref<!tpu.dma_semaphore, #tpu.memory_space<semaphore_mem>>
      %dma_start3A_146 = arith.constant 0 : i32
      %dma_start3A_147 = tpu.memref_slice %arg18[%add3A_51, %dma_start3A_146] : memref<10240x128xf32, #tpu.memory_space<vmem_shared>> -> memref<16x128xf32, #tpu.memory_space<vmem_shared>>
      %dma_start3A_148 = arith.constant 0 : i32
      %dma_start3A_149 = tpu.memref_slice %arg18[%add3A_51, %dma_start3A_148] : memref<10240x128xf32, #tpu.memory_space<vmem_shared>> -> memref<16x128xf32, #tpu.memory_space<vmem_shared>>
      tpu.enqueue_dma source(%arg17 : memref<16x128xf32, #tpu.memory_space<vmem>>) target(%dma_start3A_149 : memref<16x128xf32, #tpu.memory_space<vmem_shared>>) target_semaphore(%run_scoped3A : memref<!tpu.dma_semaphore, #tpu.memory_space<semaphore_mem>>)
      %dma_wait3A_150 = arith.constant 0 : i32
      %dma_wait3A_151 = tpu.memref_slice %arg18[%add3A_51, %dma_wait3A_150] : memref<10240x128xf32, #tpu.memory_space<vmem_shared>> -> memref<16x128xf32, #tpu.memory_space<vmem_shared>>
      %dma_wait3A_152 = arith.constant 0 : i32
      %dma_wait3A_153 = tpu.memref_slice %arg18[%add3A_51, %dma_wait3A_152] : memref<10240x128xf32, #tpu.memory_space<vmem_shared>> -> memref<16x128xf32, #tpu.memory_space<vmem_shared>>
      tpu.wait_dma2 semaphore(%run_scoped3A : memref<!tpu.dma_semaphore, #tpu.memory_space<semaphore_mem>>) src(%arg17 : memref<16x128xf32, #tpu.memory_space<vmem>>) dst(%dma_wait3A_153 : memref<16x128xf32, #tpu.memory_space<vmem_shared>>)
      tpu.yield
    }) : () -> ()
    %add3A_52 = arith.constant 320 : i32
    %add3A_53 = arith.addi %mul3A_11, %add3A_52 : i32
    "tpu.region"() ({
      %run_scoped3A = tpu.sem_alloc : memref<!tpu.dma_semaphore, #tpu.memory_space<semaphore_mem>>
      %dma_start3A_146 = arith.constant 0 : i32
      %dma_start3A_147 = tpu.memref_slice %arg18[%add3A_53, %dma_start3A_146] : memref<10240x128xf32, #tpu.memory_space<vmem_shared>> -> memref<16x128xf32, #tpu.memory_space<vmem_shared>>
      %dma_start3A_148 = arith.constant 0 : i32
      %dma_start3A_149 = tpu.memref_slice %arg18[%add3A_53, %dma_start3A_148] : memref<10240x128xf32, #tpu.memory_space<vmem_shared>> -> memref<16x128xf32, #tpu.memory_space<vmem_shared>>
      tpu.enqueue_dma source(%arg17 : memref<16x128xf32, #tpu.memory_space<vmem>>) target(%dma_start3A_149 : memref<16x128xf32, #tpu.memory_space<vmem_shared>>) target_semaphore(%run_scoped3A : memref<!tpu.dma_semaphore, #tpu.memory_space<semaphore_mem>>)
      %dma_wait3A_150 = arith.constant 0 : i32
      %dma_wait3A_151 = tpu.memref_slice %arg18[%add3A_53, %dma_wait3A_150] : memref<10240x128xf32, #tpu.memory_space<vmem_shared>> -> memref<16x128xf32, #tpu.memory_space<vmem_shared>>
      %dma_wait3A_152 = arith.constant 0 : i32
      %dma_wait3A_153 = tpu.memref_slice %arg18[%add3A_53, %dma_wait3A_152] : memref<10240x128xf32, #tpu.memory_space<vmem_shared>> -> memref<16x128xf32, #tpu.memory_space<vmem_shared>>
      tpu.wait_dma2 semaphore(%run_scoped3A : memref<!tpu.dma_semaphore, #tpu.memory_space<semaphore_mem>>) src(%arg17 : memref<16x128xf32, #tpu.memory_space<vmem>>) dst(%dma_wait3A_153 : memref<16x128xf32, #tpu.memory_space<vmem_shared>>)
      tpu.yield
    }) : () -> ()
    %add3A_54 = arith.constant 336 : i32
    %add3A_55 = arith.addi %mul3A_11, %add3A_54 : i32
    "tpu.region"() ({
      %run_scoped3A = tpu.sem_alloc : memref<!tpu.dma_semaphore, #tpu.memory_space<semaphore_mem>>
      %dma_start3A_146 = arith.constant 0 : i32
      %dma_start3A_147 = tpu.memref_slice %arg18[%add3A_55, %dma_start3A_146] : memref<10240x128xf32, #tpu.memory_space<vmem_shared>> -> memref<16x128xf32, #tpu.memory_space<vmem_shared>>
      %dma_start3A_148 = arith.constant 0 : i32
      %dma_start3A_149 = tpu.memref_slice %arg18[%add3A_55, %dma_start3A_148] : memref<10240x128xf32, #tpu.memory_space<vmem_shared>> -> memref<16x128xf32, #tpu.memory_space<vmem_shared>>
      tpu.enqueue_dma source(%arg17 : memref<16x128xf32, #tpu.memory_space<vmem>>) target(%dma_start3A_149 : memref<16x128xf32, #tpu.memory_space<vmem_shared>>) target_semaphore(%run_scoped3A : memref<!tpu.dma_semaphore, #tpu.memory_space<semaphore_mem>>)
      %dma_wait3A_150 = arith.constant 0 : i32
      %dma_wait3A_151 = tpu.memref_slice %arg18[%add3A_55, %dma_wait3A_150] : memref<10240x128xf32, #tpu.memory_space<vmem_shared>> -> memref<16x128xf32, #tpu.memory_space<vmem_shared>>
      %dma_wait3A_152 = arith.constant 0 : i32
      %dma_wait3A_153 = tpu.memref_slice %arg18[%add3A_55, %dma_wait3A_152] : memref<10240x128xf32, #tpu.memory_space<vmem_shared>> -> memref<16x128xf32, #tpu.memory_space<vmem_shared>>
      tpu.wait_dma2 semaphore(%run_scoped3A : memref<!tpu.dma_semaphore, #tpu.memory_space<semaphore_mem>>) src(%arg17 : memref<16x128xf32, #tpu.memory_space<vmem>>) dst(%dma_wait3A_153 : memref<16x128xf32, #tpu.memory_space<vmem_shared>>)
      tpu.yield
    }) : () -> ()
    %add3A_56 = arith.constant 352 : i32
    %add3A_57 = arith.addi %mul3A_11, %add3A_56 : i32
    "tpu.region"() ({
      %run_scoped3A = tpu.sem_alloc : memref<!tpu.dma_semaphore, #tpu.memory_space<semaphore_mem>>
      %dma_start3A_146 = arith.constant 0 : i32
      %dma_start3A_147 = tpu.memref_slice %arg18[%add3A_57, %dma_start3A_146] : memref<10240x128xf32, #tpu.memory_space<vmem_shared>> -> memref<16x128xf32, #tpu.memory_space<vmem_shared>>
      %dma_start3A_148 = arith.constant 0 : i32
      %dma_start3A_149 = tpu.memref_slice %arg18[%add3A_57, %dma_start3A_148] : memref<10240x128xf32, #tpu.memory_space<vmem_shared>> -> memref<16x128xf32, #tpu.memory_space<vmem_shared>>
      tpu.enqueue_dma source(%arg17 : memref<16x128xf32, #tpu.memory_space<vmem>>) target(%dma_start3A_149 : memref<16x128xf32, #tpu.memory_space<vmem_shared>>) target_semaphore(%run_scoped3A : memref<!tpu.dma_semaphore, #tpu.memory_space<semaphore_mem>>)
      %dma_wait3A_150 = arith.constant 0 : i32
      %dma_wait3A_151 = tpu.memref_slice %arg18[%add3A_57, %dma_wait3A_150] : memref<10240x128xf32, #tpu.memory_space<vmem_shared>> -> memref<16x128xf32, #tpu.memory_space<vmem_shared>>
      %dma_wait3A_152 = arith.constant 0 : i32
      %dma_wait3A_153 = tpu.memref_slice %arg18[%add3A_57, %dma_wait3A_152] : memref<10240x128xf32, #tpu.memory_space<vmem_shared>> -> memref<16x128xf32, #tpu.memory_space<vmem_shared>>
      tpu.wait_dma2 semaphore(%run_scoped3A : memref<!tpu.dma_semaphore, #tpu.memory_space<semaphore_mem>>) src(%arg17 : memref<16x128xf32, #tpu.memory_space<vmem>>) dst(%dma_wait3A_153 : memref<16x128xf32, #tpu.memory_space<vmem_shared>>)
      tpu.yield
    }) : () -> ()
    %add3A_58 = arith.constant 368 : i32
    %add3A_59 = arith.addi %mul3A_11, %add3A_58 : i32
    "tpu.region"() ({
      %run_scoped3A = tpu.sem_alloc : memref<!tpu.dma_semaphore, #tpu.memory_space<semaphore_mem>>
      %dma_start3A_146 = arith.constant 0 : i32
      %dma_start3A_147 = tpu.memref_slice %arg18[%add3A_59, %dma_start3A_146] : memref<10240x128xf32, #tpu.memory_space<vmem_shared>> -> memref<16x128xf32, #tpu.memory_space<vmem_shared>>
      %dma_start3A_148 = arith.constant 0 : i32
      %dma_start3A_149 = tpu.memref_slice %arg18[%add3A_59, %dma_start3A_148] : memref<10240x128xf32, #tpu.memory_space<vmem_shared>> -> memref<16x128xf32, #tpu.memory_space<vmem_shared>>
      tpu.enqueue_dma source(%arg17 : memref<16x128xf32, #tpu.memory_space<vmem>>) target(%dma_start3A_149 : memref<16x128xf32, #tpu.memory_space<vmem_shared>>) target_semaphore(%run_scoped3A : memref<!tpu.dma_semaphore, #tpu.memory_space<semaphore_mem>>)
      %dma_wait3A_150 = arith.constant 0 : i32
      %dma_wait3A_151 = tpu.memref_slice %arg18[%add3A_59, %dma_wait3A_150] : memref<10240x128xf32, #tpu.memory_space<vmem_shared>> -> memref<16x128xf32, #tpu.memory_space<vmem_shared>>
      %dma_wait3A_152 = arith.constant 0 : i32
      %dma_wait3A_153 = tpu.memref_slice %arg18[%add3A_59, %dma_wait3A_152] : memref<10240x128xf32, #tpu.memory_space<vmem_shared>> -> memref<16x128xf32, #tpu.memory_space<vmem_shared>>
      tpu.wait_dma2 semaphore(%run_scoped3A : memref<!tpu.dma_semaphore, #tpu.memory_space<semaphore_mem>>) src(%arg17 : memref<16x128xf32, #tpu.memory_space<vmem>>) dst(%dma_wait3A_153 : memref<16x128xf32, #tpu.memory_space<vmem_shared>>)
      tpu.yield
    }) : () -> ()
    %add3A_60 = arith.constant 384 : i32
    %add3A_61 = arith.addi %mul3A_11, %add3A_60 : i32
    "tpu.region"() ({
      %run_scoped3A = tpu.sem_alloc : memref<!tpu.dma_semaphore, #tpu.memory_space<semaphore_mem>>
      %dma_start3A_146 = arith.constant 0 : i32
      %dma_start3A_147 = tpu.memref_slice %arg18[%add3A_61, %dma_start3A_146] : memref<10240x128xf32, #tpu.memory_space<vmem_shared>> -> memref<16x128xf32, #tpu.memory_space<vmem_shared>>
      %dma_start3A_148 = arith.constant 0 : i32
      %dma_start3A_149 = tpu.memref_slice %arg18[%add3A_61, %dma_start3A_148] : memref<10240x128xf32, #tpu.memory_space<vmem_shared>> -> memref<16x128xf32, #tpu.memory_space<vmem_shared>>
      tpu.enqueue_dma source(%arg17 : memref<16x128xf32, #tpu.memory_space<vmem>>) target(%dma_start3A_149 : memref<16x128xf32, #tpu.memory_space<vmem_shared>>) target_semaphore(%run_scoped3A : memref<!tpu.dma_semaphore, #tpu.memory_space<semaphore_mem>>)
      %dma_wait3A_150 = arith.constant 0 : i32
      %dma_wait3A_151 = tpu.memref_slice %arg18[%add3A_61, %dma_wait3A_150] : memref<10240x128xf32, #tpu.memory_space<vmem_shared>> -> memref<16x128xf32, #tpu.memory_space<vmem_shared>>
      %dma_wait3A_152 = arith.constant 0 : i32
      %dma_wait3A_153 = tpu.memref_slice %arg18[%add3A_61, %dma_wait3A_152] : memref<10240x128xf32, #tpu.memory_space<vmem_shared>> -> memref<16x128xf32, #tpu.memory_space<vmem_shared>>
      tpu.wait_dma2 semaphore(%run_scoped3A : memref<!tpu.dma_semaphore, #tpu.memory_space<semaphore_mem>>) src(%arg17 : memref<16x128xf32, #tpu.memory_space<vmem>>) dst(%dma_wait3A_153 : memref<16x128xf32, #tpu.memory_space<vmem_shared>>)
      tpu.yield
    }) : () -> ()
    %add3A_62 = arith.constant 400 : i32
    %add3A_63 = arith.addi %mul3A_11, %add3A_62 : i32
    "tpu.region"() ({
      %run_scoped3A = tpu.sem_alloc : memref<!tpu.dma_semaphore, #tpu.memory_space<semaphore_mem>>
      %dma_start3A_146 = arith.constant 0 : i32
      %dma_start3A_147 = tpu.memref_slice %arg18[%add3A_63, %dma_start3A_146] : memref<10240x128xf32, #tpu.memory_space<vmem_shared>> -> memref<16x128xf32, #tpu.memory_space<vmem_shared>>
      %dma_start3A_148 = arith.constant 0 : i32
      %dma_start3A_149 = tpu.memref_slice %arg18[%add3A_63, %dma_start3A_148] : memref<10240x128xf32, #tpu.memory_space<vmem_shared>> -> memref<16x128xf32, #tpu.memory_space<vmem_shared>>
      tpu.enqueue_dma source(%arg17 : memref<16x128xf32, #tpu.memory_space<vmem>>) target(%dma_start3A_149 : memref<16x128xf32, #tpu.memory_space<vmem_shared>>) target_semaphore(%run_scoped3A : memref<!tpu.dma_semaphore, #tpu.memory_space<semaphore_mem>>)
      %dma_wait3A_150 = arith.constant 0 : i32
      %dma_wait3A_151 = tpu.memref_slice %arg18[%add3A_63, %dma_wait3A_150] : memref<10240x128xf32, #tpu.memory_space<vmem_shared>> -> memref<16x128xf32, #tpu.memory_space<vmem_shared>>
      %dma_wait3A_152 = arith.constant 0 : i32
      %dma_wait3A_153 = tpu.memref_slice %arg18[%add3A_63, %dma_wait3A_152] : memref<10240x128xf32, #tpu.memory_space<vmem_shared>> -> memref<16x128xf32, #tpu.memory_space<vmem_shared>>
      tpu.wait_dma2 semaphore(%run_scoped3A : memref<!tpu.dma_semaphore, #tpu.memory_space<semaphore_mem>>) src(%arg17 : memref<16x128xf32, #tpu.memory_space<vmem>>) dst(%dma_wait3A_153 : memref<16x128xf32, #tpu.memory_space<vmem_shared>>)
      tpu.yield
    }) : () -> ()
    %add3A_64 = arith.constant 416 : i32
    %add3A_65 = arith.addi %mul3A_11, %add3A_64 : i32
    "tpu.region"() ({
      %run_scoped3A = tpu.sem_alloc : memref<!tpu.dma_semaphore, #tpu.memory_space<semaphore_mem>>
      %dma_start3A_146 = arith.constant 0 : i32
      %dma_start3A_147 = tpu.memref_slice %arg18[%add3A_65, %dma_start3A_146] : memref<10240x128xf32, #tpu.memory_space<vmem_shared>> -> memref<16x128xf32, #tpu.memory_space<vmem_shared>>
      %dma_start3A_148 = arith.constant 0 : i32
      %dma_start3A_149 = tpu.memref_slice %arg18[%add3A_65, %dma_start3A_148] : memref<10240x128xf32, #tpu.memory_space<vmem_shared>> -> memref<16x128xf32, #tpu.memory_space<vmem_shared>>
      tpu.enqueue_dma source(%arg17 : memref<16x128xf32, #tpu.memory_space<vmem>>) target(%dma_start3A_149 : memref<16x128xf32, #tpu.memory_space<vmem_shared>>) target_semaphore(%run_scoped3A : memref<!tpu.dma_semaphore, #tpu.memory_space<semaphore_mem>>)
      %dma_wait3A_150 = arith.constant 0 : i32
      %dma_wait3A_151 = tpu.memref_slice %arg18[%add3A_65, %dma_wait3A_150] : memref<10240x128xf32, #tpu.memory_space<vmem_shared>> -> memref<16x128xf32, #tpu.memory_space<vmem_shared>>
      %dma_wait3A_152 = arith.constant 0 : i32
      %dma_wait3A_153 = tpu.memref_slice %arg18[%add3A_65, %dma_wait3A_152] : memref<10240x128xf32, #tpu.memory_space<vmem_shared>> -> memref<16x128xf32, #tpu.memory_space<vmem_shared>>
      tpu.wait_dma2 semaphore(%run_scoped3A : memref<!tpu.dma_semaphore, #tpu.memory_space<semaphore_mem>>) src(%arg17 : memref<16x128xf32, #tpu.memory_space<vmem>>) dst(%dma_wait3A_153 : memref<16x128xf32, #tpu.memory_space<vmem_shared>>)
      tpu.yield
    }) : () -> ()
    %add3A_66 = arith.constant 432 : i32
    %add3A_67 = arith.addi %mul3A_11, %add3A_66 : i32
    "tpu.region"() ({
      %run_scoped3A = tpu.sem_alloc : memref<!tpu.dma_semaphore, #tpu.memory_space<semaphore_mem>>
      %dma_start3A_146 = arith.constant 0 : i32
      %dma_start3A_147 = tpu.memref_slice %arg18[%add3A_67, %dma_start3A_146] : memref<10240x128xf32, #tpu.memory_space<vmem_shared>> -> memref<16x128xf32, #tpu.memory_space<vmem_shared>>
      %dma_start3A_148 = arith.constant 0 : i32
      %dma_start3A_149 = tpu.memref_slice %arg18[%add3A_67, %dma_start3A_148] : memref<10240x128xf32, #tpu.memory_space<vmem_shared>> -> memref<16x128xf32, #tpu.memory_space<vmem_shared>>
      tpu.enqueue_dma source(%arg17 : memref<16x128xf32, #tpu.memory_space<vmem>>) target(%dma_start3A_149 : memref<16x128xf32, #tpu.memory_space<vmem_shared>>) target_semaphore(%run_scoped3A : memref<!tpu.dma_semaphore, #tpu.memory_space<semaphore_mem>>)
      %dma_wait3A_150 = arith.constant 0 : i32
      %dma_wait3A_151 = tpu.memref_slice %arg18[%add3A_67, %dma_wait3A_150] : memref<10240x128xf32, #tpu.memory_space<vmem_shared>> -> memref<16x128xf32, #tpu.memory_space<vmem_shared>>
      %dma_wait3A_152 = arith.constant 0 : i32
      %dma_wait3A_153 = tpu.memref_slice %arg18[%add3A_67, %dma_wait3A_152] : memref<10240x128xf32, #tpu.memory_space<vmem_shared>> -> memref<16x128xf32, #tpu.memory_space<vmem_shared>>
      tpu.wait_dma2 semaphore(%run_scoped3A : memref<!tpu.dma_semaphore, #tpu.memory_space<semaphore_mem>>) src(%arg17 : memref<16x128xf32, #tpu.memory_space<vmem>>) dst(%dma_wait3A_153 : memref<16x128xf32, #tpu.memory_space<vmem_shared>>)
      tpu.yield
    }) : () -> ()
    %add3A_68 = arith.constant 448 : i32
    %add3A_69 = arith.addi %mul3A_11, %add3A_68 : i32
    "tpu.region"() ({
      %run_scoped3A = tpu.sem_alloc : memref<!tpu.dma_semaphore, #tpu.memory_space<semaphore_mem>>
      %dma_start3A_146 = arith.constant 0 : i32
      %dma_start3A_147 = tpu.memref_slice %arg18[%add3A_69, %dma_start3A_146] : memref<10240x128xf32, #tpu.memory_space<vmem_shared>> -> memref<16x128xf32, #tpu.memory_space<vmem_shared>>
      %dma_start3A_148 = arith.constant 0 : i32
      %dma_start3A_149 = tpu.memref_slice %arg18[%add3A_69, %dma_start3A_148] : memref<10240x128xf32, #tpu.memory_space<vmem_shared>> -> memref<16x128xf32, #tpu.memory_space<vmem_shared>>
      tpu.enqueue_dma source(%arg17 : memref<16x128xf32, #tpu.memory_space<vmem>>) target(%dma_start3A_149 : memref<16x128xf32, #tpu.memory_space<vmem_shared>>) target_semaphore(%run_scoped3A : memref<!tpu.dma_semaphore, #tpu.memory_space<semaphore_mem>>)
      %dma_wait3A_150 = arith.constant 0 : i32
      %dma_wait3A_151 = tpu.memref_slice %arg18[%add3A_69, %dma_wait3A_150] : memref<10240x128xf32, #tpu.memory_space<vmem_shared>> -> memref<16x128xf32, #tpu.memory_space<vmem_shared>>
      %dma_wait3A_152 = arith.constant 0 : i32
      %dma_wait3A_153 = tpu.memref_slice %arg18[%add3A_69, %dma_wait3A_152] : memref<10240x128xf32, #tpu.memory_space<vmem_shared>> -> memref<16x128xf32, #tpu.memory_space<vmem_shared>>
      tpu.wait_dma2 semaphore(%run_scoped3A : memref<!tpu.dma_semaphore, #tpu.memory_space<semaphore_mem>>) src(%arg17 : memref<16x128xf32, #tpu.memory_space<vmem>>) dst(%dma_wait3A_153 : memref<16x128xf32, #tpu.memory_space<vmem_shared>>)
      tpu.yield
    }) : () -> ()
    %add3A_70 = arith.constant 464 : i32
    %add3A_71 = arith.addi %mul3A_11, %add3A_70 : i32
    "tpu.region"() ({
      %run_scoped3A = tpu.sem_alloc : memref<!tpu.dma_semaphore, #tpu.memory_space<semaphore_mem>>
      %dma_start3A_146 = arith.constant 0 : i32
      %dma_start3A_147 = tpu.memref_slice %arg18[%add3A_71, %dma_start3A_146] : memref<10240x128xf32, #tpu.memory_space<vmem_shared>> -> memref<16x128xf32, #tpu.memory_space<vmem_shared>>
      %dma_start3A_148 = arith.constant 0 : i32
      %dma_start3A_149 = tpu.memref_slice %arg18[%add3A_71, %dma_start3A_148] : memref<10240x128xf32, #tpu.memory_space<vmem_shared>> -> memref<16x128xf32, #tpu.memory_space<vmem_shared>>
      tpu.enqueue_dma source(%arg17 : memref<16x128xf32, #tpu.memory_space<vmem>>) target(%dma_start3A_149 : memref<16x128xf32, #tpu.memory_space<vmem_shared>>) target_semaphore(%run_scoped3A : memref<!tpu.dma_semaphore, #tpu.memory_space<semaphore_mem>>)
      %dma_wait3A_150 = arith.constant 0 : i32
      %dma_wait3A_151 = tpu.memref_slice %arg18[%add3A_71, %dma_wait3A_150] : memref<10240x128xf32, #tpu.memory_space<vmem_shared>> -> memref<16x128xf32, #tpu.memory_space<vmem_shared>>
      %dma_wait3A_152 = arith.constant 0 : i32
      %dma_wait3A_153 = tpu.memref_slice %arg18[%add3A_71, %dma_wait3A_152] : memref<10240x128xf32, #tpu.memory_space<vmem_shared>> -> memref<16x128xf32, #tpu.memory_space<vmem_shared>>
      tpu.wait_dma2 semaphore(%run_scoped3A : memref<!tpu.dma_semaphore, #tpu.memory_space<semaphore_mem>>) src(%arg17 : memref<16x128xf32, #tpu.memory_space<vmem>>) dst(%dma_wait3A_153 : memref<16x128xf32, #tpu.memory_space<vmem_shared>>)
      tpu.yield
    }) : () -> ()
    %add3A_72 = arith.constant 480 : i32
    %add3A_73 = arith.addi %mul3A_11, %add3A_72 : i32
    "tpu.region"() ({
      %run_scoped3A = tpu.sem_alloc : memref<!tpu.dma_semaphore, #tpu.memory_space<semaphore_mem>>
      %dma_start3A_146 = arith.constant 0 : i32
      %dma_start3A_147 = tpu.memref_slice %arg18[%add3A_73, %dma_start3A_146] : memref<10240x128xf32, #tpu.memory_space<vmem_shared>> -> memref<16x128xf32, #tpu.memory_space<vmem_shared>>
      %dma_start3A_148 = arith.constant 0 : i32
      %dma_start3A_149 = tpu.memref_slice %arg18[%add3A_73, %dma_start3A_148] : memref<10240x128xf32, #tpu.memory_space<vmem_shared>> -> memref<16x128xf32, #tpu.memory_space<vmem_shared>>
      tpu.enqueue_dma source(%arg17 : memref<16x128xf32, #tpu.memory_space<vmem>>) target(%dma_start3A_149 : memref<16x128xf32, #tpu.memory_space<vmem_shared>>) target_semaphore(%run_scoped3A : memref<!tpu.dma_semaphore, #tpu.memory_space<semaphore_mem>>)
      %dma_wait3A_150 = arith.constant 0 : i32
      %dma_wait3A_151 = tpu.memref_slice %arg18[%add3A_73, %dma_wait3A_150] : memref<10240x128xf32, #tpu.memory_space<vmem_shared>> -> memref<16x128xf32, #tpu.memory_space<vmem_shared>>
      %dma_wait3A_152 = arith.constant 0 : i32
      %dma_wait3A_153 = tpu.memref_slice %arg18[%add3A_73, %dma_wait3A_152] : memref<10240x128xf32, #tpu.memory_space<vmem_shared>> -> memref<16x128xf32, #tpu.memory_space<vmem_shared>>
      tpu.wait_dma2 semaphore(%run_scoped3A : memref<!tpu.dma_semaphore, #tpu.memory_space<semaphore_mem>>) src(%arg17 : memref<16x128xf32, #tpu.memory_space<vmem>>) dst(%dma_wait3A_153 : memref<16x128xf32, #tpu.memory_space<vmem_shared>>)
      tpu.yield
    }) : () -> ()
    %add3A_74 = arith.constant 496 : i32
    %add3A_75 = arith.addi %mul3A_11, %add3A_74 : i32
    "tpu.region"() ({
      %run_scoped3A = tpu.sem_alloc : memref<!tpu.dma_semaphore, #tpu.memory_space<semaphore_mem>>
      %dma_start3A_146 = arith.constant 0 : i32
      %dma_start3A_147 = tpu.memref_slice %arg18[%add3A_75, %dma_start3A_146] : memref<10240x128xf32, #tpu.memory_space<vmem_shared>> -> memref<16x128xf32, #tpu.memory_space<vmem_shared>>
      %dma_start3A_148 = arith.constant 0 : i32
      %dma_start3A_149 = tpu.memref_slice %arg18[%add3A_75, %dma_start3A_148] : memref<10240x128xf32, #tpu.memory_space<vmem_shared>> -> memref<16x128xf32, #tpu.memory_space<vmem_shared>>
      tpu.enqueue_dma source(%arg17 : memref<16x128xf32, #tpu.memory_space<vmem>>) target(%dma_start3A_149 : memref<16x128xf32, #tpu.memory_space<vmem_shared>>) target_semaphore(%run_scoped3A : memref<!tpu.dma_semaphore, #tpu.memory_space<semaphore_mem>>)
      %dma_wait3A_150 = arith.constant 0 : i32
      %dma_wait3A_151 = tpu.memref_slice %arg18[%add3A_75, %dma_wait3A_150] : memref<10240x128xf32, #tpu.memory_space<vmem_shared>> -> memref<16x128xf32, #tpu.memory_space<vmem_shared>>
      %dma_wait3A_152 = arith.constant 0 : i32
      %dma_wait3A_153 = tpu.memref_slice %arg18[%add3A_75, %dma_wait3A_152] : memref<10240x128xf32, #tpu.memory_space<vmem_shared>> -> memref<16x128xf32, #tpu.memory_space<vmem_shared>>
      tpu.wait_dma2 semaphore(%run_scoped3A : memref<!tpu.dma_semaphore, #tpu.memory_space<semaphore_mem>>) src(%arg17 : memref<16x128xf32, #tpu.memory_space<vmem>>) dst(%dma_wait3A_153 : memref<16x128xf32, #tpu.memory_space<vmem_shared>>)
      tpu.yield
    }) : () -> ()
    %add3A_76 = arith.constant 512 : i32
    %add3A_77 = arith.addi %mul3A_11, %add3A_76 : i32
    "tpu.region"() ({
      %run_scoped3A = tpu.sem_alloc : memref<!tpu.dma_semaphore, #tpu.memory_space<semaphore_mem>>
      %dma_start3A_146 = arith.constant 0 : i32
      %dma_start3A_147 = tpu.memref_slice %arg18[%add3A_77, %dma_start3A_146] : memref<10240x128xf32, #tpu.memory_space<vmem_shared>> -> memref<16x128xf32, #tpu.memory_space<vmem_shared>>
      %dma_start3A_148 = arith.constant 0 : i32
      %dma_start3A_149 = tpu.memref_slice %arg18[%add3A_77, %dma_start3A_148] : memref<10240x128xf32, #tpu.memory_space<vmem_shared>> -> memref<16x128xf32, #tpu.memory_space<vmem_shared>>
      tpu.enqueue_dma source(%arg17 : memref<16x128xf32, #tpu.memory_space<vmem>>) target(%dma_start3A_149 : memref<16x128xf32, #tpu.memory_space<vmem_shared>>) target_semaphore(%run_scoped3A : memref<!tpu.dma_semaphore, #tpu.memory_space<semaphore_mem>>)
      %dma_wait3A_150 = arith.constant 0 : i32
      %dma_wait3A_151 = tpu.memref_slice %arg18[%add3A_77, %dma_wait3A_150] : memref<10240x128xf32, #tpu.memory_space<vmem_shared>> -> memref<16x128xf32, #tpu.memory_space<vmem_shared>>
      %dma_wait3A_152 = arith.constant 0 : i32
      %dma_wait3A_153 = tpu.memref_slice %arg18[%add3A_77, %dma_wait3A_152] : memref<10240x128xf32, #tpu.memory_space<vmem_shared>> -> memref<16x128xf32, #tpu.memory_space<vmem_shared>>
      tpu.wait_dma2 semaphore(%run_scoped3A : memref<!tpu.dma_semaphore, #tpu.memory_space<semaphore_mem>>) src(%arg17 : memref<16x128xf32, #tpu.memory_space<vmem>>) dst(%dma_wait3A_153 : memref<16x128xf32, #tpu.memory_space<vmem_shared>>)
      tpu.yield
    }) : () -> ()
    %add3A_78 = arith.constant 528 : i32
    %add3A_79 = arith.addi %mul3A_11, %add3A_78 : i32
    "tpu.region"() ({
      %run_scoped3A = tpu.sem_alloc : memref<!tpu.dma_semaphore, #tpu.memory_space<semaphore_mem>>
      %dma_start3A_146 = arith.constant 0 : i32
      %dma_start3A_147 = tpu.memref_slice %arg18[%add3A_79, %dma_start3A_146] : memref<10240x128xf32, #tpu.memory_space<vmem_shared>> -> memref<16x128xf32, #tpu.memory_space<vmem_shared>>
      %dma_start3A_148 = arith.constant 0 : i32
      %dma_start3A_149 = tpu.memref_slice %arg18[%add3A_79, %dma_start3A_148] : memref<10240x128xf32, #tpu.memory_space<vmem_shared>> -> memref<16x128xf32, #tpu.memory_space<vmem_shared>>
      tpu.enqueue_dma source(%arg17 : memref<16x128xf32, #tpu.memory_space<vmem>>) target(%dma_start3A_149 : memref<16x128xf32, #tpu.memory_space<vmem_shared>>) target_semaphore(%run_scoped3A : memref<!tpu.dma_semaphore, #tpu.memory_space<semaphore_mem>>)
      %dma_wait3A_150 = arith.constant 0 : i32
      %dma_wait3A_151 = tpu.memref_slice %arg18[%add3A_79, %dma_wait3A_150] : memref<10240x128xf32, #tpu.memory_space<vmem_shared>> -> memref<16x128xf32, #tpu.memory_space<vmem_shared>>
      %dma_wait3A_152 = arith.constant 0 : i32
      %dma_wait3A_153 = tpu.memref_slice %arg18[%add3A_79, %dma_wait3A_152] : memref<10240x128xf32, #tpu.memory_space<vmem_shared>> -> memref<16x128xf32, #tpu.memory_space<vmem_shared>>
      tpu.wait_dma2 semaphore(%run_scoped3A : memref<!tpu.dma_semaphore, #tpu.memory_space<semaphore_mem>>) src(%arg17 : memref<16x128xf32, #tpu.memory_space<vmem>>) dst(%dma_wait3A_153 : memref<16x128xf32, #tpu.memory_space<vmem_shared>>)
      tpu.yield
    }) : () -> ()
    %add3A_80 = arith.constant 544 : i32
    %add3A_81 = arith.addi %mul3A_11, %add3A_80 : i32
    "tpu.region"() ({
      %run_scoped3A = tpu.sem_alloc : memref<!tpu.dma_semaphore, #tpu.memory_space<semaphore_mem>>
      %dma_start3A_146 = arith.constant 0 : i32
      %dma_start3A_147 = tpu.memref_slice %arg18[%add3A_81, %dma_start3A_146] : memref<10240x128xf32, #tpu.memory_space<vmem_shared>> -> memref<16x128xf32, #tpu.memory_space<vmem_shared>>
      %dma_start3A_148 = arith.constant 0 : i32
      %dma_start3A_149 = tpu.memref_slice %arg18[%add3A_81, %dma_start3A_148] : memref<10240x128xf32, #tpu.memory_space<vmem_shared>> -> memref<16x128xf32, #tpu.memory_space<vmem_shared>>
      tpu.enqueue_dma source(%arg17 : memref<16x128xf32, #tpu.memory_space<vmem>>) target(%dma_start3A_149 : memref<16x128xf32, #tpu.memory_space<vmem_shared>>) target_semaphore(%run_scoped3A : memref<!tpu.dma_semaphore, #tpu.memory_space<semaphore_mem>>)
      %dma_wait3A_150 = arith.constant 0 : i32
      %dma_wait3A_151 = tpu.memref_slice %arg18[%add3A_81, %dma_wait3A_150] : memref<10240x128xf32, #tpu.memory_space<vmem_shared>> -> memref<16x128xf32, #tpu.memory_space<vmem_shared>>
      %dma_wait3A_152 = arith.constant 0 : i32
      %dma_wait3A_153 = tpu.memref_slice %arg18[%add3A_81, %dma_wait3A_152] : memref<10240x128xf32, #tpu.memory_space<vmem_shared>> -> memref<16x128xf32, #tpu.memory_space<vmem_shared>>
      tpu.wait_dma2 semaphore(%run_scoped3A : memref<!tpu.dma_semaphore, #tpu.memory_space<semaphore_mem>>) src(%arg17 : memref<16x128xf32, #tpu.memory_space<vmem>>) dst(%dma_wait3A_153 : memref<16x128xf32, #tpu.memory_space<vmem_shared>>)
      tpu.yield
    }) : () -> ()
    %add3A_82 = arith.constant 560 : i32
    %add3A_83 = arith.addi %mul3A_11, %add3A_82 : i32
    "tpu.region"() ({
      %run_scoped3A = tpu.sem_alloc : memref<!tpu.dma_semaphore, #tpu.memory_space<semaphore_mem>>
      %dma_start3A_146 = arith.constant 0 : i32
      %dma_start3A_147 = tpu.memref_slice %arg18[%add3A_83, %dma_start3A_146] : memref<10240x128xf32, #tpu.memory_space<vmem_shared>> -> memref<16x128xf32, #tpu.memory_space<vmem_shared>>
      %dma_start3A_148 = arith.constant 0 : i32
      %dma_start3A_149 = tpu.memref_slice %arg18[%add3A_83, %dma_start3A_148] : memref<10240x128xf32, #tpu.memory_space<vmem_shared>> -> memref<16x128xf32, #tpu.memory_space<vmem_shared>>
      tpu.enqueue_dma source(%arg17 : memref<16x128xf32, #tpu.memory_space<vmem>>) target(%dma_start3A_149 : memref<16x128xf32, #tpu.memory_space<vmem_shared>>) target_semaphore(%run_scoped3A : memref<!tpu.dma_semaphore, #tpu.memory_space<semaphore_mem>>)
      %dma_wait3A_150 = arith.constant 0 : i32
      %dma_wait3A_151 = tpu.memref_slice %arg18[%add3A_83, %dma_wait3A_150] : memref<10240x128xf32, #tpu.memory_space<vmem_shared>> -> memref<16x128xf32, #tpu.memory_space<vmem_shared>>
      %dma_wait3A_152 = arith.constant 0 : i32
      %dma_wait3A_153 = tpu.memref_slice %arg18[%add3A_83, %dma_wait3A_152] : memref<10240x128xf32, #tpu.memory_space<vmem_shared>> -> memref<16x128xf32, #tpu.memory_space<vmem_shared>>
      tpu.wait_dma2 semaphore(%run_scoped3A : memref<!tpu.dma_semaphore, #tpu.memory_space<semaphore_mem>>) src(%arg17 : memref<16x128xf32, #tpu.memory_space<vmem>>) dst(%dma_wait3A_153 : memref<16x128xf32, #tpu.memory_space<vmem_shared>>)
      tpu.yield
    }) : () -> ()
    %add3A_84 = arith.constant 576 : i32
    %add3A_85 = arith.addi %mul3A_11, %add3A_84 : i32
    "tpu.region"() ({
      %run_scoped3A = tpu.sem_alloc : memref<!tpu.dma_semaphore, #tpu.memory_space<semaphore_mem>>
      %dma_start3A_146 = arith.constant 0 : i32
      %dma_start3A_147 = tpu.memref_slice %arg18[%add3A_85, %dma_start3A_146] : memref<10240x128xf32, #tpu.memory_space<vmem_shared>> -> memref<16x128xf32, #tpu.memory_space<vmem_shared>>
      %dma_start3A_148 = arith.constant 0 : i32
      %dma_start3A_149 = tpu.memref_slice %arg18[%add3A_85, %dma_start3A_148] : memref<10240x128xf32, #tpu.memory_space<vmem_shared>> -> memref<16x128xf32, #tpu.memory_space<vmem_shared>>
      tpu.enqueue_dma source(%arg17 : memref<16x128xf32, #tpu.memory_space<vmem>>) target(%dma_start3A_149 : memref<16x128xf32, #tpu.memory_space<vmem_shared>>) target_semaphore(%run_scoped3A : memref<!tpu.dma_semaphore, #tpu.memory_space<semaphore_mem>>)
      %dma_wait3A_150 = arith.constant 0 : i32
      %dma_wait3A_151 = tpu.memref_slice %arg18[%add3A_85, %dma_wait3A_150] : memref<10240x128xf32, #tpu.memory_space<vmem_shared>> -> memref<16x128xf32, #tpu.memory_space<vmem_shared>>
      %dma_wait3A_152 = arith.constant 0 : i32
      %dma_wait3A_153 = tpu.memref_slice %arg18[%add3A_85, %dma_wait3A_152] : memref<10240x128xf32, #tpu.memory_space<vmem_shared>> -> memref<16x128xf32, #tpu.memory_space<vmem_shared>>
      tpu.wait_dma2 semaphore(%run_scoped3A : memref<!tpu.dma_semaphore, #tpu.memory_space<semaphore_mem>>) src(%arg17 : memref<16x128xf32, #tpu.memory_space<vmem>>) dst(%dma_wait3A_153 : memref<16x128xf32, #tpu.memory_space<vmem_shared>>)
      tpu.yield
    }) : () -> ()
    %add3A_86 = arith.constant 592 : i32
    %add3A_87 = arith.addi %mul3A_11, %add3A_86 : i32
    "tpu.region"() ({
      %run_scoped3A = tpu.sem_alloc : memref<!tpu.dma_semaphore, #tpu.memory_space<semaphore_mem>>
      %dma_start3A_146 = arith.constant 0 : i32
      %dma_start3A_147 = tpu.memref_slice %arg18[%add3A_87, %dma_start3A_146] : memref<10240x128xf32, #tpu.memory_space<vmem_shared>> -> memref<16x128xf32, #tpu.memory_space<vmem_shared>>
      %dma_start3A_148 = arith.constant 0 : i32
      %dma_start3A_149 = tpu.memref_slice %arg18[%add3A_87, %dma_start3A_148] : memref<10240x128xf32, #tpu.memory_space<vmem_shared>> -> memref<16x128xf32, #tpu.memory_space<vmem_shared>>
      tpu.enqueue_dma source(%arg17 : memref<16x128xf32, #tpu.memory_space<vmem>>) target(%dma_start3A_149 : memref<16x128xf32, #tpu.memory_space<vmem_shared>>) target_semaphore(%run_scoped3A : memref<!tpu.dma_semaphore, #tpu.memory_space<semaphore_mem>>)
      %dma_wait3A_150 = arith.constant 0 : i32
      %dma_wait3A_151 = tpu.memref_slice %arg18[%add3A_87, %dma_wait3A_150] : memref<10240x128xf32, #tpu.memory_space<vmem_shared>> -> memref<16x128xf32, #tpu.memory_space<vmem_shared>>
      %dma_wait3A_152 = arith.constant 0 : i32
      %dma_wait3A_153 = tpu.memref_slice %arg18[%add3A_87, %dma_wait3A_152] : memref<10240x128xf32, #tpu.memory_space<vmem_shared>> -> memref<16x128xf32, #tpu.memory_space<vmem_shared>>
      tpu.wait_dma2 semaphore(%run_scoped3A : memref<!tpu.dma_semaphore, #tpu.memory_space<semaphore_mem>>) src(%arg17 : memref<16x128xf32, #tpu.memory_space<vmem>>) dst(%dma_wait3A_153 : memref<16x128xf32, #tpu.memory_space<vmem_shared>>)
      tpu.yield
    }) : () -> ()
    %add3A_88 = arith.constant 608 : i32
    %add3A_89 = arith.addi %mul3A_11, %add3A_88 : i32
    "tpu.region"() ({
      %run_scoped3A = tpu.sem_alloc : memref<!tpu.dma_semaphore, #tpu.memory_space<semaphore_mem>>
      %dma_start3A_146 = arith.constant 0 : i32
      %dma_start3A_147 = tpu.memref_slice %arg18[%add3A_89, %dma_start3A_146] : memref<10240x128xf32, #tpu.memory_space<vmem_shared>> -> memref<16x128xf32, #tpu.memory_space<vmem_shared>>
      %dma_start3A_148 = arith.constant 0 : i32
      %dma_start3A_149 = tpu.memref_slice %arg18[%add3A_89, %dma_start3A_148] : memref<10240x128xf32, #tpu.memory_space<vmem_shared>> -> memref<16x128xf32, #tpu.memory_space<vmem_shared>>
      tpu.enqueue_dma source(%arg17 : memref<16x128xf32, #tpu.memory_space<vmem>>) target(%dma_start3A_149 : memref<16x128xf32, #tpu.memory_space<vmem_shared>>) target_semaphore(%run_scoped3A : memref<!tpu.dma_semaphore, #tpu.memory_space<semaphore_mem>>)
      %dma_wait3A_150 = arith.constant 0 : i32
      %dma_wait3A_151 = tpu.memref_slice %arg18[%add3A_89, %dma_wait3A_150] : memref<10240x128xf32, #tpu.memory_space<vmem_shared>> -> memref<16x128xf32, #tpu.memory_space<vmem_shared>>
      %dma_wait3A_152 = arith.constant 0 : i32
      %dma_wait3A_153 = tpu.memref_slice %arg18[%add3A_89, %dma_wait3A_152] : memref<10240x128xf32, #tpu.memory_space<vmem_shared>> -> memref<16x128xf32, #tpu.memory_space<vmem_shared>>
      tpu.wait_dma2 semaphore(%run_scoped3A : memref<!tpu.dma_semaphore, #tpu.memory_space<semaphore_mem>>) src(%arg17 : memref<16x128xf32, #tpu.memory_space<vmem>>) dst(%dma_wait3A_153 : memref<16x128xf32, #tpu.memory_space<vmem_shared>>)
      tpu.yield
    }) : () -> ()
    %add3A_90 = arith.constant 624 : i32
    %add3A_91 = arith.addi %mul3A_11, %add3A_90 : i32
    "tpu.region"() ({
      %run_scoped3A = tpu.sem_alloc : memref<!tpu.dma_semaphore, #tpu.memory_space<semaphore_mem>>
      %dma_start3A_146 = arith.constant 0 : i32
      %dma_start3A_147 = tpu.memref_slice %arg18[%add3A_91, %dma_start3A_146] : memref<10240x128xf32, #tpu.memory_space<vmem_shared>> -> memref<16x128xf32, #tpu.memory_space<vmem_shared>>
      %dma_start3A_148 = arith.constant 0 : i32
      %dma_start3A_149 = tpu.memref_slice %arg18[%add3A_91, %dma_start3A_148] : memref<10240x128xf32, #tpu.memory_space<vmem_shared>> -> memref<16x128xf32, #tpu.memory_space<vmem_shared>>
      tpu.enqueue_dma source(%arg17 : memref<16x128xf32, #tpu.memory_space<vmem>>) target(%dma_start3A_149 : memref<16x128xf32, #tpu.memory_space<vmem_shared>>) target_semaphore(%run_scoped3A : memref<!tpu.dma_semaphore, #tpu.memory_space<semaphore_mem>>)
      %dma_wait3A_150 = arith.constant 0 : i32
      %dma_wait3A_151 = tpu.memref_slice %arg18[%add3A_91, %dma_wait3A_150] : memref<10240x128xf32, #tpu.memory_space<vmem_shared>> -> memref<16x128xf32, #tpu.memory_space<vmem_shared>>
      %dma_wait3A_152 = arith.constant 0 : i32
      %dma_wait3A_153 = tpu.memref_slice %arg18[%add3A_91, %dma_wait3A_152] : memref<10240x128xf32, #tpu.memory_space<vmem_shared>> -> memref<16x128xf32, #tpu.memory_space<vmem_shared>>
      tpu.wait_dma2 semaphore(%run_scoped3A : memref<!tpu.dma_semaphore, #tpu.memory_space<semaphore_mem>>) src(%arg17 : memref<16x128xf32, #tpu.memory_space<vmem>>) dst(%dma_wait3A_153 : memref<16x128xf32, #tpu.memory_space<vmem_shared>>)
      tpu.yield
    }) : () -> ()
    %dma_wait3A = tpu.memref_slice %arg3[%mul3A_2] : memref<320000xi32, #tpu.memory_space<hbm>> -> memref<10000xi32, #tpu.memory_space<hbm>>
    %dma_wait3A_92 = tpu.memref_slice %arg3[%mul3A_2] : memref<320000xi32, #tpu.memory_space<hbm>> -> memref<10000xi32, #tpu.memory_space<hbm>>
    tpu.wait_dma2 semaphore(%arg29 : memref<!tpu.dma_semaphore, #tpu.memory_space<semaphore_mem>>) src(%dma_wait3A_92 : memref<10000xi32, #tpu.memory_space<hbm>>) dst(%arg6 : memref<10000xi32, #tpu.memory_space<vmem>>)
    %add3A_93 = arith.constant 0 : i32
    %add3A_94 = arith.addi %mul3A_2, %add3A_93 : i32
    %dma_start3A_95 = tpu.memref_slice %arg4[%add3A_94] : memref<320000xi32, #tpu.memory_space<hbm>> -> memref<40xi32, #tpu.memory_space<hbm>>
    %dma_start3A_96 = tpu.memref_slice %arg4[%add3A_94] : memref<320000xi32, #tpu.memory_space<hbm>> -> memref<40xi32, #tpu.memory_space<hbm>>
    tpu.enqueue_dma source(%dma_start3A_96 : memref<40xi32, #tpu.memory_space<hbm>>) target(%arg7 : memref<40xi32, #tpu.memory_space<vmem>>) target_semaphore(%arg19 : memref<!tpu.dma_semaphore, #tpu.memory_space<semaphore_mem>>)
    %dma_start3A_97 = arith.constant 0 : i32
    %dma_start3A_98 = tpu.memref_slice %arg6[%dma_start3A_97] : memref<10000xi32, #tpu.memory_space<vmem>> -> memref<40xi32, #tpu.memory_space<vmem>>
    %dma_start3A_99 = arith.constant 0 : i32
    %dma_start3A_100 = arith.constant 0 : i32
    %dma_start3A_101 = tpu.memref_slice %arg2[%dma_start3A_99, %dma_start3A_100] : memref<10000x128xf32, #tpu.memory_space<hbm>> -> memref<10000x128xf32, #tpu.memory_space<hbm>>
    tpu.enqueue_indirect_dma source(%dma_start3A_101 : memref<10000x128xf32, #tpu.memory_space<hbm>>) target(%arg12 : memref<40x128xf32, #tpu.memory_space<vmem>>) offsets(%dma_start3A_98 : memref<40xi32, #tpu.memory_space<vmem>>) semaphore(%arg24 : memref<!tpu.dma_semaphore, #tpu.memory_space<semaphore_mem>>)
    %add3A_102 = arith.constant 40 : i32
    %add3A_103 = arith.addi %mul3A_2, %add3A_102 : i32
    %dma_start3A_104 = tpu.memref_slice %arg4[%add3A_103] : memref<320000xi32, #tpu.memory_space<hbm>> -> memref<40xi32, #tpu.memory_space<hbm>>
    %dma_start3A_105 = tpu.memref_slice %arg4[%add3A_103] : memref<320000xi32, #tpu.memory_space<hbm>> -> memref<40xi32, #tpu.memory_space<hbm>>
    tpu.enqueue_dma source(%dma_start3A_105 : memref<40xi32, #tpu.memory_space<hbm>>) target(%arg8 : memref<40xi32, #tpu.memory_space<vmem>>) target_semaphore(%arg20 : memref<!tpu.dma_semaphore, #tpu.memory_space<semaphore_mem>>)
    %dma_start3A_106 = arith.constant 40 : i32
    %dma_start3A_107 = tpu.memref_slice %arg6[%dma_start3A_106] : memref<10000xi32, #tpu.memory_space<vmem>> -> memref<40xi32, #tpu.memory_space<vmem>>
    %dma_start3A_108 = arith.constant 0 : i32
    %dma_start3A_109 = arith.constant 0 : i32
    %dma_start3A_110 = tpu.memref_slice %arg2[%dma_start3A_108, %dma_start3A_109] : memref<10000x128xf32, #tpu.memory_space<hbm>> -> memref<10000x128xf32, #tpu.memory_space<hbm>>
    tpu.enqueue_indirect_dma source(%dma_start3A_110 : memref<10000x128xf32, #tpu.memory_space<hbm>>) target(%arg13 : memref<40x128xf32, #tpu.memory_space<vmem>>) offsets(%dma_start3A_107 : memref<40xi32, #tpu.memory_space<vmem>>) semaphore(%arg25 : memref<!tpu.dma_semaphore, #tpu.memory_space<semaphore_mem>>)
    %add3A_111 = arith.constant 80 : i32
    %add3A_112 = arith.addi %mul3A_2, %add3A_111 : i32
    %dma_start3A_113 = tpu.memref_slice %arg4[%add3A_112] : memref<320000xi32, #tpu.memory_space<hbm>> -> memref<40xi32, #tpu.memory_space<hbm>>
    %dma_start3A_114 = tpu.memref_slice %arg4[%add3A_112] : memref<320000xi32, #tpu.memory_space<hbm>> -> memref<40xi32, #tpu.memory_space<hbm>>
    tpu.enqueue_dma source(%dma_start3A_114 : memref<40xi32, #tpu.memory_space<hbm>>) target(%arg9 : memref<40xi32, #tpu.memory_space<vmem>>) target_semaphore(%arg21 : memref<!tpu.dma_semaphore, #tpu.memory_space<semaphore_mem>>)
    %dma_start3A_115 = arith.constant 80 : i32
    %dma_start3A_116 = tpu.memref_slice %arg6[%dma_start3A_115] : memref<10000xi32, #tpu.memory_space<vmem>> -> memref<40xi32, #tpu.memory_space<vmem>>
    %dma_start3A_117 = arith.constant 0 : i32
    %dma_start3A_118 = arith.constant 0 : i32
    %dma_start3A_119 = tpu.memref_slice %arg2[%dma_start3A_117, %dma_start3A_118] : memref<10000x128xf32, #tpu.memory_space<hbm>> -> memref<10000x128xf32, #tpu.memory_space<hbm>>
    tpu.enqueue_indirect_dma source(%dma_start3A_119 : memref<10000x128xf32, #tpu.memory_space<hbm>>) target(%arg14 : memref<40x128xf32, #tpu.memory_space<vmem>>) offsets(%dma_start3A_116 : memref<40xi32, #tpu.memory_space<vmem>>) semaphore(%arg26 : memref<!tpu.dma_semaphore, #tpu.memory_space<semaphore_mem>>)
    %add3A_120 = arith.constant 120 : i32
    %add3A_121 = arith.addi %mul3A_2, %add3A_120 : i32
    %dma_start3A_122 = tpu.memref_slice %arg4[%add3A_121] : memref<320000xi32, #tpu.memory_space<hbm>> -> memref<40xi32, #tpu.memory_space<hbm>>
    %dma_start3A_123 = tpu.memref_slice %arg4[%add3A_121] : memref<320000xi32, #tpu.memory_space<hbm>> -> memref<40xi32, #tpu.memory_space<hbm>>
    tpu.enqueue_dma source(%dma_start3A_123 : memref<40xi32, #tpu.memory_space<hbm>>) target(%arg10 : memref<40xi32, #tpu.memory_space<vmem>>) target_semaphore(%arg22 : memref<!tpu.dma_semaphore, #tpu.memory_space<semaphore_mem>>)
    %dma_start3A_124 = arith.constant 120 : i32
    %dma_start3A_125 = tpu.memref_slice %arg6[%dma_start3A_124] : memref<10000xi32, #tpu.memory_space<vmem>> -> memref<40xi32, #tpu.memory_space<vmem>>
    %dma_start3A_126 = arith.constant 0 : i32
    %dma_start3A_127 = arith.constant 0 : i32
    %dma_start3A_128 = tpu.memref_slice %arg2[%dma_start3A_126, %dma_start3A_127] : memref<10000x128xf32, #tpu.memory_space<hbm>> -> memref<10000x128xf32, #tpu.memory_space<hbm>>
    tpu.enqueue_indirect_dma source(%dma_start3A_128 : memref<10000x128xf32, #tpu.memory_space<hbm>>) target(%arg15 : memref<40x128xf32, #tpu.memory_space<vmem>>) offsets(%dma_start3A_125 : memref<40xi32, #tpu.memory_space<vmem>>) semaphore(%arg27 : memref<!tpu.dma_semaphore, #tpu.memory_space<semaphore_mem>>)
    %add3A_129 = arith.constant 160 : i32
    %add3A_130 = arith.addi %mul3A_2, %add3A_129 : i32
    %dma_start3A_131 = tpu.memref_slice %arg4[%add3A_130] : memref<320000xi32, #tpu.memory_space<hbm>> -> memref<40xi32, #tpu.memory_space<hbm>>
    %dma_start3A_132 = tpu.memref_slice %arg4[%add3A_130] : memref<320000xi32, #tpu.memory_space<hbm>> -> memref<40xi32, #tpu.memory_space<hbm>>
    tpu.enqueue_dma source(%dma_start3A_132 : memref<40xi32, #tpu.memory_space<hbm>>) target(%arg11 : memref<40xi32, #tpu.memory_space<vmem>>) target_semaphore(%arg23 : memref<!tpu.dma_semaphore, #tpu.memory_space<semaphore_mem>>)
    %dma_start3A_133 = arith.constant 160 : i32
    %dma_start3A_134 = tpu.memref_slice %arg6[%dma_start3A_133] : memref<10000xi32, #tpu.memory_space<vmem>> -> memref<40xi32, #tpu.memory_space<vmem>>
    %dma_start3A_135 = arith.constant 0 : i32
    %dma_start3A_136 = arith.constant 0 : i32
    %dma_start3A_137 = tpu.memref_slice %arg2[%dma_start3A_135, %dma_start3A_136] : memref<10000x128xf32, #tpu.memory_space<hbm>> -> memref<10000x128xf32, #tpu.memory_space<hbm>>
    tpu.enqueue_indirect_dma source(%dma_start3A_137 : memref<10000x128xf32, #tpu.memory_space<hbm>>) target(%arg16 : memref<40x128xf32, #tpu.memory_space<vmem>>) offsets(%dma_start3A_134 : memref<40xi32, #tpu.memory_space<vmem>>) semaphore(%arg28 : memref<!tpu.dma_semaphore, #tpu.memory_space<semaphore_mem>>)
    %barrier3A = arith.constant 0 : index
    tpu.barrier barrier_id(%barrier3A)
    %scan3A_138 = arith.constant 0 : i32
    %scan3A_139 = arith.constant 0 : i32
    %scan3A_140 = arith.constant 50 : i32
    %scan3A_141 = arith.addi %scan3A_139, %scan3A_140 : i32
    %scan3A_142 = arith.constant 1 : i32
    %scan3A_143 = scf.for %scan3A_146 = %scan3A_139 to %scan3A_141 step %scan3A_142 iter_args(%scan3A_147 = %scan3A_138) -> (i32)  : i32 {
      %mul3A_148 = arith.constant 5 : i32
      %mul3A_149 = arith.muli %scan3A_146, %mul3A_148 : i32
      %add3A_150 = arith.constant 0 : i32
      %add3A_151 = arith.addi %mul3A_149, %add3A_150 : i32
      %dma_wait3A_152 = arith.constant 0 : i32
      %dma_wait3A_153 = arith.constant 0 : i32
      %dma_wait3A_154 = tpu.memref_slice %arg2[%dma_wait3A_152, %dma_wait3A_153] : memref<10000x128xf32, #tpu.memory_space<hbm>> -> memref<40x128xf32, #tpu.memory_space<hbm>>
      %dma_wait3A_155 = arith.constant 0 : i32
      %dma_wait3A_156 = arith.constant 0 : i32
      %dma_wait3A_157 = tpu.memref_slice %arg2[%dma_wait3A_155, %dma_wait3A_156] : memref<10000x128xf32, #tpu.memory_space<hbm>> -> memref<40x128xf32, #tpu.memory_space<hbm>>
      tpu.wait_dma2 semaphore(%arg24 : memref<!tpu.dma_semaphore, #tpu.memory_space<semaphore_mem>>) src(%dma_wait3A_157 : memref<40x128xf32, #tpu.memory_space<hbm>>) dst(%arg12 : memref<40x128xf32, #tpu.memory_space<vmem>>)
      %dma_wait3A_158 = arith.constant 0 : i32
      %dma_wait3A_159 = tpu.memref_slice %arg4[%dma_wait3A_158] : memref<320000xi32, #tpu.memory_space<hbm>> -> memref<40xi32, #tpu.memory_space<hbm>>
      %dma_wait3A_160 = arith.constant 0 : i32
      %dma_wait3A_161 = tpu.memref_slice %arg4[%dma_wait3A_160] : memref<320000xi32, #tpu.memory_space<hbm>> -> memref<40xi32, #tpu.memory_space<hbm>>
      tpu.wait_dma2 semaphore(%arg19 : memref<!tpu.dma_semaphore, #tpu.memory_space<semaphore_mem>>) src(%dma_wait3A_161 : memref<40xi32, #tpu.memory_space<hbm>>) dst(%arg7 : memref<40xi32, #tpu.memory_space<vmem>>)
      "tpu.region"() ({
        %run_scoped3A = tpu.sem_alloc : memref<!tpu.dma_semaphore, #tpu.memory_space<semaphore_mem>>
        %dma_start3A_241 = arith.constant 0 : i32
        %dma_start3A_242 = arith.constant 0 : i32
        %dma_start3A_243 = tpu.memref_slice %arg18[%dma_start3A_241, %dma_start3A_242] : memref<10240x128xf32, #tpu.memory_space<vmem_shared>> -> memref<10240x128xf32, #tpu.memory_space<vmem_shared>>
        tpu.enqueue_indirect_dma source(%arg12 : memref<40x128xf32, #tpu.memory_space<vmem>>) target(%dma_start3A_243 : memref<10240x128xf32, #tpu.memory_space<vmem_shared>>) offsets(%arg7 : memref<40xi32, #tpu.memory_space<vmem>>) semaphore(%run_scoped3A : memref<!tpu.dma_semaphore, #tpu.memory_space<semaphore_mem>>) {add = true}
        %dma_wait3A_244 = arith.constant 0 : i32
        %dma_wait3A_245 = arith.constant 0 : i32
        %dma_wait3A_246 = tpu.memref_slice %arg18[%dma_wait3A_244, %dma_wait3A_245] : memref<10240x128xf32, #tpu.memory_space<vmem_shared>> -> memref<10240x128xf32, #tpu.memory_space<vmem_shared>>
        tpu.wait_indirect_dma semaphore(%run_scoped3A : memref<!tpu.dma_semaphore, #tpu.memory_space<semaphore_mem>>) src(%arg12 : memref<40x128xf32, #tpu.memory_space<vmem>>) dst(%dma_wait3A_246 : memref<10240x128xf32, #tpu.memory_space<vmem_shared>>)
        tpu.yield
      }) : () -> ()
      %lt3A = arith.constant 49 : i32
      %lt3A_162 = arith.cmpi slt, %scan3A_146, %lt3A : i32
      %convert_element_type3A = arith.extui %lt3A_162 : i1 to i32
      %cond3A = arith.constant 0 : i32
      %cond3A_163 = arith.cmpi ne, %convert_element_type3A, %cond3A : i32
      scf.if %cond3A_163 {
        %add3A_241 = arith.constant 5 : i32
        %add3A_242 = arith.addi %add3A_151, %add3A_241 : i32
        %mul3A_243 = arith.constant 40 : i32
        %mul3A_244 = arith.muli %add3A_242, %mul3A_243 : i32
        %add3A_245 = arith.addi %mul3A_2, %mul3A_244 : i32
        %dma_start3A_246 = tpu.memref_slice %arg4[%add3A_245] : memref<320000xi32, #tpu.memory_space<hbm>> -> memref<40xi32, #tpu.memory_space<hbm>>
        %dma_start3A_247 = tpu.memref_slice %arg4[%add3A_245] : memref<320000xi32, #tpu.memory_space<hbm>> -> memref<40xi32, #tpu.memory_space<hbm>>
        tpu.enqueue_dma source(%dma_start3A_247 : memref<40xi32, #tpu.memory_space<hbm>>) target(%arg7 : memref<40xi32, #tpu.memory_space<vmem>>) target_semaphore(%arg19 : memref<!tpu.dma_semaphore, #tpu.memory_space<semaphore_mem>>)
        %mul3A_248 = arith.constant 40 : i32
        %mul3A_249 = arith.muli %add3A_242, %mul3A_248 : i32
        %dma_start3A_250 = tpu.memref_slice %arg6[%mul3A_249] : memref<10000xi32, #tpu.memory_space<vmem>> -> memref<40xi32, #tpu.memory_space<vmem>>
        %dma_start3A_251 = arith.constant 0 : i32
        %dma_start3A_252 = arith.constant 0 : i32
        %dma_start3A_253 = tpu.memref_slice %arg2[%dma_start3A_251, %dma_start3A_252] : memref<10000x128xf32, #tpu.memory_space<hbm>> -> memref<10000x128xf32, #tpu.memory_space<hbm>>
        tpu.enqueue_indirect_dma source(%dma_start3A_253 : memref<10000x128xf32, #tpu.memory_space<hbm>>) target(%arg12 : memref<40x128xf32, #tpu.memory_space<vmem>>) offsets(%dma_start3A_250 : memref<40xi32, #tpu.memory_space<vmem>>) semaphore(%arg24 : memref<!tpu.dma_semaphore, #tpu.memory_space<semaphore_mem>>)
      } else {
      }
      %mul3A_164 = arith.constant 5 : i32
      %mul3A_165 = arith.muli %scan3A_146, %mul3A_164 : i32
      %add3A_166 = arith.constant 1 : i32
      %add3A_167 = arith.addi %mul3A_165, %add3A_166 : i32
      %dma_wait3A_168 = arith.constant 0 : i32
      %dma_wait3A_169 = arith.constant 0 : i32
      %dma_wait3A_170 = tpu.memref_slice %arg2[%dma_wait3A_168, %dma_wait3A_169] : memref<10000x128xf32, #tpu.memory_space<hbm>> -> memref<40x128xf32, #tpu.memory_space<hbm>>
      %dma_wait3A_171 = arith.constant 0 : i32
      %dma_wait3A_172 = arith.constant 0 : i32
      %dma_wait3A_173 = tpu.memref_slice %arg2[%dma_wait3A_171, %dma_wait3A_172] : memref<10000x128xf32, #tpu.memory_space<hbm>> -> memref<40x128xf32, #tpu.memory_space<hbm>>
      tpu.wait_dma2 semaphore(%arg25 : memref<!tpu.dma_semaphore, #tpu.memory_space<semaphore_mem>>) src(%dma_wait3A_173 : memref<40x128xf32, #tpu.memory_space<hbm>>) dst(%arg13 : memref<40x128xf32, #tpu.memory_space<vmem>>)
      %dma_wait3A_174 = arith.constant 0 : i32
      %dma_wait3A_175 = tpu.memref_slice %arg4[%dma_wait3A_174] : memref<320000xi32, #tpu.memory_space<hbm>> -> memref<40xi32, #tpu.memory_space<hbm>>
      %dma_wait3A_176 = arith.constant 0 : i32
      %dma_wait3A_177 = tpu.memref_slice %arg4[%dma_wait3A_176] : memref<320000xi32, #tpu.memory_space<hbm>> -> memref<40xi32, #tpu.memory_space<hbm>>
      tpu.wait_dma2 semaphore(%arg20 : memref<!tpu.dma_semaphore, #tpu.memory_space<semaphore_mem>>) src(%dma_wait3A_177 : memref<40xi32, #tpu.memory_space<hbm>>) dst(%arg8 : memref<40xi32, #tpu.memory_space<vmem>>)
      "tpu.region"() ({
        %run_scoped3A = tpu.sem_alloc : memref<!tpu.dma_semaphore, #tpu.memory_space<semaphore_mem>>
        %dma_start3A_241 = arith.constant 0 : i32
        %dma_start3A_242 = arith.constant 0 : i32
        %dma_start3A_243 = tpu.memref_slice %arg18[%dma_start3A_241, %dma_start3A_242] : memref<10240x128xf32, #tpu.memory_space<vmem_shared>> -> memref<10240x128xf32, #tpu.memory_space<vmem_shared>>
        tpu.enqueue_indirect_dma source(%arg13 : memref<40x128xf32, #tpu.memory_space<vmem>>) target(%dma_start3A_243 : memref<10240x128xf32, #tpu.memory_space<vmem_shared>>) offsets(%arg8 : memref<40xi32, #tpu.memory_space<vmem>>) semaphore(%run_scoped3A : memref<!tpu.dma_semaphore, #tpu.memory_space<semaphore_mem>>) {add = true}
        %dma_wait3A_244 = arith.constant 0 : i32
        %dma_wait3A_245 = arith.constant 0 : i32
        %dma_wait3A_246 = tpu.memref_slice %arg18[%dma_wait3A_244, %dma_wait3A_245] : memref<10240x128xf32, #tpu.memory_space<vmem_shared>> -> memref<10240x128xf32, #tpu.memory_space<vmem_shared>>
        tpu.wait_indirect_dma semaphore(%run_scoped3A : memref<!tpu.dma_semaphore, #tpu.memory_space<semaphore_mem>>) src(%arg13 : memref<40x128xf32, #tpu.memory_space<vmem>>) dst(%dma_wait3A_246 : memref<10240x128xf32, #tpu.memory_space<vmem_shared>>)
        tpu.yield
      }) : () -> ()
      %lt3A_178 = arith.constant 49 : i32
      %lt3A_179 = arith.cmpi slt, %scan3A_146, %lt3A_178 : i32
      %convert_element_type3A_180 = arith.extui %lt3A_179 : i1 to i32
      %cond3A_181 = arith.constant 0 : i32
      %cond3A_182 = arith.cmpi ne, %convert_element_type3A_180, %cond3A_181 : i32
      scf.if %cond3A_182 {
        %add3A_241 = arith.constant 5 : i32
        %add3A_242 = arith.addi %add3A_167, %add3A_241 : i32
        %mul3A_243 = arith.constant 40 : i32
        %mul3A_244 = arith.muli %add3A_242, %mul3A_243 : i32
        %add3A_245 = arith.addi %mul3A_2, %mul3A_244 : i32
        %dma_start3A_246 = tpu.memref_slice %arg4[%add3A_245] : memref<320000xi32, #tpu.memory_space<hbm>> -> memref<40xi32, #tpu.memory_space<hbm>>
        %dma_start3A_247 = tpu.memref_slice %arg4[%add3A_245] : memref<320000xi32, #tpu.memory_space<hbm>> -> memref<40xi32, #tpu.memory_space<hbm>>
        tpu.enqueue_dma source(%dma_start3A_247 : memref<40xi32, #tpu.memory_space<hbm>>) target(%arg8 : memref<40xi32, #tpu.memory_space<vmem>>) target_semaphore(%arg20 : memref<!tpu.dma_semaphore, #tpu.memory_space<semaphore_mem>>)
        %mul3A_248 = arith.constant 40 : i32
        %mul3A_249 = arith.muli %add3A_242, %mul3A_248 : i32
        %dma_start3A_250 = tpu.memref_slice %arg6[%mul3A_249] : memref<10000xi32, #tpu.memory_space<vmem>> -> memref<40xi32, #tpu.memory_space<vmem>>
        %dma_start3A_251 = arith.constant 0 : i32
        %dma_start3A_252 = arith.constant 0 : i32
        %dma_start3A_253 = tpu.memref_slice %arg2[%dma_start3A_251, %dma_start3A_252] : memref<10000x128xf32, #tpu.memory_space<hbm>> -> memref<10000x128xf32, #tpu.memory_space<hbm>>
        tpu.enqueue_indirect_dma source(%dma_start3A_253 : memref<10000x128xf32, #tpu.memory_space<hbm>>) target(%arg13 : memref<40x128xf32, #tpu.memory_space<vmem>>) offsets(%dma_start3A_250 : memref<40xi32, #tpu.memory_space<vmem>>) semaphore(%arg25 : memref<!tpu.dma_semaphore, #tpu.memory_space<semaphore_mem>>)
      } else {
      }
      %mul3A_183 = arith.constant 5 : i32
      %mul3A_184 = arith.muli %scan3A_146, %mul3A_183 : i32
      %add3A_185 = arith.constant 2 : i32
      %add3A_186 = arith.addi %mul3A_184, %add3A_185 : i32
      %dma_wait3A_187 = arith.constant 0 : i32
      %dma_wait3A_188 = arith.constant 0 : i32
      %dma_wait3A_189 = tpu.memref_slice %arg2[%dma_wait3A_187, %dma_wait3A_188] : memref<10000x128xf32, #tpu.memory_space<hbm>> -> memref<40x128xf32, #tpu.memory_space<hbm>>
      %dma_wait3A_190 = arith.constant 0 : i32
      %dma_wait3A_191 = arith.constant 0 : i32
      %dma_wait3A_192 = tpu.memref_slice %arg2[%dma_wait3A_190, %dma_wait3A_191] : memref<10000x128xf32, #tpu.memory_space<hbm>> -> memref<40x128xf32, #tpu.memory_space<hbm>>
      tpu.wait_dma2 semaphore(%arg26 : memref<!tpu.dma_semaphore, #tpu.memory_space<semaphore_mem>>) src(%dma_wait3A_192 : memref<40x128xf32, #tpu.memory_space<hbm>>) dst(%arg14 : memref<40x128xf32, #tpu.memory_space<vmem>>)
      %dma_wait3A_193 = arith.constant 0 : i32
      %dma_wait3A_194 = tpu.memref_slice %arg4[%dma_wait3A_193] : memref<320000xi32, #tpu.memory_space<hbm>> -> memref<40xi32, #tpu.memory_space<hbm>>
      %dma_wait3A_195 = arith.constant 0 : i32
      %dma_wait3A_196 = tpu.memref_slice %arg4[%dma_wait3A_195] : memref<320000xi32, #tpu.memory_space<hbm>> -> memref<40xi32, #tpu.memory_space<hbm>>
      tpu.wait_dma2 semaphore(%arg21 : memref<!tpu.dma_semaphore, #tpu.memory_space<semaphore_mem>>) src(%dma_wait3A_196 : memref<40xi32, #tpu.memory_space<hbm>>) dst(%arg9 : memref<40xi32, #tpu.memory_space<vmem>>)
      "tpu.region"() ({
        %run_scoped3A = tpu.sem_alloc : memref<!tpu.dma_semaphore, #tpu.memory_space<semaphore_mem>>
        %dma_start3A_241 = arith.constant 0 : i32
        %dma_start3A_242 = arith.constant 0 : i32
        %dma_start3A_243 = tpu.memref_slice %arg18[%dma_start3A_241, %dma_start3A_242] : memref<10240x128xf32, #tpu.memory_space<vmem_shared>> -> memref<10240x128xf32, #tpu.memory_space<vmem_shared>>
        tpu.enqueue_indirect_dma source(%arg14 : memref<40x128xf32, #tpu.memory_space<vmem>>) target(%dma_start3A_243 : memref<10240x128xf32, #tpu.memory_space<vmem_shared>>) offsets(%arg9 : memref<40xi32, #tpu.memory_space<vmem>>) semaphore(%run_scoped3A : memref<!tpu.dma_semaphore, #tpu.memory_space<semaphore_mem>>) {add = true}
        %dma_wait3A_244 = arith.constant 0 : i32
        %dma_wait3A_245 = arith.constant 0 : i32
        %dma_wait3A_246 = tpu.memref_slice %arg18[%dma_wait3A_244, %dma_wait3A_245] : memref<10240x128xf32, #tpu.memory_space<vmem_shared>> -> memref<10240x128xf32, #tpu.memory_space<vmem_shared>>
        tpu.wait_indirect_dma semaphore(%run_scoped3A : memref<!tpu.dma_semaphore, #tpu.memory_space<semaphore_mem>>) src(%arg14 : memref<40x128xf32, #tpu.memory_space<vmem>>) dst(%dma_wait3A_246 : memref<10240x128xf32, #tpu.memory_space<vmem_shared>>)
        tpu.yield
      }) : () -> ()
      %lt3A_197 = arith.constant 49 : i32
      %lt3A_198 = arith.cmpi slt, %scan3A_146, %lt3A_197 : i32
      %convert_element_type3A_199 = arith.extui %lt3A_198 : i1 to i32
      %cond3A_200 = arith.constant 0 : i32
      %cond3A_201 = arith.cmpi ne, %convert_element_type3A_199, %cond3A_200 : i32
      scf.if %cond3A_201 {
        %add3A_241 = arith.constant 5 : i32
        %add3A_242 = arith.addi %add3A_186, %add3A_241 : i32
        %mul3A_243 = arith.constant 40 : i32
        %mul3A_244 = arith.muli %add3A_242, %mul3A_243 : i32
        %add3A_245 = arith.addi %mul3A_2, %mul3A_244 : i32
        %dma_start3A_246 = tpu.memref_slice %arg4[%add3A_245] : memref<320000xi32, #tpu.memory_space<hbm>> -> memref<40xi32, #tpu.memory_space<hbm>>
        %dma_start3A_247 = tpu.memref_slice %arg4[%add3A_245] : memref<320000xi32, #tpu.memory_space<hbm>> -> memref<40xi32, #tpu.memory_space<hbm>>
        tpu.enqueue_dma source(%dma_start3A_247 : memref<40xi32, #tpu.memory_space<hbm>>) target(%arg9 : memref<40xi32, #tpu.memory_space<vmem>>) target_semaphore(%arg21 : memref<!tpu.dma_semaphore, #tpu.memory_space<semaphore_mem>>)
        %mul3A_248 = arith.constant 40 : i32
        %mul3A_249 = arith.muli %add3A_242, %mul3A_248 : i32
        %dma_start3A_250 = tpu.memref_slice %arg6[%mul3A_249] : memref<10000xi32, #tpu.memory_space<vmem>> -> memref<40xi32, #tpu.memory_space<vmem>>
        %dma_start3A_251 = arith.constant 0 : i32
        %dma_start3A_252 = arith.constant 0 : i32
        %dma_start3A_253 = tpu.memref_slice %arg2[%dma_start3A_251, %dma_start3A_252] : memref<10000x128xf32, #tpu.memory_space<hbm>> -> memref<10000x128xf32, #tpu.memory_space<hbm>>
        tpu.enqueue_indirect_dma source(%dma_start3A_253 : memref<10000x128xf32, #tpu.memory_space<hbm>>) target(%arg14 : memref<40x128xf32, #tpu.memory_space<vmem>>) offsets(%dma_start3A_250 : memref<40xi32, #tpu.memory_space<vmem>>) semaphore(%arg26 : memref<!tpu.dma_semaphore, #tpu.memory_space<semaphore_mem>>)
      } else {
      }
      %mul3A_202 = arith.constant 5 : i32
      %mul3A_203 = arith.muli %scan3A_146, %mul3A_202 : i32
      %add3A_204 = arith.constant 3 : i32
      %add3A_205 = arith.addi %mul3A_203, %add3A_204 : i32
      %dma_wait3A_206 = arith.constant 0 : i32
      %dma_wait3A_207 = arith.constant 0 : i32
      %dma_wait3A_208 = tpu.memref_slice %arg2[%dma_wait3A_206, %dma_wait3A_207] : memref<10000x128xf32, #tpu.memory_space<hbm>> -> memref<40x128xf32, #tpu.memory_space<hbm>>
      %dma_wait3A_209 = arith.constant 0 : i32
      %dma_wait3A_210 = arith.constant 0 : i32
      %dma_wait3A_211 = tpu.memref_slice %arg2[%dma_wait3A_209, %dma_wait3A_210] : memref<10000x128xf32, #tpu.memory_space<hbm>> -> memref<40x128xf32, #tpu.memory_space<hbm>>
      tpu.wait_dma2 semaphore(%arg27 : memref<!tpu.dma_semaphore, #tpu.memory_space<semaphore_mem>>) src(%dma_wait3A_211 : memref<40x128xf32, #tpu.memory_space<hbm>>) dst(%arg15 : memref<40x128xf32, #tpu.memory_space<vmem>>)
      %dma_wait3A_212 = arith.constant 0 : i32
      %dma_wait3A_213 = tpu.memref_slice %arg4[%dma_wait3A_212] : memref<320000xi32, #tpu.memory_space<hbm>> -> memref<40xi32, #tpu.memory_space<hbm>>
      %dma_wait3A_214 = arith.constant 0 : i32
      %dma_wait3A_215 = tpu.memref_slice %arg4[%dma_wait3A_214] : memref<320000xi32, #tpu.memory_space<hbm>> -> memref<40xi32, #tpu.memory_space<hbm>>
      tpu.wait_dma2 semaphore(%arg22 : memref<!tpu.dma_semaphore, #tpu.memory_space<semaphore_mem>>) src(%dma_wait3A_215 : memref<40xi32, #tpu.memory_space<hbm>>) dst(%arg10 : memref<40xi32, #tpu.memory_space<vmem>>)
      "tpu.region"() ({
        %run_scoped3A = tpu.sem_alloc : memref<!tpu.dma_semaphore, #tpu.memory_space<semaphore_mem>>
        %dma_start3A_241 = arith.constant 0 : i32
        %dma_start3A_242 = arith.constant 0 : i32
        %dma_start3A_243 = tpu.memref_slice %arg18[%dma_start3A_241, %dma_start3A_242] : memref<10240x128xf32, #tpu.memory_space<vmem_shared>> -> memref<10240x128xf32, #tpu.memory_space<vmem_shared>>
        tpu.enqueue_indirect_dma source(%arg15 : memref<40x128xf32, #tpu.memory_space<vmem>>) target(%dma_start3A_243 : memref<10240x128xf32, #tpu.memory_space<vmem_shared>>) offsets(%arg10 : memref<40xi32, #tpu.memory_space<vmem>>) semaphore(%run_scoped3A : memref<!tpu.dma_semaphore, #tpu.memory_space<semaphore_mem>>) {add = true}
        %dma_wait3A_244 = arith.constant 0 : i32
        %dma_wait3A_245 = arith.constant 0 : i32
        %dma_wait3A_246 = tpu.memref_slice %arg18[%dma_wait3A_244, %dma_wait3A_245] : memref<10240x128xf32, #tpu.memory_space<vmem_shared>> -> memref<10240x128xf32, #tpu.memory_space<vmem_shared>>
        tpu.wait_indirect_dma semaphore(%run_scoped3A : memref<!tpu.dma_semaphore, #tpu.memory_space<semaphore_mem>>) src(%arg15 : memref<40x128xf32, #tpu.memory_space<vmem>>) dst(%dma_wait3A_246 : memref<10240x128xf32, #tpu.memory_space<vmem_shared>>)
        tpu.yield
      }) : () -> ()
      %lt3A_216 = arith.constant 49 : i32
      %lt3A_217 = arith.cmpi slt, %scan3A_146, %lt3A_216 : i32
      %convert_element_type3A_218 = arith.extui %lt3A_217 : i1 to i32
      %cond3A_219 = arith.constant 0 : i32
      %cond3A_220 = arith.cmpi ne, %convert_element_type3A_218, %cond3A_219 : i32
      scf.if %cond3A_220 {
        %add3A_241 = arith.constant 5 : i32
        %add3A_242 = arith.addi %add3A_205, %add3A_241 : i32
        %mul3A_243 = arith.constant 40 : i32
        %mul3A_244 = arith.muli %add3A_242, %mul3A_243 : i32
        %add3A_245 = arith.addi %mul3A_2, %mul3A_244 : i32
        %dma_start3A_246 = tpu.memref_slice %arg4[%add3A_245] : memref<320000xi32, #tpu.memory_space<hbm>> -> memref<40xi32, #tpu.memory_space<hbm>>
        %dma_start3A_247 = tpu.memref_slice %arg4[%add3A_245] : memref<320000xi32, #tpu.memory_space<hbm>> -> memref<40xi32, #tpu.memory_space<hbm>>
        tpu.enqueue_dma source(%dma_start3A_247 : memref<40xi32, #tpu.memory_space<hbm>>) target(%arg10 : memref<40xi32, #tpu.memory_space<vmem>>) target_semaphore(%arg22 : memref<!tpu.dma_semaphore, #tpu.memory_space<semaphore_mem>>)
        %mul3A_248 = arith.constant 40 : i32
        %mul3A_249 = arith.muli %add3A_242, %mul3A_248 : i32
        %dma_start3A_250 = tpu.memref_slice %arg6[%mul3A_249] : memref<10000xi32, #tpu.memory_space<vmem>> -> memref<40xi32, #tpu.memory_space<vmem>>
        %dma_start3A_251 = arith.constant 0 : i32
        %dma_start3A_252 = arith.constant 0 : i32
        %dma_start3A_253 = tpu.memref_slice %arg2[%dma_start3A_251, %dma_start3A_252] : memref<10000x128xf32, #tpu.memory_space<hbm>> -> memref<10000x128xf32, #tpu.memory_space<hbm>>
        tpu.enqueue_indirect_dma source(%dma_start3A_253 : memref<10000x128xf32, #tpu.memory_space<hbm>>) target(%arg15 : memref<40x128xf32, #tpu.memory_space<vmem>>) offsets(%dma_start3A_250 : memref<40xi32, #tpu.memory_space<vmem>>) semaphore(%arg27 : memref<!tpu.dma_semaphore, #tpu.memory_space<semaphore_mem>>)
      } else {
      }
      %mul3A_221 = arith.constant 5 : i32
      %mul3A_222 = arith.muli %scan3A_146, %mul3A_221 : i32
      %add3A_223 = arith.constant 4 : i32
      %add3A_224 = arith.addi %mul3A_222, %add3A_223 : i32
      %dma_wait3A_225 = arith.constant 0 : i32
      %dma_wait3A_226 = arith.constant 0 : i32
      %dma_wait3A_227 = tpu.memref_slice %arg2[%dma_wait3A_225, %dma_wait3A_226] : memref<10000x128xf32, #tpu.memory_space<hbm>> -> memref<40x128xf32, #tpu.memory_space<hbm>>
      %dma_wait3A_228 = arith.constant 0 : i32
      %dma_wait3A_229 = arith.constant 0 : i32
      %dma_wait3A_230 = tpu.memref_slice %arg2[%dma_wait3A_228, %dma_wait3A_229] : memref<10000x128xf32, #tpu.memory_space<hbm>> -> memref<40x128xf32, #tpu.memory_space<hbm>>
      tpu.wait_dma2 semaphore(%arg28 : memref<!tpu.dma_semaphore, #tpu.memory_space<semaphore_mem>>) src(%dma_wait3A_230 : memref<40x128xf32, #tpu.memory_space<hbm>>) dst(%arg16 : memref<40x128xf32, #tpu.memory_space<vmem>>)
      %dma_wait3A_231 = arith.constant 0 : i32
      %dma_wait3A_232 = tpu.memref_slice %arg4[%dma_wait3A_231] : memref<320000xi32, #tpu.memory_space<hbm>> -> memref<40xi32, #tpu.memory_space<hbm>>
      %dma_wait3A_233 = arith.constant 0 : i32
      %dma_wait3A_234 = tpu.memref_slice %arg4[%dma_wait3A_233] : memref<320000xi32, #tpu.memory_space<hbm>> -> memref<40xi32, #tpu.memory_space<hbm>>
      tpu.wait_dma2 semaphore(%arg23 : memref<!tpu.dma_semaphore, #tpu.memory_space<semaphore_mem>>) src(%dma_wait3A_234 : memref<40xi32, #tpu.memory_space<hbm>>) dst(%arg11 : memref<40xi32, #tpu.memory_space<vmem>>)
      "tpu.region"() ({
        %run_scoped3A = tpu.sem_alloc : memref<!tpu.dma_semaphore, #tpu.memory_space<semaphore_mem>>
        %dma_start3A_241 = arith.constant 0 : i32
        %dma_start3A_242 = arith.constant 0 : i32
        %dma_start3A_243 = tpu.memref_slice %arg18[%dma_start3A_241, %dma_start3A_242] : memref<10240x128xf32, #tpu.memory_space<vmem_shared>> -> memref<10240x128xf32, #tpu.memory_space<vmem_shared>>
        tpu.enqueue_indirect_dma source(%arg16 : memref<40x128xf32, #tpu.memory_space<vmem>>) target(%dma_start3A_243 : memref<10240x128xf32, #tpu.memory_space<vmem_shared>>) offsets(%arg11 : memref<40xi32, #tpu.memory_space<vmem>>) semaphore(%run_scoped3A : memref<!tpu.dma_semaphore, #tpu.memory_space<semaphore_mem>>) {add = true}
        %dma_wait3A_244 = arith.constant 0 : i32
        %dma_wait3A_245 = arith.constant 0 : i32
        %dma_wait3A_246 = tpu.memref_slice %arg18[%dma_wait3A_244, %dma_wait3A_245] : memref<10240x128xf32, #tpu.memory_space<vmem_shared>> -> memref<10240x128xf32, #tpu.memory_space<vmem_shared>>
        tpu.wait_indirect_dma semaphore(%run_scoped3A : memref<!tpu.dma_semaphore, #tpu.memory_space<semaphore_mem>>) src(%arg16 : memref<40x128xf32, #tpu.memory_space<vmem>>) dst(%dma_wait3A_246 : memref<10240x128xf32, #tpu.memory_space<vmem_shared>>)
        tpu.yield
      }) : () -> ()
      %lt3A_235 = arith.constant 49 : i32
      %lt3A_236 = arith.cmpi slt, %scan3A_146, %lt3A_235 : i32
      %convert_element_type3A_237 = arith.extui %lt3A_236 : i1 to i32
      %cond3A_238 = arith.constant 0 : i32
      %cond3A_239 = arith.cmpi ne, %convert_element_type3A_237, %cond3A_238 : i32
      scf.if %cond3A_239 {
        %add3A_241 = arith.constant 5 : i32
        %add3A_242 = arith.addi %add3A_224, %add3A_241 : i32
        %mul3A_243 = arith.constant 40 : i32
        %mul3A_244 = arith.muli %add3A_242, %mul3A_243 : i32
        %add3A_245 = arith.addi %mul3A_2, %mul3A_244 : i32
        %dma_start3A_246 = tpu.memref_slice %arg4[%add3A_245] : memref<320000xi32, #tpu.memory_space<hbm>> -> memref<40xi32, #tpu.memory_space<hbm>>
        %dma_start3A_247 = tpu.memref_slice %arg4[%add3A_245] : memref<320000xi32, #tpu.memory_space<hbm>> -> memref<40xi32, #tpu.memory_space<hbm>>
        tpu.enqueue_dma source(%dma_start3A_247 : memref<40xi32, #tpu.memory_space<hbm>>) target(%arg11 : memref<40xi32, #tpu.memory_space<vmem>>) target_semaphore(%arg23 : memref<!tpu.dma_semaphore, #tpu.memory_space<semaphore_mem>>)
        %mul3A_248 = arith.constant 40 : i32
        %mul3A_249 = arith.muli %add3A_242, %mul3A_248 : i32
        %dma_start3A_250 = tpu.memref_slice %arg6[%mul3A_249] : memref<10000xi32, #tpu.memory_space<vmem>> -> memref<40xi32, #tpu.memory_space<vmem>>
        %dma_start3A_251 = arith.constant 0 : i32
        %dma_start3A_252 = arith.constant 0 : i32
        %dma_start3A_253 = tpu.memref_slice %arg2[%dma_start3A_251, %dma_start3A_252] : memref<10000x128xf32, #tpu.memory_space<hbm>> -> memref<10000x128xf32, #tpu.memory_space<hbm>>
        tpu.enqueue_indirect_dma source(%dma_start3A_253 : memref<10000x128xf32, #tpu.memory_space<hbm>>) target(%arg16 : memref<40x128xf32, #tpu.memory_space<vmem>>) offsets(%dma_start3A_250 : memref<40xi32, #tpu.memory_space<vmem>>) semaphore(%arg28 : memref<!tpu.dma_semaphore, #tpu.memory_space<semaphore_mem>>)
      } else {
      }
      %scan3A_240 = arith.constant 0 : i32
      scf.yield %scan3A_240 : i32
    }
    %scan3A_144 = arith.constant 50 : i32
    %barrier3A_145 = arith.constant 0 : index
    tpu.barrier barrier_id(%barrier3A_145)
    "tpu.region"() ({
      %run_scoped3A = tpu.sem_alloc : memref<!tpu.dma_semaphore, #tpu.memory_space<semaphore_mem>>
      %dma_start3A_146 = arith.constant 0 : i32
      %dma_start3A_147 = tpu.memref_slice %arg5[%arg0, %mul3A_11, %dma_start3A_146] : memref<2x10240x128xf32, #tpu.memory_space<hbm>> -> memref<1x640x128xf32, #tpu.memory_space<hbm>>
      %dma_start3A_148 = tpu.memref_squeeze %dma_start3A_147 : memref<1x640x128xf32, #tpu.memory_space<hbm>> -> memref<640x128xf32, #tpu.memory_space<hbm>>
      %dma_start3A_149 = arith.constant 0 : i32
      %dma_start3A_150 = tpu.memref_slice %arg18[%mul3A_11, %dma_start3A_149] : memref<10240x128xf32, #tpu.memory_space<vmem_shared>> -> memref<640x128xf32, #tpu.memory_space<vmem_shared>>
      tpu.enqueue_dma source(%dma_start3A_150 : memref<640x128xf32, #tpu.memory_space<vmem_shared>>) target(%dma_start3A_148 : memref<640x128xf32, #tpu.memory_space<hbm>>) target_semaphore(%run_scoped3A : memref<!tpu.dma_semaphore, #tpu.memory_space<semaphore_mem>>)
      %dma_wait3A_151 = arith.constant 0 : i32
      %dma_wait3A_152 = tpu.memref_slice %arg5[%arg0, %mul3A_11, %dma_wait3A_151] : memref<2x10240x128xf32, #tpu.memory_space<hbm>> -> memref<1x640x128xf32, #tpu.memory_space<hbm>>
      %dma_wait3A_153 = tpu.memref_squeeze %dma_wait3A_152 : memref<1x640x128xf32, #tpu.memory_space<hbm>> -> memref<640x128xf32, #tpu.memory_space<hbm>>
      %dma_wait3A_154 = arith.constant 0 : i32
      %dma_wait3A_155 = tpu.memref_slice %arg18[%mul3A_11, %dma_wait3A_154] : memref<10240x128xf32, #tpu.memory_space<vmem_shared>> -> memref<640x128xf32, #tpu.memory_space<vmem_shared>>
      tpu.wait_dma2 semaphore(%run_scoped3A : memref<!tpu.dma_semaphore, #tpu.memory_space<semaphore_mem>>) src(%dma_wait3A_155 : memref<640x128xf32, #tpu.memory_space<vmem_shared>>) dst(%dma_wait3A_153 : memref<640x128xf32, #tpu.memory_space<hbm>>)
      tpu.yield
    }) : () -> ()
    return
  }
}

#map = affine_map<(d0, d1) -> (0, 0)>
#map1 = affine_map<(d0, d1) -> (0)>
#map2 = affine_map<(d0, d1) -> (0, 0, 0)>
module attributes {stable_mosaic.version = 14 : i64} {
  func.func @_edge_kernel(%arg0: i32, %arg1: i32, %arg2: memref<10000x128xf32, #tpu.memory_space<hbm>>, %arg3: memref<320000xi32, #tpu.memory_space<hbm>>, %arg4: memref<320000xi32, #tpu.memory_space<hbm>>, %arg5: memref<2x10240x128xf32, #tpu.memory_space<hbm>>, %arg6: memref<10000xi32, #tpu.memory_space<vmem>>, %arg7: memref<40xi32, #tpu.memory_space<vmem>>, %arg8: memref<40xi32, #tpu.memory_space<vmem>>, %arg9: memref<40xi32, #tpu.memory_space<vmem>>, %arg10: memref<40xi32, #tpu.memory_space<vmem>>, %arg11: memref<40xi32, #tpu.memory_space<vmem>>, %arg12: memref<40x128xf32, #tpu.memory_space<vmem>>, %arg13: memref<40x128xf32, #tpu.memory_space<vmem>>, %arg14: memref<40x128xf32, #tpu.memory_space<vmem>>, %arg15: memref<40x128xf32, #tpu.memory_space<vmem>>, %arg16: memref<40x128xf32, #tpu.memory_space<vmem>>, %arg17: memref<16x128xf32, #tpu.memory_space<vmem>>, %arg18: memref<10240x128xf32, #tpu.memory_space<vmem_shared>>, %arg19: memref<!tpu.dma_semaphore, #tpu.memory_space<semaphore_mem>>, %arg20: memref<!tpu.dma_semaphore, #tpu.memory_space<semaphore_mem>>, %arg21: memref<!tpu.dma_semaphore, #tpu.memory_space<semaphore_mem>>, %arg22: memref<!tpu.dma_semaphore, #tpu.memory_space<semaphore_mem>>, %arg23: memref<!tpu.dma_semaphore, #tpu.memory_space<semaphore_mem>>, %arg24: memref<!tpu.dma_semaphore, #tpu.memory_space<semaphore_mem>>, %arg25: memref<!tpu.dma_semaphore, #tpu.memory_space<semaphore_mem>>, %arg26: memref<!tpu.dma_semaphore, #tpu.memory_space<semaphore_mem>>, %arg27: memref<!tpu.dma_semaphore, #tpu.memory_space<semaphore_mem>>, %arg28: memref<!tpu.dma_semaphore, #tpu.memory_space<semaphore_mem>>, %arg29: memref<!tpu.dma_semaphore, #tpu.memory_space<semaphore_mem>>) attributes {dimension_semantics = [#tpu.dimension_semantics<core_parallel>, #tpu.dimension_semantics<subcore_parallel>], iteration_bounds = array<i64: 2, 16>, scalar_prefetch = 0 : i64, scratch_operands = 24 : i64, tpu.core_type = #tpu.core_type<sc_vector_subcore>, window_params = [{transform_indices = #map}, {transform_indices = #map1}, {transform_indices = #map1}, {transform_indices = #map2}]} {
    %mul3A = arith.constant 2 : i32
    %mul3A_0 = arith.muli %arg1, %mul3A : i32
    %add3A = arith.addi %mul3A_0, %arg0 : i32
    %mul3A_1 = arith.constant 10000 : i32
    %mul3A_2 = arith.muli %add3A, %mul3A_1 : i32
    %dma_start3A = tpu.memref_slice %arg3[%mul3A_2] : memref<320000xi32, #tpu.memory_space<hbm>> -> memref<10000xi32, #tpu.memory_space<hbm>>
    %dma_start3A_3 = tpu.memref_slice %arg3[%mul3A_2] : memref<320000xi32, #tpu.memory_space<hbm>> -> memref<10000xi32, #tpu.memory_space<hbm>>
    tpu.enqueue_dma source(%dma_start3A_3 : memref<10000xi32, #tpu.memory_space<hbm>>) target(%arg6 : memref<10000xi32, #tpu.memory_space<vmem>>) target_semaphore(%arg29 : memref<!tpu.dma_semaphore, #tpu.memory_space<semaphore_mem>>)
    %scan3A = arith.constant 0 : i32
    %scan3A_4 = arith.constant 0 : i32
    %scan3A_5 = arith.constant 16 : i32
    %scan3A_6 = arith.addi %scan3A_4, %scan3A_5 : i32
    %scan3A_7 = arith.constant 1 : i32
    %scan3A_8 = scf.for %scan3A_146 = %scan3A_4 to %scan3A_6 step %scan3A_7 iter_args(%scan3A_147 = %scan3A) -> (i32)  : i32 {
      %scan3A_148 = arith.constant 0 : i32
      %scan3A_149 = arith.constant 0 : i32
      %scan3A_150 = arith.constant 8 : i32
      %scan3A_151 = arith.addi %scan3A_149, %scan3A_150 : i32
      %scan3A_152 = arith.constant 1 : i32
      %scan3A_153 = scf.for %scan3A_156 = %scan3A_149 to %scan3A_151 step %scan3A_152 iter_args(%scan3A_157 = %scan3A_148) -> (i32)  : i32 {
        %broadcast_in_dim3A = arith.constant 0.000000e+00 : f32
        %broadcast_in_dim3A_158 = vector.broadcast %broadcast_in_dim3A : f32 to vector<16xf32>
        %mul3A_159 = arith.constant 16 : i32
        %mul3A_160 = arith.muli %scan3A_156, %mul3A_159 : i32
        %swap3A = arith.index_cast %scan3A_146 : i32 to index
        %swap3A_161 = arith.index_cast %mul3A_160 : i32 to index
        %swap3A_162 = tpu.vector_load %arg17[%swap3A, %swap3A_161] {strides = array<i32>} : memref<16x128xf32, #tpu.memory_space<vmem>>, vector<1x16xf32>,
        %swap3A_163 = vector.shape_cast %swap3A_162 : vector<1x16xf32> to vector<16xf32>
        %swap3A_164 = vector.shape_cast %broadcast_in_dim3A_158 : vector<16xf32> to vector<1x16xf32>
        tpu.vector_store %arg17[%swap3A, %swap3A_161], %swap3A_164 {strides = array<i32>} : memref<16x128xf32, #tpu.memory_space<vmem>>, vector<1x16xf32>,
        %scan3A_165 = arith.constant 0 : i32
        scf.yield %scan3A_165 : i32
      }
      %scan3A_154 = arith.constant 8 : i32
      %scan3A_155 = arith.constant 0 : i32
      scf.yield %scan3A_155 : i32
    }
    %scan3A_9 = arith.constant 16 : i32
    %mul3A_10 = arith.constant 640 : i32
    %mul3A_11 = arith.muli %arg1, %mul3A_10 : i32
    %add3A_12 = arith.constant 0 : i32
    %add3A_13 = arith.addi %mul3A_11, %add3A_12 : i32
    "tpu.region"() ({
      %run_scoped3A = tpu.sem_alloc : memref<!tpu.dma_semaphore, #tpu.memory_space<semaphore_mem>>
      %dma_start3A_146 = arith.constant 0 : i32
      %dma_start3A_147 = tpu.memref_slice %arg18[%add3A_13, %dma_start3A_146] : memref<10240x128xf32, #tpu.memory_space<vmem_shared>> -> memref<16x128xf32, #tpu.memory_space<vmem_shared>>
      %dma_start3A_148 = arith.constant 0 : i32
      %dma_start3A_149 = tpu.memref_slice %arg18[%add3A_13, %dma_start3A_148] : memref<10240x128xf32, #tpu.memory_space<vmem_shared>> -> memref<16x128xf32, #tpu.memory_space<vmem_shared>>
      tpu.enqueue_dma source(%arg17 : memref<16x128xf32, #tpu.memory_space<vmem>>) target(%dma_start3A_149 : memref<16x128xf32, #tpu.memory_space<vmem_shared>>) target_semaphore(%run_scoped3A : memref<!tpu.dma_semaphore, #tpu.memory_space<semaphore_mem>>)
      %dma_wait3A_150 = arith.constant 0 : i32
      %dma_wait3A_151 = tpu.memref_slice %arg18[%add3A_13, %dma_wait3A_150] : memref<10240x128xf32, #tpu.memory_space<vmem_shared>> -> memref<16x128xf32, #tpu.memory_space<vmem_shared>>
      %dma_wait3A_152 = arith.constant 0 : i32
      %dma_wait3A_153 = tpu.memref_slice %arg18[%add3A_13, %dma_wait3A_152] : memref<10240x128xf32, #tpu.memory_space<vmem_shared>> -> memref<16x128xf32, #tpu.memory_space<vmem_shared>>
      tpu.wait_dma2 semaphore(%run_scoped3A : memref<!tpu.dma_semaphore, #tpu.memory_space<semaphore_mem>>) src(%arg17 : memref<16x128xf32, #tpu.memory_space<vmem>>) dst(%dma_wait3A_153 : memref<16x128xf32, #tpu.memory_space<vmem_shared>>)
      tpu.yield
    }) : () -> ()
    %add3A_14 = arith.constant 16 : i32
    %add3A_15 = arith.addi %mul3A_11, %add3A_14 : i32
    "tpu.region"() ({
      %run_scoped3A = tpu.sem_alloc : memref<!tpu.dma_semaphore, #tpu.memory_space<semaphore_mem>>
      %dma_start3A_146 = arith.constant 0 : i32
      %dma_start3A_147 = tpu.memref_slice %arg18[%add3A_15, %dma_start3A_146] : memref<10240x128xf32, #tpu.memory_space<vmem_shared>> -> memref<16x128xf32, #tpu.memory_space<vmem_shared>>
      %dma_start3A_148 = arith.constant 0 : i32
      %dma_start3A_149 = tpu.memref_slice %arg18[%add3A_15, %dma_start3A_148] : memref<10240x128xf32, #tpu.memory_space<vmem_shared>> -> memref<16x128xf32, #tpu.memory_space<vmem_shared>>
      tpu.enqueue_dma source(%arg17 : memref<16x128xf32, #tpu.memory_space<vmem>>) target(%dma_start3A_149 : memref<16x128xf32, #tpu.memory_space<vmem_shared>>) target_semaphore(%run_scoped3A : memref<!tpu.dma_semaphore, #tpu.memory_space<semaphore_mem>>)
      %dma_wait3A_150 = arith.constant 0 : i32
      %dma_wait3A_151 = tpu.memref_slice %arg18[%add3A_15, %dma_wait3A_150] : memref<10240x128xf32, #tpu.memory_space<vmem_shared>> -> memref<16x128xf32, #tpu.memory_space<vmem_shared>>
      %dma_wait3A_152 = arith.constant 0 : i32
      %dma_wait3A_153 = tpu.memref_slice %arg18[%add3A_15, %dma_wait3A_152] : memref<10240x128xf32, #tpu.memory_space<vmem_shared>> -> memref<16x128xf32, #tpu.memory_space<vmem_shared>>
      tpu.wait_dma2 semaphore(%run_scoped3A : memref<!tpu.dma_semaphore, #tpu.memory_space<semaphore_mem>>) src(%arg17 : memref<16x128xf32, #tpu.memory_space<vmem>>) dst(%dma_wait3A_153 : memref<16x128xf32, #tpu.memory_space<vmem_shared>>)
      tpu.yield
    }) : () -> ()
    %add3A_16 = arith.constant 32 : i32
    %add3A_17 = arith.addi %mul3A_11, %add3A_16 : i32
    "tpu.region"() ({
      %run_scoped3A = tpu.sem_alloc : memref<!tpu.dma_semaphore, #tpu.memory_space<semaphore_mem>>
      %dma_start3A_146 = arith.constant 0 : i32
      %dma_start3A_147 = tpu.memref_slice %arg18[%add3A_17, %dma_start3A_146] : memref<10240x128xf32, #tpu.memory_space<vmem_shared>> -> memref<16x128xf32, #tpu.memory_space<vmem_shared>>
      %dma_start3A_148 = arith.constant 0 : i32
      %dma_start3A_149 = tpu.memref_slice %arg18[%add3A_17, %dma_start3A_148] : memref<10240x128xf32, #tpu.memory_space<vmem_shared>> -> memref<16x128xf32, #tpu.memory_space<vmem_shared>>
      tpu.enqueue_dma source(%arg17 : memref<16x128xf32, #tpu.memory_space<vmem>>) target(%dma_start3A_149 : memref<16x128xf32, #tpu.memory_space<vmem_shared>>) target_semaphore(%run_scoped3A : memref<!tpu.dma_semaphore, #tpu.memory_space<semaphore_mem>>)
      %dma_wait3A_150 = arith.constant 0 : i32
      %dma_wait3A_151 = tpu.memref_slice %arg18[%add3A_17, %dma_wait3A_150] : memref<10240x128xf32, #tpu.memory_space<vmem_shared>> -> memref<16x128xf32, #tpu.memory_space<vmem_shared>>
      %dma_wait3A_152 = arith.constant 0 : i32
      %dma_wait3A_153 = tpu.memref_slice %arg18[%add3A_17, %dma_wait3A_152] : memref<10240x128xf32, #tpu.memory_space<vmem_shared>> -> memref<16x128xf32, #tpu.memory_space<vmem_shared>>
      tpu.wait_dma2 semaphore(%run_scoped3A : memref<!tpu.dma_semaphore, #tpu.memory_space<semaphore_mem>>) src(%arg17 : memref<16x128xf32, #tpu.memory_space<vmem>>) dst(%dma_wait3A_153 : memref<16x128xf32, #tpu.memory_space<vmem_shared>>)
      tpu.yield
    }) : () -> ()
    %add3A_18 = arith.constant 48 : i32
    %add3A_19 = arith.addi %mul3A_11, %add3A_18 : i32
    "tpu.region"() ({
      %run_scoped3A = tpu.sem_alloc : memref<!tpu.dma_semaphore, #tpu.memory_space<semaphore_mem>>
      %dma_start3A_146 = arith.constant 0 : i32
      %dma_start3A_147 = tpu.memref_slice %arg18[%add3A_19, %dma_start3A_146] : memref<10240x128xf32, #tpu.memory_space<vmem_shared>> -> memref<16x128xf32, #tpu.memory_space<vmem_shared>>
      %dma_start3A_148 = arith.constant 0 : i32
      %dma_start3A_149 = tpu.memref_slice %arg18[%add3A_19, %dma_start3A_148] : memref<10240x128xf32, #tpu.memory_space<vmem_shared>> -> memref<16x128xf32, #tpu.memory_space<vmem_shared>>
      tpu.enqueue_dma source(%arg17 : memref<16x128xf32, #tpu.memory_space<vmem>>) target(%dma_start3A_149 : memref<16x128xf32, #tpu.memory_space<vmem_shared>>) target_semaphore(%run_scoped3A : memref<!tpu.dma_semaphore, #tpu.memory_space<semaphore_mem>>)
      %dma_wait3A_150 = arith.constant 0 : i32
      %dma_wait3A_151 = tpu.memref_slice %arg18[%add3A_19, %dma_wait3A_150] : memref<10240x128xf32, #tpu.memory_space<vmem_shared>> -> memref<16x128xf32, #tpu.memory_space<vmem_shared>>
      %dma_wait3A_152 = arith.constant 0 : i32
      %dma_wait3A_153 = tpu.memref_slice %arg18[%add3A_19, %dma_wait3A_152] : memref<10240x128xf32, #tpu.memory_space<vmem_shared>> -> memref<16x128xf32, #tpu.memory_space<vmem_shared>>
      tpu.wait_dma2 semaphore(%run_scoped3A : memref<!tpu.dma_semaphore, #tpu.memory_space<semaphore_mem>>) src(%arg17 : memref<16x128xf32, #tpu.memory_space<vmem>>) dst(%dma_wait3A_153 : memref<16x128xf32, #tpu.memory_space<vmem_shared>>)
      tpu.yield
    }) : () -> ()
    %add3A_20 = arith.constant 64 : i32
    %add3A_21 = arith.addi %mul3A_11, %add3A_20 : i32
    "tpu.region"() ({
      %run_scoped3A = tpu.sem_alloc : memref<!tpu.dma_semaphore, #tpu.memory_space<semaphore_mem>>
      %dma_start3A_146 = arith.constant 0 : i32
      %dma_start3A_147 = tpu.memref_slice %arg18[%add3A_21, %dma_start3A_146] : memref<10240x128xf32, #tpu.memory_space<vmem_shared>> -> memref<16x128xf32, #tpu.memory_space<vmem_shared>>
      %dma_start3A_148 = arith.constant 0 : i32
      %dma_start3A_149 = tpu.memref_slice %arg18[%add3A_21, %dma_start3A_148] : memref<10240x128xf32, #tpu.memory_space<vmem_shared>> -> memref<16x128xf32, #tpu.memory_space<vmem_shared>>
      tpu.enqueue_dma source(%arg17 : memref<16x128xf32, #tpu.memory_space<vmem>>) target(%dma_start3A_149 : memref<16x128xf32, #tpu.memory_space<vmem_shared>>) target_semaphore(%run_scoped3A : memref<!tpu.dma_semaphore, #tpu.memory_space<semaphore_mem>>)
      %dma_wait3A_150 = arith.constant 0 : i32
      %dma_wait3A_151 = tpu.memref_slice %arg18[%add3A_21, %dma_wait3A_150] : memref<10240x128xf32, #tpu.memory_space<vmem_shared>> -> memref<16x128xf32, #tpu.memory_space<vmem_shared>>
      %dma_wait3A_152 = arith.constant 0 : i32
      %dma_wait3A_153 = tpu.memref_slice %arg18[%add3A_21, %dma_wait3A_152] : memref<10240x128xf32, #tpu.memory_space<vmem_shared>> -> memref<16x128xf32, #tpu.memory_space<vmem_shared>>
      tpu.wait_dma2 semaphore(%run_scoped3A : memref<!tpu.dma_semaphore, #tpu.memory_space<semaphore_mem>>) src(%arg17 : memref<16x128xf32, #tpu.memory_space<vmem>>) dst(%dma_wait3A_153 : memref<16x128xf32, #tpu.memory_space<vmem_shared>>)
      tpu.yield
    }) : () -> ()
    %add3A_22 = arith.constant 80 : i32
    %add3A_23 = arith.addi %mul3A_11, %add3A_22 : i32
    "tpu.region"() ({
      %run_scoped3A = tpu.sem_alloc : memref<!tpu.dma_semaphore, #tpu.memory_space<semaphore_mem>>
      %dma_start3A_146 = arith.constant 0 : i32
      %dma_start3A_147 = tpu.memref_slice %arg18[%add3A_23, %dma_start3A_146] : memref<10240x128xf32, #tpu.memory_space<vmem_shared>> -> memref<16x128xf32, #tpu.memory_space<vmem_shared>>
      %dma_start3A_148 = arith.constant 0 : i32
      %dma_start3A_149 = tpu.memref_slice %arg18[%add3A_23, %dma_start3A_148] : memref<10240x128xf32, #tpu.memory_space<vmem_shared>> -> memref<16x128xf32, #tpu.memory_space<vmem_shared>>
      tpu.enqueue_dma source(%arg17 : memref<16x128xf32, #tpu.memory_space<vmem>>) target(%dma_start3A_149 : memref<16x128xf32, #tpu.memory_space<vmem_shared>>) target_semaphore(%run_scoped3A : memref<!tpu.dma_semaphore, #tpu.memory_space<semaphore_mem>>)
      %dma_wait3A_150 = arith.constant 0 : i32
      %dma_wait3A_151 = tpu.memref_slice %arg18[%add3A_23, %dma_wait3A_150] : memref<10240x128xf32, #tpu.memory_space<vmem_shared>> -> memref<16x128xf32, #tpu.memory_space<vmem_shared>>
      %dma_wait3A_152 = arith.constant 0 : i32
      %dma_wait3A_153 = tpu.memref_slice %arg18[%add3A_23, %dma_wait3A_152] : memref<10240x128xf32, #tpu.memory_space<vmem_shared>> -> memref<16x128xf32, #tpu.memory_space<vmem_shared>>
      tpu.wait_dma2 semaphore(%run_scoped3A : memref<!tpu.dma_semaphore, #tpu.memory_space<semaphore_mem>>) src(%arg17 : memref<16x128xf32, #tpu.memory_space<vmem>>) dst(%dma_wait3A_153 : memref<16x128xf32, #tpu.memory_space<vmem_shared>>)
      tpu.yield
    }) : () -> ()
    %add3A_24 = arith.constant 96 : i32
    %add3A_25 = arith.addi %mul3A_11, %add3A_24 : i32
    "tpu.region"() ({
      %run_scoped3A = tpu.sem_alloc : memref<!tpu.dma_semaphore, #tpu.memory_space<semaphore_mem>>
      %dma_start3A_146 = arith.constant 0 : i32
      %dma_start3A_147 = tpu.memref_slice %arg18[%add3A_25, %dma_start3A_146] : memref<10240x128xf32, #tpu.memory_space<vmem_shared>> -> memref<16x128xf32, #tpu.memory_space<vmem_shared>>
      %dma_start3A_148 = arith.constant 0 : i32
      %dma_start3A_149 = tpu.memref_slice %arg18[%add3A_25, %dma_start3A_148] : memref<10240x128xf32, #tpu.memory_space<vmem_shared>> -> memref<16x128xf32, #tpu.memory_space<vmem_shared>>
      tpu.enqueue_dma source(%arg17 : memref<16x128xf32, #tpu.memory_space<vmem>>) target(%dma_start3A_149 : memref<16x128xf32, #tpu.memory_space<vmem_shared>>) target_semaphore(%run_scoped3A : memref<!tpu.dma_semaphore, #tpu.memory_space<semaphore_mem>>)
      %dma_wait3A_150 = arith.constant 0 : i32
      %dma_wait3A_151 = tpu.memref_slice %arg18[%add3A_25, %dma_wait3A_150] : memref<10240x128xf32, #tpu.memory_space<vmem_shared>> -> memref<16x128xf32, #tpu.memory_space<vmem_shared>>
      %dma_wait3A_152 = arith.constant 0 : i32
      %dma_wait3A_153 = tpu.memref_slice %arg18[%add3A_25, %dma_wait3A_152] : memref<10240x128xf32, #tpu.memory_space<vmem_shared>> -> memref<16x128xf32, #tpu.memory_space<vmem_shared>>
      tpu.wait_dma2 semaphore(%run_scoped3A : memref<!tpu.dma_semaphore, #tpu.memory_space<semaphore_mem>>) src(%arg17 : memref<16x128xf32, #tpu.memory_space<vmem>>) dst(%dma_wait3A_153 : memref<16x128xf32, #tpu.memory_space<vmem_shared>>)
      tpu.yield
    }) : () -> ()
    %add3A_26 = arith.constant 112 : i32
    %add3A_27 = arith.addi %mul3A_11, %add3A_26 : i32
    "tpu.region"() ({
      %run_scoped3A = tpu.sem_alloc : memref<!tpu.dma_semaphore, #tpu.memory_space<semaphore_mem>>
      %dma_start3A_146 = arith.constant 0 : i32
      %dma_start3A_147 = tpu.memref_slice %arg18[%add3A_27, %dma_start3A_146] : memref<10240x128xf32, #tpu.memory_space<vmem_shared>> -> memref<16x128xf32, #tpu.memory_space<vmem_shared>>
      %dma_start3A_148 = arith.constant 0 : i32
      %dma_start3A_149 = tpu.memref_slice %arg18[%add3A_27, %dma_start3A_148] : memref<10240x128xf32, #tpu.memory_space<vmem_shared>> -> memref<16x128xf32, #tpu.memory_space<vmem_shared>>
      tpu.enqueue_dma source(%arg17 : memref<16x128xf32, #tpu.memory_space<vmem>>) target(%dma_start3A_149 : memref<16x128xf32, #tpu.memory_space<vmem_shared>>) target_semaphore(%run_scoped3A : memref<!tpu.dma_semaphore, #tpu.memory_space<semaphore_mem>>)
      %dma_wait3A_150 = arith.constant 0 : i32
      %dma_wait3A_151 = tpu.memref_slice %arg18[%add3A_27, %dma_wait3A_150] : memref<10240x128xf32, #tpu.memory_space<vmem_shared>> -> memref<16x128xf32, #tpu.memory_space<vmem_shared>>
      %dma_wait3A_152 = arith.constant 0 : i32
      %dma_wait3A_153 = tpu.memref_slice %arg18[%add3A_27, %dma_wait3A_152] : memref<10240x128xf32, #tpu.memory_space<vmem_shared>> -> memref<16x128xf32, #tpu.memory_space<vmem_shared>>
      tpu.wait_dma2 semaphore(%run_scoped3A : memref<!tpu.dma_semaphore, #tpu.memory_space<semaphore_mem>>) src(%arg17 : memref<16x128xf32, #tpu.memory_space<vmem>>) dst(%dma_wait3A_153 : memref<16x128xf32, #tpu.memory_space<vmem_shared>>)
      tpu.yield
    }) : () -> ()
    %add3A_28 = arith.constant 128 : i32
    %add3A_29 = arith.addi %mul3A_11, %add3A_28 : i32
    "tpu.region"() ({
      %run_scoped3A = tpu.sem_alloc : memref<!tpu.dma_semaphore, #tpu.memory_space<semaphore_mem>>
      %dma_start3A_146 = arith.constant 0 : i32
      %dma_start3A_147 = tpu.memref_slice %arg18[%add3A_29, %dma_start3A_146] : memref<10240x128xf32, #tpu.memory_space<vmem_shared>> -> memref<16x128xf32, #tpu.memory_space<vmem_shared>>
      %dma_start3A_148 = arith.constant 0 : i32
      %dma_start3A_149 = tpu.memref_slice %arg18[%add3A_29, %dma_start3A_148] : memref<10240x128xf32, #tpu.memory_space<vmem_shared>> -> memref<16x128xf32, #tpu.memory_space<vmem_shared>>
      tpu.enqueue_dma source(%arg17 : memref<16x128xf32, #tpu.memory_space<vmem>>) target(%dma_start3A_149 : memref<16x128xf32, #tpu.memory_space<vmem_shared>>) target_semaphore(%run_scoped3A : memref<!tpu.dma_semaphore, #tpu.memory_space<semaphore_mem>>)
      %dma_wait3A_150 = arith.constant 0 : i32
      %dma_wait3A_151 = tpu.memref_slice %arg18[%add3A_29, %dma_wait3A_150] : memref<10240x128xf32, #tpu.memory_space<vmem_shared>> -> memref<16x128xf32, #tpu.memory_space<vmem_shared>>
      %dma_wait3A_152 = arith.constant 0 : i32
      %dma_wait3A_153 = tpu.memref_slice %arg18[%add3A_29, %dma_wait3A_152] : memref<10240x128xf32, #tpu.memory_space<vmem_shared>> -> memref<16x128xf32, #tpu.memory_space<vmem_shared>>
      tpu.wait_dma2 semaphore(%run_scoped3A : memref<!tpu.dma_semaphore, #tpu.memory_space<semaphore_mem>>) src(%arg17 : memref<16x128xf32, #tpu.memory_space<vmem>>) dst(%dma_wait3A_153 : memref<16x128xf32, #tpu.memory_space<vmem_shared>>)
      tpu.yield
    }) : () -> ()
    %add3A_30 = arith.constant 144 : i32
    %add3A_31 = arith.addi %mul3A_11, %add3A_30 : i32
    "tpu.region"() ({
      %run_scoped3A = tpu.sem_alloc : memref<!tpu.dma_semaphore, #tpu.memory_space<semaphore_mem>>
      %dma_start3A_146 = arith.constant 0 : i32
      %dma_start3A_147 = tpu.memref_slice %arg18[%add3A_31, %dma_start3A_146] : memref<10240x128xf32, #tpu.memory_space<vmem_shared>> -> memref<16x128xf32, #tpu.memory_space<vmem_shared>>
      %dma_start3A_148 = arith.constant 0 : i32
      %dma_start3A_149 = tpu.memref_slice %arg18[%add3A_31, %dma_start3A_148] : memref<10240x128xf32, #tpu.memory_space<vmem_shared>> -> memref<16x128xf32, #tpu.memory_space<vmem_shared>>
      tpu.enqueue_dma source(%arg17 : memref<16x128xf32, #tpu.memory_space<vmem>>) target(%dma_start3A_149 : memref<16x128xf32, #tpu.memory_space<vmem_shared>>) target_semaphore(%run_scoped3A : memref<!tpu.dma_semaphore, #tpu.memory_space<semaphore_mem>>)
      %dma_wait3A_150 = arith.constant 0 : i32
      %dma_wait3A_151 = tpu.memref_slice %arg18[%add3A_31, %dma_wait3A_150] : memref<10240x128xf32, #tpu.memory_space<vmem_shared>> -> memref<16x128xf32, #tpu.memory_space<vmem_shared>>
      %dma_wait3A_152 = arith.constant 0 : i32
      %dma_wait3A_153 = tpu.memref_slice %arg18[%add3A_31, %dma_wait3A_152] : memref<10240x128xf32, #tpu.memory_space<vmem_shared>> -> memref<16x128xf32, #tpu.memory_space<vmem_shared>>
      tpu.wait_dma2 semaphore(%run_scoped3A : memref<!tpu.dma_semaphore, #tpu.memory_space<semaphore_mem>>) src(%arg17 : memref<16x128xf32, #tpu.memory_space<vmem>>) dst(%dma_wait3A_153 : memref<16x128xf32, #tpu.memory_space<vmem_shared>>)
      tpu.yield
    }) : () -> ()
    %add3A_32 = arith.constant 160 : i32
    %add3A_33 = arith.addi %mul3A_11, %add3A_32 : i32
    "tpu.region"() ({
      %run_scoped3A = tpu.sem_alloc : memref<!tpu.dma_semaphore, #tpu.memory_space<semaphore_mem>>
      %dma_start3A_146 = arith.constant 0 : i32
      %dma_start3A_147 = tpu.memref_slice %arg18[%add3A_33, %dma_start3A_146] : memref<10240x128xf32, #tpu.memory_space<vmem_shared>> -> memref<16x128xf32, #tpu.memory_space<vmem_shared>>
      %dma_start3A_148 = arith.constant 0 : i32
      %dma_start3A_149 = tpu.memref_slice %arg18[%add3A_33, %dma_start3A_148] : memref<10240x128xf32, #tpu.memory_space<vmem_shared>> -> memref<16x128xf32, #tpu.memory_space<vmem_shared>>
      tpu.enqueue_dma source(%arg17 : memref<16x128xf32, #tpu.memory_space<vmem>>) target(%dma_start3A_149 : memref<16x128xf32, #tpu.memory_space<vmem_shared>>) target_semaphore(%run_scoped3A : memref<!tpu.dma_semaphore, #tpu.memory_space<semaphore_mem>>)
      %dma_wait3A_150 = arith.constant 0 : i32
      %dma_wait3A_151 = tpu.memref_slice %arg18[%add3A_33, %dma_wait3A_150] : memref<10240x128xf32, #tpu.memory_space<vmem_shared>> -> memref<16x128xf32, #tpu.memory_space<vmem_shared>>
      %dma_wait3A_152 = arith.constant 0 : i32
      %dma_wait3A_153 = tpu.memref_slice %arg18[%add3A_33, %dma_wait3A_152] : memref<10240x128xf32, #tpu.memory_space<vmem_shared>> -> memref<16x128xf32, #tpu.memory_space<vmem_shared>>
      tpu.wait_dma2 semaphore(%run_scoped3A : memref<!tpu.dma_semaphore, #tpu.memory_space<semaphore_mem>>) src(%arg17 : memref<16x128xf32, #tpu.memory_space<vmem>>) dst(%dma_wait3A_153 : memref<16x128xf32, #tpu.memory_space<vmem_shared>>)
      tpu.yield
    }) : () -> ()
    %add3A_34 = arith.constant 176 : i32
    %add3A_35 = arith.addi %mul3A_11, %add3A_34 : i32
    "tpu.region"() ({
      %run_scoped3A = tpu.sem_alloc : memref<!tpu.dma_semaphore, #tpu.memory_space<semaphore_mem>>
      %dma_start3A_146 = arith.constant 0 : i32
      %dma_start3A_147 = tpu.memref_slice %arg18[%add3A_35, %dma_start3A_146] : memref<10240x128xf32, #tpu.memory_space<vmem_shared>> -> memref<16x128xf32, #tpu.memory_space<vmem_shared>>
      %dma_start3A_148 = arith.constant 0 : i32
      %dma_start3A_149 = tpu.memref_slice %arg18[%add3A_35, %dma_start3A_148] : memref<10240x128xf32, #tpu.memory_space<vmem_shared>> -> memref<16x128xf32, #tpu.memory_space<vmem_shared>>
      tpu.enqueue_dma source(%arg17 : memref<16x128xf32, #tpu.memory_space<vmem>>) target(%dma_start3A_149 : memref<16x128xf32, #tpu.memory_space<vmem_shared>>) target_semaphore(%run_scoped3A : memref<!tpu.dma_semaphore, #tpu.memory_space<semaphore_mem>>)
      %dma_wait3A_150 = arith.constant 0 : i32
      %dma_wait3A_151 = tpu.memref_slice %arg18[%add3A_35, %dma_wait3A_150] : memref<10240x128xf32, #tpu.memory_space<vmem_shared>> -> memref<16x128xf32, #tpu.memory_space<vmem_shared>>
      %dma_wait3A_152 = arith.constant 0 : i32
      %dma_wait3A_153 = tpu.memref_slice %arg18[%add3A_35, %dma_wait3A_152] : memref<10240x128xf32, #tpu.memory_space<vmem_shared>> -> memref<16x128xf32, #tpu.memory_space<vmem_shared>>
      tpu.wait_dma2 semaphore(%run_scoped3A : memref<!tpu.dma_semaphore, #tpu.memory_space<semaphore_mem>>) src(%arg17 : memref<16x128xf32, #tpu.memory_space<vmem>>) dst(%dma_wait3A_153 : memref<16x128xf32, #tpu.memory_space<vmem_shared>>)
      tpu.yield
    }) : () -> ()
    %add3A_36 = arith.constant 192 : i32
    %add3A_37 = arith.addi %mul3A_11, %add3A_36 : i32
    "tpu.region"() ({
      %run_scoped3A = tpu.sem_alloc : memref<!tpu.dma_semaphore, #tpu.memory_space<semaphore_mem>>
      %dma_start3A_146 = arith.constant 0 : i32
      %dma_start3A_147 = tpu.memref_slice %arg18[%add3A_37, %dma_start3A_146] : memref<10240x128xf32, #tpu.memory_space<vmem_shared>> -> memref<16x128xf32, #tpu.memory_space<vmem_shared>>
      %dma_start3A_148 = arith.constant 0 : i32
      %dma_start3A_149 = tpu.memref_slice %arg18[%add3A_37, %dma_start3A_148] : memref<10240x128xf32, #tpu.memory_space<vmem_shared>> -> memref<16x128xf32, #tpu.memory_space<vmem_shared>>
      tpu.enqueue_dma source(%arg17 : memref<16x128xf32, #tpu.memory_space<vmem>>) target(%dma_start3A_149 : memref<16x128xf32, #tpu.memory_space<vmem_shared>>) target_semaphore(%run_scoped3A : memref<!tpu.dma_semaphore, #tpu.memory_space<semaphore_mem>>)
      %dma_wait3A_150 = arith.constant 0 : i32
      %dma_wait3A_151 = tpu.memref_slice %arg18[%add3A_37, %dma_wait3A_150] : memref<10240x128xf32, #tpu.memory_space<vmem_shared>> -> memref<16x128xf32, #tpu.memory_space<vmem_shared>>
      %dma_wait3A_152 = arith.constant 0 : i32
      %dma_wait3A_153 = tpu.memref_slice %arg18[%add3A_37, %dma_wait3A_152] : memref<10240x128xf32, #tpu.memory_space<vmem_shared>> -> memref<16x128xf32, #tpu.memory_space<vmem_shared>>
      tpu.wait_dma2 semaphore(%run_scoped3A : memref<!tpu.dma_semaphore, #tpu.memory_space<semaphore_mem>>) src(%arg17 : memref<16x128xf32, #tpu.memory_space<vmem>>) dst(%dma_wait3A_153 : memref<16x128xf32, #tpu.memory_space<vmem_shared>>)
      tpu.yield
    }) : () -> ()
    %add3A_38 = arith.constant 208 : i32
    %add3A_39 = arith.addi %mul3A_11, %add3A_38 : i32
    "tpu.region"() ({
      %run_scoped3A = tpu.sem_alloc : memref<!tpu.dma_semaphore, #tpu.memory_space<semaphore_mem>>
      %dma_start3A_146 = arith.constant 0 : i32
      %dma_start3A_147 = tpu.memref_slice %arg18[%add3A_39, %dma_start3A_146] : memref<10240x128xf32, #tpu.memory_space<vmem_shared>> -> memref<16x128xf32, #tpu.memory_space<vmem_shared>>
      %dma_start3A_148 = arith.constant 0 : i32
      %dma_start3A_149 = tpu.memref_slice %arg18[%add3A_39, %dma_start3A_148] : memref<10240x128xf32, #tpu.memory_space<vmem_shared>> -> memref<16x128xf32, #tpu.memory_space<vmem_shared>>
      tpu.enqueue_dma source(%arg17 : memref<16x128xf32, #tpu.memory_space<vmem>>) target(%dma_start3A_149 : memref<16x128xf32, #tpu.memory_space<vmem_shared>>) target_semaphore(%run_scoped3A : memref<!tpu.dma_semaphore, #tpu.memory_space<semaphore_mem>>)
      %dma_wait3A_150 = arith.constant 0 : i32
      %dma_wait3A_151 = tpu.memref_slice %arg18[%add3A_39, %dma_wait3A_150] : memref<10240x128xf32, #tpu.memory_space<vmem_shared>> -> memref<16x128xf32, #tpu.memory_space<vmem_shared>>
      %dma_wait3A_152 = arith.constant 0 : i32
      %dma_wait3A_153 = tpu.memref_slice %arg18[%add3A_39, %dma_wait3A_152] : memref<10240x128xf32, #tpu.memory_space<vmem_shared>> -> memref<16x128xf32, #tpu.memory_space<vmem_shared>>
      tpu.wait_dma2 semaphore(%run_scoped3A : memref<!tpu.dma_semaphore, #tpu.memory_space<semaphore_mem>>) src(%arg17 : memref<16x128xf32, #tpu.memory_space<vmem>>) dst(%dma_wait3A_153 : memref<16x128xf32, #tpu.memory_space<vmem_shared>>)
      tpu.yield
    }) : () -> ()
    %add3A_40 = arith.constant 224 : i32
    %add3A_41 = arith.addi %mul3A_11, %add3A_40 : i32
    "tpu.region"() ({
      %run_scoped3A = tpu.sem_alloc : memref<!tpu.dma_semaphore, #tpu.memory_space<semaphore_mem>>
      %dma_start3A_146 = arith.constant 0 : i32
      %dma_start3A_147 = tpu.memref_slice %arg18[%add3A_41, %dma_start3A_146] : memref<10240x128xf32, #tpu.memory_space<vmem_shared>> -> memref<16x128xf32, #tpu.memory_space<vmem_shared>>
      %dma_start3A_148 = arith.constant 0 : i32
      %dma_start3A_149 = tpu.memref_slice %arg18[%add3A_41, %dma_start3A_148] : memref<10240x128xf32, #tpu.memory_space<vmem_shared>> -> memref<16x128xf32, #tpu.memory_space<vmem_shared>>
      tpu.enqueue_dma source(%arg17 : memref<16x128xf32, #tpu.memory_space<vmem>>) target(%dma_start3A_149 : memref<16x128xf32, #tpu.memory_space<vmem_shared>>) target_semaphore(%run_scoped3A : memref<!tpu.dma_semaphore, #tpu.memory_space<semaphore_mem>>)
      %dma_wait3A_150 = arith.constant 0 : i32
      %dma_wait3A_151 = tpu.memref_slice %arg18[%add3A_41, %dma_wait3A_150] : memref<10240x128xf32, #tpu.memory_space<vmem_shared>> -> memref<16x128xf32, #tpu.memory_space<vmem_shared>>
      %dma_wait3A_152 = arith.constant 0 : i32
      %dma_wait3A_153 = tpu.memref_slice %arg18[%add3A_41, %dma_wait3A_152] : memref<10240x128xf32, #tpu.memory_space<vmem_shared>> -> memref<16x128xf32, #tpu.memory_space<vmem_shared>>
      tpu.wait_dma2 semaphore(%run_scoped3A : memref<!tpu.dma_semaphore, #tpu.memory_space<semaphore_mem>>) src(%arg17 : memref<16x128xf32, #tpu.memory_space<vmem>>) dst(%dma_wait3A_153 : memref<16x128xf32, #tpu.memory_space<vmem_shared>>)
      tpu.yield
    }) : () -> ()
    %add3A_42 = arith.constant 240 : i32
    %add3A_43 = arith.addi %mul3A_11, %add3A_42 : i32
    "tpu.region"() ({
      %run_scoped3A = tpu.sem_alloc : memref<!tpu.dma_semaphore, #tpu.memory_space<semaphore_mem>>
      %dma_start3A_146 = arith.constant 0 : i32
      %dma_start3A_147 = tpu.memref_slice %arg18[%add3A_43, %dma_start3A_146] : memref<10240x128xf32, #tpu.memory_space<vmem_shared>> -> memref<16x128xf32, #tpu.memory_space<vmem_shared>>
      %dma_start3A_148 = arith.constant 0 : i32
      %dma_start3A_149 = tpu.memref_slice %arg18[%add3A_43, %dma_start3A_148] : memref<10240x128xf32, #tpu.memory_space<vmem_shared>> -> memref<16x128xf32, #tpu.memory_space<vmem_shared>>
      tpu.enqueue_dma source(%arg17 : memref<16x128xf32, #tpu.memory_space<vmem>>) target(%dma_start3A_149 : memref<16x128xf32, #tpu.memory_space<vmem_shared>>) target_semaphore(%run_scoped3A : memref<!tpu.dma_semaphore, #tpu.memory_space<semaphore_mem>>)
      %dma_wait3A_150 = arith.constant 0 : i32
      %dma_wait3A_151 = tpu.memref_slice %arg18[%add3A_43, %dma_wait3A_150] : memref<10240x128xf32, #tpu.memory_space<vmem_shared>> -> memref<16x128xf32, #tpu.memory_space<vmem_shared>>
      %dma_wait3A_152 = arith.constant 0 : i32
      %dma_wait3A_153 = tpu.memref_slice %arg18[%add3A_43, %dma_wait3A_152] : memref<10240x128xf32, #tpu.memory_space<vmem_shared>> -> memref<16x128xf32, #tpu.memory_space<vmem_shared>>
      tpu.wait_dma2 semaphore(%run_scoped3A : memref<!tpu.dma_semaphore, #tpu.memory_space<semaphore_mem>>) src(%arg17 : memref<16x128xf32, #tpu.memory_space<vmem>>) dst(%dma_wait3A_153 : memref<16x128xf32, #tpu.memory_space<vmem_shared>>)
      tpu.yield
    }) : () -> ()
    %add3A_44 = arith.constant 256 : i32
    %add3A_45 = arith.addi %mul3A_11, %add3A_44 : i32
    "tpu.region"() ({
      %run_scoped3A = tpu.sem_alloc : memref<!tpu.dma_semaphore, #tpu.memory_space<semaphore_mem>>
      %dma_start3A_146 = arith.constant 0 : i32
      %dma_start3A_147 = tpu.memref_slice %arg18[%add3A_45, %dma_start3A_146] : memref<10240x128xf32, #tpu.memory_space<vmem_shared>> -> memref<16x128xf32, #tpu.memory_space<vmem_shared>>
      %dma_start3A_148 = arith.constant 0 : i32
      %dma_start3A_149 = tpu.memref_slice %arg18[%add3A_45, %dma_start3A_148] : memref<10240x128xf32, #tpu.memory_space<vmem_shared>> -> memref<16x128xf32, #tpu.memory_space<vmem_shared>>
      tpu.enqueue_dma source(%arg17 : memref<16x128xf32, #tpu.memory_space<vmem>>) target(%dma_start3A_149 : memref<16x128xf32, #tpu.memory_space<vmem_shared>>) target_semaphore(%run_scoped3A : memref<!tpu.dma_semaphore, #tpu.memory_space<semaphore_mem>>)
      %dma_wait3A_150 = arith.constant 0 : i32
      %dma_wait3A_151 = tpu.memref_slice %arg18[%add3A_45, %dma_wait3A_150] : memref<10240x128xf32, #tpu.memory_space<vmem_shared>> -> memref<16x128xf32, #tpu.memory_space<vmem_shared>>
      %dma_wait3A_152 = arith.constant 0 : i32
      %dma_wait3A_153 = tpu.memref_slice %arg18[%add3A_45, %dma_wait3A_152] : memref<10240x128xf32, #tpu.memory_space<vmem_shared>> -> memref<16x128xf32, #tpu.memory_space<vmem_shared>>
      tpu.wait_dma2 semaphore(%run_scoped3A : memref<!tpu.dma_semaphore, #tpu.memory_space<semaphore_mem>>) src(%arg17 : memref<16x128xf32, #tpu.memory_space<vmem>>) dst(%dma_wait3A_153 : memref<16x128xf32, #tpu.memory_space<vmem_shared>>)
      tpu.yield
    }) : () -> ()
    %add3A_46 = arith.constant 272 : i32
    %add3A_47 = arith.addi %mul3A_11, %add3A_46 : i32
    "tpu.region"() ({
      %run_scoped3A = tpu.sem_alloc : memref<!tpu.dma_semaphore, #tpu.memory_space<semaphore_mem>>
      %dma_start3A_146 = arith.constant 0 : i32
      %dma_start3A_147 = tpu.memref_slice %arg18[%add3A_47, %dma_start3A_146] : memref<10240x128xf32, #tpu.memory_space<vmem_shared>> -> memref<16x128xf32, #tpu.memory_space<vmem_shared>>
      %dma_start3A_148 = arith.constant 0 : i32
      %dma_start3A_149 = tpu.memref_slice %arg18[%add3A_47, %dma_start3A_148] : memref<10240x128xf32, #tpu.memory_space<vmem_shared>> -> memref<16x128xf32, #tpu.memory_space<vmem_shared>>
      tpu.enqueue_dma source(%arg17 : memref<16x128xf32, #tpu.memory_space<vmem>>) target(%dma_start3A_149 : memref<16x128xf32, #tpu.memory_space<vmem_shared>>) target_semaphore(%run_scoped3A : memref<!tpu.dma_semaphore, #tpu.memory_space<semaphore_mem>>)
      %dma_wait3A_150 = arith.constant 0 : i32
      %dma_wait3A_151 = tpu.memref_slice %arg18[%add3A_47, %dma_wait3A_150] : memref<10240x128xf32, #tpu.memory_space<vmem_shared>> -> memref<16x128xf32, #tpu.memory_space<vmem_shared>>
      %dma_wait3A_152 = arith.constant 0 : i32
      %dma_wait3A_153 = tpu.memref_slice %arg18[%add3A_47, %dma_wait3A_152] : memref<10240x128xf32, #tpu.memory_space<vmem_shared>> -> memref<16x128xf32, #tpu.memory_space<vmem_shared>>
      tpu.wait_dma2 semaphore(%run_scoped3A : memref<!tpu.dma_semaphore, #tpu.memory_space<semaphore_mem>>) src(%arg17 : memref<16x128xf32, #tpu.memory_space<vmem>>) dst(%dma_wait3A_153 : memref<16x128xf32, #tpu.memory_space<vmem_shared>>)
      tpu.yield
    }) : () -> ()
    %add3A_48 = arith.constant 288 : i32
    %add3A_49 = arith.addi %mul3A_11, %add3A_48 : i32
    "tpu.region"() ({
      %run_scoped3A = tpu.sem_alloc : memref<!tpu.dma_semaphore, #tpu.memory_space<semaphore_mem>>
      %dma_start3A_146 = arith.constant 0 : i32
      %dma_start3A_147 = tpu.memref_slice %arg18[%add3A_49, %dma_start3A_146] : memref<10240x128xf32, #tpu.memory_space<vmem_shared>> -> memref<16x128xf32, #tpu.memory_space<vmem_shared>>
      %dma_start3A_148 = arith.constant 0 : i32
      %dma_start3A_149 = tpu.memref_slice %arg18[%add3A_49, %dma_start3A_148] : memref<10240x128xf32, #tpu.memory_space<vmem_shared>> -> memref<16x128xf32, #tpu.memory_space<vmem_shared>>
      tpu.enqueue_dma source(%arg17 : memref<16x128xf32, #tpu.memory_space<vmem>>) target(%dma_start3A_149 : memref<16x128xf32, #tpu.memory_space<vmem_shared>>) target_semaphore(%run_scoped3A : memref<!tpu.dma_semaphore, #tpu.memory_space<semaphore_mem>>)
      %dma_wait3A_150 = arith.constant 0 : i32
      %dma_wait3A_151 = tpu.memref_slice %arg18[%add3A_49, %dma_wait3A_150] : memref<10240x128xf32, #tpu.memory_space<vmem_shared>> -> memref<16x128xf32, #tpu.memory_space<vmem_shared>>
      %dma_wait3A_152 = arith.constant 0 : i32
      %dma_wait3A_153 = tpu.memref_slice %arg18[%add3A_49, %dma_wait3A_152] : memref<10240x128xf32, #tpu.memory_space<vmem_shared>> -> memref<16x128xf32, #tpu.memory_space<vmem_shared>>
      tpu.wait_dma2 semaphore(%run_scoped3A : memref<!tpu.dma_semaphore, #tpu.memory_space<semaphore_mem>>) src(%arg17 : memref<16x128xf32, #tpu.memory_space<vmem>>) dst(%dma_wait3A_153 : memref<16x128xf32, #tpu.memory_space<vmem_shared>>)
      tpu.yield
    }) : () -> ()
    %add3A_50 = arith.constant 304 : i32
    %add3A_51 = arith.addi %mul3A_11, %add3A_50 : i32
    "tpu.region"() ({
      %run_scoped3A = tpu.sem_alloc : memref<!tpu.dma_semaphore, #tpu.memory_space<semaphore_mem>>
      %dma_start3A_146 = arith.constant 0 : i32
      %dma_start3A_147 = tpu.memref_slice %arg18[%add3A_51, %dma_start3A_146] : memref<10240x128xf32, #tpu.memory_space<vmem_shared>> -> memref<16x128xf32, #tpu.memory_space<vmem_shared>>
      %dma_start3A_148 = arith.constant 0 : i32
      %dma_start3A_149 = tpu.memref_slice %arg18[%add3A_51, %dma_start3A_148] : memref<10240x128xf32, #tpu.memory_space<vmem_shared>> -> memref<16x128xf32, #tpu.memory_space<vmem_shared>>
      tpu.enqueue_dma source(%arg17 : memref<16x128xf32, #tpu.memory_space<vmem>>) target(%dma_start3A_149 : memref<16x128xf32, #tpu.memory_space<vmem_shared>>) target_semaphore(%run_scoped3A : memref<!tpu.dma_semaphore, #tpu.memory_space<semaphore_mem>>)
      %dma_wait3A_150 = arith.constant 0 : i32
      %dma_wait3A_151 = tpu.memref_slice %arg18[%add3A_51, %dma_wait3A_150] : memref<10240x128xf32, #tpu.memory_space<vmem_shared>> -> memref<16x128xf32, #tpu.memory_space<vmem_shared>>
      %dma_wait3A_152 = arith.constant 0 : i32
      %dma_wait3A_153 = tpu.memref_slice %arg18[%add3A_51, %dma_wait3A_152] : memref<10240x128xf32, #tpu.memory_space<vmem_shared>> -> memref<16x128xf32, #tpu.memory_space<vmem_shared>>
      tpu.wait_dma2 semaphore(%run_scoped3A : memref<!tpu.dma_semaphore, #tpu.memory_space<semaphore_mem>>) src(%arg17 : memref<16x128xf32, #tpu.memory_space<vmem>>) dst(%dma_wait3A_153 : memref<16x128xf32, #tpu.memory_space<vmem_shared>>)
      tpu.yield
    }) : () -> ()
    %add3A_52 = arith.constant 320 : i32
    %add3A_53 = arith.addi %mul3A_11, %add3A_52 : i32
    "tpu.region"() ({
      %run_scoped3A = tpu.sem_alloc : memref<!tpu.dma_semaphore, #tpu.memory_space<semaphore_mem>>
      %dma_start3A_146 = arith.constant 0 : i32
      %dma_start3A_147 = tpu.memref_slice %arg18[%add3A_53, %dma_start3A_146] : memref<10240x128xf32, #tpu.memory_space<vmem_shared>> -> memref<16x128xf32, #tpu.memory_space<vmem_shared>>
      %dma_start3A_148 = arith.constant 0 : i32
      %dma_start3A_149 = tpu.memref_slice %arg18[%add3A_53, %dma_start3A_148] : memref<10240x128xf32, #tpu.memory_space<vmem_shared>> -> memref<16x128xf32, #tpu.memory_space<vmem_shared>>
      tpu.enqueue_dma source(%arg17 : memref<16x128xf32, #tpu.memory_space<vmem>>) target(%dma_start3A_149 : memref<16x128xf32, #tpu.memory_space<vmem_shared>>) target_semaphore(%run_scoped3A : memref<!tpu.dma_semaphore, #tpu.memory_space<semaphore_mem>>)
      %dma_wait3A_150 = arith.constant 0 : i32
      %dma_wait3A_151 = tpu.memref_slice %arg18[%add3A_53, %dma_wait3A_150] : memref<10240x128xf32, #tpu.memory_space<vmem_shared>> -> memref<16x128xf32, #tpu.memory_space<vmem_shared>>
      %dma_wait3A_152 = arith.constant 0 : i32
      %dma_wait3A_153 = tpu.memref_slice %arg18[%add3A_53, %dma_wait3A_152] : memref<10240x128xf32, #tpu.memory_space<vmem_shared>> -> memref<16x128xf32, #tpu.memory_space<vmem_shared>>
      tpu.wait_dma2 semaphore(%run_scoped3A : memref<!tpu.dma_semaphore, #tpu.memory_space<semaphore_mem>>) src(%arg17 : memref<16x128xf32, #tpu.memory_space<vmem>>) dst(%dma_wait3A_153 : memref<16x128xf32, #tpu.memory_space<vmem_shared>>)
      tpu.yield
    }) : () -> ()
    %add3A_54 = arith.constant 336 : i32
    %add3A_55 = arith.addi %mul3A_11, %add3A_54 : i32
    "tpu.region"() ({
      %run_scoped3A = tpu.sem_alloc : memref<!tpu.dma_semaphore, #tpu.memory_space<semaphore_mem>>
      %dma_start3A_146 = arith.constant 0 : i32
      %dma_start3A_147 = tpu.memref_slice %arg18[%add3A_55, %dma_start3A_146] : memref<10240x128xf32, #tpu.memory_space<vmem_shared>> -> memref<16x128xf32, #tpu.memory_space<vmem_shared>>
      %dma_start3A_148 = arith.constant 0 : i32
      %dma_start3A_149 = tpu.memref_slice %arg18[%add3A_55, %dma_start3A_148] : memref<10240x128xf32, #tpu.memory_space<vmem_shared>> -> memref<16x128xf32, #tpu.memory_space<vmem_shared>>
      tpu.enqueue_dma source(%arg17 : memref<16x128xf32, #tpu.memory_space<vmem>>) target(%dma_start3A_149 : memref<16x128xf32, #tpu.memory_space<vmem_shared>>) target_semaphore(%run_scoped3A : memref<!tpu.dma_semaphore, #tpu.memory_space<semaphore_mem>>)
      %dma_wait3A_150 = arith.constant 0 : i32
      %dma_wait3A_151 = tpu.memref_slice %arg18[%add3A_55, %dma_wait3A_150] : memref<10240x128xf32, #tpu.memory_space<vmem_shared>> -> memref<16x128xf32, #tpu.memory_space<vmem_shared>>
      %dma_wait3A_152 = arith.constant 0 : i32
      %dma_wait3A_153 = tpu.memref_slice %arg18[%add3A_55, %dma_wait3A_152] : memref<10240x128xf32, #tpu.memory_space<vmem_shared>> -> memref<16x128xf32, #tpu.memory_space<vmem_shared>>
      tpu.wait_dma2 semaphore(%run_scoped3A : memref<!tpu.dma_semaphore, #tpu.memory_space<semaphore_mem>>) src(%arg17 : memref<16x128xf32, #tpu.memory_space<vmem>>) dst(%dma_wait3A_153 : memref<16x128xf32, #tpu.memory_space<vmem_shared>>)
      tpu.yield
    }) : () -> ()
    %add3A_56 = arith.constant 352 : i32
    %add3A_57 = arith.addi %mul3A_11, %add3A_56 : i32
    "tpu.region"() ({
      %run_scoped3A = tpu.sem_alloc : memref<!tpu.dma_semaphore, #tpu.memory_space<semaphore_mem>>
      %dma_start3A_146 = arith.constant 0 : i32
      %dma_start3A_147 = tpu.memref_slice %arg18[%add3A_57, %dma_start3A_146] : memref<10240x128xf32, #tpu.memory_space<vmem_shared>> -> memref<16x128xf32, #tpu.memory_space<vmem_shared>>
      %dma_start3A_148 = arith.constant 0 : i32
      %dma_start3A_149 = tpu.memref_slice %arg18[%add3A_57, %dma_start3A_148] : memref<10240x128xf32, #tpu.memory_space<vmem_shared>> -> memref<16x128xf32, #tpu.memory_space<vmem_shared>>
      tpu.enqueue_dma source(%arg17 : memref<16x128xf32, #tpu.memory_space<vmem>>) target(%dma_start3A_149 : memref<16x128xf32, #tpu.memory_space<vmem_shared>>) target_semaphore(%run_scoped3A : memref<!tpu.dma_semaphore, #tpu.memory_space<semaphore_mem>>)
      %dma_wait3A_150 = arith.constant 0 : i32
      %dma_wait3A_151 = tpu.memref_slice %arg18[%add3A_57, %dma_wait3A_150] : memref<10240x128xf32, #tpu.memory_space<vmem_shared>> -> memref<16x128xf32, #tpu.memory_space<vmem_shared>>
      %dma_wait3A_152 = arith.constant 0 : i32
      %dma_wait3A_153 = tpu.memref_slice %arg18[%add3A_57, %dma_wait3A_152] : memref<10240x128xf32, #tpu.memory_space<vmem_shared>> -> memref<16x128xf32, #tpu.memory_space<vmem_shared>>
      tpu.wait_dma2 semaphore(%run_scoped3A : memref<!tpu.dma_semaphore, #tpu.memory_space<semaphore_mem>>) src(%arg17 : memref<16x128xf32, #tpu.memory_space<vmem>>) dst(%dma_wait3A_153 : memref<16x128xf32, #tpu.memory_space<vmem_shared>>)
      tpu.yield
    }) : () -> ()
    %add3A_58 = arith.constant 368 : i32
    %add3A_59 = arith.addi %mul3A_11, %add3A_58 : i32
    "tpu.region"() ({
      %run_scoped3A = tpu.sem_alloc : memref<!tpu.dma_semaphore, #tpu.memory_space<semaphore_mem>>
      %dma_start3A_146 = arith.constant 0 : i32
      %dma_start3A_147 = tpu.memref_slice %arg18[%add3A_59, %dma_start3A_146] : memref<10240x128xf32, #tpu.memory_space<vmem_shared>> -> memref<16x128xf32, #tpu.memory_space<vmem_shared>>
      %dma_start3A_148 = arith.constant 0 : i32
      %dma_start3A_149 = tpu.memref_slice %arg18[%add3A_59, %dma_start3A_148] : memref<10240x128xf32, #tpu.memory_space<vmem_shared>> -> memref<16x128xf32, #tpu.memory_space<vmem_shared>>
      tpu.enqueue_dma source(%arg17 : memref<16x128xf32, #tpu.memory_space<vmem>>) target(%dma_start3A_149 : memref<16x128xf32, #tpu.memory_space<vmem_shared>>) target_semaphore(%run_scoped3A : memref<!tpu.dma_semaphore, #tpu.memory_space<semaphore_mem>>)
      %dma_wait3A_150 = arith.constant 0 : i32
      %dma_wait3A_151 = tpu.memref_slice %arg18[%add3A_59, %dma_wait3A_150] : memref<10240x128xf32, #tpu.memory_space<vmem_shared>> -> memref<16x128xf32, #tpu.memory_space<vmem_shared>>
      %dma_wait3A_152 = arith.constant 0 : i32
      %dma_wait3A_153 = tpu.memref_slice %arg18[%add3A_59, %dma_wait3A_152] : memref<10240x128xf32, #tpu.memory_space<vmem_shared>> -> memref<16x128xf32, #tpu.memory_space<vmem_shared>>
      tpu.wait_dma2 semaphore(%run_scoped3A : memref<!tpu.dma_semaphore, #tpu.memory_space<semaphore_mem>>) src(%arg17 : memref<16x128xf32, #tpu.memory_space<vmem>>) dst(%dma_wait3A_153 : memref<16x128xf32, #tpu.memory_space<vmem_shared>>)
      tpu.yield
    }) : () -> ()
    %add3A_60 = arith.constant 384 : i32
    %add3A_61 = arith.addi %mul3A_11, %add3A_60 : i32
    "tpu.region"() ({
      %run_scoped3A = tpu.sem_alloc : memref<!tpu.dma_semaphore, #tpu.memory_space<semaphore_mem>>
      %dma_start3A_146 = arith.constant 0 : i32
      %dma_start3A_147 = tpu.memref_slice %arg18[%add3A_61, %dma_start3A_146] : memref<10240x128xf32, #tpu.memory_space<vmem_shared>> -> memref<16x128xf32, #tpu.memory_space<vmem_shared>>
      %dma_start3A_148 = arith.constant 0 : i32
      %dma_start3A_149 = tpu.memref_slice %arg18[%add3A_61, %dma_start3A_148] : memref<10240x128xf32, #tpu.memory_space<vmem_shared>> -> memref<16x128xf32, #tpu.memory_space<vmem_shared>>
      tpu.enqueue_dma source(%arg17 : memref<16x128xf32, #tpu.memory_space<vmem>>) target(%dma_start3A_149 : memref<16x128xf32, #tpu.memory_space<vmem_shared>>) target_semaphore(%run_scoped3A : memref<!tpu.dma_semaphore, #tpu.memory_space<semaphore_mem>>)
      %dma_wait3A_150 = arith.constant 0 : i32
      %dma_wait3A_151 = tpu.memref_slice %arg18[%add3A_61, %dma_wait3A_150] : memref<10240x128xf32, #tpu.memory_space<vmem_shared>> -> memref<16x128xf32, #tpu.memory_space<vmem_shared>>
      %dma_wait3A_152 = arith.constant 0 : i32
      %dma_wait3A_153 = tpu.memref_slice %arg18[%add3A_61, %dma_wait3A_152] : memref<10240x128xf32, #tpu.memory_space<vmem_shared>> -> memref<16x128xf32, #tpu.memory_space<vmem_shared>>
      tpu.wait_dma2 semaphore(%run_scoped3A : memref<!tpu.dma_semaphore, #tpu.memory_space<semaphore_mem>>) src(%arg17 : memref<16x128xf32, #tpu.memory_space<vmem>>) dst(%dma_wait3A_153 : memref<16x128xf32, #tpu.memory_space<vmem_shared>>)
      tpu.yield
    }) : () -> ()
    %add3A_62 = arith.constant 400 : i32
    %add3A_63 = arith.addi %mul3A_11, %add3A_62 : i32
    "tpu.region"() ({
      %run_scoped3A = tpu.sem_alloc : memref<!tpu.dma_semaphore, #tpu.memory_space<semaphore_mem>>
      %dma_start3A_146 = arith.constant 0 : i32
      %dma_start3A_147 = tpu.memref_slice %arg18[%add3A_63, %dma_start3A_146] : memref<10240x128xf32, #tpu.memory_space<vmem_shared>> -> memref<16x128xf32, #tpu.memory_space<vmem_shared>>
      %dma_start3A_148 = arith.constant 0 : i32
      %dma_start3A_149 = tpu.memref_slice %arg18[%add3A_63, %dma_start3A_148] : memref<10240x128xf32, #tpu.memory_space<vmem_shared>> -> memref<16x128xf32, #tpu.memory_space<vmem_shared>>
      tpu.enqueue_dma source(%arg17 : memref<16x128xf32, #tpu.memory_space<vmem>>) target(%dma_start3A_149 : memref<16x128xf32, #tpu.memory_space<vmem_shared>>) target_semaphore(%run_scoped3A : memref<!tpu.dma_semaphore, #tpu.memory_space<semaphore_mem>>)
      %dma_wait3A_150 = arith.constant 0 : i32
      %dma_wait3A_151 = tpu.memref_slice %arg18[%add3A_63, %dma_wait3A_150] : memref<10240x128xf32, #tpu.memory_space<vmem_shared>> -> memref<16x128xf32, #tpu.memory_space<vmem_shared>>
      %dma_wait3A_152 = arith.constant 0 : i32
      %dma_wait3A_153 = tpu.memref_slice %arg18[%add3A_63, %dma_wait3A_152] : memref<10240x128xf32, #tpu.memory_space<vmem_shared>> -> memref<16x128xf32, #tpu.memory_space<vmem_shared>>
      tpu.wait_dma2 semaphore(%run_scoped3A : memref<!tpu.dma_semaphore, #tpu.memory_space<semaphore_mem>>) src(%arg17 : memref<16x128xf32, #tpu.memory_space<vmem>>) dst(%dma_wait3A_153 : memref<16x128xf32, #tpu.memory_space<vmem_shared>>)
      tpu.yield
    }) : () -> ()
    %add3A_64 = arith.constant 416 : i32
    %add3A_65 = arith.addi %mul3A_11, %add3A_64 : i32
    "tpu.region"() ({
      %run_scoped3A = tpu.sem_alloc : memref<!tpu.dma_semaphore, #tpu.memory_space<semaphore_mem>>
      %dma_start3A_146 = arith.constant 0 : i32
      %dma_start3A_147 = tpu.memref_slice %arg18[%add3A_65, %dma_start3A_146] : memref<10240x128xf32, #tpu.memory_space<vmem_shared>> -> memref<16x128xf32, #tpu.memory_space<vmem_shared>>
      %dma_start3A_148 = arith.constant 0 : i32
      %dma_start3A_149 = tpu.memref_slice %arg18[%add3A_65, %dma_start3A_148] : memref<10240x128xf32, #tpu.memory_space<vmem_shared>> -> memref<16x128xf32, #tpu.memory_space<vmem_shared>>
      tpu.enqueue_dma source(%arg17 : memref<16x128xf32, #tpu.memory_space<vmem>>) target(%dma_start3A_149 : memref<16x128xf32, #tpu.memory_space<vmem_shared>>) target_semaphore(%run_scoped3A : memref<!tpu.dma_semaphore, #tpu.memory_space<semaphore_mem>>)
      %dma_wait3A_150 = arith.constant 0 : i32
      %dma_wait3A_151 = tpu.memref_slice %arg18[%add3A_65, %dma_wait3A_150] : memref<10240x128xf32, #tpu.memory_space<vmem_shared>> -> memref<16x128xf32, #tpu.memory_space<vmem_shared>>
      %dma_wait3A_152 = arith.constant 0 : i32
      %dma_wait3A_153 = tpu.memref_slice %arg18[%add3A_65, %dma_wait3A_152] : memref<10240x128xf32, #tpu.memory_space<vmem_shared>> -> memref<16x128xf32, #tpu.memory_space<vmem_shared>>
      tpu.wait_dma2 semaphore(%run_scoped3A : memref<!tpu.dma_semaphore, #tpu.memory_space<semaphore_mem>>) src(%arg17 : memref<16x128xf32, #tpu.memory_space<vmem>>) dst(%dma_wait3A_153 : memref<16x128xf32, #tpu.memory_space<vmem_shared>>)
      tpu.yield
    }) : () -> ()
    %add3A_66 = arith.constant 432 : i32
    %add3A_67 = arith.addi %mul3A_11, %add3A_66 : i32
    "tpu.region"() ({
      %run_scoped3A = tpu.sem_alloc : memref<!tpu.dma_semaphore, #tpu.memory_space<semaphore_mem>>
      %dma_start3A_146 = arith.constant 0 : i32
      %dma_start3A_147 = tpu.memref_slice %arg18[%add3A_67, %dma_start3A_146] : memref<10240x128xf32, #tpu.memory_space<vmem_shared>> -> memref<16x128xf32, #tpu.memory_space<vmem_shared>>
      %dma_start3A_148 = arith.constant 0 : i32
      %dma_start3A_149 = tpu.memref_slice %arg18[%add3A_67, %dma_start3A_148] : memref<10240x128xf32, #tpu.memory_space<vmem_shared>> -> memref<16x128xf32, #tpu.memory_space<vmem_shared>>
      tpu.enqueue_dma source(%arg17 : memref<16x128xf32, #tpu.memory_space<vmem>>) target(%dma_start3A_149 : memref<16x128xf32, #tpu.memory_space<vmem_shared>>) target_semaphore(%run_scoped3A : memref<!tpu.dma_semaphore, #tpu.memory_space<semaphore_mem>>)
      %dma_wait3A_150 = arith.constant 0 : i32
      %dma_wait3A_151 = tpu.memref_slice %arg18[%add3A_67, %dma_wait3A_150] : memref<10240x128xf32, #tpu.memory_space<vmem_shared>> -> memref<16x128xf32, #tpu.memory_space<vmem_shared>>
      %dma_wait3A_152 = arith.constant 0 : i32
      %dma_wait3A_153 = tpu.memref_slice %arg18[%add3A_67, %dma_wait3A_152] : memref<10240x128xf32, #tpu.memory_space<vmem_shared>> -> memref<16x128xf32, #tpu.memory_space<vmem_shared>>
      tpu.wait_dma2 semaphore(%run_scoped3A : memref<!tpu.dma_semaphore, #tpu.memory_space<semaphore_mem>>) src(%arg17 : memref<16x128xf32, #tpu.memory_space<vmem>>) dst(%dma_wait3A_153 : memref<16x128xf32, #tpu.memory_space<vmem_shared>>)
      tpu.yield
    }) : () -> ()
    %add3A_68 = arith.constant 448 : i32
    %add3A_69 = arith.addi %mul3A_11, %add3A_68 : i32
    "tpu.region"() ({
      %run_scoped3A = tpu.sem_alloc : memref<!tpu.dma_semaphore, #tpu.memory_space<semaphore_mem>>
      %dma_start3A_146 = arith.constant 0 : i32
      %dma_start3A_147 = tpu.memref_slice %arg18[%add3A_69, %dma_start3A_146] : memref<10240x128xf32, #tpu.memory_space<vmem_shared>> -> memref<16x128xf32, #tpu.memory_space<vmem_shared>>
      %dma_start3A_148 = arith.constant 0 : i32
      %dma_start3A_149 = tpu.memref_slice %arg18[%add3A_69, %dma_start3A_148] : memref<10240x128xf32, #tpu.memory_space<vmem_shared>> -> memref<16x128xf32, #tpu.memory_space<vmem_shared>>
      tpu.enqueue_dma source(%arg17 : memref<16x128xf32, #tpu.memory_space<vmem>>) target(%dma_start3A_149 : memref<16x128xf32, #tpu.memory_space<vmem_shared>>) target_semaphore(%run_scoped3A : memref<!tpu.dma_semaphore, #tpu.memory_space<semaphore_mem>>)
      %dma_wait3A_150 = arith.constant 0 : i32
      %dma_wait3A_151 = tpu.memref_slice %arg18[%add3A_69, %dma_wait3A_150] : memref<10240x128xf32, #tpu.memory_space<vmem_shared>> -> memref<16x128xf32, #tpu.memory_space<vmem_shared>>
      %dma_wait3A_152 = arith.constant 0 : i32
      %dma_wait3A_153 = tpu.memref_slice %arg18[%add3A_69, %dma_wait3A_152] : memref<10240x128xf32, #tpu.memory_space<vmem_shared>> -> memref<16x128xf32, #tpu.memory_space<vmem_shared>>
      tpu.wait_dma2 semaphore(%run_scoped3A : memref<!tpu.dma_semaphore, #tpu.memory_space<semaphore_mem>>) src(%arg17 : memref<16x128xf32, #tpu.memory_space<vmem>>) dst(%dma_wait3A_153 : memref<16x128xf32, #tpu.memory_space<vmem_shared>>)
      tpu.yield
    }) : () -> ()
    %add3A_70 = arith.constant 464 : i32
    %add3A_71 = arith.addi %mul3A_11, %add3A_70 : i32
    "tpu.region"() ({
      %run_scoped3A = tpu.sem_alloc : memref<!tpu.dma_semaphore, #tpu.memory_space<semaphore_mem>>
      %dma_start3A_146 = arith.constant 0 : i32
      %dma_start3A_147 = tpu.memref_slice %arg18[%add3A_71, %dma_start3A_146] : memref<10240x128xf32, #tpu.memory_space<vmem_shared>> -> memref<16x128xf32, #tpu.memory_space<vmem_shared>>
      %dma_start3A_148 = arith.constant 0 : i32
      %dma_start3A_149 = tpu.memref_slice %arg18[%add3A_71, %dma_start3A_148] : memref<10240x128xf32, #tpu.memory_space<vmem_shared>> -> memref<16x128xf32, #tpu.memory_space<vmem_shared>>
      tpu.enqueue_dma source(%arg17 : memref<16x128xf32, #tpu.memory_space<vmem>>) target(%dma_start3A_149 : memref<16x128xf32, #tpu.memory_space<vmem_shared>>) target_semaphore(%run_scoped3A : memref<!tpu.dma_semaphore, #tpu.memory_space<semaphore_mem>>)
      %dma_wait3A_150 = arith.constant 0 : i32
      %dma_wait3A_151 = tpu.memref_slice %arg18[%add3A_71, %dma_wait3A_150] : memref<10240x128xf32, #tpu.memory_space<vmem_shared>> -> memref<16x128xf32, #tpu.memory_space<vmem_shared>>
      %dma_wait3A_152 = arith.constant 0 : i32
      %dma_wait3A_153 = tpu.memref_slice %arg18[%add3A_71, %dma_wait3A_152] : memref<10240x128xf32, #tpu.memory_space<vmem_shared>> -> memref<16x128xf32, #tpu.memory_space<vmem_shared>>
      tpu.wait_dma2 semaphore(%run_scoped3A : memref<!tpu.dma_semaphore, #tpu.memory_space<semaphore_mem>>) src(%arg17 : memref<16x128xf32, #tpu.memory_space<vmem>>) dst(%dma_wait3A_153 : memref<16x128xf32, #tpu.memory_space<vmem_shared>>)
      tpu.yield
    }) : () -> ()
    %add3A_72 = arith.constant 480 : i32
    %add3A_73 = arith.addi %mul3A_11, %add3A_72 : i32
    "tpu.region"() ({
      %run_scoped3A = tpu.sem_alloc : memref<!tpu.dma_semaphore, #tpu.memory_space<semaphore_mem>>
      %dma_start3A_146 = arith.constant 0 : i32
      %dma_start3A_147 = tpu.memref_slice %arg18[%add3A_73, %dma_start3A_146] : memref<10240x128xf32, #tpu.memory_space<vmem_shared>> -> memref<16x128xf32, #tpu.memory_space<vmem_shared>>
      %dma_start3A_148 = arith.constant 0 : i32
      %dma_start3A_149 = tpu.memref_slice %arg18[%add3A_73, %dma_start3A_148] : memref<10240x128xf32, #tpu.memory_space<vmem_shared>> -> memref<16x128xf32, #tpu.memory_space<vmem_shared>>
      tpu.enqueue_dma source(%arg17 : memref<16x128xf32, #tpu.memory_space<vmem>>) target(%dma_start3A_149 : memref<16x128xf32, #tpu.memory_space<vmem_shared>>) target_semaphore(%run_scoped3A : memref<!tpu.dma_semaphore, #tpu.memory_space<semaphore_mem>>)
      %dma_wait3A_150 = arith.constant 0 : i32
      %dma_wait3A_151 = tpu.memref_slice %arg18[%add3A_73, %dma_wait3A_150] : memref<10240x128xf32, #tpu.memory_space<vmem_shared>> -> memref<16x128xf32, #tpu.memory_space<vmem_shared>>
      %dma_wait3A_152 = arith.constant 0 : i32
      %dma_wait3A_153 = tpu.memref_slice %arg18[%add3A_73, %dma_wait3A_152] : memref<10240x128xf32, #tpu.memory_space<vmem_shared>> -> memref<16x128xf32, #tpu.memory_space<vmem_shared>>
      tpu.wait_dma2 semaphore(%run_scoped3A : memref<!tpu.dma_semaphore, #tpu.memory_space<semaphore_mem>>) src(%arg17 : memref<16x128xf32, #tpu.memory_space<vmem>>) dst(%dma_wait3A_153 : memref<16x128xf32, #tpu.memory_space<vmem_shared>>)
      tpu.yield
    }) : () -> ()
    %add3A_74 = arith.constant 496 : i32
    %add3A_75 = arith.addi %mul3A_11, %add3A_74 : i32
    "tpu.region"() ({
      %run_scoped3A = tpu.sem_alloc : memref<!tpu.dma_semaphore, #tpu.memory_space<semaphore_mem>>
      %dma_start3A_146 = arith.constant 0 : i32
      %dma_start3A_147 = tpu.memref_slice %arg18[%add3A_75, %dma_start3A_146] : memref<10240x128xf32, #tpu.memory_space<vmem_shared>> -> memref<16x128xf32, #tpu.memory_space<vmem_shared>>
      %dma_start3A_148 = arith.constant 0 : i32
      %dma_start3A_149 = tpu.memref_slice %arg18[%add3A_75, %dma_start3A_148] : memref<10240x128xf32, #tpu.memory_space<vmem_shared>> -> memref<16x128xf32, #tpu.memory_space<vmem_shared>>
      tpu.enqueue_dma source(%arg17 : memref<16x128xf32, #tpu.memory_space<vmem>>) target(%dma_start3A_149 : memref<16x128xf32, #tpu.memory_space<vmem_shared>>) target_semaphore(%run_scoped3A : memref<!tpu.dma_semaphore, #tpu.memory_space<semaphore_mem>>)
      %dma_wait3A_150 = arith.constant 0 : i32
      %dma_wait3A_151 = tpu.memref_slice %arg18[%add3A_75, %dma_wait3A_150] : memref<10240x128xf32, #tpu.memory_space<vmem_shared>> -> memref<16x128xf32, #tpu.memory_space<vmem_shared>>
      %dma_wait3A_152 = arith.constant 0 : i32
      %dma_wait3A_153 = tpu.memref_slice %arg18[%add3A_75, %dma_wait3A_152] : memref<10240x128xf32, #tpu.memory_space<vmem_shared>> -> memref<16x128xf32, #tpu.memory_space<vmem_shared>>
      tpu.wait_dma2 semaphore(%run_scoped3A : memref<!tpu.dma_semaphore, #tpu.memory_space<semaphore_mem>>) src(%arg17 : memref<16x128xf32, #tpu.memory_space<vmem>>) dst(%dma_wait3A_153 : memref<16x128xf32, #tpu.memory_space<vmem_shared>>)
      tpu.yield
    }) : () -> ()
    %add3A_76 = arith.constant 512 : i32
    %add3A_77 = arith.addi %mul3A_11, %add3A_76 : i32
    "tpu.region"() ({
      %run_scoped3A = tpu.sem_alloc : memref<!tpu.dma_semaphore, #tpu.memory_space<semaphore_mem>>
      %dma_start3A_146 = arith.constant 0 : i32
      %dma_start3A_147 = tpu.memref_slice %arg18[%add3A_77, %dma_start3A_146] : memref<10240x128xf32, #tpu.memory_space<vmem_shared>> -> memref<16x128xf32, #tpu.memory_space<vmem_shared>>
      %dma_start3A_148 = arith.constant 0 : i32
      %dma_start3A_149 = tpu.memref_slice %arg18[%add3A_77, %dma_start3A_148] : memref<10240x128xf32, #tpu.memory_space<vmem_shared>> -> memref<16x128xf32, #tpu.memory_space<vmem_shared>>
      tpu.enqueue_dma source(%arg17 : memref<16x128xf32, #tpu.memory_space<vmem>>) target(%dma_start3A_149 : memref<16x128xf32, #tpu.memory_space<vmem_shared>>) target_semaphore(%run_scoped3A : memref<!tpu.dma_semaphore, #tpu.memory_space<semaphore_mem>>)
      %dma_wait3A_150 = arith.constant 0 : i32
      %dma_wait3A_151 = tpu.memref_slice %arg18[%add3A_77, %dma_wait3A_150] : memref<10240x128xf32, #tpu.memory_space<vmem_shared>> -> memref<16x128xf32, #tpu.memory_space<vmem_shared>>
      %dma_wait3A_152 = arith.constant 0 : i32
      %dma_wait3A_153 = tpu.memref_slice %arg18[%add3A_77, %dma_wait3A_152] : memref<10240x128xf32, #tpu.memory_space<vmem_shared>> -> memref<16x128xf32, #tpu.memory_space<vmem_shared>>
      tpu.wait_dma2 semaphore(%run_scoped3A : memref<!tpu.dma_semaphore, #tpu.memory_space<semaphore_mem>>) src(%arg17 : memref<16x128xf32, #tpu.memory_space<vmem>>) dst(%dma_wait3A_153 : memref<16x128xf32, #tpu.memory_space<vmem_shared>>)
      tpu.yield
    }) : () -> ()
    %add3A_78 = arith.constant 528 : i32
    %add3A_79 = arith.addi %mul3A_11, %add3A_78 : i32
    "tpu.region"() ({
      %run_scoped3A = tpu.sem_alloc : memref<!tpu.dma_semaphore, #tpu.memory_space<semaphore_mem>>
      %dma_start3A_146 = arith.constant 0 : i32
      %dma_start3A_147 = tpu.memref_slice %arg18[%add3A_79, %dma_start3A_146] : memref<10240x128xf32, #tpu.memory_space<vmem_shared>> -> memref<16x128xf32, #tpu.memory_space<vmem_shared>>
      %dma_start3A_148 = arith.constant 0 : i32
      %dma_start3A_149 = tpu.memref_slice %arg18[%add3A_79, %dma_start3A_148] : memref<10240x128xf32, #tpu.memory_space<vmem_shared>> -> memref<16x128xf32, #tpu.memory_space<vmem_shared>>
      tpu.enqueue_dma source(%arg17 : memref<16x128xf32, #tpu.memory_space<vmem>>) target(%dma_start3A_149 : memref<16x128xf32, #tpu.memory_space<vmem_shared>>) target_semaphore(%run_scoped3A : memref<!tpu.dma_semaphore, #tpu.memory_space<semaphore_mem>>)
      %dma_wait3A_150 = arith.constant 0 : i32
      %dma_wait3A_151 = tpu.memref_slice %arg18[%add3A_79, %dma_wait3A_150] : memref<10240x128xf32, #tpu.memory_space<vmem_shared>> -> memref<16x128xf32, #tpu.memory_space<vmem_shared>>
      %dma_wait3A_152 = arith.constant 0 : i32
      %dma_wait3A_153 = tpu.memref_slice %arg18[%add3A_79, %dma_wait3A_152] : memref<10240x128xf32, #tpu.memory_space<vmem_shared>> -> memref<16x128xf32, #tpu.memory_space<vmem_shared>>
      tpu.wait_dma2 semaphore(%run_scoped3A : memref<!tpu.dma_semaphore, #tpu.memory_space<semaphore_mem>>) src(%arg17 : memref<16x128xf32, #tpu.memory_space<vmem>>) dst(%dma_wait3A_153 : memref<16x128xf32, #tpu.memory_space<vmem_shared>>)
      tpu.yield
    }) : () -> ()
    %add3A_80 = arith.constant 544 : i32
    %add3A_81 = arith.addi %mul3A_11, %add3A_80 : i32
    "tpu.region"() ({
      %run_scoped3A = tpu.sem_alloc : memref<!tpu.dma_semaphore, #tpu.memory_space<semaphore_mem>>
      %dma_start3A_146 = arith.constant 0 : i32
      %dma_start3A_147 = tpu.memref_slice %arg18[%add3A_81, %dma_start3A_146] : memref<10240x128xf32, #tpu.memory_space<vmem_shared>> -> memref<16x128xf32, #tpu.memory_space<vmem_shared>>
      %dma_start3A_148 = arith.constant 0 : i32
      %dma_start3A_149 = tpu.memref_slice %arg18[%add3A_81, %dma_start3A_148] : memref<10240x128xf32, #tpu.memory_space<vmem_shared>> -> memref<16x128xf32, #tpu.memory_space<vmem_shared>>
      tpu.enqueue_dma source(%arg17 : memref<16x128xf32, #tpu.memory_space<vmem>>) target(%dma_start3A_149 : memref<16x128xf32, #tpu.memory_space<vmem_shared>>) target_semaphore(%run_scoped3A : memref<!tpu.dma_semaphore, #tpu.memory_space<semaphore_mem>>)
      %dma_wait3A_150 = arith.constant 0 : i32
      %dma_wait3A_151 = tpu.memref_slice %arg18[%add3A_81, %dma_wait3A_150] : memref<10240x128xf32, #tpu.memory_space<vmem_shared>> -> memref<16x128xf32, #tpu.memory_space<vmem_shared>>
      %dma_wait3A_152 = arith.constant 0 : i32
      %dma_wait3A_153 = tpu.memref_slice %arg18[%add3A_81, %dma_wait3A_152] : memref<10240x128xf32, #tpu.memory_space<vmem_shared>> -> memref<16x128xf32, #tpu.memory_space<vmem_shared>>
      tpu.wait_dma2 semaphore(%run_scoped3A : memref<!tpu.dma_semaphore, #tpu.memory_space<semaphore_mem>>) src(%arg17 : memref<16x128xf32, #tpu.memory_space<vmem>>) dst(%dma_wait3A_153 : memref<16x128xf32, #tpu.memory_space<vmem_shared>>)
      tpu.yield
    }) : () -> ()
    %add3A_82 = arith.constant 560 : i32
    %add3A_83 = arith.addi %mul3A_11, %add3A_82 : i32
    "tpu.region"() ({
      %run_scoped3A = tpu.sem_alloc : memref<!tpu.dma_semaphore, #tpu.memory_space<semaphore_mem>>
      %dma_start3A_146 = arith.constant 0 : i32
      %dma_start3A_147 = tpu.memref_slice %arg18[%add3A_83, %dma_start3A_146] : memref<10240x128xf32, #tpu.memory_space<vmem_shared>> -> memref<16x128xf32, #tpu.memory_space<vmem_shared>>
      %dma_start3A_148 = arith.constant 0 : i32
      %dma_start3A_149 = tpu.memref_slice %arg18[%add3A_83, %dma_start3A_148] : memref<10240x128xf32, #tpu.memory_space<vmem_shared>> -> memref<16x128xf32, #tpu.memory_space<vmem_shared>>
      tpu.enqueue_dma source(%arg17 : memref<16x128xf32, #tpu.memory_space<vmem>>) target(%dma_start3A_149 : memref<16x128xf32, #tpu.memory_space<vmem_shared>>) target_semaphore(%run_scoped3A : memref<!tpu.dma_semaphore, #tpu.memory_space<semaphore_mem>>)
      %dma_wait3A_150 = arith.constant 0 : i32
      %dma_wait3A_151 = tpu.memref_slice %arg18[%add3A_83, %dma_wait3A_150] : memref<10240x128xf32, #tpu.memory_space<vmem_shared>> -> memref<16x128xf32, #tpu.memory_space<vmem_shared>>
      %dma_wait3A_152 = arith.constant 0 : i32
      %dma_wait3A_153 = tpu.memref_slice %arg18[%add3A_83, %dma_wait3A_152] : memref<10240x128xf32, #tpu.memory_space<vmem_shared>> -> memref<16x128xf32, #tpu.memory_space<vmem_shared>>
      tpu.wait_dma2 semaphore(%run_scoped3A : memref<!tpu.dma_semaphore, #tpu.memory_space<semaphore_mem>>) src(%arg17 : memref<16x128xf32, #tpu.memory_space<vmem>>) dst(%dma_wait3A_153 : memref<16x128xf32, #tpu.memory_space<vmem_shared>>)
      tpu.yield
    }) : () -> ()
    %add3A_84 = arith.constant 576 : i32
    %add3A_85 = arith.addi %mul3A_11, %add3A_84 : i32
    "tpu.region"() ({
      %run_scoped3A = tpu.sem_alloc : memref<!tpu.dma_semaphore, #tpu.memory_space<semaphore_mem>>
      %dma_start3A_146 = arith.constant 0 : i32
      %dma_start3A_147 = tpu.memref_slice %arg18[%add3A_85, %dma_start3A_146] : memref<10240x128xf32, #tpu.memory_space<vmem_shared>> -> memref<16x128xf32, #tpu.memory_space<vmem_shared>>
      %dma_start3A_148 = arith.constant 0 : i32
      %dma_start3A_149 = tpu.memref_slice %arg18[%add3A_85, %dma_start3A_148] : memref<10240x128xf32, #tpu.memory_space<vmem_shared>> -> memref<16x128xf32, #tpu.memory_space<vmem_shared>>
      tpu.enqueue_dma source(%arg17 : memref<16x128xf32, #tpu.memory_space<vmem>>) target(%dma_start3A_149 : memref<16x128xf32, #tpu.memory_space<vmem_shared>>) target_semaphore(%run_scoped3A : memref<!tpu.dma_semaphore, #tpu.memory_space<semaphore_mem>>)
      %dma_wait3A_150 = arith.constant 0 : i32
      %dma_wait3A_151 = tpu.memref_slice %arg18[%add3A_85, %dma_wait3A_150] : memref<10240x128xf32, #tpu.memory_space<vmem_shared>> -> memref<16x128xf32, #tpu.memory_space<vmem_shared>>
      %dma_wait3A_152 = arith.constant 0 : i32
      %dma_wait3A_153 = tpu.memref_slice %arg18[%add3A_85, %dma_wait3A_152] : memref<10240x128xf32, #tpu.memory_space<vmem_shared>> -> memref<16x128xf32, #tpu.memory_space<vmem_shared>>
      tpu.wait_dma2 semaphore(%run_scoped3A : memref<!tpu.dma_semaphore, #tpu.memory_space<semaphore_mem>>) src(%arg17 : memref<16x128xf32, #tpu.memory_space<vmem>>) dst(%dma_wait3A_153 : memref<16x128xf32, #tpu.memory_space<vmem_shared>>)
      tpu.yield
    }) : () -> ()
    %add3A_86 = arith.constant 592 : i32
    %add3A_87 = arith.addi %mul3A_11, %add3A_86 : i32
    "tpu.region"() ({
      %run_scoped3A = tpu.sem_alloc : memref<!tpu.dma_semaphore, #tpu.memory_space<semaphore_mem>>
      %dma_start3A_146 = arith.constant 0 : i32
      %dma_start3A_147 = tpu.memref_slice %arg18[%add3A_87, %dma_start3A_146] : memref<10240x128xf32, #tpu.memory_space<vmem_shared>> -> memref<16x128xf32, #tpu.memory_space<vmem_shared>>
      %dma_start3A_148 = arith.constant 0 : i32
      %dma_start3A_149 = tpu.memref_slice %arg18[%add3A_87, %dma_start3A_148] : memref<10240x128xf32, #tpu.memory_space<vmem_shared>> -> memref<16x128xf32, #tpu.memory_space<vmem_shared>>
      tpu.enqueue_dma source(%arg17 : memref<16x128xf32, #tpu.memory_space<vmem>>) target(%dma_start3A_149 : memref<16x128xf32, #tpu.memory_space<vmem_shared>>) target_semaphore(%run_scoped3A : memref<!tpu.dma_semaphore, #tpu.memory_space<semaphore_mem>>)
      %dma_wait3A_150 = arith.constant 0 : i32
      %dma_wait3A_151 = tpu.memref_slice %arg18[%add3A_87, %dma_wait3A_150] : memref<10240x128xf32, #tpu.memory_space<vmem_shared>> -> memref<16x128xf32, #tpu.memory_space<vmem_shared>>
      %dma_wait3A_152 = arith.constant 0 : i32
      %dma_wait3A_153 = tpu.memref_slice %arg18[%add3A_87, %dma_wait3A_152] : memref<10240x128xf32, #tpu.memory_space<vmem_shared>> -> memref<16x128xf32, #tpu.memory_space<vmem_shared>>
      tpu.wait_dma2 semaphore(%run_scoped3A : memref<!tpu.dma_semaphore, #tpu.memory_space<semaphore_mem>>) src(%arg17 : memref<16x128xf32, #tpu.memory_space<vmem>>) dst(%dma_wait3A_153 : memref<16x128xf32, #tpu.memory_space<vmem_shared>>)
      tpu.yield
    }) : () -> ()
    %add3A_88 = arith.constant 608 : i32
    %add3A_89 = arith.addi %mul3A_11, %add3A_88 : i32
    "tpu.region"() ({
      %run_scoped3A = tpu.sem_alloc : memref<!tpu.dma_semaphore, #tpu.memory_space<semaphore_mem>>
      %dma_start3A_146 = arith.constant 0 : i32
      %dma_start3A_147 = tpu.memref_slice %arg18[%add3A_89, %dma_start3A_146] : memref<10240x128xf32, #tpu.memory_space<vmem_shared>> -> memref<16x128xf32, #tpu.memory_space<vmem_shared>>
      %dma_start3A_148 = arith.constant 0 : i32
      %dma_start3A_149 = tpu.memref_slice %arg18[%add3A_89, %dma_start3A_148] : memref<10240x128xf32, #tpu.memory_space<vmem_shared>> -> memref<16x128xf32, #tpu.memory_space<vmem_shared>>
      tpu.enqueue_dma source(%arg17 : memref<16x128xf32, #tpu.memory_space<vmem>>) target(%dma_start3A_149 : memref<16x128xf32, #tpu.memory_space<vmem_shared>>) target_semaphore(%run_scoped3A : memref<!tpu.dma_semaphore, #tpu.memory_space<semaphore_mem>>)
      %dma_wait3A_150 = arith.constant 0 : i32
      %dma_wait3A_151 = tpu.memref_slice %arg18[%add3A_89, %dma_wait3A_150] : memref<10240x128xf32, #tpu.memory_space<vmem_shared>> -> memref<16x128xf32, #tpu.memory_space<vmem_shared>>
      %dma_wait3A_152 = arith.constant 0 : i32
      %dma_wait3A_153 = tpu.memref_slice %arg18[%add3A_89, %dma_wait3A_152] : memref<10240x128xf32, #tpu.memory_space<vmem_shared>> -> memref<16x128xf32, #tpu.memory_space<vmem_shared>>
      tpu.wait_dma2 semaphore(%run_scoped3A : memref<!tpu.dma_semaphore, #tpu.memory_space<semaphore_mem>>) src(%arg17 : memref<16x128xf32, #tpu.memory_space<vmem>>) dst(%dma_wait3A_153 : memref<16x128xf32, #tpu.memory_space<vmem_shared>>)
      tpu.yield
    }) : () -> ()
    %add3A_90 = arith.constant 624 : i32
    %add3A_91 = arith.addi %mul3A_11, %add3A_90 : i32
    "tpu.region"() ({
      %run_scoped3A = tpu.sem_alloc : memref<!tpu.dma_semaphore, #tpu.memory_space<semaphore_mem>>
      %dma_start3A_146 = arith.constant 0 : i32
      %dma_start3A_147 = tpu.memref_slice %arg18[%add3A_91, %dma_start3A_146] : memref<10240x128xf32, #tpu.memory_space<vmem_shared>> -> memref<16x128xf32, #tpu.memory_space<vmem_shared>>
      %dma_start3A_148 = arith.constant 0 : i32
      %dma_start3A_149 = tpu.memref_slice %arg18[%add3A_91, %dma_start3A_148] : memref<10240x128xf32, #tpu.memory_space<vmem_shared>> -> memref<16x128xf32, #tpu.memory_space<vmem_shared>>
      tpu.enqueue_dma source(%arg17 : memref<16x128xf32, #tpu.memory_space<vmem>>) target(%dma_start3A_149 : memref<16x128xf32, #tpu.memory_space<vmem_shared>>) target_semaphore(%run_scoped3A : memref<!tpu.dma_semaphore, #tpu.memory_space<semaphore_mem>>)
      %dma_wait3A_150 = arith.constant 0 : i32
      %dma_wait3A_151 = tpu.memref_slice %arg18[%add3A_91, %dma_wait3A_150] : memref<10240x128xf32, #tpu.memory_space<vmem_shared>> -> memref<16x128xf32, #tpu.memory_space<vmem_shared>>
      %dma_wait3A_152 = arith.constant 0 : i32
      %dma_wait3A_153 = tpu.memref_slice %arg18[%add3A_91, %dma_wait3A_152] : memref<10240x128xf32, #tpu.memory_space<vmem_shared>> -> memref<16x128xf32, #tpu.memory_space<vmem_shared>>
      tpu.wait_dma2 semaphore(%run_scoped3A : memref<!tpu.dma_semaphore, #tpu.memory_space<semaphore_mem>>) src(%arg17 : memref<16x128xf32, #tpu.memory_space<vmem>>) dst(%dma_wait3A_153 : memref<16x128xf32, #tpu.memory_space<vmem_shared>>)
      tpu.yield
    }) : () -> ()
    %dma_wait3A = tpu.memref_slice %arg3[%mul3A_2] : memref<320000xi32, #tpu.memory_space<hbm>> -> memref<10000xi32, #tpu.memory_space<hbm>>
    %dma_wait3A_92 = tpu.memref_slice %arg3[%mul3A_2] : memref<320000xi32, #tpu.memory_space<hbm>> -> memref<10000xi32, #tpu.memory_space<hbm>>
    tpu.wait_dma2 semaphore(%arg29 : memref<!tpu.dma_semaphore, #tpu.memory_space<semaphore_mem>>) src(%dma_wait3A_92 : memref<10000xi32, #tpu.memory_space<hbm>>) dst(%arg6 : memref<10000xi32, #tpu.memory_space<vmem>>)
    %add3A_93 = arith.constant 0 : i32
    %add3A_94 = arith.addi %mul3A_2, %add3A_93 : i32
    %dma_start3A_95 = tpu.memref_slice %arg4[%add3A_94] : memref<320000xi32, #tpu.memory_space<hbm>> -> memref<40xi32, #tpu.memory_space<hbm>>
    %dma_start3A_96 = tpu.memref_slice %arg4[%add3A_94] : memref<320000xi32, #tpu.memory_space<hbm>> -> memref<40xi32, #tpu.memory_space<hbm>>
    tpu.enqueue_dma source(%dma_start3A_96 : memref<40xi32, #tpu.memory_space<hbm>>) target(%arg7 : memref<40xi32, #tpu.memory_space<vmem>>) target_semaphore(%arg19 : memref<!tpu.dma_semaphore, #tpu.memory_space<semaphore_mem>>)
    %dma_start3A_97 = arith.constant 0 : i32
    %dma_start3A_98 = tpu.memref_slice %arg6[%dma_start3A_97] : memref<10000xi32, #tpu.memory_space<vmem>> -> memref<40xi32, #tpu.memory_space<vmem>>
    %dma_start3A_99 = arith.constant 0 : i32
    %dma_start3A_100 = arith.constant 0 : i32
    %dma_start3A_101 = tpu.memref_slice %arg2[%dma_start3A_99, %dma_start3A_100] : memref<10000x128xf32, #tpu.memory_space<hbm>> -> memref<10000x128xf32, #tpu.memory_space<hbm>>
    tpu.enqueue_indirect_dma source(%dma_start3A_101 : memref<10000x128xf32, #tpu.memory_space<hbm>>) target(%arg12 : memref<40x128xf32, #tpu.memory_space<vmem>>) offsets(%dma_start3A_98 : memref<40xi32, #tpu.memory_space<vmem>>) semaphore(%arg24 : memref<!tpu.dma_semaphore, #tpu.memory_space<semaphore_mem>>)
    %add3A_102 = arith.constant 40 : i32
    %add3A_103 = arith.addi %mul3A_2, %add3A_102 : i32
    %dma_start3A_104 = tpu.memref_slice %arg4[%add3A_103] : memref<320000xi32, #tpu.memory_space<hbm>> -> memref<40xi32, #tpu.memory_space<hbm>>
    %dma_start3A_105 = tpu.memref_slice %arg4[%add3A_103] : memref<320000xi32, #tpu.memory_space<hbm>> -> memref<40xi32, #tpu.memory_space<hbm>>
    tpu.enqueue_dma source(%dma_start3A_105 : memref<40xi32, #tpu.memory_space<hbm>>) target(%arg8 : memref<40xi32, #tpu.memory_space<vmem>>) target_semaphore(%arg20 : memref<!tpu.dma_semaphore, #tpu.memory_space<semaphore_mem>>)
    %dma_start3A_106 = arith.constant 40 : i32
    %dma_start3A_107 = tpu.memref_slice %arg6[%dma_start3A_106] : memref<10000xi32, #tpu.memory_space<vmem>> -> memref<40xi32, #tpu.memory_space<vmem>>
    %dma_start3A_108 = arith.constant 0 : i32
    %dma_start3A_109 = arith.constant 0 : i32
    %dma_start3A_110 = tpu.memref_slice %arg2[%dma_start3A_108, %dma_start3A_109] : memref<10000x128xf32, #tpu.memory_space<hbm>> -> memref<10000x128xf32, #tpu.memory_space<hbm>>
    tpu.enqueue_indirect_dma source(%dma_start3A_110 : memref<10000x128xf32, #tpu.memory_space<hbm>>) target(%arg13 : memref<40x128xf32, #tpu.memory_space<vmem>>) offsets(%dma_start3A_107 : memref<40xi32, #tpu.memory_space<vmem>>) semaphore(%arg25 : memref<!tpu.dma_semaphore, #tpu.memory_space<semaphore_mem>>)
    %add3A_111 = arith.constant 80 : i32
    %add3A_112 = arith.addi %mul3A_2, %add3A_111 : i32
    %dma_start3A_113 = tpu.memref_slice %arg4[%add3A_112] : memref<320000xi32, #tpu.memory_space<hbm>> -> memref<40xi32, #tpu.memory_space<hbm>>
    %dma_start3A_114 = tpu.memref_slice %arg4[%add3A_112] : memref<320000xi32, #tpu.memory_space<hbm>> -> memref<40xi32, #tpu.memory_space<hbm>>
    tpu.enqueue_dma source(%dma_start3A_114 : memref<40xi32, #tpu.memory_space<hbm>>) target(%arg9 : memref<40xi32, #tpu.memory_space<vmem>>) target_semaphore(%arg21 : memref<!tpu.dma_semaphore, #tpu.memory_space<semaphore_mem>>)
    %dma_start3A_115 = arith.constant 80 : i32
    %dma_start3A_116 = tpu.memref_slice %arg6[%dma_start3A_115] : memref<10000xi32, #tpu.memory_space<vmem>> -> memref<40xi32, #tpu.memory_space<vmem>>
    %dma_start3A_117 = arith.constant 0 : i32
    %dma_start3A_118 = arith.constant 0 : i32
    %dma_start3A_119 = tpu.memref_slice %arg2[%dma_start3A_117, %dma_start3A_118] : memref<10000x128xf32, #tpu.memory_space<hbm>> -> memref<10000x128xf32, #tpu.memory_space<hbm>>
    tpu.enqueue_indirect_dma source(%dma_start3A_119 : memref<10000x128xf32, #tpu.memory_space<hbm>>) target(%arg14 : memref<40x128xf32, #tpu.memory_space<vmem>>) offsets(%dma_start3A_116 : memref<40xi32, #tpu.memory_space<vmem>>) semaphore(%arg26 : memref<!tpu.dma_semaphore, #tpu.memory_space<semaphore_mem>>)
    %add3A_120 = arith.constant 120 : i32
    %add3A_121 = arith.addi %mul3A_2, %add3A_120 : i32
    %dma_start3A_122 = tpu.memref_slice %arg4[%add3A_121] : memref<320000xi32, #tpu.memory_space<hbm>> -> memref<40xi32, #tpu.memory_space<hbm>>
    %dma_start3A_123 = tpu.memref_slice %arg4[%add3A_121] : memref<320000xi32, #tpu.memory_space<hbm>> -> memref<40xi32, #tpu.memory_space<hbm>>
    tpu.enqueue_dma source(%dma_start3A_123 : memref<40xi32, #tpu.memory_space<hbm>>) target(%arg10 : memref<40xi32, #tpu.memory_space<vmem>>) target_semaphore(%arg22 : memref<!tpu.dma_semaphore, #tpu.memory_space<semaphore_mem>>)
    %dma_start3A_124 = arith.constant 120 : i32
    %dma_start3A_125 = tpu.memref_slice %arg6[%dma_start3A_124] : memref<10000xi32, #tpu.memory_space<vmem>> -> memref<40xi32, #tpu.memory_space<vmem>>
    %dma_start3A_126 = arith.constant 0 : i32
    %dma_start3A_127 = arith.constant 0 : i32
    %dma_start3A_128 = tpu.memref_slice %arg2[%dma_start3A_126, %dma_start3A_127] : memref<10000x128xf32, #tpu.memory_space<hbm>> -> memref<10000x128xf32, #tpu.memory_space<hbm>>
    tpu.enqueue_indirect_dma source(%dma_start3A_128 : memref<10000x128xf32, #tpu.memory_space<hbm>>) target(%arg15 : memref<40x128xf32, #tpu.memory_space<vmem>>) offsets(%dma_start3A_125 : memref<40xi32, #tpu.memory_space<vmem>>) semaphore(%arg27 : memref<!tpu.dma_semaphore, #tpu.memory_space<semaphore_mem>>)
    %add3A_129 = arith.constant 160 : i32
    %add3A_130 = arith.addi %mul3A_2, %add3A_129 : i32
    %dma_start3A_131 = tpu.memref_slice %arg4[%add3A_130] : memref<320000xi32, #tpu.memory_space<hbm>> -> memref<40xi32, #tpu.memory_space<hbm>>
    %dma_start3A_132 = tpu.memref_slice %arg4[%add3A_130] : memref<320000xi32, #tpu.memory_space<hbm>> -> memref<40xi32, #tpu.memory_space<hbm>>
    tpu.enqueue_dma source(%dma_start3A_132 : memref<40xi32, #tpu.memory_space<hbm>>) target(%arg11 : memref<40xi32, #tpu.memory_space<vmem>>) target_semaphore(%arg23 : memref<!tpu.dma_semaphore, #tpu.memory_space<semaphore_mem>>)
    %dma_start3A_133 = arith.constant 160 : i32
    %dma_start3A_134 = tpu.memref_slice %arg6[%dma_start3A_133] : memref<10000xi32, #tpu.memory_space<vmem>> -> memref<40xi32, #tpu.memory_space<vmem>>
    %dma_start3A_135 = arith.constant 0 : i32
    %dma_start3A_136 = arith.constant 0 : i32
    %dma_start3A_137 = tpu.memref_slice %arg2[%dma_start3A_135, %dma_start3A_136] : memref<10000x128xf32, #tpu.memory_space<hbm>> -> memref<10000x128xf32, #tpu.memory_space<hbm>>
    tpu.enqueue_indirect_dma source(%dma_start3A_137 : memref<10000x128xf32, #tpu.memory_space<hbm>>) target(%arg16 : memref<40x128xf32, #tpu.memory_space<vmem>>) offsets(%dma_start3A_134 : memref<40xi32, #tpu.memory_space<vmem>>) semaphore(%arg28 : memref<!tpu.dma_semaphore, #tpu.memory_space<semaphore_mem>>)
    %barrier3A = arith.constant 0 : index
    tpu.barrier barrier_id(%barrier3A)
    %scan3A_138 = arith.constant 0 : i32
    %scan3A_139 = arith.constant 0 : i32
    %scan3A_140 = arith.constant 50 : i32
    %scan3A_141 = arith.addi %scan3A_139, %scan3A_140 : i32
    %scan3A_142 = arith.constant 1 : i32
    %scan3A_143 = scf.for %scan3A_146 = %scan3A_139 to %scan3A_141 step %scan3A_142 iter_args(%scan3A_147 = %scan3A_138) -> (i32)  : i32 {
      %mul3A_148 = arith.constant 5 : i32
      %mul3A_149 = arith.muli %scan3A_146, %mul3A_148 : i32
      %add3A_150 = arith.constant 0 : i32
      %add3A_151 = arith.addi %mul3A_149, %add3A_150 : i32
      %dma_wait3A_152 = arith.constant 0 : i32
      %dma_wait3A_153 = arith.constant 0 : i32
      %dma_wait3A_154 = tpu.memref_slice %arg2[%dma_wait3A_152, %dma_wait3A_153] : memref<10000x128xf32, #tpu.memory_space<hbm>> -> memref<40x128xf32, #tpu.memory_space<hbm>>
      %dma_wait3A_155 = arith.constant 0 : i32
      %dma_wait3A_156 = arith.constant 0 : i32
      %dma_wait3A_157 = tpu.memref_slice %arg2[%dma_wait3A_155, %dma_wait3A_156] : memref<10000x128xf32, #tpu.memory_space<hbm>> -> memref<40x128xf32, #tpu.memory_space<hbm>>
      tpu.wait_dma2 semaphore(%arg24 : memref<!tpu.dma_semaphore, #tpu.memory_space<semaphore_mem>>) src(%dma_wait3A_157 : memref<40x128xf32, #tpu.memory_space<hbm>>) dst(%arg12 : memref<40x128xf32, #tpu.memory_space<vmem>>)
      %dma_wait3A_158 = arith.constant 0 : i32
      %dma_wait3A_159 = tpu.memref_slice %arg4[%dma_wait3A_158] : memref<320000xi32, #tpu.memory_space<hbm>> -> memref<40xi32, #tpu.memory_space<hbm>>
      %dma_wait3A_160 = arith.constant 0 : i32
      %dma_wait3A_161 = tpu.memref_slice %arg4[%dma_wait3A_160] : memref<320000xi32, #tpu.memory_space<hbm>> -> memref<40xi32, #tpu.memory_space<hbm>>
      tpu.wait_dma2 semaphore(%arg19 : memref<!tpu.dma_semaphore, #tpu.memory_space<semaphore_mem>>) src(%dma_wait3A_161 : memref<40xi32, #tpu.memory_space<hbm>>) dst(%arg7 : memref<40xi32, #tpu.memory_space<vmem>>)
      "tpu.region"() ({
        %run_scoped3A = tpu.sem_alloc : memref<!tpu.dma_semaphore, #tpu.memory_space<semaphore_mem>>
        %dma_start3A_241 = arith.constant 0 : i32
        %dma_start3A_242 = arith.constant 0 : i32
        %dma_start3A_243 = tpu.memref_slice %arg18[%dma_start3A_241, %dma_start3A_242] : memref<10240x128xf32, #tpu.memory_space<vmem_shared>> -> memref<10240x128xf32, #tpu.memory_space<vmem_shared>>
        tpu.enqueue_indirect_dma source(%arg12 : memref<40x128xf32, #tpu.memory_space<vmem>>) target(%dma_start3A_243 : memref<10240x128xf32, #tpu.memory_space<vmem_shared>>) offsets(%arg7 : memref<40xi32, #tpu.memory_space<vmem>>) semaphore(%run_scoped3A : memref<!tpu.dma_semaphore, #tpu.memory_space<semaphore_mem>>) {add = true}
        %dma_wait3A_244 = arith.constant 0 : i32
        %dma_wait3A_245 = arith.constant 0 : i32
        %dma_wait3A_246 = tpu.memref_slice %arg18[%dma_wait3A_244, %dma_wait3A_245] : memref<10240x128xf32, #tpu.memory_space<vmem_shared>> -> memref<10240x128xf32, #tpu.memory_space<vmem_shared>>
        tpu.wait_indirect_dma semaphore(%run_scoped3A : memref<!tpu.dma_semaphore, #tpu.memory_space<semaphore_mem>>) src(%arg12 : memref<40x128xf32, #tpu.memory_space<vmem>>) dst(%dma_wait3A_246 : memref<10240x128xf32, #tpu.memory_space<vmem_shared>>)
        tpu.yield
      }) : () -> ()
      %lt3A = arith.constant 49 : i32
      %lt3A_162 = arith.cmpi slt, %scan3A_146, %lt3A : i32
      %convert_element_type3A = arith.extui %lt3A_162 : i1 to i32
      %cond3A = arith.constant 0 : i32
      %cond3A_163 = arith.cmpi ne, %convert_element_type3A, %cond3A : i32
      scf.if %cond3A_163 {
        %add3A_241 = arith.constant 5 : i32
        %add3A_242 = arith.addi %add3A_151, %add3A_241 : i32
        %mul3A_243 = arith.constant 40 : i32
        %mul3A_244 = arith.muli %add3A_242, %mul3A_243 : i32
        %add3A_245 = arith.addi %mul3A_2, %mul3A_244 : i32
        %dma_start3A_246 = tpu.memref_slice %arg4[%add3A_245] : memref<320000xi32, #tpu.memory_space<hbm>> -> memref<40xi32, #tpu.memory_space<hbm>>
        %dma_start3A_247 = tpu.memref_slice %arg4[%add3A_245] : memref<320000xi32, #tpu.memory_space<hbm>> -> memref<40xi32, #tpu.memory_space<hbm>>
        tpu.enqueue_dma source(%dma_start3A_247 : memref<40xi32, #tpu.memory_space<hbm>>) target(%arg7 : memref<40xi32, #tpu.memory_space<vmem>>) target_semaphore(%arg19 : memref<!tpu.dma_semaphore, #tpu.memory_space<semaphore_mem>>)
        %mul3A_248 = arith.constant 40 : i32
        %mul3A_249 = arith.muli %add3A_242, %mul3A_248 : i32
        %dma_start3A_250 = tpu.memref_slice %arg6[%mul3A_249] : memref<10000xi32, #tpu.memory_space<vmem>> -> memref<40xi32, #tpu.memory_space<vmem>>
        %dma_start3A_251 = arith.constant 0 : i32
        %dma_start3A_252 = arith.constant 0 : i32
        %dma_start3A_253 = tpu.memref_slice %arg2[%dma_start3A_251, %dma_start3A_252] : memref<10000x128xf32, #tpu.memory_space<hbm>> -> memref<10000x128xf32, #tpu.memory_space<hbm>>
        tpu.enqueue_indirect_dma source(%dma_start3A_253 : memref<10000x128xf32, #tpu.memory_space<hbm>>) target(%arg12 : memref<40x128xf32, #tpu.memory_space<vmem>>) offsets(%dma_start3A_250 : memref<40xi32, #tpu.memory_space<vmem>>) semaphore(%arg24 : memref<!tpu.dma_semaphore, #tpu.memory_space<semaphore_mem>>)
      } else {
      }
      %mul3A_164 = arith.constant 5 : i32
      %mul3A_165 = arith.muli %scan3A_146, %mul3A_164 : i32
      %add3A_166 = arith.constant 1 : i32
      %add3A_167 = arith.addi %mul3A_165, %add3A_166 : i32
      %dma_wait3A_168 = arith.constant 0 : i32
      %dma_wait3A_169 = arith.constant 0 : i32
      %dma_wait3A_170 = tpu.memref_slice %arg2[%dma_wait3A_168, %dma_wait3A_169] : memref<10000x128xf32, #tpu.memory_space<hbm>> -> memref<40x128xf32, #tpu.memory_space<hbm>>
      %dma_wait3A_171 = arith.constant 0 : i32
      %dma_wait3A_172 = arith.constant 0 : i32
      %dma_wait3A_173 = tpu.memref_slice %arg2[%dma_wait3A_171, %dma_wait3A_172] : memref<10000x128xf32, #tpu.memory_space<hbm>> -> memref<40x128xf32, #tpu.memory_space<hbm>>
      tpu.wait_dma2 semaphore(%arg25 : memref<!tpu.dma_semaphore, #tpu.memory_space<semaphore_mem>>) src(%dma_wait3A_173 : memref<40x128xf32, #tpu.memory_space<hbm>>) dst(%arg13 : memref<40x128xf32, #tpu.memory_space<vmem>>)
      %dma_wait3A_174 = arith.constant 0 : i32
      %dma_wait3A_175 = tpu.memref_slice %arg4[%dma_wait3A_174] : memref<320000xi32, #tpu.memory_space<hbm>> -> memref<40xi32, #tpu.memory_space<hbm>>
      %dma_wait3A_176 = arith.constant 0 : i32
      %dma_wait3A_177 = tpu.memref_slice %arg4[%dma_wait3A_176] : memref<320000xi32, #tpu.memory_space<hbm>> -> memref<40xi32, #tpu.memory_space<hbm>>
      tpu.wait_dma2 semaphore(%arg20 : memref<!tpu.dma_semaphore, #tpu.memory_space<semaphore_mem>>) src(%dma_wait3A_177 : memref<40xi32, #tpu.memory_space<hbm>>) dst(%arg8 : memref<40xi32, #tpu.memory_space<vmem>>)
      "tpu.region"() ({
        %run_scoped3A = tpu.sem_alloc : memref<!tpu.dma_semaphore, #tpu.memory_space<semaphore_mem>>
        %dma_start3A_241 = arith.constant 0 : i32
        %dma_start3A_242 = arith.constant 0 : i32
        %dma_start3A_243 = tpu.memref_slice %arg18[%dma_start3A_241, %dma_start3A_242] : memref<10240x128xf32, #tpu.memory_space<vmem_shared>> -> memref<10240x128xf32, #tpu.memory_space<vmem_shared>>
        tpu.enqueue_indirect_dma source(%arg13 : memref<40x128xf32, #tpu.memory_space<vmem>>) target(%dma_start3A_243 : memref<10240x128xf32, #tpu.memory_space<vmem_shared>>) offsets(%arg8 : memref<40xi32, #tpu.memory_space<vmem>>) semaphore(%run_scoped3A : memref<!tpu.dma_semaphore, #tpu.memory_space<semaphore_mem>>) {add = true}
        %dma_wait3A_244 = arith.constant 0 : i32
        %dma_wait3A_245 = arith.constant 0 : i32
        %dma_wait3A_246 = tpu.memref_slice %arg18[%dma_wait3A_244, %dma_wait3A_245] : memref<10240x128xf32, #tpu.memory_space<vmem_shared>> -> memref<10240x128xf32, #tpu.memory_space<vmem_shared>>
        tpu.wait_indirect_dma semaphore(%run_scoped3A : memref<!tpu.dma_semaphore, #tpu.memory_space<semaphore_mem>>) src(%arg13 : memref<40x128xf32, #tpu.memory_space<vmem>>) dst(%dma_wait3A_246 : memref<10240x128xf32, #tpu.memory_space<vmem_shared>>)
        tpu.yield
      }) : () -> ()
      %lt3A_178 = arith.constant 49 : i32
      %lt3A_179 = arith.cmpi slt, %scan3A_146, %lt3A_178 : i32
      %convert_element_type3A_180 = arith.extui %lt3A_179 : i1 to i32
      %cond3A_181 = arith.constant 0 : i32
      %cond3A_182 = arith.cmpi ne, %convert_element_type3A_180, %cond3A_181 : i32
      scf.if %cond3A_182 {
        %add3A_241 = arith.constant 5 : i32
        %add3A_242 = arith.addi %add3A_167, %add3A_241 : i32
        %mul3A_243 = arith.constant 40 : i32
        %mul3A_244 = arith.muli %add3A_242, %mul3A_243 : i32
        %add3A_245 = arith.addi %mul3A_2, %mul3A_244 : i32
        %dma_start3A_246 = tpu.memref_slice %arg4[%add3A_245] : memref<320000xi32, #tpu.memory_space<hbm>> -> memref<40xi32, #tpu.memory_space<hbm>>
        %dma_start3A_247 = tpu.memref_slice %arg4[%add3A_245] : memref<320000xi32, #tpu.memory_space<hbm>> -> memref<40xi32, #tpu.memory_space<hbm>>
        tpu.enqueue_dma source(%dma_start3A_247 : memref<40xi32, #tpu.memory_space<hbm>>) target(%arg8 : memref<40xi32, #tpu.memory_space<vmem>>) target_semaphore(%arg20 : memref<!tpu.dma_semaphore, #tpu.memory_space<semaphore_mem>>)
        %mul3A_248 = arith.constant 40 : i32
        %mul3A_249 = arith.muli %add3A_242, %mul3A_248 : i32
        %dma_start3A_250 = tpu.memref_slice %arg6[%mul3A_249] : memref<10000xi32, #tpu.memory_space<vmem>> -> memref<40xi32, #tpu.memory_space<vmem>>
        %dma_start3A_251 = arith.constant 0 : i32
        %dma_start3A_252 = arith.constant 0 : i32
        %dma_start3A_253 = tpu.memref_slice %arg2[%dma_start3A_251, %dma_start3A_252] : memref<10000x128xf32, #tpu.memory_space<hbm>> -> memref<10000x128xf32, #tpu.memory_space<hbm>>
        tpu.enqueue_indirect_dma source(%dma_start3A_253 : memref<10000x128xf32, #tpu.memory_space<hbm>>) target(%arg13 : memref<40x128xf32, #tpu.memory_space<vmem>>) offsets(%dma_start3A_250 : memref<40xi32, #tpu.memory_space<vmem>>) semaphore(%arg25 : memref<!tpu.dma_semaphore, #tpu.memory_space<semaphore_mem>>)
      } else {
      }
      %mul3A_183 = arith.constant 5 : i32
      %mul3A_184 = arith.muli %scan3A_146, %mul3A_183 : i32
      %add3A_185 = arith.constant 2 : i32
      %add3A_186 = arith.addi %mul3A_184, %add3A_185 : i32
      %dma_wait3A_187 = arith.constant 0 : i32
      %dma_wait3A_188 = arith.constant 0 : i32
      %dma_wait3A_189 = tpu.memref_slice %arg2[%dma_wait3A_187, %dma_wait3A_188] : memref<10000x128xf32, #tpu.memory_space<hbm>> -> memref<40x128xf32, #tpu.memory_space<hbm>>
      %dma_wait3A_190 = arith.constant 0 : i32
      %dma_wait3A_191 = arith.constant 0 : i32
      %dma_wait3A_192 = tpu.memref_slice %arg2[%dma_wait3A_190, %dma_wait3A_191] : memref<10000x128xf32, #tpu.memory_space<hbm>> -> memref<40x128xf32, #tpu.memory_space<hbm>>
      tpu.wait_dma2 semaphore(%arg26 : memref<!tpu.dma_semaphore, #tpu.memory_space<semaphore_mem>>) src(%dma_wait3A_192 : memref<40x128xf32, #tpu.memory_space<hbm>>) dst(%arg14 : memref<40x128xf32, #tpu.memory_space<vmem>>)
      %dma_wait3A_193 = arith.constant 0 : i32
      %dma_wait3A_194 = tpu.memref_slice %arg4[%dma_wait3A_193] : memref<320000xi32, #tpu.memory_space<hbm>> -> memref<40xi32, #tpu.memory_space<hbm>>
      %dma_wait3A_195 = arith.constant 0 : i32
      %dma_wait3A_196 = tpu.memref_slice %arg4[%dma_wait3A_195] : memref<320000xi32, #tpu.memory_space<hbm>> -> memref<40xi32, #tpu.memory_space<hbm>>
      tpu.wait_dma2 semaphore(%arg21 : memref<!tpu.dma_semaphore, #tpu.memory_space<semaphore_mem>>) src(%dma_wait3A_196 : memref<40xi32, #tpu.memory_space<hbm>>) dst(%arg9 : memref<40xi32, #tpu.memory_space<vmem>>)
      "tpu.region"() ({
        %run_scoped3A = tpu.sem_alloc : memref<!tpu.dma_semaphore, #tpu.memory_space<semaphore_mem>>
        %dma_start3A_241 = arith.constant 0 : i32
        %dma_start3A_242 = arith.constant 0 : i32
        %dma_start3A_243 = tpu.memref_slice %arg18[%dma_start3A_241, %dma_start3A_242] : memref<10240x128xf32, #tpu.memory_space<vmem_shared>> -> memref<10240x128xf32, #tpu.memory_space<vmem_shared>>
        tpu.enqueue_indirect_dma source(%arg14 : memref<40x128xf32, #tpu.memory_space<vmem>>) target(%dma_start3A_243 : memref<10240x128xf32, #tpu.memory_space<vmem_shared>>) offsets(%arg9 : memref<40xi32, #tpu.memory_space<vmem>>) semaphore(%run_scoped3A : memref<!tpu.dma_semaphore, #tpu.memory_space<semaphore_mem>>) {add = true}
        %dma_wait3A_244 = arith.constant 0 : i32
        %dma_wait3A_245 = arith.constant 0 : i32
        %dma_wait3A_246 = tpu.memref_slice %arg18[%dma_wait3A_244, %dma_wait3A_245] : memref<10240x128xf32, #tpu.memory_space<vmem_shared>> -> memref<10240x128xf32, #tpu.memory_space<vmem_shared>>
        tpu.wait_indirect_dma semaphore(%run_scoped3A : memref<!tpu.dma_semaphore, #tpu.memory_space<semaphore_mem>>) src(%arg14 : memref<40x128xf32, #tpu.memory_space<vmem>>) dst(%dma_wait3A_246 : memref<10240x128xf32, #tpu.memory_space<vmem_shared>>)
        tpu.yield
      }) : () -> ()
      %lt3A_197 = arith.constant 49 : i32
      %lt3A_198 = arith.cmpi slt, %scan3A_146, %lt3A_197 : i32
      %convert_element_type3A_199 = arith.extui %lt3A_198 : i1 to i32
      %cond3A_200 = arith.constant 0 : i32
      %cond3A_201 = arith.cmpi ne, %convert_element_type3A_199, %cond3A_200 : i32
      scf.if %cond3A_201 {
        %add3A_241 = arith.constant 5 : i32
        %add3A_242 = arith.addi %add3A_186, %add3A_241 : i32
        %mul3A_243 = arith.constant 40 : i32
        %mul3A_244 = arith.muli %add3A_242, %mul3A_243 : i32
        %add3A_245 = arith.addi %mul3A_2, %mul3A_244 : i32
        %dma_start3A_246 = tpu.memref_slice %arg4[%add3A_245] : memref<320000xi32, #tpu.memory_space<hbm>> -> memref<40xi32, #tpu.memory_space<hbm>>
        %dma_start3A_247 = tpu.memref_slice %arg4[%add3A_245] : memref<320000xi32, #tpu.memory_space<hbm>> -> memref<40xi32, #tpu.memory_space<hbm>>
        tpu.enqueue_dma source(%dma_start3A_247 : memref<40xi32, #tpu.memory_space<hbm>>) target(%arg9 : memref<40xi32, #tpu.memory_space<vmem>>) target_semaphore(%arg21 : memref<!tpu.dma_semaphore, #tpu.memory_space<semaphore_mem>>)
        %mul3A_248 = arith.constant 40 : i32
        %mul3A_249 = arith.muli %add3A_242, %mul3A_248 : i32
        %dma_start3A_250 = tpu.memref_slice %arg6[%mul3A_249] : memref<10000xi32, #tpu.memory_space<vmem>> -> memref<40xi32, #tpu.memory_space<vmem>>
        %dma_start3A_251 = arith.constant 0 : i32
        %dma_start3A_252 = arith.constant 0 : i32
        %dma_start3A_253 = tpu.memref_slice %arg2[%dma_start3A_251, %dma_start3A_252] : memref<10000x128xf32, #tpu.memory_space<hbm>> -> memref<10000x128xf32, #tpu.memory_space<hbm>>
        tpu.enqueue_indirect_dma source(%dma_start3A_253 : memref<10000x128xf32, #tpu.memory_space<hbm>>) target(%arg14 : memref<40x128xf32, #tpu.memory_space<vmem>>) offsets(%dma_start3A_250 : memref<40xi32, #tpu.memory_space<vmem>>) semaphore(%arg26 : memref<!tpu.dma_semaphore, #tpu.memory_space<semaphore_mem>>)
      } else {
      }
      %mul3A_202 = arith.constant 5 : i32
      %mul3A_203 = arith.muli %scan3A_146, %mul3A_202 : i32
      %add3A_204 = arith.constant 3 : i32
      %add3A_205 = arith.addi %mul3A_203, %add3A_204 : i32
      %dma_wait3A_206 = arith.constant 0 : i32
      %dma_wait3A_207 = arith.constant 0 : i32
      %dma_wait3A_208 = tpu.memref_slice %arg2[%dma_wait3A_206, %dma_wait3A_207] : memref<10000x128xf32, #tpu.memory_space<hbm>> -> memref<40x128xf32, #tpu.memory_space<hbm>>
      %dma_wait3A_209 = arith.constant 0 : i32
      %dma_wait3A_210 = arith.constant 0 : i32
      %dma_wait3A_211 = tpu.memref_slice %arg2[%dma_wait3A_209, %dma_wait3A_210] : memref<10000x128xf32, #tpu.memory_space<hbm>> -> memref<40x128xf32, #tpu.memory_space<hbm>>
      tpu.wait_dma2 semaphore(%arg27 : memref<!tpu.dma_semaphore, #tpu.memory_space<semaphore_mem>>) src(%dma_wait3A_211 : memref<40x128xf32, #tpu.memory_space<hbm>>) dst(%arg15 : memref<40x128xf32, #tpu.memory_space<vmem>>)
      %dma_wait3A_212 = arith.constant 0 : i32
      %dma_wait3A_213 = tpu.memref_slice %arg4[%dma_wait3A_212] : memref<320000xi32, #tpu.memory_space<hbm>> -> memref<40xi32, #tpu.memory_space<hbm>>
      %dma_wait3A_214 = arith.constant 0 : i32
      %dma_wait3A_215 = tpu.memref_slice %arg4[%dma_wait3A_214] : memref<320000xi32, #tpu.memory_space<hbm>> -> memref<40xi32, #tpu.memory_space<hbm>>
      tpu.wait_dma2 semaphore(%arg22 : memref<!tpu.dma_semaphore, #tpu.memory_space<semaphore_mem>>) src(%dma_wait3A_215 : memref<40xi32, #tpu.memory_space<hbm>>) dst(%arg10 : memref<40xi32, #tpu.memory_space<vmem>>)
      "tpu.region"() ({
        %run_scoped3A = tpu.sem_alloc : memref<!tpu.dma_semaphore, #tpu.memory_space<semaphore_mem>>
        %dma_start3A_241 = arith.constant 0 : i32
        %dma_start3A_242 = arith.constant 0 : i32
        %dma_start3A_243 = tpu.memref_slice %arg18[%dma_start3A_241, %dma_start3A_242] : memref<10240x128xf32, #tpu.memory_space<vmem_shared>> -> memref<10240x128xf32, #tpu.memory_space<vmem_shared>>
        tpu.enqueue_indirect_dma source(%arg15 : memref<40x128xf32, #tpu.memory_space<vmem>>) target(%dma_start3A_243 : memref<10240x128xf32, #tpu.memory_space<vmem_shared>>) offsets(%arg10 : memref<40xi32, #tpu.memory_space<vmem>>) semaphore(%run_scoped3A : memref<!tpu.dma_semaphore, #tpu.memory_space<semaphore_mem>>) {add = true}
        %dma_wait3A_244 = arith.constant 0 : i32
        %dma_wait3A_245 = arith.constant 0 : i32
        %dma_wait3A_246 = tpu.memref_slice %arg18[%dma_wait3A_244, %dma_wait3A_245] : memref<10240x128xf32, #tpu.memory_space<vmem_shared>> -> memref<10240x128xf32, #tpu.memory_space<vmem_shared>>
        tpu.wait_indirect_dma semaphore(%run_scoped3A : memref<!tpu.dma_semaphore, #tpu.memory_space<semaphore_mem>>) src(%arg15 : memref<40x128xf32, #tpu.memory_space<vmem>>) dst(%dma_wait3A_246 : memref<10240x128xf32, #tpu.memory_space<vmem_shared>>)
        tpu.yield
      }) : () -> ()
      %lt3A_216 = arith.constant 49 : i32
      %lt3A_217 = arith.cmpi slt, %scan3A_146, %lt3A_216 : i32
      %convert_element_type3A_218 = arith.extui %lt3A_217 : i1 to i32
      %cond3A_219 = arith.constant 0 : i32
      %cond3A_220 = arith.cmpi ne, %convert_element_type3A_218, %cond3A_219 : i32
      scf.if %cond3A_220 {
        %add3A_241 = arith.constant 5 : i32
        %add3A_242 = arith.addi %add3A_205, %add3A_241 : i32
        %mul3A_243 = arith.constant 40 : i32
        %mul3A_244 = arith.muli %add3A_242, %mul3A_243 : i32
        %add3A_245 = arith.addi %mul3A_2, %mul3A_244 : i32
        %dma_start3A_246 = tpu.memref_slice %arg4[%add3A_245] : memref<320000xi32, #tpu.memory_space<hbm>> -> memref<40xi32, #tpu.memory_space<hbm>>
        %dma_start3A_247 = tpu.memref_slice %arg4[%add3A_245] : memref<320000xi32, #tpu.memory_space<hbm>> -> memref<40xi32, #tpu.memory_space<hbm>>
        tpu.enqueue_dma source(%dma_start3A_247 : memref<40xi32, #tpu.memory_space<hbm>>) target(%arg10 : memref<40xi32, #tpu.memory_space<vmem>>) target_semaphore(%arg22 : memref<!tpu.dma_semaphore, #tpu.memory_space<semaphore_mem>>)
        %mul3A_248 = arith.constant 40 : i32
        %mul3A_249 = arith.muli %add3A_242, %mul3A_248 : i32
        %dma_start3A_250 = tpu.memref_slice %arg6[%mul3A_249] : memref<10000xi32, #tpu.memory_space<vmem>> -> memref<40xi32, #tpu.memory_space<vmem>>
        %dma_start3A_251 = arith.constant 0 : i32
        %dma_start3A_252 = arith.constant 0 : i32
        %dma_start3A_253 = tpu.memref_slice %arg2[%dma_start3A_251, %dma_start3A_252] : memref<10000x128xf32, #tpu.memory_space<hbm>> -> memref<10000x128xf32, #tpu.memory_space<hbm>>
        tpu.enqueue_indirect_dma source(%dma_start3A_253 : memref<10000x128xf32, #tpu.memory_space<hbm>>) target(%arg15 : memref<40x128xf32, #tpu.memory_space<vmem>>) offsets(%dma_start3A_250 : memref<40xi32, #tpu.memory_space<vmem>>) semaphore(%arg27 : memref<!tpu.dma_semaphore, #tpu.memory_space<semaphore_mem>>)
      } else {
      }
      %mul3A_221 = arith.constant 5 : i32
      %mul3A_222 = arith.muli %scan3A_146, %mul3A_221 : i32
      %add3A_223 = arith.constant 4 : i32
      %add3A_224 = arith.addi %mul3A_222, %add3A_223 : i32
      %dma_wait3A_225 = arith.constant 0 : i32
      %dma_wait3A_226 = arith.constant 0 : i32
      %dma_wait3A_227 = tpu.memref_slice %arg2[%dma_wait3A_225, %dma_wait3A_226] : memref<10000x128xf32, #tpu.memory_space<hbm>> -> memref<40x128xf32, #tpu.memory_space<hbm>>
      %dma_wait3A_228 = arith.constant 0 : i32
      %dma_wait3A_229 = arith.constant 0 : i32
      %dma_wait3A_230 = tpu.memref_slice %arg2[%dma_wait3A_228, %dma_wait3A_229] : memref<10000x128xf32, #tpu.memory_space<hbm>> -> memref<40x128xf32, #tpu.memory_space<hbm>>
      tpu.wait_dma2 semaphore(%arg28 : memref<!tpu.dma_semaphore, #tpu.memory_space<semaphore_mem>>) src(%dma_wait3A_230 : memref<40x128xf32, #tpu.memory_space<hbm>>) dst(%arg16 : memref<40x128xf32, #tpu.memory_space<vmem>>)
      %dma_wait3A_231 = arith.constant 0 : i32
      %dma_wait3A_232 = tpu.memref_slice %arg4[%dma_wait3A_231] : memref<320000xi32, #tpu.memory_space<hbm>> -> memref<40xi32, #tpu.memory_space<hbm>>
      %dma_wait3A_233 = arith.constant 0 : i32
      %dma_wait3A_234 = tpu.memref_slice %arg4[%dma_wait3A_233] : memref<320000xi32, #tpu.memory_space<hbm>> -> memref<40xi32, #tpu.memory_space<hbm>>
      tpu.wait_dma2 semaphore(%arg23 : memref<!tpu.dma_semaphore, #tpu.memory_space<semaphore_mem>>) src(%dma_wait3A_234 : memref<40xi32, #tpu.memory_space<hbm>>) dst(%arg11 : memref<40xi32, #tpu.memory_space<vmem>>)
      "tpu.region"() ({
        %run_scoped3A = tpu.sem_alloc : memref<!tpu.dma_semaphore, #tpu.memory_space<semaphore_mem>>
        %dma_start3A_241 = arith.constant 0 : i32
        %dma_start3A_242 = arith.constant 0 : i32
        %dma_start3A_243 = tpu.memref_slice %arg18[%dma_start3A_241, %dma_start3A_242] : memref<10240x128xf32, #tpu.memory_space<vmem_shared>> -> memref<10240x128xf32, #tpu.memory_space<vmem_shared>>
        tpu.enqueue_indirect_dma source(%arg16 : memref<40x128xf32, #tpu.memory_space<vmem>>) target(%dma_start3A_243 : memref<10240x128xf32, #tpu.memory_space<vmem_shared>>) offsets(%arg11 : memref<40xi32, #tpu.memory_space<vmem>>) semaphore(%run_scoped3A : memref<!tpu.dma_semaphore, #tpu.memory_space<semaphore_mem>>) {add = true}
        %dma_wait3A_244 = arith.constant 0 : i32
        %dma_wait3A_245 = arith.constant 0 : i32
        %dma_wait3A_246 = tpu.memref_slice %arg18[%dma_wait3A_244, %dma_wait3A_245] : memref<10240x128xf32, #tpu.memory_space<vmem_shared>> -> memref<10240x128xf32, #tpu.memory_space<vmem_shared>>
        tpu.wait_indirect_dma semaphore(%run_scoped3A : memref<!tpu.dma_semaphore, #tpu.memory_space<semaphore_mem>>) src(%arg16 : memref<40x128xf32, #tpu.memory_space<vmem>>) dst(%dma_wait3A_246 : memref<10240x128xf32, #tpu.memory_space<vmem_shared>>)
        tpu.yield
      }) : () -> ()
      %lt3A_235 = arith.constant 49 : i32
      %lt3A_236 = arith.cmpi slt, %scan3A_146, %lt3A_235 : i32
      %convert_element_type3A_237 = arith.extui %lt3A_236 : i1 to i32
      %cond3A_238 = arith.constant 0 : i32
      %cond3A_239 = arith.cmpi ne, %convert_element_type3A_237, %cond3A_238 : i32
      scf.if %cond3A_239 {
        %add3A_241 = arith.constant 5 : i32
        %add3A_242 = arith.addi %add3A_224, %add3A_241 : i32
        %mul3A_243 = arith.constant 40 : i32
        %mul3A_244 = arith.muli %add3A_242, %mul3A_243 : i32
        %add3A_245 = arith.addi %mul3A_2, %mul3A_244 : i32
        %dma_start3A_246 = tpu.memref_slice %arg4[%add3A_245] : memref<320000xi32, #tpu.memory_space<hbm>> -> memref<40xi32, #tpu.memory_space<hbm>>
        %dma_start3A_247 = tpu.memref_slice %arg4[%add3A_245] : memref<320000xi32, #tpu.memory_space<hbm>> -> memref<40xi32, #tpu.memory_space<hbm>>
        tpu.enqueue_dma source(%dma_start3A_247 : memref<40xi32, #tpu.memory_space<hbm>>) target(%arg11 : memref<40xi32, #tpu.memory_space<vmem>>) target_semaphore(%arg23 : memref<!tpu.dma_semaphore, #tpu.memory_space<semaphore_mem>>)
        %mul3A_248 = arith.constant 40 : i32
        %mul3A_249 = arith.muli %add3A_242, %mul3A_248 : i32
        %dma_start3A_250 = tpu.memref_slice %arg6[%mul3A_249] : memref<10000xi32, #tpu.memory_space<vmem>> -> memref<40xi32, #tpu.memory_space<vmem>>
        %dma_start3A_251 = arith.constant 0 : i32
        %dma_start3A_252 = arith.constant 0 : i32
        %dma_start3A_253 = tpu.memref_slice %arg2[%dma_start3A_251, %dma_start3A_252] : memref<10000x128xf32, #tpu.memory_space<hbm>> -> memref<10000x128xf32, #tpu.memory_space<hbm>>
        tpu.enqueue_indirect_dma source(%dma_start3A_253 : memref<10000x128xf32, #tpu.memory_space<hbm>>) target(%arg16 : memref<40x128xf32, #tpu.memory_space<vmem>>) offsets(%dma_start3A_250 : memref<40xi32, #tpu.memory_space<vmem>>) semaphore(%arg28 : memref<!tpu.dma_semaphore, #tpu.memory_space<semaphore_mem>>)
      } else {
      }
      %scan3A_240 = arith.constant 0 : i32
      scf.yield %scan3A_240 : i32
    }
    %scan3A_144 = arith.constant 50 : i32
    %barrier3A_145 = arith.constant 0 : index
    tpu.barrier barrier_id(%barrier3A_145)
    "tpu.region"() ({
      %run_scoped3A = tpu.sem_alloc : memref<!tpu.dma_semaphore, #tpu.memory_space<semaphore_mem>>
      %dma_start3A_146 = arith.constant 0 : i32
      %dma_start3A_147 = tpu.memref_slice %arg5[%arg0, %mul3A_11, %dma_start3A_146] : memref<2x10240x128xf32, #tpu.memory_space<hbm>> -> memref<1x640x128xf32, #tpu.memory_space<hbm>>
      %dma_start3A_148 = tpu.memref_squeeze %dma_start3A_147 : memref<1x640x128xf32, #tpu.memory_space<hbm>> -> memref<640x128xf32, #tpu.memory_space<hbm>>
      %dma_start3A_149 = arith.constant 0 : i32
      %dma_start3A_150 = tpu.memref_slice %arg18[%mul3A_11, %dma_start3A_149] : memref<10240x128xf32, #tpu.memory_space<vmem_shared>> -> memref<640x128xf32, #tpu.memory_space<vmem_shared>>
      tpu.enqueue_dma source(%dma_start3A_150 : memref<640x128xf32, #tpu.memory_space<vmem_shared>>) target(%dma_start3A_148 : memref<640x128xf32, #tpu.memory_space<hbm>>) target_semaphore(%run_scoped3A : memref<!tpu.dma_semaphore, #tpu.memory_space<semaphore_mem>>)
      %dma_wait3A_151 = arith.constant 0 : i32
      %dma_wait3A_152 = tpu.memref_slice %arg5[%arg0, %mul3A_11, %dma_wait3A_151] : memref<2x10240x128xf32, #tpu.memory_space<hbm>> -> memref<1x640x128xf32, #tpu.memory_space<hbm>>
      %dma_wait3A_153 = tpu.memref_squeeze %dma_wait3A_152 : memref<1x640x128xf32, #tpu.memory_space<hbm>> -> memref<640x128xf32, #tpu.memory_space<hbm>>
      %dma_wait3A_154 = arith.constant 0 : i32
      %dma_wait3A_155 = tpu.memref_slice %arg18[%mul3A_11, %dma_wait3A_154] : memref<10240x128xf32, #tpu.memory_space<vmem_shared>> -> memref<640x128xf32, #tpu.memory_space<vmem_shared>>
      tpu.wait_dma2 semaphore(%run_scoped3A : memref<!tpu.dma_semaphore, #tpu.memory_space<semaphore_mem>>) src(%dma_wait3A_155 : memref<640x128xf32, #tpu.memory_space<vmem_shared>>) dst(%dma_wait3A_153 : memref<640x128xf32, #tpu.memory_space<hbm>>)
      tpu.yield
    }) : () -> ()
    return
  }
}

module attributes {stable_mosaic.version = 14 : i64} {
  func.func @_tc0_body(%arg0: i32, %arg1: memref<2000x128xf32, #tpu.memory_space<vmem>>, %arg2: memref<2x2x2000x1xf32, #tpu.memory_space<vmem>>, %arg3: memref<128x128xf32, #tpu.memory_space<vmem>>, %arg4: memref<2000x128xf32, #tpu.memory_space<vmem>>) attributes {dimension_semantics = [#tpu.dimension_semantics<arbitrary>], iteration_bounds = array<i64: 5>, scalar_prefetch = 0 : i64, scratch_operands = 0 : i64, tpu.core_type = #tpu.core_type<tc>, window_params = [{transform_indices = @transform_0, window_bounds = array<i64: 2000, 128>}, {transform_indices = @transform_1, window_bounds = array<i64: 2, 2, 2000, 1>}, {pipeline_mode = #tpu.pipeline_mode<synchronous>, transform_indices = @transform_2, window_bounds = array<i64: 128, 128>}, {transform_indices = @transform_3, window_bounds = array<i64: 2000, 128>}]} {
    %get3A = arith.constant 0 : index
    %get3A_0 = arith.constant 0 : index
    %get3A_1 = arith.constant 0 : index
    %get3A_2 = arith.constant 0 : index
    %get3A_3 = vector.load %arg2[%get3A, %get3A_0, %get3A_1, %get3A_2] : memref<2x2x2000x1xf32, #tpu.memory_space<vmem>>, vector<2x2x2000x1xf32>
    %slice3A = vector.extract_strided_slice %get3A_3 {offsets = [0, 0, 0, 0], sizes = [1, 1, 2000, 1], strides = [1, 1, 1, 1]} : vector<2x2x2000x1xf32> to vector<1x1x2000x1xf32>
    %squeeze3A = vector.shape_cast %slice3A : vector<1x1x2000x1xf32> to vector<2000x1xf32>
    %slice3A_4 = vector.extract_strided_slice %get3A_3 {offsets = [1, 0, 0, 0], sizes = [1, 1, 2000, 1], strides = [1, 1, 1, 1]} : vector<2x2x2000x1xf32> to vector<1x1x2000x1xf32>
    %squeeze3A_5 = vector.shape_cast %slice3A_4 : vector<1x1x2000x1xf32> to vector<2000x1xf32>
    %add3A = arith.addf %squeeze3A, %squeeze3A_5 : vector<2000x1xf32>
    %max3A = arith.constant 1.000000e+00 : f32
    %max3A_6 = vector.broadcast %max3A : f32 to vector<2000x1xf32>
    %max3A_7 = arith.maximumf %add3A, %max3A_6 : vector<2000x1xf32>
    %rsqrt3A = math.rsqrt %max3A_7 : vector<2000x1xf32>
    %get3A_8 = arith.constant 0 : index
    %get3A_9 = arith.constant 0 : index
    %get3A_10 = vector.load %arg1[%get3A_8, %get3A_9] : memref<2000x128xf32, #tpu.memory_space<vmem>>, vector<2000x128xf32>
    %mul3A = vector.broadcast %rsqrt3A : vector<2000x1xf32> to vector<2000x128xf32>
    %mul3A_11 = arith.mulf %get3A_10, %mul3A : vector<2000x128xf32>
    %get3A_12 = arith.constant 0 : index
    %get3A_13 = arith.constant 0 : index
    %get3A_14 = vector.load %arg3[%get3A_12, %get3A_13] : memref<128x128xf32, #tpu.memory_space<vmem>>, vector<128x128xf32>
    %dot_general3A = arith.constant dense<0.000000e+00> : vector<2000x128xf32>
    %dot_general3A_15 = tpu.matmul %mul3A_11, %get3A_14, %dot_general3A {dimension_numbers = #tpu.dot_dimension_numbers<[1], [0], [0], [1], [0, 0, 1, 1], [], []>, transpose_lhs_hint = false} : vector<2000x128xf32>, vector<128x128xf32>, vector<2000x128xf32> -> vector<2000x128xf32>
    %swap3A = arith.constant 0 : index
    %swap3A_16 = arith.constant 0 : index
    %swap3A_17 = vector.load %arg4[%swap3A, %swap3A_16] : memref<2000x128xf32, #tpu.memory_space<vmem>>, vector<2000x128xf32>
    tpu.vector_store %arg4[%swap3A, %swap3A_16], %dot_general3A_15 {strides = array<i32>} : memref<2000x128xf32, #tpu.memory_space<vmem>>, vector<2000x128xf32>,
    return
  }
  func.func @transform_0(%arg0: i32) -> (i32, i32) {
    %c0_i32 = arith.constant 0 : i32
    %c0_i32_0 = arith.constant 0 : i32
    return %arg0, %c0_i32 : i32, i32
  }
  func.func @transform_1(%arg0: i32) -> (i32, i32, i32, i32) {
    %c0_i32 = arith.constant 0 : i32
    %c0_i32_0 = arith.constant 0 : i32
    %c0_i32_1 = arith.constant 0 : i32
    %c0_i32_2 = arith.constant 0 : i32
    return %c0_i32, %c0_i32_0, %arg0, %c0_i32_1 : i32, i32, i32, i32
  }
  func.func @transform_2(%arg0: i32) -> (i32, i32) {
    %c0_i32 = arith.constant 0 : i32
    %c0_i32_0 = arith.constant 0 : i32
    %c0_i32_1 = arith.constant 0 : i32
    return %c0_i32, %c0_i32_0 : i32, i32
  }
  func.func @transform_3(%arg0: i32) -> (i32, i32) {
    %c0_i32 = arith.constant 0 : i32
    %c0_i32_0 = arith.constant 0 : i32
    return %arg0, %c0_i32 : i32, i32
  }
}

module attributes {stable_mosaic.version = 14 : i64} {
  func.func @_tcmid_body(%arg0: i32, %arg1: memref<2x2000x128xf32, #tpu.memory_space<vmem>>, %arg2: memref<2x2x2000x1xf32, #tpu.memory_space<vmem>>, %arg3: memref<1x128xf32, #tpu.memory_space<vmem>>, %arg4: memref<128x128xf32, #tpu.memory_space<vmem>>, %arg5: memref<2000x128xf32, #tpu.memory_space<vmem>>) attributes {dimension_semantics = [#tpu.dimension_semantics<arbitrary>], iteration_bounds = array<i64: 5>, scalar_prefetch = 0 : i64, scratch_operands = 0 : i64, tpu.core_type = #tpu.core_type<tc>, window_params = [{transform_indices = @transform_0, window_bounds = array<i64: 2, 2000, 128>}, {transform_indices = @transform_1, window_bounds = array<i64: 2, 2, 2000, 1>}, {pipeline_mode = #tpu.pipeline_mode<synchronous>, transform_indices = @transform_2, window_bounds = array<i64: 1, 128>}, {pipeline_mode = #tpu.pipeline_mode<synchronous>, transform_indices = @transform_3, window_bounds = array<i64: 128, 128>}, {transform_indices = @transform_4, window_bounds = array<i64: 2000, 128>}]} {
    %get3A = arith.constant 0 : index
    %get3A_0 = arith.constant 0 : index
    %get3A_1 = arith.constant 0 : index
    %get3A_2 = arith.constant 0 : index
    %get3A_3 = vector.load %arg2[%get3A, %get3A_0, %get3A_1, %get3A_2] : memref<2x2x2000x1xf32, #tpu.memory_space<vmem>>, vector<2x2x2000x1xf32>
    %slice3A = vector.extract_strided_slice %get3A_3 {offsets = [0, 0, 0, 0], sizes = [1, 1, 2000, 1], strides = [1, 1, 1, 1]} : vector<2x2x2000x1xf32> to vector<1x1x2000x1xf32>
    %squeeze3A = vector.shape_cast %slice3A : vector<1x1x2000x1xf32> to vector<2000x1xf32>
    %slice3A_4 = vector.extract_strided_slice %get3A_3 {offsets = [1, 0, 0, 0], sizes = [1, 1, 2000, 1], strides = [1, 1, 1, 1]} : vector<2x2x2000x1xf32> to vector<1x1x2000x1xf32>
    %squeeze3A_5 = vector.shape_cast %slice3A_4 : vector<1x1x2000x1xf32> to vector<2000x1xf32>
    %add3A = arith.addf %squeeze3A, %squeeze3A_5 : vector<2000x1xf32>
    %slice3A_6 = vector.extract_strided_slice %get3A_3 {offsets = [0, 1, 0, 0], sizes = [1, 1, 2000, 1], strides = [1, 1, 1, 1]} : vector<2x2x2000x1xf32> to vector<1x1x2000x1xf32>
    %squeeze3A_7 = vector.shape_cast %slice3A_6 : vector<1x1x2000x1xf32> to vector<2000x1xf32>
    %slice3A_8 = vector.extract_strided_slice %get3A_3 {offsets = [1, 1, 0, 0], sizes = [1, 1, 2000, 1], strides = [1, 1, 1, 1]} : vector<2x2x2000x1xf32> to vector<1x1x2000x1xf32>
    %squeeze3A_9 = vector.shape_cast %slice3A_8 : vector<1x1x2000x1xf32> to vector<2000x1xf32>
    %add3A_10 = arith.addf %squeeze3A_7, %squeeze3A_9 : vector<2000x1xf32>
    %max3A = arith.constant 1.000000e+00 : f32
    %max3A_11 = vector.broadcast %max3A : f32 to vector<2000x1xf32>
    %max3A_12 = arith.maximumf %add3A, %max3A_11 : vector<2000x1xf32>
    %rsqrt3A = math.rsqrt %max3A_12 : vector<2000x1xf32>
    %max3A_13 = arith.constant 1.000000e+00 : f32
    %max3A_14 = vector.broadcast %max3A_13 : f32 to vector<2000x1xf32>
    %max3A_15 = arith.maximumf %add3A_10, %max3A_14 : vector<2000x1xf32>
    %rsqrt3A_16 = math.rsqrt %max3A_15 : vector<2000x1xf32>
    %get3A_17 = arith.constant 0 : index
    %get3A_18 = arith.constant 0 : index
    %get3A_19 = arith.constant 0 : index
    %get3A_20 = vector.load %arg1[%get3A_17, %get3A_18, %get3A_19] : memref<2x2000x128xf32, #tpu.memory_space<vmem>>, vector<1x2000x128xf32>
    %get3A_21 = vector.shape_cast %get3A_20 : vector<1x2000x128xf32> to vector<2000x128xf32>
    %get3A_22 = arith.constant 1 : index
    %get3A_23 = arith.constant 0 : index
    %get3A_24 = arith.constant 0 : index
    %get3A_25 = vector.load %arg1[%get3A_22, %get3A_23, %get3A_24] : memref<2x2000x128xf32, #tpu.memory_space<vmem>>, vector<1x2000x128xf32>
    %get3A_26 = vector.shape_cast %get3A_25 : vector<1x2000x128xf32> to vector<2000x128xf32>
    %add3A_27 = arith.addf %get3A_21, %get3A_26 : vector<2000x128xf32>
    %mul3A = vector.broadcast %rsqrt3A_16 : vector<2000x1xf32> to vector<2000x128xf32>
    %mul3A_28 = arith.mulf %add3A_27, %mul3A : vector<2000x128xf32>
    %get3A_29 = arith.constant 0 : index
    %get3A_30 = arith.constant 0 : index
    %get3A_31 = vector.load %arg3[%get3A_29, %get3A_30] : memref<1x128xf32, #tpu.memory_space<vmem>>, vector<1x128xf32>
    %add3A_32 = vector.broadcast %get3A_31 : vector<1x128xf32> to vector<2000x128xf32>
    %add3A_33 = arith.addf %mul3A_28, %add3A_32 : vector<2000x128xf32>
    %max3A_34 = arith.constant 0.000000e+00 : f32
    %max3A_35 = vector.broadcast %max3A_34 : f32 to vector<2000x128xf32>
    %max3A_36 = arith.maximumf %add3A_33, %max3A_35 : vector<2000x128xf32>
    %mul3A_37 = vector.broadcast %rsqrt3A : vector<2000x1xf32> to vector<2000x128xf32>
    %mul3A_38 = arith.mulf %max3A_36, %mul3A_37 : vector<2000x128xf32>
    %get3A_39 = arith.constant 0 : index
    %get3A_40 = arith.constant 0 : index
    %get3A_41 = vector.load %arg4[%get3A_39, %get3A_40] : memref<128x128xf32, #tpu.memory_space<vmem>>, vector<128x128xf32>
    %dot_general3A = arith.constant dense<0.000000e+00> : vector<2000x128xf32>
    %dot_general3A_42 = tpu.matmul %mul3A_38, %get3A_41, %dot_general3A {dimension_numbers = #tpu.dot_dimension_numbers<[1], [0], [0], [1], [0, 0, 1, 1], [], []>, transpose_lhs_hint = false} : vector<2000x128xf32>, vector<128x128xf32>, vector<2000x128xf32> -> vector<2000x128xf32>
    %swap3A = arith.constant 0 : index
    %swap3A_43 = arith.constant 0 : index
    %swap3A_44 = vector.load %arg5[%swap3A, %swap3A_43] : memref<2000x128xf32, #tpu.memory_space<vmem>>, vector<2000x128xf32>
    tpu.vector_store %arg5[%swap3A, %swap3A_43], %dot_general3A_42 {strides = array<i32>} : memref<2000x128xf32, #tpu.memory_space<vmem>>, vector<2000x128xf32>,
    return
  }
  func.func @transform_0(%arg0: i32) -> (i32, i32, i32) {
    %c0_i32 = arith.constant 0 : i32
    %c0_i32_0 = arith.constant 0 : i32
    %c0_i32_1 = arith.constant 0 : i32
    return %c0_i32, %arg0, %c0_i32_0 : i32, i32, i32
  }
  func.func @transform_1(%arg0: i32) -> (i32, i32, i32, i32) {
    %c0_i32 = arith.constant 0 : i32
    %c0_i32_0 = arith.constant 0 : i32
    %c0_i32_1 = arith.constant 0 : i32
    %c0_i32_2 = arith.constant 0 : i32
    return %c0_i32, %c0_i32_0, %arg0, %c0_i32_1 : i32, i32, i32, i32
  }
  func.func @transform_2(%arg0: i32) -> (i32, i32) {
    %c0_i32 = arith.constant 0 : i32
    %c0_i32_0 = arith.constant 0 : i32
    %c0_i32_1 = arith.constant 0 : i32
    return %c0_i32, %c0_i32_0 : i32, i32
  }
  func.func @transform_3(%arg0: i32) -> (i32, i32) {
    %c0_i32 = arith.constant 0 : i32
    %c0_i32_0 = arith.constant 0 : i32
    %c0_i32_1 = arith.constant 0 : i32
    return %c0_i32, %c0_i32_0 : i32, i32
  }
  func.func @transform_4(%arg0: i32) -> (i32, i32) {
    %c0_i32 = arith.constant 0 : i32
    %c0_i32_0 = arith.constant 0 : i32
    return %arg0, %c0_i32 : i32, i32
  }
}

module attributes {stable_mosaic.version = 14 : i64} {
  func.func @_tcfin_body(%arg0: i32, %arg1: memref<2x2000x128xf32, #tpu.memory_space<vmem>>, %arg2: memref<2x2x2000x1xf32, #tpu.memory_space<vmem>>, %arg3: memref<1x128xf32, #tpu.memory_space<vmem>>, %arg4: memref<2000x128xf32, #tpu.memory_space<vmem>>) attributes {dimension_semantics = [#tpu.dimension_semantics<arbitrary>], iteration_bounds = array<i64: 5>, scalar_prefetch = 0 : i64, scratch_operands = 0 : i64, tpu.core_type = #tpu.core_type<tc>, window_params = [{transform_indices = @transform_0, window_bounds = array<i64: 2, 2000, 128>}, {transform_indices = @transform_1, window_bounds = array<i64: 2, 2, 2000, 1>}, {pipeline_mode = #tpu.pipeline_mode<synchronous>, transform_indices = @transform_2, window_bounds = array<i64: 1, 128>}, {transform_indices = @transform_3, window_bounds = array<i64: 2000, 128>}]} {
    %get3A = arith.constant 0 : index
    %get3A_0 = arith.constant 0 : index
    %get3A_1 = arith.constant 0 : index
    %get3A_2 = arith.constant 0 : index
    %get3A_3 = vector.load %arg2[%get3A, %get3A_0, %get3A_1, %get3A_2] : memref<2x2x2000x1xf32, #tpu.memory_space<vmem>>, vector<2x2x2000x1xf32>
    %slice3A = vector.extract_strided_slice %get3A_3 {offsets = [0, 1, 0, 0], sizes = [1, 1, 2000, 1], strides = [1, 1, 1, 1]} : vector<2x2x2000x1xf32> to vector<1x1x2000x1xf32>
    %squeeze3A = vector.shape_cast %slice3A : vector<1x1x2000x1xf32> to vector<2000x1xf32>
    %slice3A_4 = vector.extract_strided_slice %get3A_3 {offsets = [1, 1, 0, 0], sizes = [1, 1, 2000, 1], strides = [1, 1, 1, 1]} : vector<2x2x2000x1xf32> to vector<1x1x2000x1xf32>
    %squeeze3A_5 = vector.shape_cast %slice3A_4 : vector<1x1x2000x1xf32> to vector<2000x1xf32>
    %add3A = arith.addf %squeeze3A, %squeeze3A_5 : vector<2000x1xf32>
    %max3A = arith.constant 1.000000e+00 : f32
    %max3A_6 = vector.broadcast %max3A : f32 to vector<2000x1xf32>
    %max3A_7 = arith.maximumf %add3A, %max3A_6 : vector<2000x1xf32>
    %rsqrt3A = math.rsqrt %max3A_7 : vector<2000x1xf32>
    %get3A_8 = arith.constant 0 : index
    %get3A_9 = arith.constant 0 : index
    %get3A_10 = arith.constant 0 : index
    %get3A_11 = vector.load %arg1[%get3A_8, %get3A_9, %get3A_10] : memref<2x2000x128xf32, #tpu.memory_space<vmem>>, vector<1x2000x128xf32>
    %get3A_12 = vector.shape_cast %get3A_11 : vector<1x2000x128xf32> to vector<2000x128xf32>
    %get3A_13 = arith.constant 1 : index
    %get3A_14 = arith.constant 0 : index
    %get3A_15 = arith.constant 0 : index
    %get3A_16 = vector.load %arg1[%get3A_13, %get3A_14, %get3A_15] : memref<2x2000x128xf32, #tpu.memory_space<vmem>>, vector<1x2000x128xf32>
    %get3A_17 = vector.shape_cast %get3A_16 : vector<1x2000x128xf32> to vector<2000x128xf32>
    %add3A_18 = arith.addf %get3A_12, %get3A_17 : vector<2000x128xf32>
    %mul3A = vector.broadcast %rsqrt3A : vector<2000x1xf32> to vector<2000x128xf32>
    %mul3A_19 = arith.mulf %add3A_18, %mul3A : vector<2000x128xf32>
    %get3A_20 = arith.constant 0 : index
    %get3A_21 = arith.constant 0 : index
    %get3A_22 = vector.load %arg3[%get3A_20, %get3A_21] : memref<1x128xf32, #tpu.memory_space<vmem>>, vector<1x128xf32>
    %add3A_23 = vector.broadcast %get3A_22 : vector<1x128xf32> to vector<2000x128xf32>
    %add3A_24 = arith.addf %mul3A_19, %add3A_23 : vector<2000x128xf32>
    %swap3A = arith.constant 0 : index
    %swap3A_25 = arith.constant 0 : index
    %swap3A_26 = vector.load %arg4[%swap3A, %swap3A_25] : memref<2000x128xf32, #tpu.memory_space<vmem>>, vector<2000x128xf32>
    tpu.vector_store %arg4[%swap3A, %swap3A_25], %add3A_24 {strides = array<i32>} : memref<2000x128xf32, #tpu.memory_space<vmem>>, vector<2000x128xf32>,
    return
  }
  func.func @transform_0(%arg0: i32) -> (i32, i32, i32) {
    %c0_i32 = arith.constant 0 : i32
    %c0_i32_0 = arith.constant 0 : i32
    %c0_i32_1 = arith.constant 0 : i32
    return %c0_i32, %arg0, %c0_i32_0 : i32, i32, i32
  }
  func.func @transform_1(%arg0: i32) -> (i32, i32, i32, i32) {
    %c0_i32 = arith.constant 0 : i32
    %c0_i32_0 = arith.constant 0 : i32
    %c0_i32_1 = arith.constant 0 : i32
    %c0_i32_2 = arith.constant 0 : i32
    return %c0_i32, %c0_i32_0, %arg0, %c0_i32_1 : i32, i32, i32, i32
  }
  func.func @transform_2(%arg0: i32) -> (i32, i32) {
    %c0_i32 = arith.constant 0 : i32
    %c0_i32_0 = arith.constant 0 : i32
    %c0_i32_1 = arith.constant 0 : i32
    return %c0_i32, %c0_i32_0 : i32, i32
  }
  func.func @transform_3(%arg0: i32) -> (i32, i32) {
    %c0_i32 = arith.constant 0 : i32
    %c0_i32_0 = arith.constant 0 : i32
    return %arg0, %c0_i32 : i32, i32
  }
}

</mosaic_0001>

<sc_bundles>
// kernel: kernel.11.cloned.1.call-start
scs
__scs_entry_jumppad:
0x0: {  	(pc) =	sbr.rel $0x88, $3  }
0x1: {  	(tag) =	ssettag $0x0;
	lr =	simm.s32 $0x1  }
0x2: {  	[smem:$0x3F9B] =	sst lr;
	_ =	strace $0xD0000000  }
0x3: {  	_ = 	snop  }
0x4: {  	_ = 	snop  }
0x5: {  	_ = 	snop  }
0x6: {  	_ = 	snop  }
0x7: {  	_ = 	snop  }
__scs_overlays_trampoline_lowered:
0x8: {  	[smem:$0x3FAA] =	sst s0  }
0x9: {  	[smem:$0x3FAB] =	sst s1  }
0xa: {  	[smem:$0x3FAC] =	sst s2  }
0xb: {  	[smem:$0x3FAD] =	sst s3  }
0xc: {  	[smem:$0x3FAE] =	sst s4  }
0xd: {  	[smem:$0x3FAF] =	sst s5  }
0xe: {  	[smem:$0x3FB0] =	sst s6  }
0xf: {  	[smem:$0x3FB1] =	sst s7  }
0x10: {  	[smem:$0x3FB2] =	sst s8  }
0x11: {  	[smem:$0x3FB3] =	sst s9;
	s0 =	simm.s32 @!p0 $0x0  }
0x12: {  	s1 =	sld [smem:$0x3F99];
	s0 =	simm.s32 @p0 $0x1  }
0x13: {  	[smem:$0x3FB4] =	sst s0;
	s0 =	simm.s32 @!p1 $0x0  }
0x14: {  	s2 =	sld [smem:$0x3F98];
	s0 =	simm.s32 @p1 $0x1  }
0x15: {  	[smem:$0x3FB5] =	sst s0;
	s0 =	simm.s32 @!p2 $0x0  }
0x16: {  	s3 =	sld [smem:$0x3FDB];
	s0 =	simm.s32 @p2 $0x1  }
0x17: {  	s4 =	simm.s32 $0x1BF5;
	[smem:$0x3FB7] =	sst s0  }
0x18: {  	s0 =	sld [smem:$0x3F9A];
	_ =	swait.ge [sflag:s4], $0x0  }
0x19: {  	s7 =	sld [smem:$0x3F9B]  }
0x1a: {  	s8 =	sadd.s32 $0xFFFFE003, lr  }
0x1b: {  	s9 =	sadd.s32 $0xFFFFFEF7, lr;
	s5 =	simm.s32 $0xFFFFFFFF;
	p2 =	slt.u32 s8, $0xFFFFF086  }
0x1c: {  	p1 =	slt.u32 s9, $0xF7A;
	s5 =	simm.s32 @!p2 $0x0  }
0x1d: {  	s5 =	simm.s32 @p1 $0x1;
	p0 =	seq.s32 s7, s2  }
0x1e: {  	s7 =	smul.u32 @!p0 $0xF7A, s2;
	p2 =	seq.s32 @!p0 s5, $0x0  }
0x1f: {  	s9 =	smul.u32 $0xF7A, s1;
	s8 =	simm.s32 @!p0 $0x1BF5;
	p2 =	por !p2, p0  }
0x20: {  	[sflag:s8] =	ssyncset.s32 @!p0 $0xFFFFF086;
	s6 =	sadd.s32 @!p0 s3, s7;
	s7 =	simm.s32 @!p0 $0x108  }
0x21: {  	s3 =	sadd.s32 s3, s9;
	s6 =	sadd.s32 @!p0 $0x88, s6;
	s7 =	simm.s32 @p2 $0x1082  }
0x22: {  	[simem:s7], [sflag:s8] =	dma.local @!p0 [hbm:s6], $0xF7A  }
0x23: {  	s9 =	sor.u32 $0xD0000000, s2;
	s6 =	simm.s32 $0x108;
	_ =	swait.ge @!p0 [sflag:s8], $0x0  }
0x24: {  	s3 =	sadd.s32 $0x88, s3;
	s6 =	simm.s32 @!p1 $0x1082;
	[sflag:s4] =	ssyncset.s32 $0xFFFFF086  }
0x25: {  	[simem:s6], [sflag:s4] =	dma.local [hbm:s3], $0xF7A  }
0x26: {  	[smem:$0x3F9B] =	sst s1;
	(tag) =	ssettag s2;
	_ =	strace s9  }
0x27: {  	s1 =	sld [smem:$0x3FAB]  }
0x28: {  	s2 =	sld [smem:$0x3FAC]  }
0x29: {  	s4 =	sld [smem:$0x3FAE]  }
0x2a: {  	p0 =	seq.s32 s5, $0x0;
	s5 =	sld [smem:$0x3FAF]  }
0x2b: {  	s6 =	sld [smem:$0x3FB0]  }
0x2c: {  	s7 =	sld [smem:$0x3FB1]  }
0x2d: {  	s3 =	simm.s32 $0x108;
	s8 =	sld [smem:$0x3FB2]  }
0x2e: {  	s3 =	simm.s32 @!p0 $0x1082;
	s9 =	sld [smem:$0x3FB3]  }
0x2f: {  	lr =	sadd.s32 s0, s3;
	s0 =	sld [smem:$0x3FAA]  }
0x30: {  	s3 =	sld [smem:$0x3FAD]  }
0x31: {  	[smem:$0x3FB6] =	sst s10  }
0x32: {  	s10 =	sld [smem:$0x3FB4];
	_ =	sdelay $0x3  }
0x33: {  	p0 =	seq.s32 s10, $0x1;
	s10 =	sld [smem:$0x3FB6];
	_ =	sdelay $0x3  }
0x34: {  	[smem:$0x3FB6] =	sst s10  }
0x35: {  	s10 =	sld [smem:$0x3FB5];
	_ =	sdelay $0x3  }
0x36: {  	p1 =	seq.s32 s10, $0x1;
	s10 =	sld [smem:$0x3FB6];
	_ =	sdelay $0x3  }
0x37: {  	[smem:$0x3FB6] =	sst s10  }
0x38: {  	s10 =	sld [smem:$0x3FB7]  }
0x39: {  	_ = 	snop;
	(pc) =	sbr.ind lr, $3  }
0x3a: {  	_ = 	snop  }
0x3b: {  	_ = 	snop  }
0x3c: {  	p2 =	seq.s32 s10, $0x1;
	s10 =	sld [smem:$0x3FB6]  }
0x3d: {  	_ =	shalt  }
0x3e: {  	_ =	shalt  }
0x3f: {  	_ =	shalt  }
0x40: {  	_ =	shalt  }
0x41: {  	_ =	shalt  }
0x42: {  	_ =	shalt  }
0x43: {  	_ =	shalt  }
0x44: {  	_ =	shalt  }
0x45: {  	_ =	shalt  }
0x46: {  	_ =	shalt  }
0x47: {  	_ =	shalt  }
0x48: {  	_ =	shalt  }
0x49: {  	_ =	shalt  }
0x4a: {  	_ =	shalt  }
0x4b: {  	_ =	shalt  }
0x4c: {  	_ =	shalt  }
0x4d: {  	_ =	shalt  }
0x4e: {  	_ =	shalt  }
0x4f: {  	_ =	shalt  }
0x50: {  	_ =	shalt  }
0x51: {  	_ =	shalt  }
0x52: {  	_ =	shalt  }
0x53: {  	_ =	shalt  }
0x54: {  	_ =	shalt  }
0x55: {  	_ =	shalt  }
0x56: {  	_ =	shalt  }
0x57: {  	_ =	shalt  }
0x58: {  	_ =	shalt  }
0x59: {  	_ =	shalt  }
0x5a: {  	_ =	shalt  }
0x5b: {  	_ =	shalt  }
0x5c: {  	_ =	shalt  }
0x5d: {  	_ =	shalt  }
0x5e: {  	_ =	shalt  }
0x5f: {  	_ =	shalt  }
0x60: {  	_ =	shalt  }
0x61: {  	_ =	shalt  }
0x62: {  	_ =	shalt  }
0x63: {  	_ =	shalt  }
0x64: {  	_ =	shalt  }
0x65: {  	_ =	shalt  }
0x66: {  	_ =	shalt  }
0x67: {  	_ =	shalt  }
0x68: {  	_ =	shalt  }
0x69: {  	_ =	shalt  }
0x6a: {  	_ =	shalt  }
0x6b: {  	_ =	shalt  }
0x6c: {  	_ =	shalt  }
0x6d: {  	_ =	shalt  }
0x6e: {  	_ =	shalt  }
0x6f: {  	_ =	shalt  }
0x70: {  	_ =	shalt  }
0x71: {  	_ =	shalt  }
0x72: {  	_ =	shalt  }
0x73: {  	_ =	shalt  }
0x74: {  	_ =	shalt  }
0x75: {  	_ =	shalt  }
0x76: {  	_ =	shalt  }
0x77: {  	_ =	shalt  }
0x78: {  	_ =	shalt  }
0x79: {  	_ =	shalt  }
0x7a: {  	_ =	shalt  }
0x7b: {  	_ =	shalt  }
0x7c: {  	_ =	shalt  }
0x7d: {  	_ =	shalt  }
0x7e: {  	_ =	shalt  }
0x7f: {  	_ =	shalt  }
0x80: {  	_ =	shalt  }
0x81: {  	_ =	shalt  }
0x82: {  	_ =	shalt  }
0x83: {  	_ =	shalt  }
0x84: {  	_ =	shalt  }
0x85: {  	_ =	shalt  }
0x86: {  	_ =	shalt  }
0x87: {  	_ =	shalt  }
.Lfunc_end0:
.L_simem_size_0:
called_computation.1_lowered:
.L_overlay_start_0:
0x88: {  	s2 =	sld [smem:$0x3FD9]  }
0x89: {  	s3 =	sld [smem:$0x3FFE];
	_ =	sdelay $0x1  }
0x8a: {  	s1 =	srdreg.scid  }
0x8b: {  	s0 =	sand.u32 $0x1, s1  }
0x8c: {  	s17 =	sshll.u32 s0, $0xA;
	s2 =	sadd.s32 s3, s2  }
0x8d: {  	s2 =	sadd.s32 s2, s17  }
0x8e: {  	[smem:$0x3FC2] =	sst s2  }
0x8f: {  	_ = 	snop  }
0x90: {  	s2 =	sld [smem:$0x3FD0];
	(tm) =	ssettm $0x1  }
0x91: {  	s18 =	sld [smem:$0x3FFB];
	_ =	sdelay $0x3  }
0x92: {  	_ =	strace s18  }
0x93: {  	s3 =	sld [smem:$0x3FFC];
	_ =	sdelay $0x3  }
0x94: {  	_ =	strace s3  }
0x95: {  	s3 =	sld [smem:$0x3FFD];
	_ =	sdelay $0x3  }
0x96: {  	_ =	strace s3  }
0x97: {  	_ =	strace $0x8FFFFFFF  }
0x98: {  	s19 =	sld [smem:$0x3FDB];
	_ =	sdelay $0x1  }
0x99: {  	s4 =	simm.s32 $_scs_section_size  }
0x9a: {  	s5 =	simm.s32 $_size__tile_overlayer_lowered;
	s6 =	simm.s32 $_tile_overlayer_lowered  }
0x9b: {  	s22 =	simm.s32 $0x1BFF;
	s21 =	sshll.u32 s6, $0x1;
	s3 =	sadd.s32 s4, s19  }
0x9c: {  	s7 =	simm.s32 $0x0;
	s20 =	sshll.u32 s5, $0x1;
	s5 =	sadd.s32 s21, s3  }
0x9d: {  	[timem:s7], [sflag:s22] =	dma.local [hbm:s5], s20  }
0x9e: {  	_ =	swait.ge [sflag:s22], s20  }
0x9f: {  	s4 =	ssub.s32 $0x0, s20;
	[sflag:s22] =	ssyncset.done $0x0  }
0xa0: {  	[sflag:s22] =	ssyncadd.s32 s4;
	_ =	sdelay $0x1  }
0xa1: {  	s23 =	simm.s32 $0x1B8B  }
0xa2: {  	_ =	swait.ge [sflag:s23], $0x1  }
0xa3: {  	[sflag:s23] =	ssyncset.done $0x0  }
0xa4: {  	s25 =	simm.s32 $0x1B8E;
	s24 =	sld [smem:$0x3FFE];
	[sflag:s23] =	ssyncadd.s32 $0xFFFFFFFF  }
0xa5: {  	s26 =	simm.s32 $execute0_lowered;
	[smem:$0x3FD2] =	sst s25  }
0xa6: {  	s5 =	sshll.u32 s26, $0x1;
	_ =	strace $0x80000049;
	[dreg:$0x1] =	wrdreg $0xFFFFFFFF  }
0xa7: {  	s28 =	simm.s32 $_size_execute0_lowered;
	s3 =	sadd.s32 s3, s5;
	[dreg:$0x0] =	wrdreg $0x0  }
0xa8: {  	s5 =	sshll.u32 s28, $0x1;
	[dreg:$0x2] =	wrdreg s3  }
0xa9: {  	[dreg:$0x3] =	wrdreg s5  }
0xaa: {  	[dreg:$0x4] =	wrdreg $0xC0  }
0xab: {  	_ =	task [dreg:s7], $0x5FFFF  }
0xac: {  	[dreg:$0x1] =	wrdreg $0xFFFFFFFF  }
0xad: {  	[dreg:$0x0] =	wrdreg $0x60  }
0xae: {  	[dreg:$0x2] =	wrdreg s2  }
0xaf: {  	[dreg:$0x3] =	wrdreg s24  }
0xb0: {  	[dreg:$0x4] =	wrdreg $0x93D80  }
0xb1: {  	[dreg:$0x5] =	wrdreg $0x9  }
0xb2: {  	_ =	task.clear_ibuf [dreg:s7], $0x6FFFF;
	_ =	strace $0x90000049  }
0xb3: {  	s29 =	simm.s32 $0x9;
	_ =	strace $0x8000004B  }
0xb4: {  	_ =	swait.ge [sflag:s29], $0x1  }
0xb5: {  	[sflag:s29] =	ssyncadd.s32 $0xFFFFFFFF  }
0xb6: {  	_ =	strace $0x9000004B  }
0xb7: {  	_ =	sfence  }
0xb8: {  	s30 =	sld [smem:$0x0];
	_ =	sdelay $0x2  }
0xb9: {  	s31 =	sshll.u32 s1, $0xD;
	s1 =	sshrl.u32 s1, $0x2  }
0xba: {  	s3 =	sand.u32 $0x4000, s31;
	s1 =	sadd.s32 s1, s30  }
0xbb: {  	s0 =	sor.u32 s3, s0;
	s1 =	sshll.u32 s1, $0x11  }
0xbc: {  	s0 =	sor.u32 s1, s0  }
0xbd: {  	s0 =	sadd.s32 $0x8F2B, s0  }
0xbe: {  	[sflag:s0] =	ssyncadd.remote.s32 $0x1  }
0xbf: {  	_ =	sfence.sel $0xFFFF  }
0xc0: {  	[dreg:$0x0] =	wrdreg $0xFFFFFFFF;
	(pc) =	sbr.abs _section_cstart, $3  }
0xc1: {  	[dreg:$0x1] =	wrdreg $0xFFFFFFFF  }
0xc2: {  	_ =	task.clear_ibuf [dreg:s7], $0x2FFFF;
	_ =	strace $0x9FFFFFFF  }
0xc3: {  	(tm) =	ssettm $0x7FFFFFFF  }
tec
execute0_lowered:
.L_overlay_start_1:
0x0: {  	(tag) =	ssettag $0x1  }
0x1: {  	s0 =	srdreg.scid;
	s1 =	rddreg [dreg:$0x0]  }
0x2: {  	s4 =	stileid.u32;
	s6 =	rddreg [dreg:$0x1]  }
0x3: {  	s3 =	rddreg [dreg:$0x2];
	s7 =	smul.u32 $0x14000, s4  }
0x4: {  	s2 =	sand.u32 $0x1, s0;
	s16 =	sshll.u32 s4, $0x1;
	s12 =	smul.u32 $0x50000, s4  }
0x5: {  	s5 =	simm.s32 $0x0;
	s0 =	sor.u32 s2, s16;
	s17 =	smul.u32 $0x140000, s2  }
0x6: {  	[smem:$0x7FF] =	sst s5;
	s11 =	ssub.s32 $0x2, s2;
	s0 =	smul.u32 $0x2710, s0  }
0x7: {  	s5 =	sadd.s32 $0x1C00, s6;
	_ =	strace $0x8000004A;
	s13 =	sshrl.u32 s11, $0x1  }
0x8: {  	s18 =	sshrl.u32 s12, $0x2;
	s10 =	sadd.s32 s7, s17;
	s8 =	sshrl.u32 s0, $0x3  }
0x9: {  	s7 =	sadd.s32 s7, s3;
	s10 =	sshrl.u32 s10, $0x3;
	s9 =	sadd.s32 s8, s6  }
0xa: {  	[dreg:$0x5] =	wrdreg s7;
	s6 =	sadd.s32 s10, s6;
	s9 =	sadd.s32 $0xBA00, s9  }
0xb: {  	s6 =	sadd.s32 $0xB1C00, s6;
	[dreg:$0x4] =	wrdreg s9;
	s9 =	sadd.s32 s18, s3  }
0xc: {  	s10 =	ssub.s32 s11, s13;
	[smem:$0x7F4] =	sst s6;
	s11 =	sadd.s32 $0x800, s9  }
0xd: {  	s19 =	sadd.s32 $0x1000, s9;
	[dreg:$0x6] =	wrdreg s11  }
0xe: {  	s20 =	sadd.s32 $0x1800, s9;
	[dreg:$0x7] =	wrdreg s19  }
0xf: {  	s21 =	sadd.s32 $0x2000, s9;
	[dreg:$0x8] =	wrdreg s20  }
0x10: {  	s22 =	sadd.s32 $0x2800, s9;
	[dreg:$0x9] =	wrdreg s21  }
0x11: {  	s24 =	sadd.s32 $0x3000, s9;
	[dreg:$0xa] =	wrdreg s22  }
0x12: {  	s25 =	sadd.s32 $0x3800, s9;
	[dreg:$0xb] =	wrdreg s24  }
0x13: {  	s26 =	sadd.s32 $0x4000, s9;
	[dreg:$0xc] =	wrdreg s25  }
0x14: {  	s28 =	sadd.s32 $0x4800, s9;
	[dreg:$0xd] =	wrdreg s26  }
0x15: {  	s29 =	sadd.s32 $0x5000, s9;
	[dreg:$0xe] =	wrdreg s28  }
0x16: {  	s30 =	sadd.s32 $0x5800, s9;
	[dreg:$0xf] =	wrdreg s29  }
0x17: {  	s31 =	sadd.s32 $0x6000, s9;
	[dreg:$0x10] =	wrdreg s30  }
0x18: {  	s12 =	sadd.s32 $0x7000, s9;
	[dreg:$0x11] =	wrdreg s31  }
0x19: {  	s13 =	sadd.s32 $0x7800, s9;
	[dreg:$0x13] =	wrdreg s12  }
0x1a: {  	s14 =	sadd.s32 $0x8000, s9;
	[dreg:$0x14] =	wrdreg s13  }
0x1b: {  	s15 =	sadd.s32 $0x8800, s9;
	[dreg:$0x15] =	wrdreg s14  }
0x1c: {  	s23 =	smul.u32 $0x4E20, s4;
	s16 =	sadd.s32 $0x9000, s9;
	[dreg:$0x16] =	wrdreg s15  }
0x1d: {  	s2 =	smul.u32 $0x2710, s2;
	s17 =	sadd.s32 $0x9800, s9;
	[dreg:$0x17] =	wrdreg s16  }
0x1e: {  	s18 =	sadd.s32 $0xA000, s9;
	[dreg:$0x18] =	wrdreg s17  }
0x1f: {  	s2 =	sadd.s32 s2, s23;
	s23 =	sadd.s32 $0xC800, s9;
	[dreg:$0x19] =	wrdreg s18  }
0x20: {  	s11 =	sadd.s32 $0x6800, s9;
	[dreg:$0x1e] =	wrdreg s23  }
0x21: {  	s19 =	sadd.s32 $0xA800, s9;
	[dreg:$0x12] =	wrdreg s11  }
0x22: {  	s20 =	sadd.s32 $0xB000, s9;
	[dreg:$0x1a] =	wrdreg s19  }
0x23: {  	s21 =	sadd.s32 $0xB800, s9;
	[dreg:$0x1b] =	wrdreg s20  }
0x24: {  	s22 =	sadd.s32 $0xC000, s9;
	[dreg:$0x1c] =	wrdreg s21  }
0x25: {  	s24 =	sadd.s32 $0xD000, s9;
	[dreg:$0x1d] =	wrdreg s22  }
0x26: {  	s25 =	sadd.s32 $0xD800, s9;
	[dreg:$0x1f] =	wrdreg s24  }
0x27: {  	s26 =	sadd.s32 $0xE000, s9;
	[smem:$0x7E5] =	sst s25  }
0x28: {  	s28 =	sadd.s32 $0xE800, s9;
	[smem:$0x7E6] =	sst s26  }
0x29: {  	s29 =	sadd.s32 $0xF000, s9;
	[smem:$0x7E7] =	sst s28  }
0x2a: {  	s30 =	sadd.s32 $0xF800, s9;
	[smem:$0x7E8] =	sst s29  }
0x2b: {  	s31 =	sadd.s32 $0x10000, s9;
	[smem:$0x7E9] =	sst s30  }
0x2c: {  	s12 =	sadd.s32 $0x11000, s9;
	[smem:$0x7EA] =	sst s31  }
0x2d: {  	s13 =	sadd.s32 $0x11800, s9;
	[smem:$0x7EC] =	sst s12  }
0x2e: {  	s14 =	sadd.s32 $0x12000, s9;
	[smem:$0x7ED] =	sst s13  }
0x2f: {  	s15 =	sadd.s32 $0x12800, s9;
	[smem:$0x7EE] =	sst s14  }
0x30: {  	s16 =	sadd.s32 $0x13000, s9;
	s17 =	sadd.s32 $0x13800, s9;
	[smem:$0x7EF] =	sst s15  }
0x31: {  	s18 =	sadd.s32 s5, s8;
	s23 =	sadd.s32 $0x140, s2;
	[smem:$0x7F0] =	sst s16  }
0x32: {  	s11 =	sadd.s32 $0x10800, s9;
	[smem:$0x7F1] =	sst s17;
	s19 =	sadd.s32 $0x28, s0  }
0x33: {  	s0 =	sadd.s32 $0x78, s0;
	s20 =	sadd.s32 $0x168, s2;
	s22 =	smax.u32 s10, $0x1  }
0x34: {  	s24 =	sadd.s32 $0x118, s2;
	s25 =	sadd.s32 $0xF0, s2;
	s29 =	sadd.s32 $0xC8, s2  }
0x35: {  	s30 =	sadd.s32 $0xA, s18;
	[smem:$0x7FC] =	sst s18;
	s31 =	sadd.s32 $0x14, s18  }
0x36: {  	s12 =	simm.s32 $0x27D8;
	s13 =	simm.s32 $0x2760;
	s14 =	simm.s32 $0x4FD8  }
0x37: {  	s15 =	simm.s32 $0x27B0;
	s16 =	simm.s32 $0x77D8;
	[smem:$0x7EB] =	sst s11  }
0x38: {  	s17 =	simm.s32 $0x6;
	s18 =	simm.s32 $0x1;
	[smem:$0x7F5] =	sst s22  }
0x39: {  	s2 =	simm.s32 $0x0;
	s8 =	sshrl.u32 s19, $0x3;
	[smem:$0x7FA] =	sst s29  }
0x3a: {  	s0 =	sshrl.u32 s0, $0x3;
	s21 =	sshrl.u32 s20, $0x3;
	[smem:$0x7FB] =	sst s30  }
0x3b: {  	s6 =	sshrl.u32 s24, $0x3;
	[smem:$0x7FD] =	sst s31;
	s11 =	simm.s32 $0x28  }
0x3c: {  	s19 =	simm.s32 $0x8;
	s20 =	simm.s32 $0x3;
	s8 =	sadd.s32 s5, s8  }
0x3d: {  	s22 =	simm.s32 $0xA;
	s0 =	sadd.s32 s5, s0;
	[smem:$0x7F2] =	sst s8  }
.Ltmp0:
0x3e: {  	s26 =	sadd.s32 s6, s5;
	[smem:$0x7F3] =	sst s0;
	(pc) =	sbr.rel .LBB2_1-.Ltmp0, $4  }
0x3f: {  	s0 =	sadd.s32 s21, s5;
	s8 =	sshrl.u32 s25, $0x3;
	[smem:$0x7F8] =	sst s26  }
0x40: {  	[smem:$0x7F6] =	sst s0;
	s0 =	sshrl.u32 s23, $0x3;
	s28 =	sadd.s32 s8, s5  }
0x41: {  	s6 =	simm.s32 $0x8BD8;
	s0 =	sadd.s32 s0, s5;
	[smem:$0x7F9] =	sst s28  }
0x42: {  	v0 =	vimm.f32 $0.0e+00;
	s8 =	simm.s32 $0xC;
	s23 =	simm.s32 $0x5;
	[smem:$0x7F7] =	sst s0  }
.LBB2_6:
0x43: {  	[bflag:$0x0] =	sbarrier.arrive $0xFFFF  }
0x44: {  	s0 =	stileid.u32;
	s4 =	sld [smem:$0x7F4]  }
0x45: {  	s0 =	sshll.u32 s0, $0x6;
	s7 =	rddreg [dreg:$0x5]  }
0x46: {  	s0 =	sor.u32 $0x1C0C, s0;
	s2 =	sshrl.u32 s7, $0x3  }
0x47: {  	[hbm:s4], [sflag:s0] =	dma.local [spmem:s2], $0x2800  }
0x48: {  	_ =	swait.ge [sflag:s8], $0x2800  }
0x49: {  	s30 =	sld [smem:$0x7E4]  }
0x4a: {  	s31 =	sld [smem:$0x7F5];
	_ =	sdelay $0x1  }
0x4b: {  	s2 =	sadd.s32 $0x1, s30  }
0x4c: {  	p0 =	sne.s32 s2, s31  }
.Ltmp1:
0x4d: {  	_ = 	snop;
	(pc) =	sbr.rel @!p0 .LBB2_7-.Ltmp1, $3  }
0x4e: {  	_ =	sdelay $0x1  }
0x4f: {  	[sflag:s8] =	ssyncset.done $0x0  }
0x50: {  	[sflag:s8] =	ssyncadd.s32 $0xFFFFD800  }
.LBB2_1:
0x51: {  	s0 =	simm.s32 $0x0;
	s31 =	rddreg [dreg:$0x4]  }
0x52: {  	[tilespmem:s0], [sflag:$0xB] =	stream.linear.gather [hbm4b:s31+s0], $0x2710, $0x38;
	[tilespmem:$0x1D3D8] =	vst v63  }
0x53: {  	[smem:$0x7E4] =	sst s2;
	s2 =	simm.s32 $0x200;
	s0 =	simm.s32 $0x0  }
.LBB2_2:
0x54: {  	p0 =	sne.s32 s2, $0x1E00;
	[tilespmem:s0+$0x8C48] =	vst v0  }
0x55: {  	[tilespmem:s0+$0x8BD8] =	vst v0  }
0x56: {  	[tilespmem:s0+$0x8BE8] =	vst v0  }
.Ltmp2:
0x57: {  	[tilespmem:s0+$0x8BF8] =	vst v0;
	(pc) =	sbr.rel @p0 .LBB2_2-.Ltmp2, $4  }
0x58: {  	[tilespmem:s0+$0x8C08] =	vst v0  }
0x59: {  	[tilespmem:s0+$0x8C18] =	vst v0  }
0x5a: {  	[tilespmem:s0+$0x8C28] =	vst v0  }
0x5b: {  	[tilespmem:s0+$0x8C38] =	vst v0;
	s0 =	sshra.s32 s2, $0x2;
	s2 =	sadd.s32 $0x200, s2  }
0x5c: {  	[tilespmem:s0+$0x8C48] =	vst v0  }
0x5d: {  	[tilespmem:s0+$0x8BD8] =	vst v0  }
0x5e: {  	[tilespmem:s0+$0x8BE8] =	vst v0  }
0x5f: {  	[tilespmem:s0+$0x8BF8] =	vst v0  }
0x60: {  	[tilespmem:s0+$0x8C08] =	vst v0  }
0x61: {  	[tilespmem:s0+$0x8C18] =	vst v0  }
0x62: {  	[tilespmem:s0+$0x8C28] =	vst v0  }
0x63: {  	[tilespmem:s0+$0x8C38] =	vst v0  }
0x64: {  	[spmem:s7] =	stream.linear.scatter [tilespmem:s6], [sflag:$0xC], $0x800, $0x38;
	[tilespmem:$0x1D3D8] =	vst v63  }
0x65: {  	_ =	swait.ge [sflag:s8], $0x800  }
0x66: {  	[sflag:s8] =	ssyncset.done $0x0  }
0x67: {  	s2 =	rddreg [dreg:$0x6];
	[sflag:s8] =	ssyncadd.s32 $0xFFFFF800  }
0x68: {  	[spmem:s2] =	stream.linear.scatter [tilespmem:s6], [sflag:$0xC], $0x800, $0x38;
	[tilespmem:$0x1D3D8] =	vst v63  }
0x69: {  	_ =	swait.ge [sflag:s8], $0x800  }
0x6a: {  	[sflag:s8] =	ssyncset.done $0x0  }
0x6b: {  	s4 =	rddreg [dreg:$0x7];
	[sflag:s8] =	ssyncadd.s32 $0xFFFFF800  }
0x6c: {  	[spmem:s4] =	stream.linear.scatter [tilespmem:s6], [sflag:$0xC], $0x800, $0x38;
	[tilespmem:$0x1D3D8] =	vst v63  }
0x6d: {  	_ =	swait.ge [sflag:s8], $0x800  }
0x6e: {  	[sflag:s8] =	ssyncset.done $0x0  }
0x6f: {  	s7 =	rddreg [dreg:$0x8];
	[sflag:s8] =	ssyncadd.s32 $0xFFFFF800  }
0x70: {  	[spmem:s7] =	stream.linear.scatter [tilespmem:s6], [sflag:$0xC], $0x800, $0x38;
	[tilespmem:$0x1D3D8] =	vst v63  }
0x71: {  	_ =	swait.ge [sflag:s8], $0x800  }
0x72: {  	[sflag:s8] =	ssyncset.done $0x0  }
0x73: {  	s9 =	rddreg [dreg:$0x9];
	[sflag:s8] =	ssyncadd.s32 $0xFFFFF800  }
0x74: {  	[spmem:s9] =	stream.linear.scatter [tilespmem:s6], [sflag:$0xC], $0x800, $0x38;
	[tilespmem:$0x1D3D8] =	vst v63  }
0x75: {  	_ =	swait.ge [sflag:s8], $0x800  }
0x76: {  	[sflag:s8] =	ssyncset.done $0x0  }
0x77: {  	s10 =	rddreg [dreg:$0xa];
	[sflag:s8] =	ssyncadd.s32 $0xFFFFF800  }
0x78: {  	[spmem:s10] =	stream.linear.scatter [tilespmem:s6], [sflag:$0xC], $0x800, $0x38;
	[tilespmem:$0x1D3D8] =	vst v63  }
0x79: {  	_ =	swait.ge [sflag:s8], $0x800  }
0x7a: {  	[sflag:s8] =	ssyncset.done $0x0  }
0x7b: {  	s21 =	rddreg [dreg:$0xb];
	[sflag:s8] =	ssyncadd.s32 $0xFFFFF800  }
0x7c: {  	[spmem:s21] =	stream.linear.scatter [tilespmem:s6], [sflag:$0xC], $0x800, $0x38;
	[tilespmem:$0x1D3D8] =	vst v63  }
0x7d: {  	_ =	swait.ge [sflag:s8], $0x800  }
0x7e: {  	[sflag:s8] =	ssyncset.done $0x0  }
0x7f: {  	s24 =	rddreg [dreg:$0xc];
	[sflag:s8] =	ssyncadd.s32 $0xFFFFF800  }
0x80: {  	[spmem:s24] =	stream.linear.scatter [tilespmem:s6], [sflag:$0xC], $0x800, $0x38;
	[tilespmem:$0x1D3D8] =	vst v63  }
0x81: {  	_ =	swait.ge [sflag:s8], $0x800  }
0x82: {  	[sflag:s8] =	ssyncset.done $0x0  }
0x83: {  	s25 =	rddreg [dreg:$0xd];
	[sflag:s8] =	ssyncadd.s32 $0xFFFFF800  }
0x84: {  	[spmem:s25] =	stream.linear.scatter [tilespmem:s6], [sflag:$0xC], $0x800, $0x38;
	[tilespmem:$0x1D3D8] =	vst v63  }
0x85: {  	_ =	swait.ge [sflag:s8], $0x800  }
0x86: {  	[sflag:s8] =	ssyncset.done $0x0  }
0x87: {  	s26 =	rddreg [dreg:$0xe];
	[sflag:s8] =	ssyncadd.s32 $0xFFFFF800  }
0x88: {  	[spmem:s26] =	stream.linear.scatter [tilespmem:s6], [sflag:$0xC], $0x800, $0x38;
	[tilespmem:$0x1D3D8] =	vst v63  }
0x89: {  	_ =	swait.ge [sflag:s8], $0x800  }
0x8a: {  	[sflag:s8] =	ssyncset.done $0x0  }
0x8b: {  	s2 =	rddreg [dreg:$0xf];
	[sflag:s8] =	ssyncadd.s32 $0xFFFFF800  }
0x8c: {  	[spmem:s2] =	stream.linear.scatter [tilespmem:s6], [sflag:$0xC], $0x800, $0x38;
	[tilespmem:$0x1D3D8] =	vst v63  }
0x8d: {  	_ =	swait.ge [sflag:s8], $0x800  }
0x8e: {  	[sflag:s8] =	ssyncset.done $0x0  }
0x8f: {  	s4 =	rddreg [dreg:$0x10];
	[sflag:s8] =	ssyncadd.s32 $0xFFFFF800  }
0x90: {  	[spmem:s4] =	stream.linear.scatter [tilespmem:s6], [sflag:$0xC], $0x800, $0x38;
	[tilespmem:$0x1D3D8] =	vst v63  }
0x91: {  	_ =	swait.ge [sflag:s8], $0x800  }
0x92: {  	[sflag:s8] =	ssyncset.done $0x0  }
0x93: {  	s7 =	rddreg [dreg:$0x11];
	[sflag:s8] =	ssyncadd.s32 $0xFFFFF800  }
0x94: {  	[spmem:s7] =	stream.linear.scatter [tilespmem:s6], [sflag:$0xC], $0x800, $0x38;
	[tilespmem:$0x1D3D8] =	vst v63  }
0x95: {  	_ =	swait.ge [sflag:s8], $0x800  }
0x96: {  	[sflag:s8] =	ssyncset.done $0x0  }
0x97: {  	s9 =	rddreg [dreg:$0x12];
	[sflag:s8] =	ssyncadd.s32 $0xFFFFF800  }
0x98: {  	[spmem:s9] =	stream.linear.scatter [tilespmem:s6], [sflag:$0xC], $0x800, $0x38;
	[tilespmem:$0x1D3D8] =	vst v63  }
0x99: {  	_ =	swait.ge [sflag:s8], $0x800  }
0x9a: {  	[sflag:s8] =	ssyncset.done $0x0  }
0x9b: {  	s10 =	rddreg [dreg:$0x13];
	[sflag:s8] =	ssyncadd.s32 $0xFFFFF800  }
0x9c: {  	[spmem:s10] =	stream.linear.scatter [tilespmem:s6], [sflag:$0xC], $0x800, $0x38;
	[tilespmem:$0x1D3D8] =	vst v63  }
0x9d: {  	_ =	swait.ge [sflag:s8], $0x800  }
0x9e: {  	[sflag:s8] =	ssyncset.done $0x0  }
0x9f: {  	s21 =	rddreg [dreg:$0x14];
	[sflag:s8] =	ssyncadd.s32 $0xFFFFF800  }
0xa0: {  	[spmem:s21] =	stream.linear.scatter [tilespmem:s6], [sflag:$0xC], $0x800, $0x38;
	[tilespmem:$0x1D3D8] =	vst v63  }
0xa1: {  	_ =	swait.ge [sflag:s8], $0x800  }
0xa2: {  	[sflag:s8] =	ssyncset.done $0x0  }
0xa3: {  	s24 =	rddreg [dreg:$0x15];
	[sflag:s8] =	ssyncadd.s32 $0xFFFFF800  }
0xa4: {  	[spmem:s24] =	stream.linear.scatter [tilespmem:s6], [sflag:$0xC], $0x800, $0x38;
	[tilespmem:$0x1D3D8] =	vst v63  }
0xa5: {  	_ =	swait.ge [sflag:s8], $0x800  }
0xa6: {  	[sflag:s8] =	ssyncset.done $0x0  }
0xa7: {  	s25 =	rddreg [dreg:$0x16];
	[sflag:s8] =	ssyncadd.s32 $0xFFFFF800  }
0xa8: {  	[spmem:s25] =	stream.linear.scatter [tilespmem:s6], [sflag:$0xC], $0x800, $0x38;
	[tilespmem:$0x1D3D8] =	vst v63  }
0xa9: {  	_ =	swait.ge [sflag:s8], $0x800  }
0xaa: {  	[sflag:s8] =	ssyncset.done $0x0  }
0xab: {  	s26 =	rddreg [dreg:$0x17];
	[sflag:s8] =	ssyncadd.s32 $0xFFFFF800  }
0xac: {  	[spmem:s26] =	stream.linear.scatter [tilespmem:s6], [sflag:$0xC], $0x800, $0x38;
	[tilespmem:$0x1D3D8] =	vst v63  }
0xad: {  	_ =	swait.ge [sflag:s8], $0x800  }
0xae: {  	[sflag:s8] =	ssyncset.done $0x0  }
0xaf: {  	s2 =	rddreg [dreg:$0x18];
	[sflag:s8] =	ssyncadd.s32 $0xFFFFF800  }
0xb0: {  	[spmem:s2] =	stream.linear.scatter [tilespmem:s6], [sflag:$0xC], $0x800, $0x38;
	[tilespmem:$0x1D3D8] =	vst v63  }
0xb1: {  	_ =	swait.ge [sflag:s8], $0x800  }
0xb2: {  	[sflag:s8] =	ssyncset.done $0x0  }
0xb3: {  	s4 =	rddreg [dreg:$0x19];
	[sflag:s8] =	ssyncadd.s32 $0xFFFFF800  }
0xb4: {  	[spmem:s4] =	stream.linear.scatter [tilespmem:s6], [sflag:$0xC], $0x800, $0x38;
	[tilespmem:$0x1D3D8] =	vst v63  }
0xb5: {  	_ =	swait.ge [sflag:s8], $0x800  }
0xb6: {  	[sflag:s8] =	ssyncset.done $0x0  }
0xb7: {  	s7 =	rddreg [dreg:$0x1a];
	[sflag:s8] =	ssyncadd.s32 $0xFFFFF800  }
0xb8: {  	[spmem:s7] =	stream.linear.scatter [tilespmem:s6], [sflag:$0xC], $0x800, $0x38;
	[tilespmem:$0x1D3D8] =	vst v63  }
0xb9: {  	_ =	swait.ge [sflag:s8], $0x800  }
0xba: {  	[sflag:s8] =	ssyncset.done $0x0  }
0xbb: {  	s9 =	rddreg [dreg:$0x1b];
	[sflag:s8] =	ssyncadd.s32 $0xFFFFF800  }
0xbc: {  	[spmem:s9] =	stream.linear.scatter [tilespmem:s6], [sflag:$0xC], $0x800, $0x38;
	[tilespmem:$0x1D3D8] =	vst v63  }
0xbd: {  	_ =	swait.ge [sflag:s8], $0x800  }
0xbe: {  	[sflag:s8] =	ssyncset.done $0x0  }
0xbf: {  	s10 =	rddreg [dreg:$0x1c];
	[sflag:s8] =	ssyncadd.s32 $0xFFFFF800  }
0xc0: {  	[spmem:s10] =	stream.linear.scatter [tilespmem:s6], [sflag:$0xC], $0x800, $0x38;
	[tilespmem:$0x1D3D8] =	vst v63  }
0xc1: {  	_ =	swait.ge [sflag:s8], $0x800  }
0xc2: {  	[sflag:s8] =	ssyncset.done $0x0  }
0xc3: {  	s21 =	rddreg [dreg:$0x1d];
	[sflag:s8] =	ssyncadd.s32 $0xFFFFF800  }
0xc4: {  	[spmem:s21] =	stream.linear.scatter [tilespmem:s6], [sflag:$0xC], $0x800, $0x38;
	[tilespmem:$0x1D3D8] =	vst v63  }
0xc5: {  	_ =	swait.ge [sflag:s8], $0x800  }
0xc6: {  	[sflag:s8] =	ssyncset.done $0x0  }
0xc7: {  	s24 =	rddreg [dreg:$0x1e];
	[sflag:s8] =	ssyncadd.s32 $0xFFFFF800  }
0xc8: {  	[spmem:s24] =	stream.linear.scatter [tilespmem:s6], [sflag:$0xC], $0x800, $0x38;
	[tilespmem:$0x1D3D8] =	vst v63  }
0xc9: {  	_ =	swait.ge [sflag:s8], $0x800  }
0xca: {  	[sflag:s8] =	ssyncset.done $0x0  }
0xcb: {  	s25 =	rddreg [dreg:$0x1f];
	[sflag:s8] =	ssyncadd.s32 $0xFFFFF800  }
0xcc: {  	[spmem:s25] =	stream.linear.scatter [tilespmem:s6], [sflag:$0xC], $0x800, $0x38;
	[tilespmem:$0x1D3D8] =	vst v63  }
0xcd: {  	_ =	swait.ge [sflag:s8], $0x800  }
0xce: {  	s26 =	sld [smem:$0x7E5]  }
0xcf: {  	[sflag:s8] =	ssyncset.done $0x0  }
0xd0: {  	[sflag:s8] =	ssyncadd.s32 $0xFFFFF800  }
0xd1: {  	[spmem:s26] =	stream.linear.scatter [tilespmem:s6], [sflag:$0xC], $0x800, $0x38;
	[tilespmem:$0x1D3D8] =	vst v63  }
0xd2: {  	_ =	swait.ge [sflag:s8], $0x800  }
0xd3: {  	s2 =	sld [smem:$0x7E6]  }
0xd4: {  	[sflag:s8] =	ssyncset.done $0x0  }
0xd5: {  	[sflag:s8] =	ssyncadd.s32 $0xFFFFF800  }
0xd6: {  	[spmem:s2] =	stream.linear.scatter [tilespmem:s6], [sflag:$0xC], $0x800, $0x38;
	[tilespmem:$0x1D3D8] =	vst v63  }
0xd7: {  	_ =	swait.ge [sflag:s8], $0x800  }
0xd8: {  	s4 =	sld [smem:$0x7E7]  }
0xd9: {  	[sflag:s8] =	ssyncset.done $0x0  }
0xda: {  	[sflag:s8] =	ssyncadd.s32 $0xFFFFF800  }
0xdb: {  	[spmem:s4] =	stream.linear.scatter [tilespmem:s6], [sflag:$0xC], $0x800, $0x38;
	[tilespmem:$0x1D3D8] =	vst v63  }
0xdc: {  	_ =	swait.ge [sflag:s8], $0x800  }
0xdd: {  	s7 =	sld [smem:$0x7E8]  }
0xde: {  	[sflag:s8] =	ssyncset.done $0x0  }
0xdf: {  	[sflag:s8] =	ssyncadd.s32 $0xFFFFF800  }
0xe0: {  	[spmem:s7] =	stream.linear.scatter [tilespmem:s6], [sflag:$0xC], $0x800, $0x38;
	[tilespmem:$0x1D3D8] =	vst v63  }
0xe1: {  	_ =	swait.ge [sflag:s8], $0x800  }
0xe2: {  	s9 =	sld [smem:$0x7E9]  }
0xe3: {  	[sflag:s8] =	ssyncset.done $0x0  }
0xe4: {  	[sflag:s8] =	ssyncadd.s32 $0xFFFFF800  }
0xe5: {  	[spmem:s9] =	stream.linear.scatter [tilespmem:s6], [sflag:$0xC], $0x800, $0x38;
	[tilespmem:$0x1D3D8] =	vst v63  }
0xe6: {  	_ =	swait.ge [sflag:s8], $0x800  }
0xe7: {  	s10 =	sld [smem:$0x7EA]  }
0xe8: {  	[sflag:s8] =	ssyncset.done $0x0  }
0xe9: {  	[sflag:s8] =	ssyncadd.s32 $0xFFFFF800  }
0xea: {  	[spmem:s10] =	stream.linear.scatter [tilespmem:s6], [sflag:$0xC], $0x800, $0x38;
	[tilespmem:$0x1D3D8] =	vst v63  }
0xeb: {  	_ =	swait.ge [sflag:s8], $0x800  }
0xec: {  	s21 =	sld [smem:$0x7EB]  }
0xed: {  	[sflag:s8] =	ssyncset.done $0x0  }
0xee: {  	[sflag:s8] =	ssyncadd.s32 $0xFFFFF800  }
0xef: {  	[spmem:s21] =	stream.linear.scatter [tilespmem:s6], [sflag:$0xC], $0x800, $0x38;
	[tilespmem:$0x1D3D8] =	vst v63  }
0xf0: {  	_ =	swait.ge [sflag:s8], $0x800  }
0xf1: {  	s24 =	sld [smem:$0x7EC]  }
0xf2: {  	[sflag:s8] =	ssyncset.done $0x0  }
0xf3: {  	[sflag:s8] =	ssyncadd.s32 $0xFFFFF800  }
0xf4: {  	[spmem:s24] =	stream.linear.scatter [tilespmem:s6], [sflag:$0xC], $0x800, $0x38;
	[tilespmem:$0x1D3D8] =	vst v63  }
0xf5: {  	_ =	swait.ge [sflag:s8], $0x800  }
0xf6: {  	s25 =	sld [smem:$0x7ED]  }
0xf7: {  	[sflag:s8] =	ssyncset.done $0x0  }
0xf8: {  	[sflag:s8] =	ssyncadd.s32 $0xFFFFF800  }
0xf9: {  	[spmem:s25] =	stream.linear.scatter [tilespmem:s6], [sflag:$0xC], $0x800, $0x38;
	[tilespmem:$0x1D3D8] =	vst v63  }
0xfa: {  	_ =	swait.ge [sflag:s8], $0x800  }
0xfb: {  	s26 =	sld [smem:$0x7EE]  }
0xfc: {  	[sflag:s8] =	ssyncset.done $0x0  }
0xfd: {  	[sflag:s8] =	ssyncadd.s32 $0xFFFFF800  }
0xfe: {  	[spmem:s26] =	stream.linear.scatter [tilespmem:s6], [sflag:$0xC], $0x800, $0x38;
	[tilespmem:$0x1D3D8] =	vst v63  }
0xff: {  	_ =	swait.ge [sflag:s8], $0x800  }
0x100: {  	s2 =	sld [smem:$0x7EF]  }
0x101: {  	[sflag:s8] =	ssyncset.done $0x0  }
0x102: {  	[sflag:s8] =	ssyncadd.s32 $0xFFFFF800  }
0x103: {  	[spmem:s2] =	stream.linear.scatter [tilespmem:s6], [sflag:$0xC], $0x800, $0x38;
	[tilespmem:$0x1D3D8] =	vst v63  }
0x104: {  	_ =	swait.ge [sflag:s8], $0x800  }
0x105: {  	s4 =	sld [smem:$0x7F0]  }
0x106: {  	[sflag:s8] =	ssyncset.done $0x0  }
0x107: {  	[sflag:s8] =	ssyncadd.s32 $0xFFFFF800  }
0x108: {  	[spmem:s4] =	stream.linear.scatter [tilespmem:s6], [sflag:$0xC], $0x800, $0x38;
	[tilespmem:$0x1D3D8] =	vst v63  }
0x109: {  	_ =	swait.ge [sflag:s8], $0x800  }
0x10a: {  	s7 =	sld [smem:$0x7F1]  }
0x10b: {  	[sflag:s8] =	ssyncset.done $0x0  }
0x10c: {  	[sflag:s8] =	ssyncadd.s32 $0xFFFFF800  }
0x10d: {  	[spmem:s7] =	stream.linear.scatter [tilespmem:s6], [sflag:$0xC], $0x800, $0x38;
	[tilespmem:$0x1D3D8] =	vst v63  }
0x10e: {  	_ =	swait.ge [sflag:s8], $0x800  }
0x10f: {  	[sflag:s8] =	ssyncset.done $0x0  }
0x110: {  	s9 =	simm.s32 $0xB;
	[sflag:s8] =	ssyncadd.s32 $0xFFFFF800  }
0x111: {  	_ =	swait.ge [sflag:s9], $0x2710  }
0x112: {  	s10 =	sld [smem:$0x7FC]  }
0x113: {  	[sflag:s9] =	ssyncset.done $0x0  }
0x114: {  	s25 =	simm.s32 $0x0;
	s2 =	simm.s32 $0x2710;
	[sflag:s9] =	ssyncadd.s32 $0xFFFFD8F0  }
0x115: {  	[tilespmem:s2], [sflag:$0x1] =	stream.linear.gather [hbm4b:s10+s25], $0x28, $0x38;
	[tilespmem:$0x1D3D8] =	vst v63  }
0x116: {  	s21 =	sld [smem:$0x7F2]  }
0x117: {  	[tilespmem:s12], [sflag:$0x6] =	stream.indirect.gather [hbm4b:s1+s11], $0x80, s25, s11, $0xb8;
	[tilespmem:$0x1D3D8] =	vst v63  }
0x118: {  	s24 =	simm.s32 $0x2738  }
0x119: {  	[tilespmem:s24], [sflag:$0x2] =	stream.linear.gather [hbm4b:s21+s25], $0x28, $0x38;
	[tilespmem:$0x1D3D8] =	vst v63  }
0x11a: {  	s26 =	simm.s32 $0x3BD8;
	s2 =	sld [smem:$0x7FB]  }
0x11b: {  	[tilespmem:s26], [sflag:$0x7] =	stream.indirect.gather [hbm4b:s1+s11], $0x80, s11, s11, $0xb8;
	[tilespmem:$0x1D3D8] =	vst v63  }
0x11c: {  	_ = 	snop  }
0x11d: {  	[tilespmem:s13], [sflag:$0x3] =	stream.linear.gather [hbm4b:s2+s25], $0x28, $0x38;
	[tilespmem:$0x1D3D8] =	vst v63  }
0x11e: {  	s4 =	simm.s32 $0x50;
	s7 =	sld [smem:$0x7F3]  }
0x11f: {  	[tilespmem:s14], [sflag:$0x8] =	stream.indirect.gather [hbm4b:s1+s11], $0x80, s4, s11, $0xb8;
	[tilespmem:$0x1D3D8] =	vst v63  }
0x120: {  	s9 =	simm.s32 $0x2788  }
0x121: {  	[tilespmem:s9], [sflag:$0x4] =	stream.linear.gather [hbm4b:s7+s25], $0x28, $0x38;
	[tilespmem:$0x1D3D8] =	vst v63  }
0x122: {  	s10 =	simm.s32 $0x78;
	s21 =	simm.s32 $0x63D8;
	s24 =	sld [smem:$0x7FD]  }
0x123: {  	[tilespmem:s21], [sflag:$0x9] =	stream.indirect.gather [hbm4b:s1+s11], $0x80, s10, s11, $0xb8;
	[tilespmem:$0x1D3D8] =	vst v63  }
0x124: {  	_ = 	snop  }
0x125: {  	[tilespmem:s15], [sflag:$0x5] =	stream.linear.gather [hbm4b:s24+s25], $0x28, $0x38;
	[tilespmem:$0x1D3D8] =	vst v63  }
0x126: {  	s26 =	simm.s32 $0xA0  }
0x127: {  	[tilespmem:s16], [sflag:$0xA] =	stream.indirect.gather [hbm4b:s1+s11], $0x80, s26, s11, $0xb8;
	[tilespmem:$0x1D3D8] =	vst v63  }
0x128: {  	[bflag:$0x0] =	sbarrier.arrive $0xFFFF  }
0x129: {  	s31 =	sld [smem:$0x7FA]  }
0x12a: {  	s30 =	sld [smem:$0x7F9]  }
0x12b: {  	s29 =	sld [smem:$0x7F8]  }
0x12c: {  	s0 =	sld [smem:$0x7F7]  }
0x12d: {  	s28 =	sld [smem:$0x7F6]  }
.LBB2_4:
0x12e: {  	_ =	swait.ge [sflag:s17], $0x1400  }
0x12f: {  	[sflag:s17] =	ssyncset.done $0x0  }
0x130: {  	[sflag:s17] =	ssyncadd.s32 $0xFFFFEC00  }
0x131: {  	_ =	swait.ge [sflag:s18], $0x28  }
0x132: {  	[sflag:s18] =	ssyncset.done $0x0  }
0x133: {  	s2 =	simm.s32 $0x2710;
	[sflag:s18] =	ssyncadd.s32 $0xFFFFFFD8  }
0x134: {  	[spmem:s3] =	stream.indirect.scatter.add.f32 [tilespmem:s12], [sflag:$0xC], $0x80, s2, s11, $0xb8;
	[tilespmem:$0x1D3D8] =	vst v63  }
0x135: {  	_ =	swait.ge [sflag:s8], $0x1400  }
0x136: {  	p0 =	seq.s32 s25, $0x9920;
	[sflag:s8] =	ssyncset.done $0x0  }
0x137: {  	s2 =	simm.s32 @p0 $0x7;
	[sflag:s8] =	ssyncadd.s32 $0xFFFFEC00  }
0x138: {  	_ =	swait.ge @p0 [sflag:s2], $0x1400  }
0x139: {  	[sflag:s2] =	ssyncset.done @p0 $0x0  }
0x13a: {  	[sflag:s2] =	ssyncadd.s32 @p0 $0xFFFFEC00;
	s2 =	simm.s32 @p0 $0x2  }
0x13b: {  	_ =	swait.ge @p0 [sflag:s2], $0x28  }
0x13c: {  	s9 =	simm.s32 @p0 $0x28;
	s21 =	simm.s32 @p0 $0x3BD8;
	[sflag:s2] =	ssyncset.done @p0 $0x0  }
0x13d: {  	s7 =	simm.s32 @p0 $0xC;
	[sflag:s2] =	ssyncadd.s32 @p0 $0xFFFFFFD8;
	s2 =	simm.s32 @p0 $0x2738  }
0x13e: {  	[spmem:s3] =	stream.indirect.scatter.add.f32 @p0 [tilespmem:s21], [sflag:$0xC], $0x80, s2, s9, $0xb8;
	[tilespmem:$0x1D3D8] =	vst v63  }
0x13f: {  	_ =	swait.ge @p0 [sflag:s7], $0x1400  }
0x140: {  	s26 =	simm.s32 @!p0 $0x2710;
	s2 =	sshrl.u32 @!p0 s31, $0x3;
	[sflag:s7] =	ssyncset.done @p0 $0x0  }
0x141: {  	s21 =	sadd.s32 @!p0 s5, s2;
	s2 =	simm.s32 @!p0 $0x0;
	[sflag:s7] =	ssyncadd.s32 @p0 $0xFFFFEC00  }
0x142: {  	[tilespmem:s26], [sflag:$0x1] =	stream.linear.gather @!p0 [hbm4b:s21+s2], $0x28, $0x38;
	[tilespmem:$0x1D3D8] =	vst v63  }
0x143: {  	s21 =	sshra.s32 @!p0 s25, $0x2  }
0x144: {  	s4 =	simm.s32 @!p0 $0x27D8;
	s26 =	simm.s32 @!p0 $0x28;
	s24 =	sadd.s32 @!p0 $0xC8, s21  }
0x145: {  	[tilespmem:s4], [sflag:$0x6] =	stream.indirect.gather @!p0 [hbm4b:s1+s26], $0x80, s24, s26, $0xb8;
	[tilespmem:$0x1D3D8] =	vst v63  }
0x146: {  	s4 =	simm.s32 @!p0 $0x7  }
0x147: {  	_ =	swait.ge @!p0 [sflag:s4], $0x1400  }
0x148: {  	[sflag:s4] =	ssyncset.done @!p0 $0x0  }
0x149: {  	[sflag:s4] =	ssyncadd.s32 @!p0 $0xFFFFEC00;
	s4 =	simm.s32 @!p0 $0x2  }
0x14a: {  	_ =	swait.ge @!p0 [sflag:s4], $0x28  }
0x14b: {  	s10 =	simm.s32 @!p0 $0xC;
	[sflag:s4] =	ssyncset.done @!p0 $0x0  }
0x14c: {  	s24 =	simm.s32 @!p0 $0x3BD8;
	[sflag:s4] =	ssyncadd.s32 @!p0 $0xFFFFFFD8;
	s4 =	simm.s32 @!p0 $0x2738  }
0x14d: {  	[spmem:s3] =	stream.indirect.scatter.add.f32 @!p0 [tilespmem:s24], [sflag:$0xC], $0x80, s4, s26, $0xb8;
	[tilespmem:$0x1D3D8] =	vst v63  }
0x14e: {  	_ =	swait.ge @!p0 [sflag:s10], $0x1400  }
0x14f: {  	[sflag:s10] =	ssyncset.done @!p0 $0x0  }
0x150: {  	[sflag:s10] =	ssyncadd.s32 @!p0 $0xFFFFEC00  }
0x151: {  	[tilespmem:s4], [sflag:$0x2] =	stream.linear.gather @!p0 [hbm4b:s30+s2], $0x28, $0x38;
	[tilespmem:$0x1D3D8] =	vst v63  }
0x152: {  	s4 =	sadd.s32 @!p0 $0xF0, s21  }
0x153: {  	[tilespmem:s24], [sflag:$0x7] =	stream.indirect.gather @!p0 [hbm4b:s1+s26], $0x80, s4, s26, $0xb8;
	[tilespmem:$0x1D3D8] =	vst v63  }
0x154: {  	_ =	swait.ge [sflag:s19], $0x1400  }
0x155: {  	[sflag:s19] =	ssyncset.done $0x0  }
0x156: {  	[sflag:s19] =	ssyncadd.s32 $0xFFFFEC00  }
0x157: {  	_ =	swait.ge [sflag:s20], $0x28  }
0x158: {  	[sflag:s20] =	ssyncset.done $0x0  }
0x159: {  	[sflag:s20] =	ssyncadd.s32 $0xFFFFFFD8  }
0x15a: {  	[spmem:s3] =	stream.indirect.scatter.add.f32 [tilespmem:s14], [sflag:$0xC], $0x80, s13, s11, $0xb8;
	[tilespmem:$0x1D3D8] =	vst v63  }
0x15b: {  	_ =	swait.ge [sflag:s8], $0x1400  }
0x15c: {  	[sflag:s8] =	ssyncset.done $0x0  }
0x15d: {  	s4 =	simm.s32 @p0 $0x9;
	[sflag:s8] =	ssyncadd.s32 $0xFFFFEC00  }
0x15e: {  	_ =	swait.ge @p0 [sflag:s4], $0x1400  }
0x15f: {  	[sflag:s4] =	ssyncset.done @p0 $0x0  }
0x160: {  	[sflag:s4] =	ssyncadd.s32 @p0 $0xFFFFEC00;
	s4 =	simm.s32 @p0 $0x4  }
0x161: {  	_ =	swait.ge @p0 [sflag:s4], $0x28  }
0x162: {  	[sflag:s4] =	ssyncset.done @p0 $0x0  }
0x163: {  	s24 =	simm.s32 @p0 $0x63D8;
	[sflag:s4] =	ssyncadd.s32 @p0 $0xFFFFFFD8;
	s4 =	simm.s32 @p0 $0x2788  }
0x164: {  	[spmem:s3] =	stream.indirect.scatter.add.f32 @p0 [tilespmem:s24], [sflag:$0xC], $0x80, s4, s9, $0xb8;
	[tilespmem:$0x1D3D8] =	vst v63  }
0x165: {  	_ =	swait.ge @p0 [sflag:s7], $0x1400  }
0x166: {  	[sflag:s7] =	ssyncset.done @p0 $0x0  }
0x167: {  	s4 =	simm.s32 @!p0 $0x2760;
	[sflag:s7] =	ssyncadd.s32 @p0 $0xFFFFEC00  }
0x168: {  	[tilespmem:s4], [sflag:$0x3] =	stream.linear.gather @!p0 [hbm4b:s29+s2], $0x28, $0x38;
	[tilespmem:$0x1D3D8] =	vst v63  }
0x169: {  	s7 =	simm.s32 @!p0 $0x4FD8;
	s4 =	sadd.s32 @!p0 $0x118, s21  }
0x16a: {  	[tilespmem:s7], [sflag:$0x8] =	stream.indirect.gather @!p0 [hbm4b:s1+s26], $0x80, s4, s26, $0xb8;
	[tilespmem:$0x1D3D8] =	vst v63  }
0x16b: {  	s4 =	simm.s32 @!p0 $0x9  }
0x16c: {  	_ =	swait.ge @!p0 [sflag:s4], $0x1400  }
0x16d: {  	[sflag:s4] =	ssyncset.done @!p0 $0x0  }
0x16e: {  	[sflag:s4] =	ssyncadd.s32 @!p0 $0xFFFFEC00;
	s4 =	simm.s32 @!p0 $0x4  }
0x16f: {  	_ =	swait.ge @!p0 [sflag:s4], $0x28  }
0x170: {  	[sflag:s4] =	ssyncset.done @!p0 $0x0  }
0x171: {  	s7 =	simm.s32 @!p0 $0x63D8;
	[sflag:s4] =	ssyncadd.s32 @!p0 $0xFFFFFFD8;
	s4 =	simm.s32 @!p0 $0x2788  }
0x172: {  	[spmem:s3] =	stream.indirect.scatter.add.f32 @!p0 [tilespmem:s7], [sflag:$0xC], $0x80, s4, s26, $0xb8;
	[tilespmem:$0x1D3D8] =	vst v63  }
0x173: {  	_ =	swait.ge @!p0 [sflag:s10], $0x1400  }
0x174: {  	[sflag:s10] =	ssyncset.done @!p0 $0x0  }
0x175: {  	[sflag:s10] =	ssyncadd.s32 @!p0 $0xFFFFEC00  }
0x176: {  	[tilespmem:s4], [sflag:$0x4] =	stream.linear.gather @!p0 [hbm4b:s0+s2], $0x28, $0x38;
	[tilespmem:$0x1D3D8] =	vst v63  }
0x177: {  	s2 =	sadd.s32 @!p0 $0x140, s21  }
0x178: {  	[tilespmem:s7], [sflag:$0x9] =	stream.indirect.gather @!p0 [hbm4b:s1+s26], $0x80, s2, s26, $0xb8;
	[tilespmem:$0x1D3D8] =	vst v63  }
0x179: {  	_ =	swait.ge [sflag:s22], $0x1400  }
0x17a: {  	[sflag:s22] =	ssyncset.done $0x0  }
0x17b: {  	[sflag:s22] =	ssyncadd.s32 $0xFFFFEC00  }
0x17c: {  	_ =	swait.ge [sflag:s23], $0x28  }
0x17d: {  	[sflag:s23] =	ssyncset.done $0x0  }
.Ltmp3:
0x17e: {  	[sflag:s23] =	ssyncadd.s32 $0xFFFFFFD8;
	(pc) =	sbr.rel @p0 .LBB2_6-.Ltmp3, $4  }
0x17f: {  	[spmem:s3] =	stream.indirect.scatter.add.f32 [tilespmem:s16], [sflag:$0xC], $0x80, s15, s11, $0xb8;
	[tilespmem:$0x1D3D8] =	vst v63  }
0x180: {  	_ =	swait.ge [sflag:s8], $0x1400  }
0x181: {  	[sflag:s8] =	ssyncset.done $0x0  }
0x182: {  	[sflag:s8] =	ssyncadd.s32 $0xFFFFEC00  }
0x183: {  	s2 =	simm.s32 $0x0  }
.Ltmp4:
0x184: {  	s26 =	sshra.s32 s25, $0x2;
	s25 =	sadd.s32 $0x320, s25;
	(pc) =	sbr.rel .LBB2_4-.Ltmp4, $4  }
0x185: {  	s0 =	sadd.s32 $0x19, s0;
	s29 =	sadd.s32 $0x19, s29;
	s30 =	sadd.s32 $0x19, s30  }
0x186: {  	[tilespmem:s15], [sflag:$0x5] =	stream.linear.gather [hbm4b:s28+s2], $0x28, $0x38;
	[tilespmem:$0x1D3D8] =	vst v63  }
0x187: {  	s31 =	sadd.s32 $0xC8, s31;
	s2 =	sadd.s32 $0x168, s26;
	s28 =	sadd.s32 $0x19, s28  }
0x188: {  	[tilespmem:s16], [sflag:$0xA] =	stream.indirect.gather [hbm4b:s1+s11], $0x80, s2, s11, $0xb8;
	[tilespmem:$0x1D3D8] =	vst v63  }
.LBB2_7:
0x189: {  	_ =	sfence.sel $0x180000  }
0x18a: {  	[bflag:$0x0] =	sbarrier.arrive $0xFFFF  }
0x18b: {  	_ =	strace $0x9000004A  }
0x18c: {  	s0 =	stileid.u32;
	[bflag:$0x2] =	sbarrier.arrive $0xFFFF  }
0x18d: {  	p0 =	sne.s32 s0, $0x0;
	s0 =	rddreg [dreg:$0x3]  }
0x18e: {  	s0 =	sadd.s32 @!p0 $0x100000, s0  }
0x18f: {  	[sflag:s0] =	ssyncadd.tile.s32 @!p0 $0x1;
	_ =	shalt  }
.Lfunc_end2:
_tile_overlayer_lowered:
.L_overlay_start_2:
0x190: {  	(tag) =	ssettag $0x2  }
0x191: {  	s0 =	rddreg [dreg:$0x0];
	s2 =	stileid.u32  }
0x192: {  	s1 =	rddreg [dreg:$0x1];
	p0 =	sne.s32 s2, $0x0  }
0x193: {  	s3 =	rddreg [dreg:$0x2];
	[bflag:$0x3] =	sbarrier.arrive $0xFFFF;
	s2 =	simm.s32 @!p0 $0x1C0C  }
0x194: {  	[timem:s3], [sflag:s2] =	dma.local @!p0 [hbm:s0], s1  }
0x195: {  	s0 =	simm.s32 @!p0 $0xC  }
0x196: {  	_ =	swait.ge @!p0 [sflag:s0], s1  }
0x197: {  	s1 =	ssub.s32 @!p0 $0x0, s1;
	[sflag:s0] =	ssyncset.done @!p0 $0x0  }
0x198: {  	[sflag:s0] =	ssyncadd.s32 @!p0 s1  }
0x199: {  	[bflag:$0x3] =	sbarrier.arrive $0xFFFF  }
0x19a: {  	_ =	shalt  }

// kernel: kernel.14.cloned.1.call-start
scs
__scs_entry_jumppad:
0x0: {  	(pc) =	sbr.rel $0x88, $3  }
0x1: {  	(tag) =	ssettag $0x0;
	lr =	simm.s32 $0x1  }
0x2: {  	[smem:$0x3F9B] =	sst lr;
	_ =	strace $0xD0000000  }
0x3: {  	_ = 	snop  }
0x4: {  	_ = 	snop  }
0x5: {  	_ = 	snop  }
0x6: {  	_ = 	snop  }
0x7: {  	_ = 	snop  }
__scs_overlays_trampoline_lowered:
0x8: {  	[smem:$0x3FAA] =	sst s0  }
0x9: {  	[smem:$0x3FAB] =	sst s1  }
0xa: {  	[smem:$0x3FAC] =	sst s2  }
0xb: {  	[smem:$0x3FAD] =	sst s3  }
0xc: {  	[smem:$0x3FAE] =	sst s4  }
0xd: {  	[smem:$0x3FAF] =	sst s5  }
0xe: {  	[smem:$0x3FB0] =	sst s6  }
0xf: {  	[smem:$0x3FB1] =	sst s7  }
0x10: {  	[smem:$0x3FB2] =	sst s8  }
0x11: {  	[smem:$0x3FB3] =	sst s9;
	s0 =	simm.s32 @!p0 $0x0  }
0x12: {  	s1 =	sld [smem:$0x3F99];
	s0 =	simm.s32 @p0 $0x1  }
0x13: {  	[smem:$0x3FB4] =	sst s0;
	s0 =	simm.s32 @!p1 $0x0  }
0x14: {  	s2 =	sld [smem:$0x3F98];
	s0 =	simm.s32 @p1 $0x1  }
0x15: {  	[smem:$0x3FB5] =	sst s0;
	s0 =	simm.s32 @!p2 $0x0  }
0x16: {  	s3 =	sld [smem:$0x3FDB];
	s0 =	simm.s32 @p2 $0x1  }
0x17: {  	s4 =	simm.s32 $0x1BF5;
	[smem:$0x3FB7] =	sst s0  }
0x18: {  	s0 =	sld [smem:$0x3F9A];
	_ =	swait.ge [sflag:s4], $0x0  }
0x19: {  	s7 =	sld [smem:$0x3F9B]  }
0x1a: {  	s8 =	sadd.s32 $0xFFFFE003, lr  }
0x1b: {  	s9 =	sadd.s32 $0xFFFFFEF7, lr;
	s5 =	simm.s32 $0xFFFFFFFF;
	p2 =	slt.u32 s8, $0xFFFFF086  }
0x1c: {  	p1 =	slt.u32 s9, $0xF7A;
	s5 =	simm.s32 @!p2 $0x0  }
0x1d: {  	s5 =	simm.s32 @p1 $0x1;
	p0 =	seq.s32 s7, s2  }
0x1e: {  	s7 =	smul.u32 @!p0 $0xF7A, s2;
	p2 =	seq.s32 @!p0 s5, $0x0  }
0x1f: {  	s9 =	smul.u32 $0xF7A, s1;
	s8 =	simm.s32 @!p0 $0x1BF5;
	p2 =	por !p2, p0  }
0x20: {  	[sflag:s8] =	ssyncset.s32 @!p0 $0xFFFFF086;
	s6 =	sadd.s32 @!p0 s3, s7;
	s7 =	simm.s32 @!p0 $0x108  }
0x21: {  	s3 =	sadd.s32 s3, s9;
	s6 =	sadd.s32 @!p0 $0x88, s6;
	s7 =	simm.s32 @p2 $0x1082  }
0x22: {  	[simem:s7], [sflag:s8] =	dma.local @!p0 [hbm:s6], $0xF7A  }
0x23: {  	s9 =	sor.u32 $0xD0000000, s2;
	s6 =	simm.s32 $0x108;
	_ =	swait.ge @!p0 [sflag:s8], $0x0  }
0x24: {  	s3 =	sadd.s32 $0x88, s3;
	s6 =	simm.s32 @!p1 $0x1082;
	[sflag:s4] =	ssyncset.s32 $0xFFFFF086  }
0x25: {  	[simem:s6], [sflag:s4] =	dma.local [hbm:s3], $0xF7A  }
0x26: {  	[smem:$0x3F9B] =	sst s1;
	(tag) =	ssettag s2;
	_ =	strace s9  }
0x27: {  	s1 =	sld [smem:$0x3FAB]  }
0x28: {  	s2 =	sld [smem:$0x3FAC]  }
0x29: {  	s4 =	sld [smem:$0x3FAE]  }
0x2a: {  	p0 =	seq.s32 s5, $0x0;
	s5 =	sld [smem:$0x3FAF]  }
0x2b: {  	s6 =	sld [smem:$0x3FB0]  }
0x2c: {  	s7 =	sld [smem:$0x3FB1]  }
0x2d: {  	s3 =	simm.s32 $0x108;
	s8 =	sld [smem:$0x3FB2]  }
0x2e: {  	s3 =	simm.s32 @!p0 $0x1082;
	s9 =	sld [smem:$0x3FB3]  }
0x2f: {  	lr =	sadd.s32 s0, s3;
	s0 =	sld [smem:$0x3FAA]  }
0x30: {  	s3 =	sld [smem:$0x3FAD]  }
0x31: {  	[smem:$0x3FB6] =	sst s10  }
0x32: {  	s10 =	sld [smem:$0x3FB4];
	_ =	sdelay $0x3  }
0x33: {  	p0 =	seq.s32 s10, $0x1;
	s10 =	sld [smem:$0x3FB6];
	_ =	sdelay $0x3  }
0x34: {  	[smem:$0x3FB6] =	sst s10  }
0x35: {  	s10 =	sld [smem:$0x3FB5];
	_ =	sdelay $0x3  }
0x36: {  	p1 =	seq.s32 s10, $0x1;
	s10 =	sld [smem:$0x3FB6];
	_ =	sdelay $0x3  }
0x37: {  	[smem:$0x3FB6] =	sst s10  }
0x38: {  	s10 =	sld [smem:$0x3FB7]  }
0x39: {  	_ = 	snop;
	(pc) =	sbr.ind lr, $3  }
0x3a: {  	_ = 	snop  }
0x3b: {  	_ = 	snop  }
0x3c: {  	p2 =	seq.s32 s10, $0x1;
	s10 =	sld [smem:$0x3FB6]  }
0x3d: {  	_ =	shalt  }
0x3e: {  	_ =	shalt  }
0x3f: {  	_ =	shalt  }
0x40: {  	_ =	shalt  }
0x41: {  	_ =	shalt  }
0x42: {  	_ =	shalt  }
0x43: {  	_ =	shalt  }
0x44: {  	_ =	shalt  }
0x45: {  	_ =	shalt  }
0x46: {  	_ =	shalt  }
0x47: {  	_ =	shalt  }
0x48: {  	_ =	shalt  }
0x49: {  	_ =	shalt  }
0x4a: {  	_ =	shalt  }
0x4b: {  	_ =	shalt  }
0x4c: {  	_ =	shalt  }
0x4d: {  	_ =	shalt  }
0x4e: {  	_ =	shalt  }
0x4f: {  	_ =	shalt  }
0x50: {  	_ =	shalt  }
0x51: {  	_ =	shalt  }
0x52: {  	_ =	shalt  }
0x53: {  	_ =	shalt  }
0x54: {  	_ =	shalt  }
0x55: {  	_ =	shalt  }
0x56: {  	_ =	shalt  }
0x57: {  	_ =	shalt  }
0x58: {  	_ =	shalt  }
0x59: {  	_ =	shalt  }
0x5a: {  	_ =	shalt  }
0x5b: {  	_ =	shalt  }
0x5c: {  	_ =	shalt  }
0x5d: {  	_ =	shalt  }
0x5e: {  	_ =	shalt  }
0x5f: {  	_ =	shalt  }
0x60: {  	_ =	shalt  }
0x61: {  	_ =	shalt  }
0x62: {  	_ =	shalt  }
0x63: {  	_ =	shalt  }
0x64: {  	_ =	shalt  }
0x65: {  	_ =	shalt  }
0x66: {  	_ =	shalt  }
0x67: {  	_ =	shalt  }
0x68: {  	_ =	shalt  }
0x69: {  	_ =	shalt  }
0x6a: {  	_ =	shalt  }
0x6b: {  	_ =	shalt  }
0x6c: {  	_ =	shalt  }
0x6d: {  	_ =	shalt  }
0x6e: {  	_ =	shalt  }
0x6f: {  	_ =	shalt  }
0x70: {  	_ =	shalt  }
0x71: {  	_ =	shalt  }
0x72: {  	_ =	shalt  }
0x73: {  	_ =	shalt  }
0x74: {  	_ =	shalt  }
0x75: {  	_ =	shalt  }
0x76: {  	_ =	shalt  }
0x77: {  	_ =	shalt  }
0x78: {  	_ =	shalt  }
0x79: {  	_ =	shalt  }
0x7a: {  	_ =	shalt  }
0x7b: {  	_ =	shalt  }
0x7c: {  	_ =	shalt  }
0x7d: {  	_ =	shalt  }
0x7e: {  	_ =	shalt  }
0x7f: {  	_ =	shalt  }
0x80: {  	_ =	shalt  }
0x81: {  	_ =	shalt  }
0x82: {  	_ =	shalt  }
0x83: {  	_ =	shalt  }
0x84: {  	_ =	shalt  }
0x85: {  	_ =	shalt  }
0x86: {  	_ =	shalt  }
0x87: {  	_ =	shalt  }
.Lfunc_end0:
.L_simem_size_0:
called_computation.2_lowered:
.L_overlay_start_0:
0x88: {  	s2 =	sld [smem:$0x3FD9]  }
0x89: {  	s3 =	sld [smem:$0x3FFE];
	_ =	sdelay $0x1  }
0x8a: {  	s1 =	srdreg.scid  }
0x8b: {  	s0 =	sand.u32 $0x1, s1  }
0x8c: {  	s17 =	sshll.u32 s0, $0xA;
	s2 =	sadd.s32 s3, s2  }
0x8d: {  	s2 =	sadd.s32 s2, s17  }
0x8e: {  	[smem:$0x3FC2] =	sst s2  }
0x8f: {  	_ = 	snop  }
0x90: {  	s2 =	sld [smem:$0x3FD0];
	(tm) =	ssettm $0x1  }
0x91: {  	s18 =	sld [smem:$0x3FFB];
	_ =	sdelay $0x3  }
0x92: {  	_ =	strace s18  }
0x93: {  	s3 =	sld [smem:$0x3FFC];
	_ =	sdelay $0x3  }
0x94: {  	_ =	strace s3  }
0x95: {  	s3 =	sld [smem:$0x3FFD];
	_ =	sdelay $0x3  }
0x96: {  	_ =	strace s3  }
0x97: {  	_ =	strace $0x8FFFFFFF  }
0x98: {  	s19 =	sld [smem:$0x3FDB];
	_ =	sdelay $0x1  }
0x99: {  	s4 =	simm.s32 $_scs_section_size  }
0x9a: {  	s5 =	simm.s32 $_size__tile_overlayer_lowered;
	s6 =	simm.s32 $_tile_overlayer_lowered  }
0x9b: {  	s22 =	simm.s32 $0x1BFF;
	s21 =	sshll.u32 s6, $0x1;
	s3 =	sadd.s32 s4, s19  }
0x9c: {  	s7 =	simm.s32 $0x0;
	s20 =	sshll.u32 s5, $0x1;
	s5 =	sadd.s32 s21, s3  }
0x9d: {  	[timem:s7], [sflag:s22] =	dma.local [hbm:s5], s20  }
0x9e: {  	_ =	swait.ge [sflag:s22], s20  }
0x9f: {  	s4 =	ssub.s32 $0x0, s20;
	[sflag:s22] =	ssyncset.done $0x0  }
0xa0: {  	[sflag:s22] =	ssyncadd.s32 s4;
	_ =	sdelay $0x1  }
0xa1: {  	s23 =	simm.s32 $0x1B8B  }
0xa2: {  	_ =	swait.ge [sflag:s23], $0x1  }
0xa3: {  	[sflag:s23] =	ssyncset.done $0x0  }
0xa4: {  	s25 =	simm.s32 $0x1B8E;
	s24 =	sld [smem:$0x3FFE];
	[sflag:s23] =	ssyncadd.s32 $0xFFFFFFFF  }
0xa5: {  	s26 =	simm.s32 $execute0_lowered;
	[smem:$0x3FD2] =	sst s25  }
0xa6: {  	s5 =	sshll.u32 s26, $0x1;
	_ =	strace $0x8000004C;
	[dreg:$0x1] =	wrdreg $0xFFFFFFFF  }
0xa7: {  	s28 =	simm.s32 $_size_execute0_lowered;
	s3 =	sadd.s32 s3, s5;
	[dreg:$0x0] =	wrdreg $0x0  }
0xa8: {  	s5 =	sshll.u32 s28, $0x1;
	[dreg:$0x2] =	wrdreg s3  }
0xa9: {  	[dreg:$0x3] =	wrdreg s5  }
0xaa: {  	[dreg:$0x4] =	wrdreg $0xC0  }
0xab: {  	_ =	task [dreg:s7], $0x5FFFF  }
0xac: {  	[dreg:$0x1] =	wrdreg $0xFFFFFFFF  }
0xad: {  	[dreg:$0x0] =	wrdreg $0x60  }
0xae: {  	[dreg:$0x2] =	wrdreg s2  }
0xaf: {  	[dreg:$0x3] =	wrdreg s24  }
0xb0: {  	[dreg:$0x4] =	wrdreg $0x93D80  }
0xb1: {  	[dreg:$0x5] =	wrdreg $0x9  }
0xb2: {  	_ =	task.clear_ibuf [dreg:s7], $0x6FFFF;
	_ =	strace $0x9000004C  }
0xb3: {  	s29 =	simm.s32 $0x9;
	_ =	strace $0x8000004E  }
0xb4: {  	_ =	swait.ge [sflag:s29], $0x1  }
0xb5: {  	[sflag:s29] =	ssyncadd.s32 $0xFFFFFFFF  }
0xb6: {  	_ =	strace $0x9000004E  }
0xb7: {  	_ =	sfence  }
0xb8: {  	s30 =	sld [smem:$0x0];
	_ =	sdelay $0x2  }
0xb9: {  	s31 =	sshll.u32 s1, $0xD;
	s1 =	sshrl.u32 s1, $0x2  }
0xba: {  	s3 =	sand.u32 $0x4000, s31;
	s1 =	sadd.s32 s1, s30  }
0xbb: {  	s0 =	sor.u32 s3, s0;
	s1 =	sshll.u32 s1, $0x11  }
0xbc: {  	s0 =	sor.u32 s1, s0  }
0xbd: {  	s0 =	sadd.s32 $0x8F2B, s0  }
0xbe: {  	[sflag:s0] =	ssyncadd.remote.s32 $0x1  }
0xbf: {  	_ =	sfence.sel $0xFFFF  }
0xc0: {  	[dreg:$0x0] =	wrdreg $0xFFFFFFFF;
	(pc) =	sbr.abs _section_cstart, $3  }
0xc1: {  	[dreg:$0x1] =	wrdreg $0xFFFFFFFF  }
0xc2: {  	_ =	task.clear_ibuf [dreg:s7], $0x2FFFF;
	_ =	strace $0x9FFFFFFF  }
0xc3: {  	(tm) =	ssettm $0x7FFFFFFF  }
tec
execute0_lowered:
.L_overlay_start_1:
0x0: {  	(tag) =	ssettag $0x1  }
0x1: {  	s0 =	srdreg.scid;
	s1 =	rddreg [dreg:$0x0]  }
0x2: {  	s4 =	stileid.u32;
	s6 =	rddreg [dreg:$0x1]  }
0x3: {  	s3 =	rddreg [dreg:$0x2];
	s7 =	smul.u32 $0x14000, s4  }
0x4: {  	s2 =	sand.u32 $0x1, s0;
	s16 =	sshll.u32 s4, $0x1;
	s12 =	smul.u32 $0x50000, s4  }
0x5: {  	s5 =	simm.s32 $0x0;
	s0 =	sor.u32 s2, s16;
	s17 =	smul.u32 $0x140000, s2  }
0x6: {  	[smem:$0x7FF] =	sst s5;
	s11 =	ssub.s32 $0x2, s2;
	s0 =	smul.u32 $0x2710, s0  }
0x7: {  	s5 =	sadd.s32 $0x1C00, s6;
	_ =	strace $0x8000004D;
	s13 =	sshrl.u32 s11, $0x1  }
0x8: {  	s18 =	sshrl.u32 s12, $0x2;
	s10 =	sadd.s32 s7, s17;
	s8 =	sshrl.u32 s0, $0x3  }
0x9: {  	s7 =	sadd.s32 s7, s3;
	s10 =	sshrl.u32 s10, $0x3;
	s9 =	sadd.s32 s8, s6  }
0xa: {  	[dreg:$0x5] =	wrdreg s7;
	s6 =	sadd.s32 s10, s6;
	s9 =	sadd.s32 $0xBA00, s9  }
0xb: {  	s6 =	sadd.s32 $0xB1C00, s6;
	[dreg:$0x4] =	wrdreg s9;
	s9 =	sadd.s32 s18, s3  }
0xc: {  	s10 =	ssub.s32 s11, s13;
	[smem:$0x7F4] =	sst s6;
	s11 =	sadd.s32 $0x800, s9  }
0xd: {  	s19 =	sadd.s32 $0x1000, s9;
	[dreg:$0x6] =	wrdreg s11  }
0xe: {  	s20 =	sadd.s32 $0x1800, s9;
	[dreg:$0x7] =	wrdreg s19  }
0xf: {  	s21 =	sadd.s32 $0x2000, s9;
	[dreg:$0x8] =	wrdreg s20  }
0x10: {  	s22 =	sadd.s32 $0x2800, s9;
	[dreg:$0x9] =	wrdreg s21  }
0x11: {  	s24 =	sadd.s32 $0x3000, s9;
	[dreg:$0xa] =	wrdreg s22  }
0x12: {  	s25 =	sadd.s32 $0x3800, s9;
	[dreg:$0xb] =	wrdreg s24  }
0x13: {  	s26 =	sadd.s32 $0x4000, s9;
	[dreg:$0xc] =	wrdreg s25  }
0x14: {  	s28 =	sadd.s32 $0x4800, s9;
	[dreg:$0xd] =	wrdreg s26  }
0x15: {  	s29 =	sadd.s32 $0x5000, s9;
	[dreg:$0xe] =	wrdreg s28  }
0x16: {  	s30 =	sadd.s32 $0x5800, s9;
	[dreg:$0xf] =	wrdreg s29  }
0x17: {  	s31 =	sadd.s32 $0x6000, s9;
	[dreg:$0x10] =	wrdreg s30  }
0x18: {  	s12 =	sadd.s32 $0x7000, s9;
	[dreg:$0x11] =	wrdreg s31  }
0x19: {  	s13 =	sadd.s32 $0x7800, s9;
	[dreg:$0x13] =	wrdreg s12  }
0x1a: {  	s14 =	sadd.s32 $0x8000, s9;
	[dreg:$0x14] =	wrdreg s13  }
0x1b: {  	s15 =	sadd.s32 $0x8800, s9;
	[dreg:$0x15] =	wrdreg s14  }
0x1c: {  	s23 =	smul.u32 $0x4E20, s4;
	s16 =	sadd.s32 $0x9000, s9;
	[dreg:$0x16] =	wrdreg s15  }
0x1d: {  	s2 =	smul.u32 $0x2710, s2;
	s17 =	sadd.s32 $0x9800, s9;
	[dreg:$0x17] =	wrdreg s16  }
0x1e: {  	s18 =	sadd.s32 $0xA000, s9;
	[dreg:$0x18] =	wrdreg s17  }
0x1f: {  	s2 =	sadd.s32 s2, s23;
	s23 =	sadd.s32 $0xC800, s9;
	[dreg:$0x19] =	wrdreg s18  }
0x20: {  	s11 =	sadd.s32 $0x6800, s9;
	[dreg:$0x1e] =	wrdreg s23  }
0x21: {  	s19 =	sadd.s32 $0xA800, s9;
	[dreg:$0x12] =	wrdreg s11  }
0x22: {  	s20 =	sadd.s32 $0xB000, s9;
	[dreg:$0x1a] =	wrdreg s19  }
0x23: {  	s21 =	sadd.s32 $0xB800, s9;
	[dreg:$0x1b] =	wrdreg s20  }
0x24: {  	s22 =	sadd.s32 $0xC000, s9;
	[dreg:$0x1c] =	wrdreg s21  }
0x25: {  	s24 =	sadd.s32 $0xD000, s9;
	[dreg:$0x1d] =	wrdreg s22  }
0x26: {  	s25 =	sadd.s32 $0xD800, s9;
	[dreg:$0x1f] =	wrdreg s24  }
0x27: {  	s26 =	sadd.s32 $0xE000, s9;
	[smem:$0x7E5] =	sst s25  }
0x28: {  	s28 =	sadd.s32 $0xE800, s9;
	[smem:$0x7E6] =	sst s26  }
0x29: {  	s29 =	sadd.s32 $0xF000, s9;
	[smem:$0x7E7] =	sst s28  }
0x2a: {  	s30 =	sadd.s32 $0xF800, s9;
	[smem:$0x7E8] =	sst s29  }
0x2b: {  	s31 =	sadd.s32 $0x10000, s9;
	[smem:$0x7E9] =	sst s30  }
0x2c: {  	s12 =	sadd.s32 $0x11000, s9;
	[smem:$0x7EA] =	sst s31  }
0x2d: {  	s13 =	sadd.s32 $0x11800, s9;
	[smem:$0x7EC] =	sst s12  }
0x2e: {  	s14 =	sadd.s32 $0x12000, s9;
	[smem:$0x7ED] =	sst s13  }
0x2f: {  	s15 =	sadd.s32 $0x12800, s9;
	[smem:$0x7EE] =	sst s14  }
0x30: {  	s16 =	sadd.s32 $0x13000, s9;
	s17 =	sadd.s32 $0x13800, s9;
	[smem:$0x7EF] =	sst s15  }
0x31: {  	s18 =	sadd.s32 s5, s8;
	s23 =	sadd.s32 $0x140, s2;
	[smem:$0x7F0] =	sst s16  }
0x32: {  	s11 =	sadd.s32 $0x10800, s9;
	[smem:$0x7F1] =	sst s17;
	s19 =	sadd.s32 $0x28, s0  }
0x33: {  	s0 =	sadd.s32 $0x78, s0;
	s20 =	sadd.s32 $0x168, s2;
	s22 =	smax.u32 s10, $0x1  }
0x34: {  	s24 =	sadd.s32 $0x118, s2;
	s25 =	sadd.s32 $0xF0, s2;
	s29 =	sadd.s32 $0xC8, s2  }
0x35: {  	s30 =	sadd.s32 $0xA, s18;
	[smem:$0x7FC] =	sst s18;
	s31 =	sadd.s32 $0x14, s18  }
0x36: {  	s12 =	simm.s32 $0x27D8;
	s13 =	simm.s32 $0x2760;
	s14 =	simm.s32 $0x4FD8  }
0x37: {  	s15 =	simm.s32 $0x27B0;
	s16 =	simm.s32 $0x77D8;
	[smem:$0x7EB] =	sst s11  }
0x38: {  	s17 =	simm.s32 $0x6;
	s18 =	simm.s32 $0x1;
	[smem:$0x7F5] =	sst s22  }
0x39: {  	s2 =	simm.s32 $0x0;
	s8 =	sshrl.u32 s19, $0x3;
	[smem:$0x7FA] =	sst s29  }
0x3a: {  	s0 =	sshrl.u32 s0, $0x3;
	s21 =	sshrl.u32 s20, $0x3;
	[smem:$0x7FB] =	sst s30  }
0x3b: {  	s6 =	sshrl.u32 s24, $0x3;
	[smem:$0x7FD] =	sst s31;
	s11 =	simm.s32 $0x28  }
0x3c: {  	s19 =	simm.s32 $0x8;
	s20 =	simm.s32 $0x3;
	s8 =	sadd.s32 s5, s8  }
0x3d: {  	s22 =	simm.s32 $0xA;
	s0 =	sadd.s32 s5, s0;
	[smem:$0x7F2] =	sst s8  }
.Ltmp0:
0x3e: {  	s26 =	sadd.s32 s6, s5;
	[smem:$0x7F3] =	sst s0;
	(pc) =	sbr.rel .LBB2_1-.Ltmp0, $4  }
0x3f: {  	s0 =	sadd.s32 s21, s5;
	s8 =	sshrl.u32 s25, $0x3;
	[smem:$0x7F8] =	sst s26  }
0x40: {  	[smem:$0x7F6] =	sst s0;
	s0 =	sshrl.u32 s23, $0x3;
	s28 =	sadd.s32 s8, s5  }
0x41: {  	s6 =	simm.s32 $0x8BD8;
	s0 =	sadd.s32 s0, s5;
	[smem:$0x7F9] =	sst s28  }
0x42: {  	v0 =	vimm.f32 $0.0e+00;
	s8 =	simm.s32 $0xC;
	s23 =	simm.s32 $0x5;
	[smem:$0x7F7] =	sst s0  }
.LBB2_6:
0x43: {  	[bflag:$0x0] =	sbarrier.arrive $0xFFFF  }
0x44: {  	s0 =	stileid.u32;
	s4 =	sld [smem:$0x7F4]  }
0x45: {  	s0 =	sshll.u32 s0, $0x6;
	s7 =	rddreg [dreg:$0x5]  }
0x46: {  	s0 =	sor.u32 $0x1C0C, s0;
	s2 =	sshrl.u32 s7, $0x3  }
0x47: {  	[hbm:s4], [sflag:s0] =	dma.local [spmem:s2], $0x2800  }
0x48: {  	_ =	swait.ge [sflag:s8], $0x2800  }
0x49: {  	s30 =	sld [smem:$0x7E4]  }
0x4a: {  	s31 =	sld [smem:$0x7F5];
	_ =	sdelay $0x1  }
0x4b: {  	s2 =	sadd.s32 $0x1, s30  }
0x4c: {  	p0 =	sne.s32 s2, s31  }
.Ltmp1:
0x4d: {  	_ = 	snop;
	(pc) =	sbr.rel @!p0 .LBB2_7-.Ltmp1, $3  }
0x4e: {  	_ =	sdelay $0x1  }
0x4f: {  	[sflag:s8] =	ssyncset.done $0x0  }
0x50: {  	[sflag:s8] =	ssyncadd.s32 $0xFFFFD800  }
.LBB2_1:
0x51: {  	s0 =	simm.s32 $0x0;
	s31 =	rddreg [dreg:$0x4]  }
0x52: {  	[tilespmem:s0], [sflag:$0xB] =	stream.linear.gather [hbm4b:s31+s0], $0x2710, $0x38;
	[tilespmem:$0x1D3D8] =	vst v63  }
0x53: {  	[smem:$0x7E4] =	sst s2;
	s2 =	simm.s32 $0x200;
	s0 =	simm.s32 $0x0  }
.LBB2_2:
0x54: {  	p0 =	sne.s32 s2, $0x1E00;
	[tilespmem:s0+$0x8C48] =	vst v0  }
0x55: {  	[tilespmem:s0+$0x8BD8] =	vst v0  }
0x56: {  	[tilespmem:s0+$0x8BE8] =	vst v0  }
.Ltmp2:
0x57: {  	[tilespmem:s0+$0x8BF8] =	vst v0;
	(pc) =	sbr.rel @p0 .LBB2_2-.Ltmp2, $4  }
0x58: {  	[tilespmem:s0+$0x8C08] =	vst v0  }
0x59: {  	[tilespmem:s0+$0x8C18] =	vst v0  }
0x5a: {  	[tilespmem:s0+$0x8C28] =	vst v0  }
0x5b: {  	[tilespmem:s0+$0x8C38] =	vst v0;
	s0 =	sshra.s32 s2, $0x2;
	s2 =	sadd.s32 $0x200, s2  }
0x5c: {  	[tilespmem:s0+$0x8C48] =	vst v0  }
0x5d: {  	[tilespmem:s0+$0x8BD8] =	vst v0  }
0x5e: {  	[tilespmem:s0+$0x8BE8] =	vst v0  }
0x5f: {  	[tilespmem:s0+$0x8BF8] =	vst v0  }
0x60: {  	[tilespmem:s0+$0x8C08] =	vst v0  }
0x61: {  	[tilespmem:s0+$0x8C18] =	vst v0  }
0x62: {  	[tilespmem:s0+$0x8C28] =	vst v0  }
0x63: {  	[tilespmem:s0+$0x8C38] =	vst v0  }
0x64: {  	[spmem:s7] =	stream.linear.scatter [tilespmem:s6], [sflag:$0xC], $0x800, $0x38;
	[tilespmem:$0x1D3D8] =	vst v63  }
0x65: {  	_ =	swait.ge [sflag:s8], $0x800  }
0x66: {  	[sflag:s8] =	ssyncset.done $0x0  }
0x67: {  	s2 =	rddreg [dreg:$0x6];
	[sflag:s8] =	ssyncadd.s32 $0xFFFFF800  }
0x68: {  	[spmem:s2] =	stream.linear.scatter [tilespmem:s6], [sflag:$0xC], $0x800, $0x38;
	[tilespmem:$0x1D3D8] =	vst v63  }
0x69: {  	_ =	swait.ge [sflag:s8], $0x800  }
0x6a: {  	[sflag:s8] =	ssyncset.done $0x0  }
0x6b: {  	s4 =	rddreg [dreg:$0x7];
	[sflag:s8] =	ssyncadd.s32 $0xFFFFF800  }
0x6c: {  	[spmem:s4] =	stream.linear.scatter [tilespmem:s6], [sflag:$0xC], $0x800, $0x38;
	[tilespmem:$0x1D3D8] =	vst v63  }
0x6d: {  	_ =	swait.ge [sflag:s8], $0x800  }
0x6e: {  	[sflag:s8] =	ssyncset.done $0x0  }
0x6f: {  	s7 =	rddreg [dreg:$0x8];
	[sflag:s8] =	ssyncadd.s32 $0xFFFFF800  }
0x70: {  	[spmem:s7] =	stream.linear.scatter [tilespmem:s6], [sflag:$0xC], $0x800, $0x38;
	[tilespmem:$0x1D3D8] =	vst v63  }
0x71: {  	_ =	swait.ge [sflag:s8], $0x800  }
0x72: {  	[sflag:s8] =	ssyncset.done $0x0  }
0x73: {  	s9 =	rddreg [dreg:$0x9];
	[sflag:s8] =	ssyncadd.s32 $0xFFFFF800  }
0x74: {  	[spmem:s9] =	stream.linear.scatter [tilespmem:s6], [sflag:$0xC], $0x800, $0x38;
	[tilespmem:$0x1D3D8] =	vst v63  }
0x75: {  	_ =	swait.ge [sflag:s8], $0x800  }
0x76: {  	[sflag:s8] =	ssyncset.done $0x0  }
0x77: {  	s10 =	rddreg [dreg:$0xa];
	[sflag:s8] =	ssyncadd.s32 $0xFFFFF800  }
0x78: {  	[spmem:s10] =	stream.linear.scatter [tilespmem:s6], [sflag:$0xC], $0x800, $0x38;
	[tilespmem:$0x1D3D8] =	vst v63  }
0x79: {  	_ =	swait.ge [sflag:s8], $0x800  }
0x7a: {  	[sflag:s8] =	ssyncset.done $0x0  }
0x7b: {  	s21 =	rddreg [dreg:$0xb];
	[sflag:s8] =	ssyncadd.s32 $0xFFFFF800  }
0x7c: {  	[spmem:s21] =	stream.linear.scatter [tilespmem:s6], [sflag:$0xC], $0x800, $0x38;
	[tilespmem:$0x1D3D8] =	vst v63  }
0x7d: {  	_ =	swait.ge [sflag:s8], $0x800  }
0x7e: {  	[sflag:s8] =	ssyncset.done $0x0  }
0x7f: {  	s24 =	rddreg [dreg:$0xc];
	[sflag:s8] =	ssyncadd.s32 $0xFFFFF800  }
0x80: {  	[spmem:s24] =	stream.linear.scatter [tilespmem:s6], [sflag:$0xC], $0x800, $0x38;
	[tilespmem:$0x1D3D8] =	vst v63  }
0x81: {  	_ =	swait.ge [sflag:s8], $0x800  }
0x82: {  	[sflag:s8] =	ssyncset.done $0x0  }
0x83: {  	s25 =	rddreg [dreg:$0xd];
	[sflag:s8] =	ssyncadd.s32 $0xFFFFF800  }
0x84: {  	[spmem:s25] =	stream.linear.scatter [tilespmem:s6], [sflag:$0xC], $0x800, $0x38;
	[tilespmem:$0x1D3D8] =	vst v63  }
0x85: {  	_ =	swait.ge [sflag:s8], $0x800  }
0x86: {  	[sflag:s8] =	ssyncset.done $0x0  }
0x87: {  	s26 =	rddreg [dreg:$0xe];
	[sflag:s8] =	ssyncadd.s32 $0xFFFFF800  }
0x88: {  	[spmem:s26] =	stream.linear.scatter [tilespmem:s6], [sflag:$0xC], $0x800, $0x38;
	[tilespmem:$0x1D3D8] =	vst v63  }
0x89: {  	_ =	swait.ge [sflag:s8], $0x800  }
0x8a: {  	[sflag:s8] =	ssyncset.done $0x0  }
0x8b: {  	s2 =	rddreg [dreg:$0xf];
	[sflag:s8] =	ssyncadd.s32 $0xFFFFF800  }
0x8c: {  	[spmem:s2] =	stream.linear.scatter [tilespmem:s6], [sflag:$0xC], $0x800, $0x38;
	[tilespmem:$0x1D3D8] =	vst v63  }
0x8d: {  	_ =	swait.ge [sflag:s8], $0x800  }
0x8e: {  	[sflag:s8] =	ssyncset.done $0x0  }
0x8f: {  	s4 =	rddreg [dreg:$0x10];
	[sflag:s8] =	ssyncadd.s32 $0xFFFFF800  }
0x90: {  	[spmem:s4] =	stream.linear.scatter [tilespmem:s6], [sflag:$0xC], $0x800, $0x38;
	[tilespmem:$0x1D3D8] =	vst v63  }
0x91: {  	_ =	swait.ge [sflag:s8], $0x800  }
0x92: {  	[sflag:s8] =	ssyncset.done $0x0  }
0x93: {  	s7 =	rddreg [dreg:$0x11];
	[sflag:s8] =	ssyncadd.s32 $0xFFFFF800  }
0x94: {  	[spmem:s7] =	stream.linear.scatter [tilespmem:s6], [sflag:$0xC], $0x800, $0x38;
	[tilespmem:$0x1D3D8] =	vst v63  }
0x95: {  	_ =	swait.ge [sflag:s8], $0x800  }
0x96: {  	[sflag:s8] =	ssyncset.done $0x0  }
0x97: {  	s9 =	rddreg [dreg:$0x12];
	[sflag:s8] =	ssyncadd.s32 $0xFFFFF800  }
0x98: {  	[spmem:s9] =	stream.linear.scatter [tilespmem:s6], [sflag:$0xC], $0x800, $0x38;
	[tilespmem:$0x1D3D8] =	vst v63  }
0x99: {  	_ =	swait.ge [sflag:s8], $0x800  }
0x9a: {  	[sflag:s8] =	ssyncset.done $0x0  }
0x9b: {  	s10 =	rddreg [dreg:$0x13];
	[sflag:s8] =	ssyncadd.s32 $0xFFFFF800  }
0x9c: {  	[spmem:s10] =	stream.linear.scatter [tilespmem:s6], [sflag:$0xC], $0x800, $0x38;
	[tilespmem:$0x1D3D8] =	vst v63  }
0x9d: {  	_ =	swait.ge [sflag:s8], $0x800  }
0x9e: {  	[sflag:s8] =	ssyncset.done $0x0  }
0x9f: {  	s21 =	rddreg [dreg:$0x14];
	[sflag:s8] =	ssyncadd.s32 $0xFFFFF800  }
0xa0: {  	[spmem:s21] =	stream.linear.scatter [tilespmem:s6], [sflag:$0xC], $0x800, $0x38;
	[tilespmem:$0x1D3D8] =	vst v63  }
0xa1: {  	_ =	swait.ge [sflag:s8], $0x800  }
0xa2: {  	[sflag:s8] =	ssyncset.done $0x0  }
0xa3: {  	s24 =	rddreg [dreg:$0x15];
	[sflag:s8] =	ssyncadd.s32 $0xFFFFF800  }
0xa4: {  	[spmem:s24] =	stream.linear.scatter [tilespmem:s6], [sflag:$0xC], $0x800, $0x38;
	[tilespmem:$0x1D3D8] =	vst v63  }
0xa5: {  	_ =	swait.ge [sflag:s8], $0x800  }
0xa6: {  	[sflag:s8] =	ssyncset.done $0x0  }
0xa7: {  	s25 =	rddreg [dreg:$0x16];
	[sflag:s8] =	ssyncadd.s32 $0xFFFFF800  }
0xa8: {  	[spmem:s25] =	stream.linear.scatter [tilespmem:s6], [sflag:$0xC], $0x800, $0x38;
	[tilespmem:$0x1D3D8] =	vst v63  }
0xa9: {  	_ =	swait.ge [sflag:s8], $0x800  }
0xaa: {  	[sflag:s8] =	ssyncset.done $0x0  }
0xab: {  	s26 =	rddreg [dreg:$0x17];
	[sflag:s8] =	ssyncadd.s32 $0xFFFFF800  }
0xac: {  	[spmem:s26] =	stream.linear.scatter [tilespmem:s6], [sflag:$0xC], $0x800, $0x38;
	[tilespmem:$0x1D3D8] =	vst v63  }
0xad: {  	_ =	swait.ge [sflag:s8], $0x800  }
0xae: {  	[sflag:s8] =	ssyncset.done $0x0  }
0xaf: {  	s2 =	rddreg [dreg:$0x18];
	[sflag:s8] =	ssyncadd.s32 $0xFFFFF800  }
0xb0: {  	[spmem:s2] =	stream.linear.scatter [tilespmem:s6], [sflag:$0xC], $0x800, $0x38;
	[tilespmem:$0x1D3D8] =	vst v63  }
0xb1: {  	_ =	swait.ge [sflag:s8], $0x800  }
0xb2: {  	[sflag:s8] =	ssyncset.done $0x0  }
0xb3: {  	s4 =	rddreg [dreg:$0x19];
	[sflag:s8] =	ssyncadd.s32 $0xFFFFF800  }
0xb4: {  	[spmem:s4] =	stream.linear.scatter [tilespmem:s6], [sflag:$0xC], $0x800, $0x38;
	[tilespmem:$0x1D3D8] =	vst v63  }
0xb5: {  	_ =	swait.ge [sflag:s8], $0x800  }
0xb6: {  	[sflag:s8] =	ssyncset.done $0x0  }
0xb7: {  	s7 =	rddreg [dreg:$0x1a];
	[sflag:s8] =	ssyncadd.s32 $0xFFFFF800  }
0xb8: {  	[spmem:s7] =	stream.linear.scatter [tilespmem:s6], [sflag:$0xC], $0x800, $0x38;
	[tilespmem:$0x1D3D8] =	vst v63  }
0xb9: {  	_ =	swait.ge [sflag:s8], $0x800  }
0xba: {  	[sflag:s8] =	ssyncset.done $0x0  }
0xbb: {  	s9 =	rddreg [dreg:$0x1b];
	[sflag:s8] =	ssyncadd.s32 $0xFFFFF800  }
0xbc: {  	[spmem:s9] =	stream.linear.scatter [tilespmem:s6], [sflag:$0xC], $0x800, $0x38;
	[tilespmem:$0x1D3D8] =	vst v63  }
0xbd: {  	_ =	swait.ge [sflag:s8], $0x800  }
0xbe: {  	[sflag:s8] =	ssyncset.done $0x0  }
0xbf: {  	s10 =	rddreg [dreg:$0x1c];
	[sflag:s8] =	ssyncadd.s32 $0xFFFFF800  }
0xc0: {  	[spmem:s10] =	stream.linear.scatter [tilespmem:s6], [sflag:$0xC], $0x800, $0x38;
	[tilespmem:$0x1D3D8] =	vst v63  }
0xc1: {  	_ =	swait.ge [sflag:s8], $0x800  }
0xc2: {  	[sflag:s8] =	ssyncset.done $0x0  }
0xc3: {  	s21 =	rddreg [dreg:$0x1d];
	[sflag:s8] =	ssyncadd.s32 $0xFFFFF800  }
0xc4: {  	[spmem:s21] =	stream.linear.scatter [tilespmem:s6], [sflag:$0xC], $0x800, $0x38;
	[tilespmem:$0x1D3D8] =	vst v63  }
0xc5: {  	_ =	swait.ge [sflag:s8], $0x800  }
0xc6: {  	[sflag:s8] =	ssyncset.done $0x0  }
0xc7: {  	s24 =	rddreg [dreg:$0x1e];
	[sflag:s8] =	ssyncadd.s32 $0xFFFFF800  }
0xc8: {  	[spmem:s24] =	stream.linear.scatter [tilespmem:s6], [sflag:$0xC], $0x800, $0x38;
	[tilespmem:$0x1D3D8] =	vst v63  }
0xc9: {  	_ =	swait.ge [sflag:s8], $0x800  }
0xca: {  	[sflag:s8] =	ssyncset.done $0x0  }
0xcb: {  	s25 =	rddreg [dreg:$0x1f];
	[sflag:s8] =	ssyncadd.s32 $0xFFFFF800  }
0xcc: {  	[spmem:s25] =	stream.linear.scatter [tilespmem:s6], [sflag:$0xC], $0x800, $0x38;
	[tilespmem:$0x1D3D8] =	vst v63  }
0xcd: {  	_ =	swait.ge [sflag:s8], $0x800  }
0xce: {  	s26 =	sld [smem:$0x7E5]  }
0xcf: {  	[sflag:s8] =	ssyncset.done $0x0  }
0xd0: {  	[sflag:s8] =	ssyncadd.s32 $0xFFFFF800  }
0xd1: {  	[spmem:s26] =	stream.linear.scatter [tilespmem:s6], [sflag:$0xC], $0x800, $0x38;
	[tilespmem:$0x1D3D8] =	vst v63  }
0xd2: {  	_ =	swait.ge [sflag:s8], $0x800  }
0xd3: {  	s2 =	sld [smem:$0x7E6]  }
0xd4: {  	[sflag:s8] =	ssyncset.done $0x0  }
0xd5: {  	[sflag:s8] =	ssyncadd.s32 $0xFFFFF800  }
0xd6: {  	[spmem:s2] =	stream.linear.scatter [tilespmem:s6], [sflag:$0xC], $0x800, $0x38;
	[tilespmem:$0x1D3D8] =	vst v63  }
0xd7: {  	_ =	swait.ge [sflag:s8], $0x800  }
0xd8: {  	s4 =	sld [smem:$0x7E7]  }
0xd9: {  	[sflag:s8] =	ssyncset.done $0x0  }
0xda: {  	[sflag:s8] =	ssyncadd.s32 $0xFFFFF800  }
0xdb: {  	[spmem:s4] =	stream.linear.scatter [tilespmem:s6], [sflag:$0xC], $0x800, $0x38;
	[tilespmem:$0x1D3D8] =	vst v63  }
0xdc: {  	_ =	swait.ge [sflag:s8], $0x800  }
0xdd: {  	s7 =	sld [smem:$0x7E8]  }
0xde: {  	[sflag:s8] =	ssyncset.done $0x0  }
0xdf: {  	[sflag:s8] =	ssyncadd.s32 $0xFFFFF800  }
0xe0: {  	[spmem:s7] =	stream.linear.scatter [tilespmem:s6], [sflag:$0xC], $0x800, $0x38;
	[tilespmem:$0x1D3D8] =	vst v63  }
0xe1: {  	_ =	swait.ge [sflag:s8], $0x800  }
0xe2: {  	s9 =	sld [smem:$0x7E9]  }
0xe3: {  	[sflag:s8] =	ssyncset.done $0x0  }
0xe4: {  	[sflag:s8] =	ssyncadd.s32 $0xFFFFF800  }
0xe5: {  	[spmem:s9] =	stream.linear.scatter [tilespmem:s6], [sflag:$0xC], $0x800, $0x38;
	[tilespmem:$0x1D3D8] =	vst v63  }
0xe6: {  	_ =	swait.ge [sflag:s8], $0x800  }
0xe7: {  	s10 =	sld [smem:$0x7EA]  }
0xe8: {  	[sflag:s8] =	ssyncset.done $0x0  }
0xe9: {  	[sflag:s8] =	ssyncadd.s32 $0xFFFFF800  }
0xea: {  	[spmem:s10] =	stream.linear.scatter [tilespmem:s6], [sflag:$0xC], $0x800, $0x38;
	[tilespmem:$0x1D3D8] =	vst v63  }
0xeb: {  	_ =	swait.ge [sflag:s8], $0x800  }
0xec: {  	s21 =	sld [smem:$0x7EB]  }
0xed: {  	[sflag:s8] =	ssyncset.done $0x0  }
0xee: {  	[sflag:s8] =	ssyncadd.s32 $0xFFFFF800  }
0xef: {  	[spmem:s21] =	stream.linear.scatter [tilespmem:s6], [sflag:$0xC], $0x800, $0x38;
	[tilespmem:$0x1D3D8] =	vst v63  }
0xf0: {  	_ =	swait.ge [sflag:s8], $0x800  }
0xf1: {  	s24 =	sld [smem:$0x7EC]  }
0xf2: {  	[sflag:s8] =	ssyncset.done $0x0  }
0xf3: {  	[sflag:s8] =	ssyncadd.s32 $0xFFFFF800  }
0xf4: {  	[spmem:s24] =	stream.linear.scatter [tilespmem:s6], [sflag:$0xC], $0x800, $0x38;
	[tilespmem:$0x1D3D8] =	vst v63  }
0xf5: {  	_ =	swait.ge [sflag:s8], $0x800  }
0xf6: {  	s25 =	sld [smem:$0x7ED]  }
0xf7: {  	[sflag:s8] =	ssyncset.done $0x0  }
0xf8: {  	[sflag:s8] =	ssyncadd.s32 $0xFFFFF800  }
0xf9: {  	[spmem:s25] =	stream.linear.scatter [tilespmem:s6], [sflag:$0xC], $0x800, $0x38;
	[tilespmem:$0x1D3D8] =	vst v63  }
0xfa: {  	_ =	swait.ge [sflag:s8], $0x800  }
0xfb: {  	s26 =	sld [smem:$0x7EE]  }
0xfc: {  	[sflag:s8] =	ssyncset.done $0x0  }
0xfd: {  	[sflag:s8] =	ssyncadd.s32 $0xFFFFF800  }
0xfe: {  	[spmem:s26] =	stream.linear.scatter [tilespmem:s6], [sflag:$0xC], $0x800, $0x38;
	[tilespmem:$0x1D3D8] =	vst v63  }
0xff: {  	_ =	swait.ge [sflag:s8], $0x800  }
0x100: {  	s2 =	sld [smem:$0x7EF]  }
0x101: {  	[sflag:s8] =	ssyncset.done $0x0  }
0x102: {  	[sflag:s8] =	ssyncadd.s32 $0xFFFFF800  }
0x103: {  	[spmem:s2] =	stream.linear.scatter [tilespmem:s6], [sflag:$0xC], $0x800, $0x38;
	[tilespmem:$0x1D3D8] =	vst v63  }
0x104: {  	_ =	swait.ge [sflag:s8], $0x800  }
0x105: {  	s4 =	sld [smem:$0x7F0]  }
0x106: {  	[sflag:s8] =	ssyncset.done $0x0  }
0x107: {  	[sflag:s8] =	ssyncadd.s32 $0xFFFFF800  }
0x108: {  	[spmem:s4] =	stream.linear.scatter [tilespmem:s6], [sflag:$0xC], $0x800, $0x38;
	[tilespmem:$0x1D3D8] =	vst v63  }
0x109: {  	_ =	swait.ge [sflag:s8], $0x800  }
0x10a: {  	s7 =	sld [smem:$0x7F1]  }
0x10b: {  	[sflag:s8] =	ssyncset.done $0x0  }
0x10c: {  	[sflag:s8] =	ssyncadd.s32 $0xFFFFF800  }
0x10d: {  	[spmem:s7] =	stream.linear.scatter [tilespmem:s6], [sflag:$0xC], $0x800, $0x38;
	[tilespmem:$0x1D3D8] =	vst v63  }
0x10e: {  	_ =	swait.ge [sflag:s8], $0x800  }
0x10f: {  	[sflag:s8] =	ssyncset.done $0x0  }
0x110: {  	s9 =	simm.s32 $0xB;
	[sflag:s8] =	ssyncadd.s32 $0xFFFFF800  }
0x111: {  	_ =	swait.ge [sflag:s9], $0x2710  }
0x112: {  	s10 =	sld [smem:$0x7FC]  }
0x113: {  	[sflag:s9] =	ssyncset.done $0x0  }
0x114: {  	s25 =	simm.s32 $0x0;
	s2 =	simm.s32 $0x2710;
	[sflag:s9] =	ssyncadd.s32 $0xFFFFD8F0  }
0x115: {  	[tilespmem:s2], [sflag:$0x1] =	stream.linear.gather [hbm4b:s10+s25], $0x28, $0x38;
	[tilespmem:$0x1D3D8] =	vst v63  }
0x116: {  	s21 =	sld [smem:$0x7F2]  }
0x117: {  	[tilespmem:s12], [sflag:$0x6] =	stream.indirect.gather [hbm4b:s1+s11], $0x80, s25, s11, $0xb8;
	[tilespmem:$0x1D3D8] =	vst v63  }
0x118: {  	s24 =	simm.s32 $0x2738  }
0x119: {  	[tilespmem:s24], [sflag:$0x2] =	stream.linear.gather [hbm4b:s21+s25], $0x28, $0x38;
	[tilespmem:$0x1D3D8] =	vst v63  }
0x11a: {  	s26 =	simm.s32 $0x3BD8;
	s2 =	sld [smem:$0x7FB]  }
0x11b: {  	[tilespmem:s26], [sflag:$0x7] =	stream.indirect.gather [hbm4b:s1+s11], $0x80, s11, s11, $0xb8;
	[tilespmem:$0x1D3D8] =	vst v63  }
0x11c: {  	_ = 	snop  }
0x11d: {  	[tilespmem:s13], [sflag:$0x3] =	stream.linear.gather [hbm4b:s2+s25], $0x28, $0x38;
	[tilespmem:$0x1D3D8] =	vst v63  }
0x11e: {  	s4 =	simm.s32 $0x50;
	s7 =	sld [smem:$0x7F3]  }
0x11f: {  	[tilespmem:s14], [sflag:$0x8] =	stream.indirect.gather [hbm4b:s1+s11], $0x80, s4, s11, $0xb8;
	[tilespmem:$0x1D3D8] =	vst v63  }
0x120: {  	s9 =	simm.s32 $0x2788  }
0x121: {  	[tilespmem:s9], [sflag:$0x4] =	stream.linear.gather [hbm4b:s7+s25], $0x28, $0x38;
	[tilespmem:$0x1D3D8] =	vst v63  }
0x122: {  	s10 =	simm.s32 $0x78;
	s21 =	simm.s32 $0x63D8;
	s24 =	sld [smem:$0x7FD]  }
0x123: {  	[tilespmem:s21], [sflag:$0x9] =	stream.indirect.gather [hbm4b:s1+s11], $0x80, s10, s11, $0xb8;
	[tilespmem:$0x1D3D8] =	vst v63  }
0x124: {  	_ = 	snop  }
0x125: {  	[tilespmem:s15], [sflag:$0x5] =	stream.linear.gather [hbm4b:s24+s25], $0x28, $0x38;
	[tilespmem:$0x1D3D8] =	vst v63  }
0x126: {  	s26 =	simm.s32 $0xA0  }
0x127: {  	[tilespmem:s16], [sflag:$0xA] =	stream.indirect.gather [hbm4b:s1+s11], $0x80, s26, s11, $0xb8;
	[tilespmem:$0x1D3D8] =	vst v63  }
0x128: {  	[bflag:$0x0] =	sbarrier.arrive $0xFFFF  }
0x129: {  	s31 =	sld [smem:$0x7FA]  }
0x12a: {  	s30 =	sld [smem:$0x7F9]  }
0x12b: {  	s29 =	sld [smem:$0x7F8]  }
0x12c: {  	s0 =	sld [smem:$0x7F7]  }
0x12d: {  	s28 =	sld [smem:$0x7F6]  }
.LBB2_4:
0x12e: {  	_ =	swait.ge [sflag:s17], $0x1400  }
0x12f: {  	[sflag:s17] =	ssyncset.done $0x0  }
0x130: {  	[sflag:s17] =	ssyncadd.s32 $0xFFFFEC00  }
0x131: {  	_ =	swait.ge [sflag:s18], $0x28  }
0x132: {  	[sflag:s18] =	ssyncset.done $0x0  }
0x133: {  	s2 =	simm.s32 $0x2710;
	[sflag:s18] =	ssyncadd.s32 $0xFFFFFFD8  }
0x134: {  	[spmem:s3] =	stream.indirect.scatter.add.f32 [tilespmem:s12], [sflag:$0xC], $0x80, s2, s11, $0xb8;
	[tilespmem:$0x1D3D8] =	vst v63  }
0x135: {  	_ =	swait.ge [sflag:s8], $0x1400  }
0x136: {  	p0 =	seq.s32 s25, $0x9920;
	[sflag:s8] =	ssyncset.done $0x0  }
0x137: {  	s2 =	simm.s32 @p0 $0x7;
	[sflag:s8] =	ssyncadd.s32 $0xFFFFEC00  }
0x138: {  	_ =	swait.ge @p0 [sflag:s2], $0x1400  }
0x139: {  	[sflag:s2] =	ssyncset.done @p0 $0x0  }
0x13a: {  	[sflag:s2] =	ssyncadd.s32 @p0 $0xFFFFEC00;
	s2 =	simm.s32 @p0 $0x2  }
0x13b: {  	_ =	swait.ge @p0 [sflag:s2], $0x28  }
0x13c: {  	s9 =	simm.s32 @p0 $0x28;
	s21 =	simm.s32 @p0 $0x3BD8;
	[sflag:s2] =	ssyncset.done @p0 $0x0  }
0x13d: {  	s7 =	simm.s32 @p0 $0xC;
	[sflag:s2] =	ssyncadd.s32 @p0 $0xFFFFFFD8;
	s2 =	simm.s32 @p0 $0x2738  }
0x13e: {  	[spmem:s3] =	stream.indirect.scatter.add.f32 @p0 [tilespmem:s21], [sflag:$0xC], $0x80, s2, s9, $0xb8;
	[tilespmem:$0x1D3D8] =	vst v63  }
0x13f: {  	_ =	swait.ge @p0 [sflag:s7], $0x1400  }
0x140: {  	s26 =	simm.s32 @!p0 $0x2710;
	s2 =	sshrl.u32 @!p0 s31, $0x3;
	[sflag:s7] =	ssyncset.done @p0 $0x0  }
0x141: {  	s21 =	sadd.s32 @!p0 s5, s2;
	s2 =	simm.s32 @!p0 $0x0;
	[sflag:s7] =	ssyncadd.s32 @p0 $0xFFFFEC00  }
0x142: {  	[tilespmem:s26], [sflag:$0x1] =	stream.linear.gather @!p0 [hbm4b:s21+s2], $0x28, $0x38;
	[tilespmem:$0x1D3D8] =	vst v63  }
0x143: {  	s21 =	sshra.s32 @!p0 s25, $0x2  }
0x144: {  	s4 =	simm.s32 @!p0 $0x27D8;
	s26 =	simm.s32 @!p0 $0x28;
	s24 =	sadd.s32 @!p0 $0xC8, s21  }
0x145: {  	[tilespmem:s4], [sflag:$0x6] =	stream.indirect.gather @!p0 [hbm4b:s1+s26], $0x80, s24, s26, $0xb8;
	[tilespmem:$0x1D3D8] =	vst v63  }
0x146: {  	s4 =	simm.s32 @!p0 $0x7  }
0x147: {  	_ =	swait.ge @!p0 [sflag:s4], $0x1400  }
0x148: {  	[sflag:s4] =	ssyncset.done @!p0 $0x0  }
0x149: {  	[sflag:s4] =	ssyncadd.s32 @!p0 $0xFFFFEC00;
	s4 =	simm.s32 @!p0 $0x2  }
0x14a: {  	_ =	swait.ge @!p0 [sflag:s4], $0x28  }
0x14b: {  	s10 =	simm.s32 @!p0 $0xC;
	[sflag:s4] =	ssyncset.done @!p0 $0x0  }
0x14c: {  	s24 =	simm.s32 @!p0 $0x3BD8;
	[sflag:s4] =	ssyncadd.s32 @!p0 $0xFFFFFFD8;
	s4 =	simm.s32 @!p0 $0x2738  }
0x14d: {  	[spmem:s3] =	stream.indirect.scatter.add.f32 @!p0 [tilespmem:s24], [sflag:$0xC], $0x80, s4, s26, $0xb8;
	[tilespmem:$0x1D3D8] =	vst v63  }
0x14e: {  	_ =	swait.ge @!p0 [sflag:s10], $0x1400  }
0x14f: {  	[sflag:s10] =	ssyncset.done @!p0 $0x0  }
0x150: {  	[sflag:s10] =	ssyncadd.s32 @!p0 $0xFFFFEC00  }
0x151: {  	[tilespmem:s4], [sflag:$0x2] =	stream.linear.gather @!p0 [hbm4b:s30+s2], $0x28, $0x38;
	[tilespmem:$0x1D3D8] =	vst v63  }
0x152: {  	s4 =	sadd.s32 @!p0 $0xF0, s21  }
0x153: {  	[tilespmem:s24], [sflag:$0x7] =	stream.indirect.gather @!p0 [hbm4b:s1+s26], $0x80, s4, s26, $0xb8;
	[tilespmem:$0x1D3D8] =	vst v63  }
0x154: {  	_ =	swait.ge [sflag:s19], $0x1400  }
0x155: {  	[sflag:s19] =	ssyncset.done $0x0  }
0x156: {  	[sflag:s19] =	ssyncadd.s32 $0xFFFFEC00  }
0x157: {  	_ =	swait.ge [sflag:s20], $0x28  }
0x158: {  	[sflag:s20] =	ssyncset.done $0x0  }
0x159: {  	[sflag:s20] =	ssyncadd.s32 $0xFFFFFFD8  }
0x15a: {  	[spmem:s3] =	stream.indirect.scatter.add.f32 [tilespmem:s14], [sflag:$0xC], $0x80, s13, s11, $0xb8;
	[tilespmem:$0x1D3D8] =	vst v63  }
0x15b: {  	_ =	swait.ge [sflag:s8], $0x1400  }
0x15c: {  	[sflag:s8] =	ssyncset.done $0x0  }
0x15d: {  	s4 =	simm.s32 @p0 $0x9;
	[sflag:s8] =	ssyncadd.s32 $0xFFFFEC00  }
0x15e: {  	_ =	swait.ge @p0 [sflag:s4], $0x1400  }
0x15f: {  	[sflag:s4] =	ssyncset.done @p0 $0x0  }
0x160: {  	[sflag:s4] =	ssyncadd.s32 @p0 $0xFFFFEC00;
	s4 =	simm.s32 @p0 $0x4  }
0x161: {  	_ =	swait.ge @p0 [sflag:s4], $0x28  }
0x162: {  	[sflag:s4] =	ssyncset.done @p0 $0x0  }
0x163: {  	s24 =	simm.s32 @p0 $0x63D8;
	[sflag:s4] =	ssyncadd.s32 @p0 $0xFFFFFFD8;
	s4 =	simm.s32 @p0 $0x2788  }
0x164: {  	[spmem:s3] =	stream.indirect.scatter.add.f32 @p0 [tilespmem:s24], [sflag:$0xC], $0x80, s4, s9, $0xb8;
	[tilespmem:$0x1D3D8] =	vst v63  }
0x165: {  	_ =	swait.ge @p0 [sflag:s7], $0x1400  }
0x166: {  	[sflag:s7] =	ssyncset.done @p0 $0x0  }
0x167: {  	s4 =	simm.s32 @!p0 $0x2760;
	[sflag:s7] =	ssyncadd.s32 @p0 $0xFFFFEC00  }
0x168: {  	[tilespmem:s4], [sflag:$0x3] =	stream.linear.gather @!p0 [hbm4b:s29+s2], $0x28, $0x38;
	[tilespmem:$0x1D3D8] =	vst v63  }
0x169: {  	s7 =	simm.s32 @!p0 $0x4FD8;
	s4 =	sadd.s32 @!p0 $0x118, s21  }
0x16a: {  	[tilespmem:s7], [sflag:$0x8] =	stream.indirect.gather @!p0 [hbm4b:s1+s26], $0x80, s4, s26, $0xb8;
	[tilespmem:$0x1D3D8] =	vst v63  }
0x16b: {  	s4 =	simm.s32 @!p0 $0x9  }
0x16c: {  	_ =	swait.ge @!p0 [sflag:s4], $0x1400  }
0x16d: {  	[sflag:s4] =	ssyncset.done @!p0 $0x0  }
0x16e: {  	[sflag:s4] =	ssyncadd.s32 @!p0 $0xFFFFEC00;
	s4 =	simm.s32 @!p0 $0x4  }
0x16f: {  	_ =	swait.ge @!p0 [sflag:s4], $0x28  }
0x170: {  	[sflag:s4] =	ssyncset.done @!p0 $0x0  }
0x171: {  	s7 =	simm.s32 @!p0 $0x63D8;
	[sflag:s4] =	ssyncadd.s32 @!p0 $0xFFFFFFD8;
	s4 =	simm.s32 @!p0 $0x2788  }
0x172: {  	[spmem:s3] =	stream.indirect.scatter.add.f32 @!p0 [tilespmem:s7], [sflag:$0xC], $0x80, s4, s26, $0xb8;
	[tilespmem:$0x1D3D8] =	vst v63  }
0x173: {  	_ =	swait.ge @!p0 [sflag:s10], $0x1400  }
0x174: {  	[sflag:s10] =	ssyncset.done @!p0 $0x0  }
0x175: {  	[sflag:s10] =	ssyncadd.s32 @!p0 $0xFFFFEC00  }
0x176: {  	[tilespmem:s4], [sflag:$0x4] =	stream.linear.gather @!p0 [hbm4b:s0+s2], $0x28, $0x38;
	[tilespmem:$0x1D3D8] =	vst v63  }
0x177: {  	s2 =	sadd.s32 @!p0 $0x140, s21  }
0x178: {  	[tilespmem:s7], [sflag:$0x9] =	stream.indirect.gather @!p0 [hbm4b:s1+s26], $0x80, s2, s26, $0xb8;
	[tilespmem:$0x1D3D8] =	vst v63  }
0x179: {  	_ =	swait.ge [sflag:s22], $0x1400  }
0x17a: {  	[sflag:s22] =	ssyncset.done $0x0  }
0x17b: {  	[sflag:s22] =	ssyncadd.s32 $0xFFFFEC00  }
0x17c: {  	_ =	swait.ge [sflag:s23], $0x28  }
0x17d: {  	[sflag:s23] =	ssyncset.done $0x0  }
.Ltmp3:
0x17e: {  	[sflag:s23] =	ssyncadd.s32 $0xFFFFFFD8;
	(pc) =	sbr.rel @p0 .LBB2_6-.Ltmp3, $4  }
0x17f: {  	[spmem:s3] =	stream.indirect.scatter.add.f32 [tilespmem:s16], [sflag:$0xC], $0x80, s15, s11, $0xb8;
	[tilespmem:$0x1D3D8] =	vst v63  }
0x180: {  	_ =	swait.ge [sflag:s8], $0x1400  }
0x181: {  	[sflag:s8] =	ssyncset.done $0x0  }
0x182: {  	[sflag:s8] =	ssyncadd.s32 $0xFFFFEC00  }
0x183: {  	s2 =	simm.s32 $0x0  }
.Ltmp4:
0x184: {  	s26 =	sshra.s32 s25, $0x2;
	s25 =	sadd.s32 $0x320, s25;
	(pc) =	sbr.rel .LBB2_4-.Ltmp4, $4  }
0x185: {  	s0 =	sadd.s32 $0x19, s0;
	s29 =	sadd.s32 $0x19, s29;
	s30 =	sadd.s32 $0x19, s30  }
0x186: {  	[tilespmem:s15], [sflag:$0x5] =	stream.linear.gather [hbm4b:s28+s2], $0x28, $0x38;
	[tilespmem:$0x1D3D8] =	vst v63  }
0x187: {  	s31 =	sadd.s32 $0xC8, s31;
	s2 =	sadd.s32 $0x168, s26;
	s28 =	sadd.s32 $0x19, s28  }
0x188: {  	[tilespmem:s16], [sflag:$0xA] =	stream.indirect.gather [hbm4b:s1+s11], $0x80, s2, s11, $0xb8;
	[tilespmem:$0x1D3D8] =	vst v63  }
.LBB2_7:
0x189: {  	_ =	sfence.sel $0x180000  }
0x18a: {  	[bflag:$0x0] =	sbarrier.arrive $0xFFFF  }
0x18b: {  	_ =	strace $0x9000004D  }
0x18c: {  	s0 =	stileid.u32;
	[bflag:$0x2] =	sbarrier.arrive $0xFFFF  }
0x18d: {  	p0 =	sne.s32 s0, $0x0;
	s0 =	rddreg [dreg:$0x3]  }
0x18e: {  	s0 =	sadd.s32 @!p0 $0x100000, s0  }
0x18f: {  	[sflag:s0] =	ssyncadd.tile.s32 @!p0 $0x1;
	_ =	shalt  }
.Lfunc_end2:
_tile_overlayer_lowered:
.L_overlay_start_2:
0x190: {  	(tag) =	ssettag $0x2  }
0x191: {  	s0 =	rddreg [dreg:$0x0];
	s2 =	stileid.u32  }
0x192: {  	s1 =	rddreg [dreg:$0x1];
	p0 =	sne.s32 s2, $0x0  }
0x193: {  	s3 =	rddreg [dreg:$0x2];
	[bflag:$0x3] =	sbarrier.arrive $0xFFFF;
	s2 =	simm.s32 @!p0 $0x1C0C  }
0x194: {  	[timem:s3], [sflag:s2] =	dma.local @!p0 [hbm:s0], s1  }
0x195: {  	s0 =	simm.s32 @!p0 $0xC  }
0x196: {  	_ =	swait.ge @!p0 [sflag:s0], s1  }
0x197: {  	s1 =	ssub.s32 @!p0 $0x0, s1;
	[sflag:s0] =	ssyncset.done @!p0 $0x0  }
0x198: {  	[sflag:s0] =	ssyncadd.s32 @!p0 s1  }
0x199: {  	[bflag:$0x3] =	sbarrier.arrive $0xFFFF  }
0x19a: {  	_ =	shalt  }

// kernel: kernel.8.cloned.1.call-start
scs
__scs_entry_jumppad:
0x0: {  	(pc) =	sbr.rel $0x88, $3  }
0x1: {  	(tag) =	ssettag $0x0;
	lr =	simm.s32 $0x1  }
0x2: {  	[smem:$0x3F9B] =	sst lr;
	_ =	strace $0xD0000000  }
0x3: {  	_ = 	snop  }
0x4: {  	_ = 	snop  }
0x5: {  	_ = 	snop  }
0x6: {  	_ = 	snop  }
0x7: {  	_ = 	snop  }
__scs_overlays_trampoline_lowered:
0x8: {  	[smem:$0x3FAA] =	sst s0  }
0x9: {  	[smem:$0x3FAB] =	sst s1  }
0xa: {  	[smem:$0x3FAC] =	sst s2  }
0xb: {  	[smem:$0x3FAD] =	sst s3  }
0xc: {  	[smem:$0x3FAE] =	sst s4  }
0xd: {  	[smem:$0x3FAF] =	sst s5  }
0xe: {  	[smem:$0x3FB0] =	sst s6  }
0xf: {  	[smem:$0x3FB1] =	sst s7  }
0x10: {  	[smem:$0x3FB2] =	sst s8  }
0x11: {  	[smem:$0x3FB3] =	sst s9;
	s0 =	simm.s32 @!p0 $0x0  }
0x12: {  	s1 =	sld [smem:$0x3F99];
	s0 =	simm.s32 @p0 $0x1  }
0x13: {  	[smem:$0x3FB4] =	sst s0;
	s0 =	simm.s32 @!p1 $0x0  }
0x14: {  	s2 =	sld [smem:$0x3F98];
	s0 =	simm.s32 @p1 $0x1  }
0x15: {  	[smem:$0x3FB5] =	sst s0;
	s0 =	simm.s32 @!p2 $0x0  }
0x16: {  	s3 =	sld [smem:$0x3FDB];
	s0 =	simm.s32 @p2 $0x1  }
0x17: {  	s4 =	simm.s32 $0x1BF5;
	[smem:$0x3FB7] =	sst s0  }
0x18: {  	s0 =	sld [smem:$0x3F9A];
	_ =	swait.ge [sflag:s4], $0x0  }
0x19: {  	s7 =	sld [smem:$0x3F9B]  }
0x1a: {  	s8 =	sadd.s32 $0xFFFFE003, lr  }
0x1b: {  	s9 =	sadd.s32 $0xFFFFFEF7, lr;
	s5 =	simm.s32 $0xFFFFFFFF;
	p2 =	slt.u32 s8, $0xFFFFF086  }
0x1c: {  	p1 =	slt.u32 s9, $0xF7A;
	s5 =	simm.s32 @!p2 $0x0  }
0x1d: {  	s5 =	simm.s32 @p1 $0x1;
	p0 =	seq.s32 s7, s2  }
0x1e: {  	s7 =	smul.u32 @!p0 $0xF7A, s2;
	p2 =	seq.s32 @!p0 s5, $0x0  }
0x1f: {  	s9 =	smul.u32 $0xF7A, s1;
	s8 =	simm.s32 @!p0 $0x1BF5;
	p2 =	por !p2, p0  }
0x20: {  	[sflag:s8] =	ssyncset.s32 @!p0 $0xFFFFF086;
	s6 =	sadd.s32 @!p0 s3, s7;
	s7 =	simm.s32 @!p0 $0x108  }
0x21: {  	s3 =	sadd.s32 s3, s9;
	s6 =	sadd.s32 @!p0 $0x88, s6;
	s7 =	simm.s32 @p2 $0x1082  }
0x22: {  	[simem:s7], [sflag:s8] =	dma.local @!p0 [hbm:s6], $0xF7A  }
0x23: {  	s9 =	sor.u32 $0xD0000000, s2;
	s6 =	simm.s32 $0x108;
	_ =	swait.ge @!p0 [sflag:s8], $0x0  }
0x24: {  	s3 =	sadd.s32 $0x88, s3;
	s6 =	simm.s32 @!p1 $0x1082;
	[sflag:s4] =	ssyncset.s32 $0xFFFFF086  }
0x25: {  	[simem:s6], [sflag:s4] =	dma.local [hbm:s3], $0xF7A  }
0x26: {  	[smem:$0x3F9B] =	sst s1;
	(tag) =	ssettag s2;
	_ =	strace s9  }
0x27: {  	s1 =	sld [smem:$0x3FAB]  }
0x28: {  	s2 =	sld [smem:$0x3FAC]  }
0x29: {  	s4 =	sld [smem:$0x3FAE]  }
0x2a: {  	p0 =	seq.s32 s5, $0x0;
	s5 =	sld [smem:$0x3FAF]  }
0x2b: {  	s6 =	sld [smem:$0x3FB0]  }
0x2c: {  	s7 =	sld [smem:$0x3FB1]  }
0x2d: {  	s3 =	simm.s32 $0x108;
	s8 =	sld [smem:$0x3FB2]  }
0x2e: {  	s3 =	simm.s32 @!p0 $0x1082;
	s9 =	sld [smem:$0x3FB3]  }
0x2f: {  	lr =	sadd.s32 s0, s3;
	s0 =	sld [smem:$0x3FAA]  }
0x30: {  	s3 =	sld [smem:$0x3FAD]  }
0x31: {  	[smem:$0x3FB6] =	sst s10  }
0x32: {  	s10 =	sld [smem:$0x3FB4];
	_ =	sdelay $0x3  }
0x33: {  	p0 =	seq.s32 s10, $0x1;
	s10 =	sld [smem:$0x3FB6];
	_ =	sdelay $0x3  }
0x34: {  	[smem:$0x3FB6] =	sst s10  }
0x35: {  	s10 =	sld [smem:$0x3FB5];
	_ =	sdelay $0x3  }
0x36: {  	p1 =	seq.s32 s10, $0x1;
	s10 =	sld [smem:$0x3FB6];
	_ =	sdelay $0x3  }
0x37: {  	[smem:$0x3FB6] =	sst s10  }
0x38: {  	s10 =	sld [smem:$0x3FB7]  }
0x39: {  	_ = 	snop;
	(pc) =	sbr.ind lr, $3  }
0x3a: {  	_ = 	snop  }
0x3b: {  	_ = 	snop  }
0x3c: {  	p2 =	seq.s32 s10, $0x1;
	s10 =	sld [smem:$0x3FB6]  }
0x3d: {  	_ =	shalt  }
0x3e: {  	_ =	shalt  }
0x3f: {  	_ =	shalt  }
0x40: {  	_ =	shalt  }
0x41: {  	_ =	shalt  }
0x42: {  	_ =	shalt  }
0x43: {  	_ =	shalt  }
0x44: {  	_ =	shalt  }
0x45: {  	_ =	shalt  }
0x46: {  	_ =	shalt  }
0x47: {  	_ =	shalt  }
0x48: {  	_ =	shalt  }
0x49: {  	_ =	shalt  }
0x4a: {  	_ =	shalt  }
0x4b: {  	_ =	shalt  }
0x4c: {  	_ =	shalt  }
0x4d: {  	_ =	shalt  }
0x4e: {  	_ =	shalt  }
0x4f: {  	_ =	shalt  }
0x50: {  	_ =	shalt  }
0x51: {  	_ =	shalt  }
0x52: {  	_ =	shalt  }
0x53: {  	_ =	shalt  }
0x54: {  	_ =	shalt  }
0x55: {  	_ =	shalt  }
0x56: {  	_ =	shalt  }
0x57: {  	_ =	shalt  }
0x58: {  	_ =	shalt  }
0x59: {  	_ =	shalt  }
0x5a: {  	_ =	shalt  }
0x5b: {  	_ =	shalt  }
0x5c: {  	_ =	shalt  }
0x5d: {  	_ =	shalt  }
0x5e: {  	_ =	shalt  }
0x5f: {  	_ =	shalt  }
0x60: {  	_ =	shalt  }
0x61: {  	_ =	shalt  }
0x62: {  	_ =	shalt  }
0x63: {  	_ =	shalt  }
0x64: {  	_ =	shalt  }
0x65: {  	_ =	shalt  }
0x66: {  	_ =	shalt  }
0x67: {  	_ =	shalt  }
0x68: {  	_ =	shalt  }
0x69: {  	_ =	shalt  }
0x6a: {  	_ =	shalt  }
0x6b: {  	_ =	shalt  }
0x6c: {  	_ =	shalt  }
0x6d: {  	_ =	shalt  }
0x6e: {  	_ =	shalt  }
0x6f: {  	_ =	shalt  }
0x70: {  	_ =	shalt  }
0x71: {  	_ =	shalt  }
0x72: {  	_ =	shalt  }
0x73: {  	_ =	shalt  }
0x74: {  	_ =	shalt  }
0x75: {  	_ =	shalt  }
0x76: {  	_ =	shalt  }
0x77: {  	_ =	shalt  }
0x78: {  	_ =	shalt  }
0x79: {  	_ =	shalt  }
0x7a: {  	_ =	shalt  }
0x7b: {  	_ =	shalt  }
0x7c: {  	_ =	shalt  }
0x7d: {  	_ =	shalt  }
0x7e: {  	_ =	shalt  }
0x7f: {  	_ =	shalt  }
0x80: {  	_ =	shalt  }
0x81: {  	_ =	shalt  }
0x82: {  	_ =	shalt  }
0x83: {  	_ =	shalt  }
0x84: {  	_ =	shalt  }
0x85: {  	_ =	shalt  }
0x86: {  	_ =	shalt  }
0x87: {  	_ =	shalt  }
.Lfunc_end0:
.L_simem_size_0:
called_computation_lowered:
.L_overlay_start_0:
0x88: {  	s2 =	sld [smem:$0x3FD9]  }
0x89: {  	s3 =	sld [smem:$0x3FFE];
	_ =	sdelay $0x1  }
0x8a: {  	s1 =	srdreg.scid  }
0x8b: {  	s0 =	sand.u32 $0x1, s1  }
0x8c: {  	s17 =	sshll.u32 s0, $0xA;
	s2 =	sadd.s32 s3, s2  }
0x8d: {  	s2 =	sadd.s32 s2, s17  }
0x8e: {  	[smem:$0x3FC2] =	sst s2  }
0x8f: {  	_ = 	snop  }
0x90: {  	s2 =	sld [smem:$0x3FD0];
	(tm) =	ssettm $0x1  }
0x91: {  	s18 =	sld [smem:$0x3FFB];
	_ =	sdelay $0x3  }
0x92: {  	_ =	strace s18  }
0x93: {  	s3 =	sld [smem:$0x3FFC];
	_ =	sdelay $0x3  }
0x94: {  	_ =	strace s3  }
0x95: {  	s3 =	sld [smem:$0x3FFD];
	_ =	sdelay $0x3  }
0x96: {  	_ =	strace s3  }
0x97: {  	_ =	strace $0x8FFFFFFF  }
0x98: {  	s19 =	sld [smem:$0x3FDB];
	_ =	sdelay $0x1  }
0x99: {  	s4 =	simm.s32 $_scs_section_size  }
0x9a: {  	s5 =	simm.s32 $_size__tile_overlayer_lowered;
	s6 =	simm.s32 $_tile_overlayer_lowered  }
0x9b: {  	s22 =	simm.s32 $0x1BFF;
	s21 =	sshll.u32 s6, $0x1;
	s3 =	sadd.s32 s4, s19  }
0x9c: {  	s7 =	simm.s32 $0x0;
	s20 =	sshll.u32 s5, $0x1;
	s5 =	sadd.s32 s21, s3  }
0x9d: {  	[timem:s7], [sflag:s22] =	dma.local [hbm:s5], s20  }
0x9e: {  	_ =	swait.ge [sflag:s22], s20  }
0x9f: {  	s4 =	ssub.s32 $0x0, s20;
	[sflag:s22] =	ssyncset.done $0x0  }
0xa0: {  	[sflag:s22] =	ssyncadd.s32 s4;
	_ =	sdelay $0x1  }
0xa1: {  	s23 =	simm.s32 $0x1B8B  }
0xa2: {  	_ =	swait.ge [sflag:s23], $0x1  }
0xa3: {  	[sflag:s23] =	ssyncset.done $0x0  }
0xa4: {  	s25 =	simm.s32 $0x1B8E;
	s24 =	sld [smem:$0x3FFE];
	[sflag:s23] =	ssyncadd.s32 $0xFFFFFFFF  }
0xa5: {  	s26 =	simm.s32 $execute0_lowered;
	[smem:$0x3FD2] =	sst s25  }
0xa6: {  	s5 =	sshll.u32 s26, $0x1;
	_ =	strace $0x80000046;
	[dreg:$0x1] =	wrdreg $0xFFFFFFFF  }
0xa7: {  	s28 =	simm.s32 $_size_execute0_lowered;
	s3 =	sadd.s32 s3, s5;
	[dreg:$0x0] =	wrdreg $0x0  }
0xa8: {  	s5 =	sshll.u32 s28, $0x1;
	[dreg:$0x2] =	wrdreg s3  }
0xa9: {  	[dreg:$0x3] =	wrdreg s5  }
0xaa: {  	[dreg:$0x4] =	wrdreg $0xC0  }
0xab: {  	_ =	task [dreg:s7], $0x5FFFF  }
0xac: {  	[dreg:$0x1] =	wrdreg $0xFFFFFFFF  }
0xad: {  	[dreg:$0x0] =	wrdreg $0x60  }
0xae: {  	[dreg:$0x2] =	wrdreg s24  }
0xaf: {  	[dreg:$0x3] =	wrdreg s2  }
0xb0: {  	[dreg:$0x4] =	wrdreg $0xA000  }
0xb1: {  	[dreg:$0x5] =	wrdreg $0xC800  }
0xb2: {  	[dreg:$0x6] =	wrdreg $0x9  }
0xb3: {  	_ =	task.clear_ibuf [dreg:s7], $0x7FFFF;
	_ =	strace $0x90000046  }
0xb4: {  	s29 =	simm.s32 $0x9;
	_ =	strace $0x80000048  }
0xb5: {  	_ =	swait.ge [sflag:s29], $0x1  }
0xb6: {  	[sflag:s29] =	ssyncadd.s32 $0xFFFFFFFF  }
0xb7: {  	_ =	strace $0x90000048  }
0xb8: {  	_ =	sfence  }
0xb9: {  	s30 =	sld [smem:$0x0];
	_ =	sdelay $0x2  }
0xba: {  	s31 =	sshll.u32 s1, $0xD;
	s1 =	sshrl.u32 s1, $0x2  }
0xbb: {  	s3 =	sand.u32 $0x4000, s31;
	s1 =	sadd.s32 s1, s30  }
0xbc: {  	s0 =	sor.u32 s3, s0;
	s1 =	sshll.u32 s1, $0x11  }
0xbd: {  	s0 =	sor.u32 s1, s0  }
0xbe: {  	s0 =	sadd.s32 $0x8F2B, s0  }
0xbf: {  	[sflag:s0] =	ssyncadd.remote.s32 $0x1  }
0xc0: {  	_ =	sfence.sel $0xFFFF  }
0xc1: {  	[dreg:$0x0] =	wrdreg $0xFFFFFFFF;
	(pc) =	sbr.abs _section_cstart, $3  }
0xc2: {  	[dreg:$0x1] =	wrdreg $0xFFFFFFFF  }
0xc3: {  	_ =	task.clear_ibuf [dreg:s7], $0x2FFFF;
	_ =	strace $0x9FFFFFFF  }
0xc4: {  	(tm) =	ssettm $0x7FFFFFFF  }
0xc5: {  	_ =	shalt  }
tec
execute0_lowered:
.L_overlay_start_1:
0x0: {  	(tag) =	ssettag $0x1  }
0x1: {  	s0 =	rddreg [dreg:$0x0]  }
0x2: {  	s1 =	rddreg [dreg:$0x1]  }
0x3: {  	s2 =	rddreg [dreg:$0x2];
	s4 =	srdreg.scid  }
0x4: {  	s13 =	stileid.u32;
	s3 =	rddreg [dreg:$0x3]  }
0x5: {  	s7 =	sand.u32 $0x1, s4;
	s5 =	sshll.u32 s13, $0x1;
	s4 =	simm.s32 $0x0  }
0x6: {  	s5 =	sor.u32 s7, s5;
	[smem:$0x7FF] =	sst s4;
	s8 =	ssub.s32 $0x2, s7  }
0x7: {  	s6 =	smul.u32 $0x2710, s5;
	s5 =	sadd.s32 $0xBA00, s0;
	s9 =	sshrl.u32 s8, $0x1  }
0x8: {  	_ =	strace $0x80000047;
	s25 =	ssub.s32 s8, s9;
	[dreg:$0x1a] =	wrdreg s5  }
0x9: {  	s10 =	sshrl.u32 s6, $0x3;
	s6 =	sadd.s32 $0x1C00, s0;
	s0 =	smax.u32 s25, $0x1  }
0xa: {  	s11 =	sadd.s32 s5, s10;
	[dreg:$0x16] =	wrdreg s0  }
0xb: {  	s26 =	sadd.s32 $0x10, s10;
	s12 =	sadd.s32 s6, s10;
	[dreg:$0x5] =	wrdreg s11  }
0xc: {  	s16 =	smul.u32 $0x280, s13;
	[dreg:$0x6] =	wrdreg s12;
	s14 =	sadd.s32 s5, s26  }
0xd: {  	s15 =	sadd.s32 $0x20, s10;
	s8 =	sadd.s32 s6, s26;
	[dreg:$0x7] =	wrdreg s14  }
0xe: {  	s17 =	sadd.s32 $0x30, s10;
	s11 =	sadd.s32 s5, s15;
	[dreg:$0x8] =	wrdreg s8  }
0xf: {  	s21 =	sadd.s32 $0x50, s10;
	s18 =	sadd.s32 s5, s17;
	[dreg:$0x9] =	wrdreg s11  }
0x10: {  	s19 =	smul.u32 $0x500, s13;
	s22 =	sadd.s32 s5, s21;
	[dreg:$0xb] =	wrdreg s18  }
0x11: {  	s13 =	smul.u32 $0x4E20, s13;
	s23 =	sadd.s32 s6, s21;
	[dreg:$0xf] =	wrdreg s22  }
0x12: {  	s20 =	sadd.s32 $0x40, s10;
	s8 =	sadd.s32 s6, s15;
	[dreg:$0x10] =	wrdreg s23  }
0x13: {  	s10 =	sadd.s32 $0x4E0, s10;
	s11 =	sadd.s32 s6, s17;
	[dreg:$0xa] =	wrdreg s8  }
0x14: {  	s12 =	smul.u32 $0x5000, s7;
	s14 =	sadd.s32 s5, s20;
	[dreg:$0xc] =	wrdreg s11  }
0x15: {  	s7 =	smul.u32 $0x2710, s7;
	s17 =	sadd.s32 s16, s2;
	[dreg:$0xd] =	wrdreg s14  }
0x16: {  	s18 =	sadd.s32 s16, s3;
	s11 =	sadd.s32 s6, s20;
	[dreg:$0x11] =	wrdreg s17  }
0x17: {  	s8 =	sadd.s32 s19, s12;
	s24 =	sadd.s32 s7, s13;
	[dreg:$0x12] =	wrdreg s18  }
0x18: {  	s12 =	sadd.s32 s5, s10;
	s7 =	sadd.s32 s6, s10;
	[dreg:$0xe] =	wrdreg s11  }
0x19: {  	s10 =	simm.s32 $0x7;
	s8 =	sshrl.u32 s8, $0x3;
	[dreg:$0x14] =	wrdreg s12  }
0x1a: {  	s13 =	sadd.s32 $0x580, s24;
	[dreg:$0x15] =	wrdreg s7;
	s14 =	sadd.s32 $0x500, s24  }
0x1b: {  	s16 =	sadd.s32 $0x480, s24;
	s20 =	sadd.s32 $0x400, s24;
	s22 =	sadd.s32 $0x380, s24  }
0x1c: {  	s24 =	sadd.s32 $0x300, s24;
	s12 =	simm.s32 $0x80;
	s11 =	simm.s32 $0x4  }
0x1d: {  	s9 =	sadd.s32 s1, s8;
	s1 =	sshrl.u32 s13, $0x3;
	s15 =	sshrl.u32 s14, $0x3  }
0x1e: {  	s19 =	sshrl.u32 s16, $0x3;
	s21 =	sshrl.u32 s20, $0x3;
	s23 =	sshrl.u32 s22, $0x3  }
0x1f: {  	[dreg:$0x17] =	wrdreg s24;
	s24 =	simm.s32 $0x580;
	s20 =	simm.s32 $0x3  }
0x20: {  	s13 =	simm.s32 $0x5;
	s14 =	simm.s32 $0x6;
	s16 =	simm.s32 $0x0  }
0x21: {  	s25 =	sadd.s32 s1, s6;
	s26 =	sadd.s32 s1, s5;
	s28 =	sadd.s32 s15, s6  }
.Ltmp0:
0x22: {  	s29 =	sadd.s32 s15, s5;
	s30 =	sadd.s32 s19, s6;
	(pc) =	sbr.rel .LBB2_1-.Ltmp0, $4  }
0x23: {  	s31 =	sadd.s32 s19, s5;
	s1 =	sadd.s32 s21, s6;
	s0 =	sadd.s32 s21, s5  }
0x24: {  	s7 =	sadd.s32 s23, s6;
	s8 =	sadd.s32 s23, s5;
	[dreg:$0x13] =	wrdreg s9  }
0x25: {  	s9 =	sadd.s32 $0x10, s9;
	s23 =	simm.s32 $0x280;
	s21 =	simm.s32 $0x700  }
0x26: {  	v0 =	vimm.f32 $1.000000000e+00;
	v1 =	vimm.f32 $0.0e+00;
	s19 =	simm.s32 $0x2;
	[dreg:$0x18] =	wrdreg s9;
	s9 =	simm.s32 $0x1  }
.LBB2_4:
0x27: {  	s15 =	rddreg [dreg:$0x14];
	s16 =	simm.s32 $0x600  }
0x28: {  	[tilespmem:s16], [sflag:$0x7] =	stream.linear.gather [hbm4b:s15+s4], $0x10, $0x38;
	[tilespmem:$0xF00] =	vst v63  }
0x29: {  	_ =	swait.ge [sflag:s10], $0x10  }
0x2a: {  	[sflag:s10] =	ssyncset.done $0x0  }
0x2b: {  	s18 =	simm.s32 $0x680;
	s5 =	rddreg [dreg:$0x15];
	[sflag:s10] =	ssyncadd.s32 $0xFFFFFFF0  }
0x2c: {  	[tilespmem:s18], [sflag:$0x7] =	stream.linear.gather [hbm4b:s5+s4], $0x10, $0x38;
	[tilespmem:$0xF00] =	vst v63  }
0x2d: {  	_ =	swait.ge [sflag:s10], $0x10  }
0x2e: {  	[sflag:s10] =	ssyncset.done $0x0  }
0x2f: {  	s17 =	simm.s32 $0x10;
	[sflag:s10] =	ssyncadd.s32 $0xFFFFFFF0  }
0x30: {  	[spmem:s2] =	stream.indirect.scatter.add.f32 [tilespmem:s21], [sflag:$0x7], $0x1, s16, s17, $0xb8;
	[tilespmem:$0xF00] =	vst v63  }
0x31: {  	_ =	swait.ge [sflag:s10], $0x10  }
0x32: {  	[sflag:s10] =	ssyncset.done $0x0  }
0x33: {  	s22 =	simm.s32 $0x10;
	[sflag:s10] =	ssyncadd.s32 $0xFFFFFFF0  }
0x34: {  	[spmem:s3] =	stream.indirect.scatter.add.f32 [tilespmem:s21], [sflag:$0x7], $0x1, s18, s22, $0xb8;
	[tilespmem:$0xF00] =	vst v63  }
0x35: {  	_ =	swait.ge [sflag:s10], $0x10  }
0x36: {  	[sflag:s10] =	ssyncset.done $0x0  }
0x37: {  	s5 =	stileid.u32;
	[sflag:s10] =	ssyncadd.s32 $0xFFFFFFF0  }
0x38: {  	s15 =	sshll.u32 s5, $0x6;
	[bflag:$0x0] =	sbarrier.arrive $0xFFFF  }
0x39: {  	s5 =	simm.s32 $0x10;
	s17 =	sor.u32 $0x1C07, s15;
	s16 =	rddreg [dreg:$0x11]  }
0x3a: {  	s22 =	simm.s32 $0x20;
	s15 =	rddreg [dreg:$0x13];
	s18 =	sshrl.u32 s16, $0x3  }
0x3b: {  	[hbm:s15@s22], [sflag:s17] =	dma.strided [spmem:s18@s5], $0x50, s9, $0x10   }
0x3c: {  	s15 =	simm.s32 $0x10;
	_ =	swait.ge [sflag:s10], $0x50  }
0x3d: {  	s18 =	simm.s32 $0x20;
	[sflag:s10] =	ssyncset.done $0x0;
	s5 =	rddreg [dreg:$0x12]  }
0x3e: {  	s22 =	rddreg [dreg:$0x18];
	[sflag:s10] =	ssyncadd.s32 $0xFFFFFFB0;
	s16 =	sshrl.u32 s5, $0x3  }
0x3f: {  	[hbm:s22@s18], [sflag:s17] =	dma.strided [spmem:s16@s15], $0x50, s9, $0x10   }
0x40: {  	s18 =	smov.u32 s5;
	s5 =	rddreg [dreg:$0x1a]  }
0x41: {  	s17 =	rddreg [dreg:$0x11];
	_ =	swait.ge [sflag:s10], $0x50  }
0x42: {  	s15 =	rddreg [dreg:$0x19]  }
0x43: {  	s22 =	rddreg [dreg:$0x16];
	s16 =	sadd.s32 $0x1, s15  }
0x44: {  	p0 =	sne.s32 s16, s22  }
.Ltmp1:
0x45: {  	_ = 	snop;
	(pc) =	sbr.rel @!p0 .LBB2_5-.Ltmp1, $3  }
0x46: {  	_ =	sdelay $0x1  }
0x47: {  	[sflag:s10] =	ssyncset.done $0x0  }
0x48: {  	[sflag:s10] =	ssyncadd.s32 $0xFFFFFFB0  }
.LBB2_1:
0x49: {  	[dreg:$0x19] =	wrdreg s16  }
0x4a: {  	s15 =	rddreg [dreg:$0x5]  }
0x4b: {  	[tilespmem:s4], [sflag:$0x1] =	stream.linear.gather [hbm4b:s15+s4], $0x80, $0x38;
	[tilespmem:$0xF00] =	vst v63  }
0x4c: {  	s16 =	rddreg [dreg:$0x6];
	s22 =	simm.s32 $0x300  }
0x4d: {  	[tilespmem:s22], [sflag:$0x1] =	stream.linear.gather [hbm4b:s16+s4], $0x80, $0x38;
	[tilespmem:$0xF00] =	vst v63  }
0x4e: {  	s22 =	rddreg [dreg:$0x7]  }
0x4f: {  	[tilespmem:s12], [sflag:$0x2] =	stream.linear.gather [hbm4b:s22+s4], $0x80, $0x38;
	[tilespmem:$0xF00] =	vst v63  }
0x50: {  	s16 =	rddreg [dreg:$0x8];
	s22 =	simm.s32 $0x380  }
0x51: {  	[tilespmem:s22], [sflag:$0x2] =	stream.linear.gather [hbm4b:s16+s4], $0x80, $0x38;
	[tilespmem:$0xF00] =	vst v63  }
0x52: {  	s16 =	rddreg [dreg:$0x9];
	s22 =	simm.s32 $0x100  }
0x53: {  	[tilespmem:s22], [sflag:$0x3] =	stream.linear.gather [hbm4b:s16+s4], $0x80, $0x38;
	[tilespmem:$0xF00] =	vst v63  }
0x54: {  	s16 =	rddreg [dreg:$0xa];
	s22 =	simm.s32 $0x400  }
0x55: {  	[tilespmem:s22], [sflag:$0x3] =	stream.linear.gather [hbm4b:s16+s4], $0x80, $0x38;
	[tilespmem:$0xF00] =	vst v63  }
0x56: {  	s16 =	rddreg [dreg:$0xb];
	s22 =	simm.s32 $0x180  }
0x57: {  	[tilespmem:s22], [sflag:$0x4] =	stream.linear.gather [hbm4b:s16+s4], $0x80, $0x38;
	[tilespmem:$0xF00] =	vst v63  }
0x58: {  	s16 =	rddreg [dreg:$0xc];
	s22 =	simm.s32 $0x480  }
0x59: {  	[tilespmem:s22], [sflag:$0x4] =	stream.linear.gather [hbm4b:s16+s4], $0x80, $0x38;
	[tilespmem:$0xF00] =	vst v63  }
0x5a: {  	s16 =	rddreg [dreg:$0xd];
	s22 =	simm.s32 $0x200  }
0x5b: {  	[tilespmem:s22], [sflag:$0x5] =	stream.linear.gather [hbm4b:s16+s4], $0x80, $0x38;
	[tilespmem:$0xF00] =	vst v63  }
0x5c: {  	s16 =	rddreg [dreg:$0xe];
	s22 =	simm.s32 $0x500  }
0x5d: {  	[tilespmem:s22], [sflag:$0x5] =	stream.linear.gather [hbm4b:s16+s4], $0x80, $0x38;
	[tilespmem:$0xF00] =	vst v63  }
0x5e: {  	s22 =	rddreg [dreg:$0xf]  }
0x5f: {  	[tilespmem:s23], [sflag:$0x6] =	stream.linear.gather [hbm4b:s22+s4], $0x80, $0x38;
	[tilespmem:$0xF00] =	vst v63  }
0x60: {  	s16 =	rddreg [dreg:$0x10]  }
0x61: {  	[tilespmem:s24], [sflag:$0x6] =	stream.linear.gather [hbm4b:s16+s4], $0x80, $0x38;
	[tilespmem:$0xF00] =	vst v63  }
0x62: {  	[tilespmem:$0x700] =	vst v0  }
0x63: {  	[tilespmem:$0x710] =	vst v0  }
0x64: {  	[tilespmem:$0x720] =	vst v0  }
0x65: {  	[tilespmem:$0x730] =	vst v0  }
0x66: {  	[tilespmem:$0x740] =	vst v0  }
0x67: {  	[tilespmem:$0x750] =	vst v0  }
0x68: {  	[tilespmem:$0x760] =	vst v0  }
0x69: {  	[tilespmem:$0x770] =	vst v0  }
0x6a: {  	[tilespmem:$0x780] =	vst v1  }
0x6b: {  	[tilespmem:$0x790] =	vst v1  }
0x6c: {  	[tilespmem:$0x7A0] =	vst v1  }
0x6d: {  	[tilespmem:$0x7B0] =	vst v1  }
0x6e: {  	[tilespmem:$0x7C0] =	vst v1  }
0x6f: {  	[tilespmem:$0x7D0] =	vst v1  }
0x70: {  	[tilespmem:$0x7E0] =	vst v1  }
0x71: {  	[tilespmem:$0x7F0] =	vst v1  }
0x72: {  	[tilespmem:$0x800] =	vst v1  }
0x73: {  	[tilespmem:$0x810] =	vst v1  }
0x74: {  	[tilespmem:$0x820] =	vst v1  }
0x75: {  	[tilespmem:$0x830] =	vst v1  }
0x76: {  	[tilespmem:$0x840] =	vst v1  }
0x77: {  	[tilespmem:$0x850] =	vst v1  }
0x78: {  	[tilespmem:$0x860] =	vst v1  }
0x79: {  	[tilespmem:$0x870] =	vst v1  }
0x7a: {  	[tilespmem:$0x880] =	vst v1  }
0x7b: {  	[tilespmem:$0x890] =	vst v1  }
0x7c: {  	[tilespmem:$0x8A0] =	vst v1  }
0x7d: {  	[tilespmem:$0x8B0] =	vst v1  }
0x7e: {  	[tilespmem:$0x8C0] =	vst v1  }
0x7f: {  	[tilespmem:$0x8D0] =	vst v1  }
0x80: {  	[tilespmem:$0x8E0] =	vst v1  }
0x81: {  	[tilespmem:$0x8F0] =	vst v1  }
0x82: {  	[tilespmem:$0x900] =	vst v1  }
0x83: {  	[tilespmem:$0x910] =	vst v1  }
0x84: {  	[tilespmem:$0x920] =	vst v1  }
0x85: {  	[tilespmem:$0x930] =	vst v1  }
0x86: {  	[tilespmem:$0x940] =	vst v1  }
0x87: {  	[tilespmem:$0x950] =	vst v1  }
0x88: {  	[tilespmem:$0x960] =	vst v1  }
0x89: {  	[tilespmem:$0x970] =	vst v1  }
0x8a: {  	[tilespmem:$0x980] =	vst v1  }
0x8b: {  	[tilespmem:$0x990] =	vst v1  }
0x8c: {  	[tilespmem:$0x9A0] =	vst v1  }
0x8d: {  	[tilespmem:$0x9B0] =	vst v1  }
0x8e: {  	[tilespmem:$0x9C0] =	vst v1  }
0x8f: {  	[tilespmem:$0x9D0] =	vst v1  }
0x90: {  	[tilespmem:$0x9E0] =	vst v1  }
0x91: {  	s22 =	simm.s32 $0x780;
	[tilespmem:$0x9F0] =	vst v1  }
0x92: {  	[spmem:s17] =	stream.linear.scatter [tilespmem:s22], [sflag:$0x7], $0x280, $0x38;
	[tilespmem:$0xF00] =	vst v63  }
0x93: {  	_ =	swait.ge [sflag:s10], $0x280  }
0x94: {  	[sflag:s10] =	ssyncset.done $0x0  }
0x95: {  	[sflag:s10] =	ssyncadd.s32 $0xFFFFFD80  }
0x96: {  	[spmem:s18] =	stream.linear.scatter [tilespmem:s22], [sflag:$0x7], $0x280, $0x38;
	[tilespmem:$0xF00] =	vst v63  }
0x97: {  	_ =	swait.ge [sflag:s10], $0x280  }
0x98: {  	[sflag:s10] =	ssyncset.done $0x0  }
0x99: {  	[sflag:s10] =	ssyncadd.s32 $0xFFFFFD80  }
0x9a: {  	[bflag:$0x0] =	sbarrier.arrive $0xFFFF  }
0x9b: {  	s16 =	simm.s32 $0x0;
	s15 =	rddreg [dreg:$0x17]  }
.LBB2_2:
0x9c: {  	_ =	swait.ge [sflag:s9], $0x80  }
0x9d: {  	[sflag:s9] =	ssyncset.done $0x0  }
0x9e: {  	[sflag:s9] =	ssyncadd.s32 $0xFFFFFF80  }
0x9f: {  	_ =	swait.ge [sflag:s9], $0x80  }
0xa0: {  	[sflag:s9] =	ssyncset.done $0x0  }
0xa1: {  	[sflag:s9] =	ssyncadd.s32 $0xFFFFFF80  }
0xa2: {  	[spmem:s2] =	stream.indirect.scatter.add.f32 [tilespmem:s21], [sflag:$0x7], $0x1, s4, s12, $0xb8;
	[tilespmem:$0xF00] =	vst v63  }
0xa3: {  	_ =	swait.ge [sflag:s10], $0x80  }
0xa4: {  	[sflag:s10] =	ssyncset.done $0x0  }
0xa5: {  	s17 =	simm.s32 $0x300;
	[sflag:s10] =	ssyncadd.s32 $0xFFFFFF80  }
0xa6: {  	[spmem:s3] =	stream.indirect.scatter.add.f32 [tilespmem:s21], [sflag:$0x7], $0x1, s17, s12, $0xb8;
	[tilespmem:$0xF00] =	vst v63  }
0xa7: {  	p0 =	seq.s32 s16, $0x480;
	_ =	swait.ge [sflag:s10], $0x80  }
0xa8: {  	s18 =	sshrl.u32 @!p0 s15, $0x3;
	[sflag:s10] =	ssyncset.done $0x0  }
0xa9: {  	s22 =	sadd.s32 @!p0 s5, s18;
	s17 =	simm.s32 @!p0 $0x0;
	[sflag:s10] =	ssyncadd.s32 $0xFFFFFF80  }
0xaa: {  	[tilespmem:s17], [sflag:$0x1] =	stream.linear.gather @!p0 [hbm4b:s22+s17], $0x80, $0x38;
	[tilespmem:$0xF00] =	vst v63  }
0xab: {  	s18 =	sadd.s32 @!p0 s6, s18;
	s22 =	simm.s32 @!p0 $0x300  }
0xac: {  	[tilespmem:s22], [sflag:$0x1] =	stream.linear.gather @!p0 [hbm4b:s18+s17], $0x80, $0x38;
	[tilespmem:$0xF00] =	vst v63  }
0xad: {  	_ =	swait.ge [sflag:s19], $0x80  }
0xae: {  	[sflag:s19] =	ssyncset.done $0x0  }
0xaf: {  	[sflag:s19] =	ssyncadd.s32 $0xFFFFFF80  }
0xb0: {  	_ =	swait.ge [sflag:s19], $0x80  }
0xb1: {  	[sflag:s19] =	ssyncset.done $0x0  }
0xb2: {  	[sflag:s19] =	ssyncadd.s32 $0xFFFFFF80  }
0xb3: {  	[spmem:s2] =	stream.indirect.scatter.add.f32 [tilespmem:s21], [sflag:$0x7], $0x1, s12, s12, $0xb8;
	[tilespmem:$0xF00] =	vst v63  }
0xb4: {  	_ =	swait.ge [sflag:s10], $0x80  }
0xb5: {  	[sflag:s10] =	ssyncset.done $0x0  }
0xb6: {  	s22 =	simm.s32 $0x380;
	[sflag:s10] =	ssyncadd.s32 $0xFFFFFF80  }
0xb7: {  	[spmem:s3] =	stream.indirect.scatter.add.f32 [tilespmem:s21], [sflag:$0x7], $0x1, s22, s12, $0xb8;
	[tilespmem:$0xF00] =	vst v63  }
0xb8: {  	_ =	swait.ge [sflag:s10], $0x80  }
0xb9: {  	[sflag:s10] =	ssyncset.done $0x0  }
0xba: {  	s18 =	sadd.s32 @!p0 s16, s8;
	s22 =	simm.s32 @!p0 $0x80;
	[sflag:s10] =	ssyncadd.s32 $0xFFFFFF80  }
0xbb: {  	[tilespmem:s22], [sflag:$0x2] =	stream.linear.gather @!p0 [hbm4b:s18+s17], $0x80, $0x38;
	[tilespmem:$0xF00] =	vst v63  }
0xbc: {  	s18 =	sadd.s32 @!p0 s16, s7;
	s22 =	simm.s32 @!p0 $0x380  }
0xbd: {  	[tilespmem:s22], [sflag:$0x2] =	stream.linear.gather @!p0 [hbm4b:s18+s17], $0x80, $0x38;
	[tilespmem:$0xF00] =	vst v63  }
0xbe: {  	_ =	swait.ge [sflag:s20], $0x80  }
0xbf: {  	[sflag:s20] =	ssyncset.done $0x0  }
0xc0: {  	[sflag:s20] =	ssyncadd.s32 $0xFFFFFF80  }
0xc1: {  	_ =	swait.ge [sflag:s20], $0x80  }
0xc2: {  	[sflag:s20] =	ssyncset.done $0x0  }
0xc3: {  	s22 =	simm.s32 $0x100;
	[sflag:s20] =	ssyncadd.s32 $0xFFFFFF80  }
0xc4: {  	[spmem:s2] =	stream.indirect.scatter.add.f32 [tilespmem:s21], [sflag:$0x7], $0x1, s22, s12, $0xb8;
	[tilespmem:$0xF00] =	vst v63  }
0xc5: {  	_ =	swait.ge [sflag:s10], $0x80  }
0xc6: {  	[sflag:s10] =	ssyncset.done $0x0  }
0xc7: {  	s22 =	simm.s32 $0x400;
	[sflag:s10] =	ssyncadd.s32 $0xFFFFFF80  }
0xc8: {  	[spmem:s3] =	stream.indirect.scatter.add.f32 [tilespmem:s21], [sflag:$0x7], $0x1, s22, s12, $0xb8;
	[tilespmem:$0xF00] =	vst v63  }
0xc9: {  	_ =	swait.ge [sflag:s10], $0x80  }
0xca: {  	[sflag:s10] =	ssyncset.done $0x0  }
0xcb: {  	s18 =	sadd.s32 @!p0 s16, s0;
	s22 =	simm.s32 @!p0 $0x100;
	[sflag:s10] =	ssyncadd.s32 $0xFFFFFF80  }
0xcc: {  	[tilespmem:s22], [sflag:$0x3] =	stream.linear.gather @!p0 [hbm4b:s18+s17], $0x80, $0x38;
	[tilespmem:$0xF00] =	vst v63  }
0xcd: {  	s18 =	sadd.s32 @!p0 s16, s1;
	s22 =	simm.s32 @!p0 $0x400  }
0xce: {  	[tilespmem:s22], [sflag:$0x3] =	stream.linear.gather @!p0 [hbm4b:s18+s17], $0x80, $0x38;
	[tilespmem:$0xF00] =	vst v63  }
0xcf: {  	_ =	swait.ge [sflag:s11], $0x80  }
0xd0: {  	[sflag:s11] =	ssyncset.done $0x0  }
0xd1: {  	[sflag:s11] =	ssyncadd.s32 $0xFFFFFF80  }
0xd2: {  	_ =	swait.ge [sflag:s11], $0x80  }
0xd3: {  	[sflag:s11] =	ssyncset.done $0x0  }
0xd4: {  	s22 =	simm.s32 $0x180;
	[sflag:s11] =	ssyncadd.s32 $0xFFFFFF80  }
0xd5: {  	[spmem:s2] =	stream.indirect.scatter.add.f32 [tilespmem:s21], [sflag:$0x7], $0x1, s22, s12, $0xb8;
	[tilespmem:$0xF00] =	vst v63  }
0xd6: {  	_ =	swait.ge [sflag:s10], $0x80  }
0xd7: {  	[sflag:s10] =	ssyncset.done $0x0  }
0xd8: {  	s22 =	simm.s32 $0x480;
	[sflag:s10] =	ssyncadd.s32 $0xFFFFFF80  }
0xd9: {  	[spmem:s3] =	stream.indirect.scatter.add.f32 [tilespmem:s21], [sflag:$0x7], $0x1, s22, s12, $0xb8;
	[tilespmem:$0xF00] =	vst v63  }
0xda: {  	_ =	swait.ge [sflag:s10], $0x80  }
0xdb: {  	[sflag:s10] =	ssyncset.done $0x0  }
0xdc: {  	s18 =	sadd.s32 @!p0 s16, s31;
	s22 =	simm.s32 @!p0 $0x180;
	[sflag:s10] =	ssyncadd.s32 $0xFFFFFF80  }
0xdd: {  	[tilespmem:s22], [sflag:$0x4] =	stream.linear.gather @!p0 [hbm4b:s18+s17], $0x80, $0x38;
	[tilespmem:$0xF00] =	vst v63  }
0xde: {  	s18 =	sadd.s32 @!p0 s16, s30;
	s22 =	simm.s32 @!p0 $0x480  }
0xdf: {  	[tilespmem:s22], [sflag:$0x4] =	stream.linear.gather @!p0 [hbm4b:s18+s17], $0x80, $0x38;
	[tilespmem:$0xF00] =	vst v63  }
0xe0: {  	_ =	swait.ge [sflag:s13], $0x80  }
0xe1: {  	[sflag:s13] =	ssyncset.done $0x0  }
0xe2: {  	[sflag:s13] =	ssyncadd.s32 $0xFFFFFF80  }
0xe3: {  	_ =	swait.ge [sflag:s13], $0x80  }
0xe4: {  	[sflag:s13] =	ssyncset.done $0x0  }
0xe5: {  	s22 =	simm.s32 $0x200;
	[sflag:s13] =	ssyncadd.s32 $0xFFFFFF80  }
0xe6: {  	[spmem:s2] =	stream.indirect.scatter.add.f32 [tilespmem:s21], [sflag:$0x7], $0x1, s22, s12, $0xb8;
	[tilespmem:$0xF00] =	vst v63  }
0xe7: {  	_ =	swait.ge [sflag:s10], $0x80  }
0xe8: {  	[sflag:s10] =	ssyncset.done $0x0  }
0xe9: {  	s22 =	simm.s32 $0x500;
	[sflag:s10] =	ssyncadd.s32 $0xFFFFFF80  }
0xea: {  	[spmem:s3] =	stream.indirect.scatter.add.f32 [tilespmem:s21], [sflag:$0x7], $0x1, s22, s12, $0xb8;
	[tilespmem:$0xF00] =	vst v63  }
0xeb: {  	_ =	swait.ge [sflag:s10], $0x80  }
0xec: {  	[sflag:s10] =	ssyncset.done $0x0  }
0xed: {  	s18 =	sadd.s32 @!p0 s16, s29;
	s22 =	simm.s32 @!p0 $0x200;
	[sflag:s10] =	ssyncadd.s32 $0xFFFFFF80  }
0xee: {  	[tilespmem:s22], [sflag:$0x5] =	stream.linear.gather @!p0 [hbm4b:s18+s17], $0x80, $0x38;
	[tilespmem:$0xF00] =	vst v63  }
0xef: {  	s18 =	sadd.s32 @!p0 s16, s28;
	s22 =	simm.s32 @!p0 $0x500  }
0xf0: {  	[tilespmem:s22], [sflag:$0x5] =	stream.linear.gather @!p0 [hbm4b:s18+s17], $0x80, $0x38;
	[tilespmem:$0xF00] =	vst v63  }
0xf1: {  	_ =	swait.ge [sflag:s14], $0x80  }
0xf2: {  	[sflag:s14] =	ssyncset.done $0x0  }
0xf3: {  	[sflag:s14] =	ssyncadd.s32 $0xFFFFFF80  }
0xf4: {  	_ =	swait.ge [sflag:s14], $0x80  }
0xf5: {  	[sflag:s14] =	ssyncset.done $0x0  }
0xf6: {  	[sflag:s14] =	ssyncadd.s32 $0xFFFFFF80  }
0xf7: {  	[spmem:s2] =	stream.indirect.scatter.add.f32 [tilespmem:s21], [sflag:$0x7], $0x1, s23, s12, $0xb8;
	[tilespmem:$0xF00] =	vst v63  }
0xf8: {  	_ =	swait.ge [sflag:s10], $0x80  }
0xf9: {  	[sflag:s10] =	ssyncset.done $0x0  }
.Ltmp2:
0xfa: {  	[sflag:s10] =	ssyncadd.s32 $0xFFFFFF80;
	(pc) =	sbr.rel @p0 .LBB2_4-.Ltmp2, $4  }
0xfb: {  	[spmem:s3] =	stream.indirect.scatter.add.f32 [tilespmem:s21], [sflag:$0x7], $0x1, s24, s12, $0xb8;
	[tilespmem:$0xF00] =	vst v63  }
0xfc: {  	_ =	swait.ge [sflag:s10], $0x80  }
0xfd: {  	[sflag:s10] =	ssyncset.done $0x0  }
0xfe: {  	[sflag:s10] =	ssyncadd.s32 $0xFFFFFF80  }
.Ltmp3:
0xff: {  	(pc) =	sbr.rel .LBB2_2-.Ltmp3, $4  }
0x100: {  	s17 =	sadd.s32 s16, s26  }
0x101: {  	[tilespmem:s23], [sflag:$0x6] =	stream.linear.gather [hbm4b:s17+s4], $0x80, $0x38;
	[tilespmem:$0xF00] =	vst v63  }
0x102: {  	s22 =	sadd.s32 s16, s25;
	s16 =	sadd.s32 $0x60, s16;
	s15 =	sadd.s32 $0x300, s15  }
0x103: {  	[tilespmem:s24], [sflag:$0x6] =	stream.linear.gather [hbm4b:s22+s4], $0x80, $0x38;
	[tilespmem:$0xF00] =	vst v63  }
.LBB2_5:
0x104: {  	_ =	sfence.sel $0x180000  }
0x105: {  	[bflag:$0x0] =	sbarrier.arrive $0xFFFF  }
0x106: {  	_ =	strace $0x90000047  }
0x107: {  	s0 =	stileid.u32;
	[bflag:$0x2] =	sbarrier.arrive $0xFFFF  }
0x108: {  	p0 =	sne.s32 s0, $0x0;
	s0 =	rddreg [dreg:$0x4]  }
0x109: {  	s0 =	sadd.s32 @!p0 $0x100000, s0  }
0x10a: {  	[sflag:s0] =	ssyncadd.tile.s32 @!p0 $0x1;
	_ =	shalt  }
.Lfunc_end2:
_tile_overlayer_lowered:
.L_overlay_start_2:
0x10b: {  	(tag) =	ssettag $0x2  }
0x10c: {  	s0 =	rddreg [dreg:$0x0];
	s2 =	stileid.u32  }
0x10d: {  	s1 =	rddreg [dreg:$0x1];
	p0 =	sne.s32 s2, $0x0  }
0x10e: {  	s3 =	rddreg [dreg:$0x2];
	[bflag:$0x3] =	sbarrier.arrive $0xFFFF;
	s2 =	simm.s32 @!p0 $0x1C07  }
0x10f: {  	[timem:s3], [sflag:s2] =	dma.local @!p0 [hbm:s0], s1  }
0x110: {  	s0 =	simm.s32 @!p0 $0x7  }
0x111: {  	_ =	swait.ge @!p0 [sflag:s0], s1  }
0x112: {  	s1 =	ssub.s32 @!p0 $0x0, s1;
	[sflag:s0] =	ssyncset.done @!p0 $0x0  }
0x113: {  	[sflag:s0] =	ssyncadd.s32 @!p0 s1  }
0x114: {  	[bflag:$0x3] =	sbarrier.arrive $0xFFFF  }
0x115: {  	_ =	shalt  }

</sc_bundles>
